<compile_context>
chip_gen: v7x
topology: tpu7x:2x2x1
jax: 0.10.2.dev20260603
libtpu: 0.0.44.dev20260713+nightly
codegen_flags: <defaults>
</compile_context>

<pallas_src>
import functools

import jax
import jax.numpy as jnp
from jax import lax
from jax.experimental import pallas as pl
from jax.experimental.pallas import tpu as pltpu
from jax.experimental.pallas import tpu_sc as plsc

N = 5000
NCAND = 2000
NW = 32
NSC = 1536
RPW = NSC // NW
NTC0 = 1400

K = 0.055

_COS = (0.9999999999999956, -4.934802200543692, 4.058712126381724,
        -1.3352627683856102, 0.23533062721525902, -0.025806879372614583,
        0.0019295464417837132, -0.00010459814866408124, 4.268378688720986e-06)


def _rsqrt(x):
    i = lax.bitcast_convert_type(x, jnp.int32)
    i = jnp.int32(0x5F3759DF) - lax.shift_right_arithmetic(i, 1)
    y = lax.bitcast_convert_type(i, jnp.float32)
    for _ in range(3):
        y = y * (jnp.float32(1.5) - jnp.float32(0.5) * x * y * y)
    return y


def _coswin(v):
    acc = jnp.full_like(v, jnp.float32(_COS[-1]))
    for c in _COS[-2::-1]:
        acc = acc * v + jnp.float32(c)
    return acc


def _make_sc_call():
    mesh = plsc.VectorSubcoreMesh(core_axis_name="c", subcore_axis_name="s")

    @functools.partial(
        pl.kernel,
        mesh=mesh,
        compiler_params=pltpu.CompilerParams(
            needs_layout_passes=False, use_tc_tiling_on_sc=True),
        out_type=[
            jax.ShapeDtypeStruct((NSC * 4,), jnp.float32),
            jax.ShapeDtypeStruct((NSC,), jnp.float32),
        ],
        scratch_types=[
            pltpu.VMEM((RPW, 4), jnp.float32),
            pltpu.VMEM((4, 8, NCAND), jnp.float32),
            pltpu.VMEM((8, 2, NCAND), jnp.float32),
            pltpu.VMEM((RPW,), jnp.float32),
            pltpu.VMEM((RPW,), jnp.float32),
            pltpu.VMEM((RPW,), jnp.float32),
            pltpu.VMEM((RPW,), jnp.float32),
            pltpu.VMEM((RPW,), jnp.float32),
            pltpu.VMEM((RPW,), jnp.float32),
            pltpu.VMEM((RPW * 4,), jnp.float32),
            pltpu.VMEM((RPW,), jnp.float32),
        ],
    )
    def trnms(rois_hbm, rpn_hbm, s1_hbm, out1_hbm, out2_hbm,
              rois_v, pbuf, sbuf, cx, cy, cs, cis, cal, cga,
              o1v, o2v):
        wid = lax.axis_index("s") * 2 + lax.axis_index("c")
        base = wid * RPW

        iota = lax.iota(jnp.int32, 16)
        zeros = jnp.zeros((16,), jnp.int32)

        pltpu.sync_copy(rois_hbm.at[pl.ds(base, RPW), :], rois_v)

        for t in range(RPW // 16):
            li = iota + (16 * t)
            c0 = plsc.load_gather(rois_v, [li, zeros])
            c1 = plsc.load_gather(rois_v, [li, zeros + 1])
            c2 = plsc.load_gather(rois_v, [li, zeros + 2])
            c3 = plsc.load_gather(rois_v, [li, zeros + 3])
            x = (c0 + c2) * jnp.float32(0.5)
            y = (c1 + c3) * jnp.float32(0.5)
            w = jnp.abs(c0 - c2) + jnp.float32(1e-4)
            h = jnp.abs(c1 - c3) + jnp.float32(1e-4)
            p = (w + h) * jnp.float32(0.5)
            q = (w + p) * (h + p)
            rq = _rsqrt(q)
            s = q * rq
            r = w / h
            r_max = jnp.maximum(r, jnp.float32(1.0) / r)
            sl = pl.ds(16 * t, 16)
            cx[sl] = x
            cy[sl] = y
            cs[sl] = s
            cis[sl] = rq
            cal[sl] = jnp.float32(-K) * r_max
            cga[sl] = rq * rq * jnp.float32(0.25)

        for g in range(RPW // 8):
            r0 = base + g * 8
            pltpu.sync_copy(rpn_hbm.at[pl.ds(1, 4), pl.ds(r0, 8), :], pbuf)
            pltpu.sync_copy(s1_hbm.at[pl.ds(r0, 8), :, :], sbuf)

            def per_roi(r, carry):
                i = r + g * 8
                ii = zeros + i
                x = plsc.load_gather(cx, [ii])
                y = plsc.load_gather(cy, [ii])
                s = plsc.load_gather(cs, [ii])
                inv_s = plsc.load_gather(cis, [ii])
                alpha = plsc.load_gather(cal, [ii])
                gamma = plsc.load_gather(cga, [ii])

                def cand_step(jj, st):
                    bestv, besti = st
                    sl = pl.ds(jj * 16, 16)
                    c0 = pbuf[0, r, sl]
                    c1 = pbuf[1, r, sl]
                    c2 = pbuf[2, r, sl]
                    c3 = pbuf[3, r, sl]
                    s1 = sbuf[r, 1, sl]

                    x_ = (c0 + c2) * jnp.float32(0.5)
                    y_ = (c1 + c3) * jnp.float32(0.5)
                    w_ = jnp.abs(c0 - c2) + jnp.float32(1e-4)
                    h_ = jnp.abs(c1 - c3) + jnp.float32(1e-4)
                    p_ = (w_ + h_) * jnp.float32(0.5)
                    a_ = (w_ + p_) * (h_ + p_)
                    ra = _rsqrt(a_)
                    s_max = jnp.maximum(s * ra, a_ * ra * inv_s)
                    pen = jnp.exp(alpha * s_max + jnp.float32(K))

                    dx = x - x_
                    dy = y - y_
                    v = (dx * dx + dy * dy) * gamma
                    han42 = jnp.float32(0.21) * _coswin(v) + jnp.float32(0.21)
                    han42 = jnp.where(
                        v > jnp.float32(1.0), jnp.float32(0.0), han42)

                    score = s1 * pen + han42
                    jvec = iota + jj * 16
                    upd = score > bestv
                    bestv = jnp.where(upd, score, bestv)
                    besti = jnp.where(upd, jvec, besti)
                    return bestv, besti

                bestv, besti = lax.fori_loop(
                    0, NCAND // 16, cand_step,
                    (jnp.full((16,), -jnp.inf, jnp.float32),
                     jnp.zeros((16,), jnp.int32)))

                m = jnp.max(bestv)
                cand = jnp.where(bestv == m, besti, jnp.int32(1 << 30))
                minj = jnp.min(cand)
                jc = jnp.minimum(minj, jnp.int32(NCAND - 16))
                lane = minj - jc

                for f in range(4):
                    vals = pbuf[f, r, pl.ds(jc, 16)]
                    plsc.store_scatter(
                        o1v, [zeros + (i * 4 + f)], vals, mask=iota == lane)
                sv = sbuf[r, 1, pl.ds(jc, 16)]
                plsc.store_scatter(o2v, [zeros + i], sv, mask=iota == lane)
                return carry

            lax.fori_loop(0, 8, per_roi, jnp.int32(0))

        pltpu.sync_copy(o1v, out1_hbm.at[pl.ds(base * 4, RPW * 4)])
        pltpu.sync_copy(o2v, out2_hbm.at[pl.ds(base, RPW)])

    return trnms


_sc_trnms = _make_sc_call()


B = 200
NC = NCAND


def tc_body(rois_ref, rp1_ref, rp2_ref, rp3_ref, rp4_ref, sc_ref,
            out1_ref, out2_ref):
    x1 = rp1_ref[0]
    y1 = rp2_ref[0]
    x2 = rp3_ref[0]
    y2 = rp4_ref[0]
    s1 = sc_ref[:, 1, :]
    r = rois_ref[...]
    rx1 = r[:, 0:1]
    ry1 = r[:, 1:2]
    rx2 = r[:, 2:3]
    ry2 = r[:, 3:4]

    x = (rx1 + rx2) / 2.0
    y = (ry1 + ry2) / 2.0
    w = jnp.abs(rx1 - rx2) + 0.0001
    h = jnp.abs(ry1 - ry2) + 0.0001
    p = (w + h) / 2.0
    s = jnp.sqrt((w + p) * (h + p))
    rr = w / h

    inv_s = 1.0 / s
    r_max = jnp.maximum(rr, 1.0 / rr)
    alpha = -K * r_max
    gamma = inv_s * inv_s * 0.25

    x_ = (x1 + x2) * 0.5
    y_ = (y1 + y2) * 0.5
    w_ = jnp.abs(x1 - x2) + 0.0001
    h_ = jnp.abs(y1 - y2) + 0.0001
    p_ = (w_ + h_) * 0.5
    a_ = (w_ + p_) * (h_ + p_)
    ra = lax.rsqrt(a_)
    s_max = jnp.maximum(s * ra, a_ * ra * inv_s)
    penalty = jnp.exp(alpha * s_max + K)

    dx = x - x_
    dy = y - y_
    v = (dx * dx + dy * dy) * gamma
    han42 = 0.21 * _coswin(v) + 0.21
    han42 = jnp.where(v > 1.0, 0.0, han42)
    pw = s1 * penalty + han42

    m = jnp.max(pw, axis=1, keepdims=True)
    li = lax.broadcasted_iota(jnp.int32, (B, NC), 1)
    cand = jnp.where(pw == m, li, jnp.int32(NC))
    jm = jnp.min(cand, axis=1, keepdims=True)
    onehot = li == jm

    def sel(v):
        return jnp.sum(jnp.where(onehot, v, 0.0), axis=1, keepdims=True)

    out1_ref[:, 0:1] = sel(x1)
    out1_ref[:, 1:2] = sel(y1)
    out1_ref[:, 2:3] = sel(x2)
    out1_ref[:, 3:4] = sel(y2)
    out2_ref[:, 0:1] = sel(s1)


def tc_kernel(rois, rpn_t, sc_t, start, count):
    b0 = start // B
    grid = (count // B,)
    out1, out2 = pl.pallas_call(
        tc_body,
        grid=grid,
        in_specs=[
            pl.BlockSpec((B, 4), lambda i: (i + b0, 0)),
            pl.BlockSpec((1, B, NC), lambda i: (1, i + b0, 0)),
            pl.BlockSpec((1, B, NC), lambda i: (2, i + b0, 0)),
            pl.BlockSpec((1, B, NC), lambda i: (3, i + b0, 0)),
            pl.BlockSpec((1, B, NC), lambda i: (4, i + b0, 0)),
            pl.BlockSpec((B, 2, NC), lambda i: (i + b0, 0, 0)),
        ],
        out_specs=[
            pl.BlockSpec((B, 4), lambda i: (i, 0)),
            pl.BlockSpec((B, 1), lambda i: (i, 0)),
        ],
        out_shape=[
            jax.ShapeDtypeStruct((count, 4), jnp.float32),
            jax.ShapeDtypeStruct((count, 1), jnp.float32),
        ],
    )(rois, rpn_t, rpn_t, rpn_t, rpn_t, sc_t)
    return out1, out2


@jax.jit
def kernel(rois, rpn_rois, scores):
    rpn_t = jnp.transpose(rpn_rois, (2, 0, 1))
    sc_t = jnp.transpose(scores, (0, 2, 1))
    o1sc, o2sc = _sc_trnms(rois, rpn_t, sc_t)
    t1, t2 = tc_kernel(rois, rpn_t, sc_t, NTC0, N - NTC0)
    out1 = jnp.concatenate([jnp.reshape(o1sc, (NSC, 4))[:NTC0], t1], axis=0)
    out2 = jnp.concatenate([o2sc[:NTC0, None], t2], axis=0)
    return out1, out2

# --- scband reference (transcript-rebuilt; emitter-appended) ---
"""Pipeline reference for scband-tr-nms-43791486550556 (READ-ONLY COPY).

The authoritative reference and input builder live on the scoring server;
editing this copy changes nothing except your own understanding.
"""

import jax, jax.numpy as jnp
import numpy as np

PANELTY_K = 0.055
HANNING_WINDOW_WEIGHT = 0.42
HANNING_WINDOW_SIZE_FACTOR = 2.0


def _get_rois_vals(rois):
    x = (rois[:, :, 0] + rois[:, :, 2]) / 2.0
    y = (rois[:, :, 1] + rois[:, :, 3]) / 2.0
    w = jnp.abs(rois[:, :, 0] - rois[:, :, 2]) + 0.0001
    h = jnp.abs(rois[:, :, 1] - rois[:, :, 3]) + 0.0001
    p = (w + h) / 2.0
    s = jnp.sqrt((w + p) * (h + p))
    r = w / h
    return x, y, w, h, s, r


def setup_inputs(seed: int = 0) -> dict:
    key = jax.random.key(seed)
    k1, k2, k3 = jax.random.split(key, 3)
    N, n = 5000, 2000
    rois = jax.random.uniform(k1, (N, 4), dtype=jnp.float32) * 512.0
    rpn_rois = jax.random.uniform(k2, (N, n, 5), dtype=jnp.float32) * 512.0
    scores = jax.random.uniform(k3, (N, n, 2), dtype=jnp.float32)
    return {"rois": rois, "rpn_rois": rpn_rois, "scores": scores}


def reference(rois, rpn_rois, scores):
    rois_e = rois[:, None, :]
    x, y, w, h, s, r = _get_rois_vals(rois_e)
    x_, y_, w_, h_, s_, r_ = _get_rois_vals(rpn_rois[:, :, 1:5])
    s_max = jnp.maximum(s / s_, s_ / s)
    r_max = jnp.maximum(r, 1.0 / r)
    penalty_score = jnp.exp(-PANELTY_K * (s_max * r_max - 1.0))
    window_sz = s * HANNING_WINDOW_SIZE_FACTOR
    dist = jnp.sqrt((x - x_) ** 2 + (y - y_) ** 2)
    hanning_score = 0.5 + 0.5 * jnp.cos(dist * 3.141592653589793 / window_sz)
    hanning_score = jnp.where(dist > window_sz, 0.0, hanning_score)
    penalty_window = scores[:, :, 1] * penalty_score + hanning_score * HANNING_WINDOW_WEIGHT
    inds = jnp.argmax(penalty_window, axis=1)
    sel_rpn_rois = jnp.take_along_axis(rpn_rois, inds[:, None, None], axis=1)[:, 0, 1:]
    sel_scores = jnp.take_along_axis(scores, inds[:, None, None], axis=1)[:, 0, 1:]
    return (sel_rpn_rois, sel_scores)

if __name__ == "__main__":
    import jax
    _d = setup_inputs()
    print(jax.jit(kernel)(*tuple(_d.values())))

</pallas_src>

<mosaic_0001>
#map = affine_map<(d0, d1) -> (0, 0)>
#map1 = affine_map<(d0, d1) -> (0, 0, 0)>
#map2 = affine_map<(d0, d1) -> (0)>
module attributes {stable_mosaic.version = 14 : i64} {
  func.func @trnms(%arg0: i32, %arg1: i32, %arg2: memref<5000x4xf32, #tpu.memory_space<hbm>>, %arg3: memref<5x5000x2000xf32, #tpu.memory_space<hbm>>, %arg4: memref<5000x2x2000xf32, #tpu.memory_space<hbm>>, %arg5: memref<6144xf32, #tpu.memory_space<hbm>>, %arg6: memref<1536xf32, #tpu.memory_space<hbm>>, %arg7: memref<48x4xf32, #tpu.memory_space<vmem>>, %arg8: memref<4x8x2000xf32, #tpu.memory_space<vmem>>, %arg9: memref<8x2x2000xf32, #tpu.memory_space<vmem>>, %arg10: memref<48xf32, #tpu.memory_space<vmem>>, %arg11: memref<48xf32, #tpu.memory_space<vmem>>, %arg12: memref<48xf32, #tpu.memory_space<vmem>>, %arg13: memref<48xf32, #tpu.memory_space<vmem>>, %arg14: memref<48xf32, #tpu.memory_space<vmem>>, %arg15: memref<48xf32, #tpu.memory_space<vmem>>, %arg16: memref<192xf32, #tpu.memory_space<vmem>>, %arg17: memref<48xf32, #tpu.memory_space<vmem>>) attributes {dimension_semantics = [#tpu.dimension_semantics<core_parallel>, #tpu.dimension_semantics<subcore_parallel>], iteration_bounds = array<i64: 2, 16>, scalar_prefetch = 0 : i64, scratch_operands = 11 : i64, tpu.core_type = #tpu.core_type<sc_vector_subcore>, window_params = [{transform_indices = #map}, {transform_indices = #map1}, {transform_indices = #map1}, {transform_indices = #map2}, {transform_indices = #map2}]} {
    %mul3A = arith.constant 2 : i32
    %mul3A_0 = arith.muli %arg1, %mul3A : i32
    %add3A = arith.addi %mul3A_0, %arg0 : i32
    %mul3A_1 = arith.constant 48 : i32
    %mul3A_2 = arith.muli %add3A, %mul3A_1 : i32
    %iota3A = tpu.iota {dimensions = array<i32: 0>} : vector<16xi32>
    %broadcast_in_dim3A = arith.constant 0 : i32
    %broadcast_in_dim3A_3 = vector.broadcast %broadcast_in_dim3A : i32 to vector<16xi32>
    "tpu.region"() ({
      %run_scoped3A = tpu.sem_alloc : memref<!tpu.dma_semaphore, #tpu.memory_space<semaphore_mem>>
      %dma_start3A = arith.constant 0 : i32
      %dma_start3A_348 = tpu.memref_slice %arg2[%mul3A_2, %dma_start3A] : memref<5000x4xf32, #tpu.memory_space<hbm>> -> memref<48x4xf32, #tpu.memory_space<hbm>>
      %dma_start3A_349 = arith.constant 0 : i32
      %dma_start3A_350 = tpu.memref_slice %arg2[%mul3A_2, %dma_start3A_349] : memref<5000x4xf32, #tpu.memory_space<hbm>> -> memref<48x4xf32, #tpu.memory_space<hbm>>
      tpu.enqueue_dma source(%dma_start3A_350 : memref<48x4xf32, #tpu.memory_space<hbm>>) target(%arg7 : memref<48x4xf32, #tpu.memory_space<vmem>>) target_semaphore(%run_scoped3A : memref<!tpu.dma_semaphore, #tpu.memory_space<semaphore_mem>>)
      %dma_wait3A = arith.constant 0 : i32
      %dma_wait3A_351 = tpu.memref_slice %arg2[%mul3A_2, %dma_wait3A] : memref<5000x4xf32, #tpu.memory_space<hbm>> -> memref<48x4xf32, #tpu.memory_space<hbm>>
      %dma_wait3A_352 = arith.constant 0 : i32
      %dma_wait3A_353 = tpu.memref_slice %arg2[%mul3A_2, %dma_wait3A_352] : memref<5000x4xf32, #tpu.memory_space<hbm>> -> memref<48x4xf32, #tpu.memory_space<hbm>>
      tpu.wait_dma2 semaphore(%run_scoped3A : memref<!tpu.dma_semaphore, #tpu.memory_space<semaphore_mem>>) src(%dma_wait3A_353 : memref<48x4xf32, #tpu.memory_space<hbm>>) dst(%arg7 : memref<48x4xf32, #tpu.memory_space<vmem>>)
      tpu.yield
    }) : () -> ()
    %add3A_4 = arith.constant 0 : i32
    %add3A_5 = vector.broadcast %add3A_4 : i32 to vector<16xi32>
    %add3A_6 = arith.addi %iota3A, %add3A_5 : vector<16xi32>
    %gather3A = tpu.vector_load_idx %arg7[%add3A_6, %broadcast_in_dim3A_3] : memref<48x4xf32, #tpu.memory_space<vmem>>[vector<16xi32>, vector<16xi32>], vector<16xf32>,
    %add3A_7 = arith.constant 1 : i32
    %add3A_8 = vector.broadcast %add3A_7 : i32 to vector<16xi32>
    %add3A_9 = arith.addi %broadcast_in_dim3A_3, %add3A_8 : vector<16xi32>
    %gather3A_10 = tpu.vector_load_idx %arg7[%add3A_6, %add3A_9] : memref<48x4xf32, #tpu.memory_space<vmem>>[vector<16xi32>, vector<16xi32>], vector<16xf32>,
    %add3A_11 = arith.constant 2 : i32
    %add3A_12 = vector.broadcast %add3A_11 : i32 to vector<16xi32>
    %add3A_13 = arith.addi %broadcast_in_dim3A_3, %add3A_12 : vector<16xi32>
    %gather3A_14 = tpu.vector_load_idx %arg7[%add3A_6, %add3A_13] : memref<48x4xf32, #tpu.memory_space<vmem>>[vector<16xi32>, vector<16xi32>], vector<16xf32>,
    %add3A_15 = arith.constant 3 : i32
    %add3A_16 = vector.broadcast %add3A_15 : i32 to vector<16xi32>
    %add3A_17 = arith.addi %broadcast_in_dim3A_3, %add3A_16 : vector<16xi32>
    %gather3A_18 = tpu.vector_load_idx %arg7[%add3A_6, %add3A_17] : memref<48x4xf32, #tpu.memory_space<vmem>>[vector<16xi32>, vector<16xi32>], vector<16xf32>,
    %add3A_19 = arith.addf %gather3A, %gather3A_14 : vector<16xf32>
    %mul3A_20 = arith.constant 5.000000e-01 : f32
    %mul3A_21 = vector.broadcast %mul3A_20 : f32 to vector<16xf32>
    %mul3A_22 = arith.mulf %add3A_19, %mul3A_21 : vector<16xf32>
    %add3A_23 = arith.addf %gather3A_10, %gather3A_18 : vector<16xf32>
    %mul3A_24 = arith.constant 5.000000e-01 : f32
    %mul3A_25 = vector.broadcast %mul3A_24 : f32 to vector<16xf32>
    %mul3A_26 = arith.mulf %add3A_23, %mul3A_25 : vector<16xf32>
    %sub3A = arith.subf %gather3A, %gather3A_14 : vector<16xf32>
    %abs3A = math.absf %sub3A : vector<16xf32>
    %add3A_27 = arith.constant 9.99999974E-5 : f32
    %add3A_28 = vector.broadcast %add3A_27 : f32 to vector<16xf32>
    %add3A_29 = arith.addf %abs3A, %add3A_28 : vector<16xf32>
    %sub3A_30 = arith.subf %gather3A_10, %gather3A_18 : vector<16xf32>
    %abs3A_31 = math.absf %sub3A_30 : vector<16xf32>
    %add3A_32 = arith.constant 9.99999974E-5 : f32
    %add3A_33 = vector.broadcast %add3A_32 : f32 to vector<16xf32>
    %add3A_34 = arith.addf %abs3A_31, %add3A_33 : vector<16xf32>
    %add3A_35 = arith.addf %add3A_29, %add3A_34 : vector<16xf32>
    %mul3A_36 = arith.constant 5.000000e-01 : f32
    %mul3A_37 = vector.broadcast %mul3A_36 : f32 to vector<16xf32>
    %mul3A_38 = arith.mulf %add3A_35, %mul3A_37 : vector<16xf32>
    %add3A_39 = arith.addf %add3A_29, %mul3A_38 : vector<16xf32>
    %add3A_40 = arith.addf %add3A_34, %mul3A_38 : vector<16xf32>
    %mul3A_41 = arith.mulf %add3A_39, %add3A_40 : vector<16xf32>
    %bitcast_convert_type3A = tpu.bitcast %mul3A_41 : vector<16xf32> -> vector<16xi32>
    %shift_right_arithmetic3A = arith.constant 1 : i32
    %shift_right_arithmetic3A_42 = vector.broadcast %shift_right_arithmetic3A : i32 to vector<16xi32>
    %shift_right_arithmetic3A_43 = arith.shrsi %bitcast_convert_type3A, %shift_right_arithmetic3A_42 : vector<16xi32>
    %sub3A_44 = arith.constant 1597463007 : i32
    %sub3A_45 = vector.broadcast %sub3A_44 : i32 to vector<16xi32>
    %sub3A_46 = arith.subi %sub3A_45, %shift_right_arithmetic3A_43 : vector<16xi32>
    %bitcast_convert_type3A_47 = tpu.bitcast %sub3A_46 : vector<16xi32> -> vector<16xf32>
    %mul3A_48 = arith.constant 5.000000e-01 : f32
    %mul3A_49 = vector.broadcast %mul3A_48 : f32 to vector<16xf32>
    %mul3A_50 = arith.mulf %mul3A_49, %mul3A_41 : vector<16xf32>
    %mul3A_51 = arith.mulf %mul3A_50, %bitcast_convert_type3A_47 : vector<16xf32>
    %mul3A_52 = arith.mulf %mul3A_51, %bitcast_convert_type3A_47 : vector<16xf32>
    %sub3A_53 = arith.constant 1.500000e+00 : f32
    %sub3A_54 = vector.broadcast %sub3A_53 : f32 to vector<16xf32>
    %sub3A_55 = arith.subf %sub3A_54, %mul3A_52 : vector<16xf32>
    %mul3A_56 = arith.mulf %bitcast_convert_type3A_47, %sub3A_55 : vector<16xf32>
    %mul3A_57 = arith.constant 5.000000e-01 : f32
    %mul3A_58 = vector.broadcast %mul3A_57 : f32 to vector<16xf32>
    %mul3A_59 = arith.mulf %mul3A_58, %mul3A_41 : vector<16xf32>
    %mul3A_60 = arith.mulf %mul3A_59, %mul3A_56 : vector<16xf32>
    %mul3A_61 = arith.mulf %mul3A_60, %mul3A_56 : vector<16xf32>
    %sub3A_62 = arith.constant 1.500000e+00 : f32
    %sub3A_63 = vector.broadcast %sub3A_62 : f32 to vector<16xf32>
    %sub3A_64 = arith.subf %sub3A_63, %mul3A_61 : vector<16xf32>
    %mul3A_65 = arith.mulf %mul3A_56, %sub3A_64 : vector<16xf32>
    %mul3A_66 = arith.constant 5.000000e-01 : f32
    %mul3A_67 = vector.broadcast %mul3A_66 : f32 to vector<16xf32>
    %mul3A_68 = arith.mulf %mul3A_67, %mul3A_41 : vector<16xf32>
    %mul3A_69 = arith.mulf %mul3A_68, %mul3A_65 : vector<16xf32>
    %mul3A_70 = arith.mulf %mul3A_69, %mul3A_65 : vector<16xf32>
    %sub3A_71 = arith.constant 1.500000e+00 : f32
    %sub3A_72 = vector.broadcast %sub3A_71 : f32 to vector<16xf32>
    %sub3A_73 = arith.subf %sub3A_72, %mul3A_70 : vector<16xf32>
    %mul3A_74 = arith.mulf %mul3A_65, %sub3A_73 : vector<16xf32>
    %mul3A_75 = arith.mulf %mul3A_41, %mul3A_74 : vector<16xf32>
    %div3A = arith.divf %add3A_29, %add3A_34 : vector<16xf32>
    %div3A_76 = arith.constant 1.000000e+00 : f32
    %div3A_77 = vector.broadcast %div3A_76 : f32 to vector<16xf32>
    %div3A_78 = arith.divf %div3A_77, %div3A : vector<16xf32>
    %max3A = arith.maximumf %div3A, %div3A_78 : vector<16xf32>
    %swap3A = arith.constant 0 : index
    %swap3A_79 = tpu.vector_load %arg10[%swap3A] {strides = array<i32>} : memref<48xf32, #tpu.memory_space<vmem>>, vector<16xf32>,
    tpu.vector_store %arg10[%swap3A], %mul3A_22 {strides = array<i32>} : memref<48xf32, #tpu.memory_space<vmem>>, vector<16xf32>,
    %swap3A_80 = arith.constant 0 : index
    %swap3A_81 = tpu.vector_load %arg11[%swap3A_80] {strides = array<i32>} : memref<48xf32, #tpu.memory_space<vmem>>, vector<16xf32>,
    tpu.vector_store %arg11[%swap3A_80], %mul3A_26 {strides = array<i32>} : memref<48xf32, #tpu.memory_space<vmem>>, vector<16xf32>,
    %swap3A_82 = arith.constant 0 : index
    %swap3A_83 = tpu.vector_load %arg12[%swap3A_82] {strides = array<i32>} : memref<48xf32, #tpu.memory_space<vmem>>, vector<16xf32>,
    tpu.vector_store %arg12[%swap3A_82], %mul3A_75 {strides = array<i32>} : memref<48xf32, #tpu.memory_space<vmem>>, vector<16xf32>,
    %swap3A_84 = arith.constant 0 : index
    %swap3A_85 = tpu.vector_load %arg13[%swap3A_84] {strides = array<i32>} : memref<48xf32, #tpu.memory_space<vmem>>, vector<16xf32>,
    tpu.vector_store %arg13[%swap3A_84], %mul3A_74 {strides = array<i32>} : memref<48xf32, #tpu.memory_space<vmem>>, vector<16xf32>,
    %mul3A_86 = arith.constant -5.500000e-02 : f32
    %mul3A_87 = vector.broadcast %mul3A_86 : f32 to vector<16xf32>
    %mul3A_88 = arith.mulf %mul3A_87, %max3A : vector<16xf32>
    %swap3A_89 = arith.constant 0 : index
    %swap3A_90 = tpu.vector_load %arg14[%swap3A_89] {strides = array<i32>} : memref<48xf32, #tpu.memory_space<vmem>>, vector<16xf32>,
    tpu.vector_store %arg14[%swap3A_89], %mul3A_88 {strides = array<i32>} : memref<48xf32, #tpu.memory_space<vmem>>, vector<16xf32>,
    %mul3A_91 = arith.mulf %mul3A_74, %mul3A_74 : vector<16xf32>
    %mul3A_92 = arith.constant 2.500000e-01 : f32
    %mul3A_93 = vector.broadcast %mul3A_92 : f32 to vector<16xf32>
    %mul3A_94 = arith.mulf %mul3A_91, %mul3A_93 : vector<16xf32>
    %swap3A_95 = arith.constant 0 : index
    %swap3A_96 = tpu.vector_load %arg15[%swap3A_95] {strides = array<i32>} : memref<48xf32, #tpu.memory_space<vmem>>, vector<16xf32>,
    tpu.vector_store %arg15[%swap3A_95], %mul3A_94 {strides = array<i32>} : memref<48xf32, #tpu.memory_space<vmem>>, vector<16xf32>,
    %add3A_97 = arith.constant 16 : i32
    %add3A_98 = vector.broadcast %add3A_97 : i32 to vector<16xi32>
    %add3A_99 = arith.addi %iota3A, %add3A_98 : vector<16xi32>
    %gather3A_100 = tpu.vector_load_idx %arg7[%add3A_99, %broadcast_in_dim3A_3] : memref<48x4xf32, #tpu.memory_space<vmem>>[vector<16xi32>, vector<16xi32>], vector<16xf32>,
    %add3A_101 = arith.constant 1 : i32
    %add3A_102 = vector.broadcast %add3A_101 : i32 to vector<16xi32>
    %add3A_103 = arith.addi %broadcast_in_dim3A_3, %add3A_102 : vector<16xi32>
    %gather3A_104 = tpu.vector_load_idx %arg7[%add3A_99, %add3A_103] : memref<48x4xf32, #tpu.memory_space<vmem>>[vector<16xi32>, vector<16xi32>], vector<16xf32>,
    %add3A_105 = arith.constant 2 : i32
    %add3A_106 = vector.broadcast %add3A_105 : i32 to vector<16xi32>
    %add3A_107 = arith.addi %broadcast_in_dim3A_3, %add3A_106 : vector<16xi32>
    %gather3A_108 = tpu.vector_load_idx %arg7[%add3A_99, %add3A_107] : memref<48x4xf32, #tpu.memory_space<vmem>>[vector<16xi32>, vector<16xi32>], vector<16xf32>,
    %add3A_109 = arith.constant 3 : i32
    %add3A_110 = vector.broadcast %add3A_109 : i32 to vector<16xi32>
    %add3A_111 = arith.addi %broadcast_in_dim3A_3, %add3A_110 : vector<16xi32>
    %gather3A_112 = tpu.vector_load_idx %arg7[%add3A_99, %add3A_111] : memref<48x4xf32, #tpu.memory_space<vmem>>[vector<16xi32>, vector<16xi32>], vector<16xf32>,
    %add3A_113 = arith.addf %gather3A_100, %gather3A_108 : vector<16xf32>
    %mul3A_114 = arith.constant 5.000000e-01 : f32
    %mul3A_115 = vector.broadcast %mul3A_114 : f32 to vector<16xf32>
    %mul3A_116 = arith.mulf %add3A_113, %mul3A_115 : vector<16xf32>
    %add3A_117 = arith.addf %gather3A_104, %gather3A_112 : vector<16xf32>
    %mul3A_118 = arith.constant 5.000000e-01 : f32
    %mul3A_119 = vector.broadcast %mul3A_118 : f32 to vector<16xf32>
    %mul3A_120 = arith.mulf %add3A_117, %mul3A_119 : vector<16xf32>
    %sub3A_121 = arith.subf %gather3A_100, %gather3A_108 : vector<16xf32>
    %abs3A_122 = math.absf %sub3A_121 : vector<16xf32>
    %add3A_123 = arith.constant 9.99999974E-5 : f32
    %add3A_124 = vector.broadcast %add3A_123 : f32 to vector<16xf32>
    %add3A_125 = arith.addf %abs3A_122, %add3A_124 : vector<16xf32>
    %sub3A_126 = arith.subf %gather3A_104, %gather3A_112 : vector<16xf32>
    %abs3A_127 = math.absf %sub3A_126 : vector<16xf32>
    %add3A_128 = arith.constant 9.99999974E-5 : f32
    %add3A_129 = vector.broadcast %add3A_128 : f32 to vector<16xf32>
    %add3A_130 = arith.addf %abs3A_127, %add3A_129 : vector<16xf32>
    %add3A_131 = arith.addf %add3A_125, %add3A_130 : vector<16xf32>
    %mul3A_132 = arith.constant 5.000000e-01 : f32
    %mul3A_133 = vector.broadcast %mul3A_132 : f32 to vector<16xf32>
    %mul3A_134 = arith.mulf %add3A_131, %mul3A_133 : vector<16xf32>
    %add3A_135 = arith.addf %add3A_125, %mul3A_134 : vector<16xf32>
    %add3A_136 = arith.addf %add3A_130, %mul3A_134 : vector<16xf32>
    %mul3A_137 = arith.mulf %add3A_135, %add3A_136 : vector<16xf32>
    %bitcast_convert_type3A_138 = tpu.bitcast %mul3A_137 : vector<16xf32> -> vector<16xi32>
    %shift_right_arithmetic3A_139 = arith.constant 1 : i32
    %shift_right_arithmetic3A_140 = vector.broadcast %shift_right_arithmetic3A_139 : i32 to vector<16xi32>
    %shift_right_arithmetic3A_141 = arith.shrsi %bitcast_convert_type3A_138, %shift_right_arithmetic3A_140 : vector<16xi32>
    %sub3A_142 = arith.constant 1597463007 : i32
    %sub3A_143 = vector.broadcast %sub3A_142 : i32 to vector<16xi32>
    %sub3A_144 = arith.subi %sub3A_143, %shift_right_arithmetic3A_141 : vector<16xi32>
    %bitcast_convert_type3A_145 = tpu.bitcast %sub3A_144 : vector<16xi32> -> vector<16xf32>
    %mul3A_146 = arith.constant 5.000000e-01 : f32
    %mul3A_147 = vector.broadcast %mul3A_146 : f32 to vector<16xf32>
    %mul3A_148 = arith.mulf %mul3A_147, %mul3A_137 : vector<16xf32>
    %mul3A_149 = arith.mulf %mul3A_148, %bitcast_convert_type3A_145 : vector<16xf32>
    %mul3A_150 = arith.mulf %mul3A_149, %bitcast_convert_type3A_145 : vector<16xf32>
    %sub3A_151 = arith.constant 1.500000e+00 : f32
    %sub3A_152 = vector.broadcast %sub3A_151 : f32 to vector<16xf32>
    %sub3A_153 = arith.subf %sub3A_152, %mul3A_150 : vector<16xf32>
    %mul3A_154 = arith.mulf %bitcast_convert_type3A_145, %sub3A_153 : vector<16xf32>
    %mul3A_155 = arith.constant 5.000000e-01 : f32
    %mul3A_156 = vector.broadcast %mul3A_155 : f32 to vector<16xf32>
    %mul3A_157 = arith.mulf %mul3A_156, %mul3A_137 : vector<16xf32>
    %mul3A_158 = arith.mulf %mul3A_157, %mul3A_154 : vector<16xf32>
    %mul3A_159 = arith.mulf %mul3A_158, %mul3A_154 : vector<16xf32>
    %sub3A_160 = arith.constant 1.500000e+00 : f32
    %sub3A_161 = vector.broadcast %sub3A_160 : f32 to vector<16xf32>
    %sub3A_162 = arith.subf %sub3A_161, %mul3A_159 : vector<16xf32>
    %mul3A_163 = arith.mulf %mul3A_154, %sub3A_162 : vector<16xf32>
    %mul3A_164 = arith.constant 5.000000e-01 : f32
    %mul3A_165 = vector.broadcast %mul3A_164 : f32 to vector<16xf32>
    %mul3A_166 = arith.mulf %mul3A_165, %mul3A_137 : vector<16xf32>
    %mul3A_167 = arith.mulf %mul3A_166, %mul3A_163 : vector<16xf32>
    %mul3A_168 = arith.mulf %mul3A_167, %mul3A_163 : vector<16xf32>
    %sub3A_169 = arith.constant 1.500000e+00 : f32
    %sub3A_170 = vector.broadcast %sub3A_169 : f32 to vector<16xf32>
    %sub3A_171 = arith.subf %sub3A_170, %mul3A_168 : vector<16xf32>
    %mul3A_172 = arith.mulf %mul3A_163, %sub3A_171 : vector<16xf32>
    %mul3A_173 = arith.mulf %mul3A_137, %mul3A_172 : vector<16xf32>
    %div3A_174 = arith.divf %add3A_125, %add3A_130 : vector<16xf32>
    %div3A_175 = arith.constant 1.000000e+00 : f32
    %div3A_176 = vector.broadcast %div3A_175 : f32 to vector<16xf32>
    %div3A_177 = arith.divf %div3A_176, %div3A_174 : vector<16xf32>
    %max3A_178 = arith.maximumf %div3A_174, %div3A_177 : vector<16xf32>
    %swap3A_179 = arith.constant 16 : index
    %swap3A_180 = tpu.vector_load %arg10[%swap3A_179] {strides = array<i32>} : memref<48xf32, #tpu.memory_space<vmem>>, vector<16xf32>,
    tpu.vector_store %arg10[%swap3A_179], %mul3A_116 {strides = array<i32>} : memref<48xf32, #tpu.memory_space<vmem>>, vector<16xf32>,
    %swap3A_181 = arith.constant 16 : index
    %swap3A_182 = tpu.vector_load %arg11[%swap3A_181] {strides = array<i32>} : memref<48xf32, #tpu.memory_space<vmem>>, vector<16xf32>,
    tpu.vector_store %arg11[%swap3A_181], %mul3A_120 {strides = array<i32>} : memref<48xf32, #tpu.memory_space<vmem>>, vector<16xf32>,
    %swap3A_183 = arith.constant 16 : index
    %swap3A_184 = tpu.vector_load %arg12[%swap3A_183] {strides = array<i32>} : memref<48xf32, #tpu.memory_space<vmem>>, vector<16xf32>,
    tpu.vector_store %arg12[%swap3A_183], %mul3A_173 {strides = array<i32>} : memref<48xf32, #tpu.memory_space<vmem>>, vector<16xf32>,
    %swap3A_185 = arith.constant 16 : index
    %swap3A_186 = tpu.vector_load %arg13[%swap3A_185] {strides = array<i32>} : memref<48xf32, #tpu.memory_space<vmem>>, vector<16xf32>,
    tpu.vector_store %arg13[%swap3A_185], %mul3A_172 {strides = array<i32>} : memref<48xf32, #tpu.memory_space<vmem>>, vector<16xf32>,
    %mul3A_187 = arith.constant -5.500000e-02 : f32
    %mul3A_188 = vector.broadcast %mul3A_187 : f32 to vector<16xf32>
    %mul3A_189 = arith.mulf %mul3A_188, %max3A_178 : vector<16xf32>
    %swap3A_190 = arith.constant 16 : index
    %swap3A_191 = tpu.vector_load %arg14[%swap3A_190] {strides = array<i32>} : memref<48xf32, #tpu.memory_space<vmem>>, vector<16xf32>,
    tpu.vector_store %arg14[%swap3A_190], %mul3A_189 {strides = array<i32>} : memref<48xf32, #tpu.memory_space<vmem>>, vector<16xf32>,
    %mul3A_192 = arith.mulf %mul3A_172, %mul3A_172 : vector<16xf32>
    %mul3A_193 = arith.constant 2.500000e-01 : f32
    %mul3A_194 = vector.broadcast %mul3A_193 : f32 to vector<16xf32>
    %mul3A_195 = arith.mulf %mul3A_192, %mul3A_194 : vector<16xf32>
    %swap3A_196 = arith.constant 16 : index
    %swap3A_197 = tpu.vector_load %arg15[%swap3A_196] {strides = array<i32>} : memref<48xf32, #tpu.memory_space<vmem>>, vector<16xf32>,
    tpu.vector_store %arg15[%swap3A_196], %mul3A_195 {strides = array<i32>} : memref<48xf32, #tpu.memory_space<vmem>>, vector<16xf32>,
    %add3A_198 = arith.constant 32 : i32
    %add3A_199 = vector.broadcast %add3A_198 : i32 to vector<16xi32>
    %add3A_200 = arith.addi %iota3A, %add3A_199 : vector<16xi32>
    %gather3A_201 = tpu.vector_load_idx %arg7[%add3A_200, %broadcast_in_dim3A_3] : memref<48x4xf32, #tpu.memory_space<vmem>>[vector<16xi32>, vector<16xi32>], vector<16xf32>,
    %add3A_202 = arith.constant 1 : i32
    %add3A_203 = vector.broadcast %add3A_202 : i32 to vector<16xi32>
    %add3A_204 = arith.addi %broadcast_in_dim3A_3, %add3A_203 : vector<16xi32>
    %gather3A_205 = tpu.vector_load_idx %arg7[%add3A_200, %add3A_204] : memref<48x4xf32, #tpu.memory_space<vmem>>[vector<16xi32>, vector<16xi32>], vector<16xf32>,
    %add3A_206 = arith.constant 2 : i32
    %add3A_207 = vector.broadcast %add3A_206 : i32 to vector<16xi32>
    %add3A_208 = arith.addi %broadcast_in_dim3A_3, %add3A_207 : vector<16xi32>
    %gather3A_209 = tpu.vector_load_idx %arg7[%add3A_200, %add3A_208] : memref<48x4xf32, #tpu.memory_space<vmem>>[vector<16xi32>, vector<16xi32>], vector<16xf32>,
    %add3A_210 = arith.constant 3 : i32
    %add3A_211 = vector.broadcast %add3A_210 : i32 to vector<16xi32>
    %add3A_212 = arith.addi %broadcast_in_dim3A_3, %add3A_211 : vector<16xi32>
    %gather3A_213 = tpu.vector_load_idx %arg7[%add3A_200, %add3A_212] : memref<48x4xf32, #tpu.memory_space<vmem>>[vector<16xi32>, vector<16xi32>], vector<16xf32>,
    %add3A_214 = arith.addf %gather3A_201, %gather3A_209 : vector<16xf32>
    %mul3A_215 = arith.constant 5.000000e-01 : f32
    %mul3A_216 = vector.broadcast %mul3A_215 : f32 to vector<16xf32>
    %mul3A_217 = arith.mulf %add3A_214, %mul3A_216 : vector<16xf32>
    %add3A_218 = arith.addf %gather3A_205, %gather3A_213 : vector<16xf32>
    %mul3A_219 = arith.constant 5.000000e-01 : f32
    %mul3A_220 = vector.broadcast %mul3A_219 : f32 to vector<16xf32>
    %mul3A_221 = arith.mulf %add3A_218, %mul3A_220 : vector<16xf32>
    %sub3A_222 = arith.subf %gather3A_201, %gather3A_209 : vector<16xf32>
    %abs3A_223 = math.absf %sub3A_222 : vector<16xf32>
    %add3A_224 = arith.constant 9.99999974E-5 : f32
    %add3A_225 = vector.broadcast %add3A_224 : f32 to vector<16xf32>
    %add3A_226 = arith.addf %abs3A_223, %add3A_225 : vector<16xf32>
    %sub3A_227 = arith.subf %gather3A_205, %gather3A_213 : vector<16xf32>
    %abs3A_228 = math.absf %sub3A_227 : vector<16xf32>
    %add3A_229 = arith.constant 9.99999974E-5 : f32
    %add3A_230 = vector.broadcast %add3A_229 : f32 to vector<16xf32>
    %add3A_231 = arith.addf %abs3A_228, %add3A_230 : vector<16xf32>
    %add3A_232 = arith.addf %add3A_226, %add3A_231 : vector<16xf32>
    %mul3A_233 = arith.constant 5.000000e-01 : f32
    %mul3A_234 = vector.broadcast %mul3A_233 : f32 to vector<16xf32>
    %mul3A_235 = arith.mulf %add3A_232, %mul3A_234 : vector<16xf32>
    %add3A_236 = arith.addf %add3A_226, %mul3A_235 : vector<16xf32>
    %add3A_237 = arith.addf %add3A_231, %mul3A_235 : vector<16xf32>
    %mul3A_238 = arith.mulf %add3A_236, %add3A_237 : vector<16xf32>
    %bitcast_convert_type3A_239 = tpu.bitcast %mul3A_238 : vector<16xf32> -> vector<16xi32>
    %shift_right_arithmetic3A_240 = arith.constant 1 : i32
    %shift_right_arithmetic3A_241 = vector.broadcast %shift_right_arithmetic3A_240 : i32 to vector<16xi32>
    %shift_right_arithmetic3A_242 = arith.shrsi %bitcast_convert_type3A_239, %shift_right_arithmetic3A_241 : vector<16xi32>
    %sub3A_243 = arith.constant 1597463007 : i32
    %sub3A_244 = vector.broadcast %sub3A_243 : i32 to vector<16xi32>
    %sub3A_245 = arith.subi %sub3A_244, %shift_right_arithmetic3A_242 : vector<16xi32>
    %bitcast_convert_type3A_246 = tpu.bitcast %sub3A_245 : vector<16xi32> -> vector<16xf32>
    %mul3A_247 = arith.constant 5.000000e-01 : f32
    %mul3A_248 = vector.broadcast %mul3A_247 : f32 to vector<16xf32>
    %mul3A_249 = arith.mulf %mul3A_248, %mul3A_238 : vector<16xf32>
    %mul3A_250 = arith.mulf %mul3A_249, %bitcast_convert_type3A_246 : vector<16xf32>
    %mul3A_251 = arith.mulf %mul3A_250, %bitcast_convert_type3A_246 : vector<16xf32>
    %sub3A_252 = arith.constant 1.500000e+00 : f32
    %sub3A_253 = vector.broadcast %sub3A_252 : f32 to vector<16xf32>
    %sub3A_254 = arith.subf %sub3A_253, %mul3A_251 : vector<16xf32>
    %mul3A_255 = arith.mulf %bitcast_convert_type3A_246, %sub3A_254 : vector<16xf32>
    %mul3A_256 = arith.constant 5.000000e-01 : f32
    %mul3A_257 = vector.broadcast %mul3A_256 : f32 to vector<16xf32>
    %mul3A_258 = arith.mulf %mul3A_257, %mul3A_238 : vector<16xf32>
    %mul3A_259 = arith.mulf %mul3A_258, %mul3A_255 : vector<16xf32>
    %mul3A_260 = arith.mulf %mul3A_259, %mul3A_255 : vector<16xf32>
    %sub3A_261 = arith.constant 1.500000e+00 : f32
    %sub3A_262 = vector.broadcast %sub3A_261 : f32 to vector<16xf32>
    %sub3A_263 = arith.subf %sub3A_262, %mul3A_260 : vector<16xf32>
    %mul3A_264 = arith.mulf %mul3A_255, %sub3A_263 : vector<16xf32>
    %mul3A_265 = arith.constant 5.000000e-01 : f32
    %mul3A_266 = vector.broadcast %mul3A_265 : f32 to vector<16xf32>
    %mul3A_267 = arith.mulf %mul3A_266, %mul3A_238 : vector<16xf32>
    %mul3A_268 = arith.mulf %mul3A_267, %mul3A_264 : vector<16xf32>
    %mul3A_269 = arith.mulf %mul3A_268, %mul3A_264 : vector<16xf32>
    %sub3A_270 = arith.constant 1.500000e+00 : f32
    %sub3A_271 = vector.broadcast %sub3A_270 : f32 to vector<16xf32>
    %sub3A_272 = arith.subf %sub3A_271, %mul3A_269 : vector<16xf32>
    %mul3A_273 = arith.mulf %mul3A_264, %sub3A_272 : vector<16xf32>
    %mul3A_274 = arith.mulf %mul3A_238, %mul3A_273 : vector<16xf32>
    %div3A_275 = arith.divf %add3A_226, %add3A_231 : vector<16xf32>
    %div3A_276 = arith.constant 1.000000e+00 : f32
    %div3A_277 = vector.broadcast %div3A_276 : f32 to vector<16xf32>
    %div3A_278 = arith.divf %div3A_277, %div3A_275 : vector<16xf32>
    %max3A_279 = arith.maximumf %div3A_275, %div3A_278 : vector<16xf32>
    %swap3A_280 = arith.constant 32 : index
    %swap3A_281 = tpu.vector_load %arg10[%swap3A_280] {strides = array<i32>} : memref<48xf32, #tpu.memory_space<vmem>>, vector<16xf32>,
    tpu.vector_store %arg10[%swap3A_280], %mul3A_217 {strides = array<i32>} : memref<48xf32, #tpu.memory_space<vmem>>, vector<16xf32>,
    %swap3A_282 = arith.constant 32 : index
    %swap3A_283 = tpu.vector_load %arg11[%swap3A_282] {strides = array<i32>} : memref<48xf32, #tpu.memory_space<vmem>>, vector<16xf32>,
    tpu.vector_store %arg11[%swap3A_282], %mul3A_221 {strides = array<i32>} : memref<48xf32, #tpu.memory_space<vmem>>, vector<16xf32>,
    %swap3A_284 = arith.constant 32 : index
    %swap3A_285 = tpu.vector_load %arg12[%swap3A_284] {strides = array<i32>} : memref<48xf32, #tpu.memory_space<vmem>>, vector<16xf32>,
    tpu.vector_store %arg12[%swap3A_284], %mul3A_274 {strides = array<i32>} : memref<48xf32, #tpu.memory_space<vmem>>, vector<16xf32>,
    %swap3A_286 = arith.constant 32 : index
    %swap3A_287 = tpu.vector_load %arg13[%swap3A_286] {strides = array<i32>} : memref<48xf32, #tpu.memory_space<vmem>>, vector<16xf32>,
    tpu.vector_store %arg13[%swap3A_286], %mul3A_273 {strides = array<i32>} : memref<48xf32, #tpu.memory_space<vmem>>, vector<16xf32>,
    %mul3A_288 = arith.constant -5.500000e-02 : f32
    %mul3A_289 = vector.broadcast %mul3A_288 : f32 to vector<16xf32>
    %mul3A_290 = arith.mulf %mul3A_289, %max3A_279 : vector<16xf32>
    %swap3A_291 = arith.constant 32 : index
    %swap3A_292 = tpu.vector_load %arg14[%swap3A_291] {strides = array<i32>} : memref<48xf32, #tpu.memory_space<vmem>>, vector<16xf32>,
    tpu.vector_store %arg14[%swap3A_291], %mul3A_290 {strides = array<i32>} : memref<48xf32, #tpu.memory_space<vmem>>, vector<16xf32>,
    %mul3A_293 = arith.mulf %mul3A_273, %mul3A_273 : vector<16xf32>
    %mul3A_294 = arith.constant 2.500000e-01 : f32
    %mul3A_295 = vector.broadcast %mul3A_294 : f32 to vector<16xf32>
    %mul3A_296 = arith.mulf %mul3A_293, %mul3A_295 : vector<16xf32>
    %swap3A_297 = arith.constant 32 : index
    %swap3A_298 = tpu.vector_load %arg15[%swap3A_297] {strides = array<i32>} : memref<48xf32, #tpu.memory_space<vmem>>, vector<16xf32>,
    tpu.vector_store %arg15[%swap3A_297], %mul3A_296 {strides = array<i32>} : memref<48xf32, #tpu.memory_space<vmem>>, vector<16xf32>,
    %add3A_299 = arith.constant 0 : i32
    %add3A_300 = arith.addi %mul3A_2, %add3A_299 : i32
    "tpu.region"() ({
      %run_scoped3A = tpu.sem_alloc : memref<!tpu.dma_semaphore, #tpu.memory_space<semaphore_mem>>
      %dma_start3A = arith.constant 1 : i32
      %dma_start3A_348 = arith.constant 0 : i32
      %dma_start3A_349 = tpu.memref_slice %arg3[%dma_start3A, %add3A_300, %dma_start3A_348] : memref<5x5000x2000xf32, #tpu.memory_space<hbm>> -> memref<4x8x2000xf32, #tpu.memory_space<hbm>>
      %dma_start3A_350 = arith.constant 1 : i32
      %dma_start3A_351 = arith.constant 0 : i32
      %dma_start3A_352 = tpu.memref_slice %arg3[%dma_start3A_350, %add3A_300, %dma_start3A_351] : memref<5x5000x2000xf32, #tpu.memory_space<hbm>> -> memref<4x8x2000xf32, #tpu.memory_space<hbm>>
      tpu.enqueue_dma source(%dma_start3A_352 : memref<4x8x2000xf32, #tpu.memory_space<hbm>>) target(%arg8 : memref<4x8x2000xf32, #tpu.memory_space<vmem>>) target_semaphore(%run_scoped3A : memref<!tpu.dma_semaphore, #tpu.memory_space<semaphore_mem>>)
      %dma_wait3A = arith.constant 1 : i32
      %dma_wait3A_353 = arith.constant 0 : i32
      %dma_wait3A_354 = tpu.memref_slice %arg3[%dma_wait3A, %add3A_300, %dma_wait3A_353] : memref<5x5000x2000xf32, #tpu.memory_space<hbm>> -> memref<4x8x2000xf32, #tpu.memory_space<hbm>>
      %dma_wait3A_355 = arith.constant 1 : i32
      %dma_wait3A_356 = arith.constant 0 : i32
      %dma_wait3A_357 = tpu.memref_slice %arg3[%dma_wait3A_355, %add3A_300, %dma_wait3A_356] : memref<5x5000x2000xf32, #tpu.memory_space<hbm>> -> memref<4x8x2000xf32, #tpu.memory_space<hbm>>
      tpu.wait_dma2 semaphore(%run_scoped3A : memref<!tpu.dma_semaphore, #tpu.memory_space<semaphore_mem>>) src(%dma_wait3A_357 : memref<4x8x2000xf32, #tpu.memory_space<hbm>>) dst(%arg8 : memref<4x8x2000xf32, #tpu.memory_space<vmem>>)
      tpu.yield
    }) : () -> ()
    "tpu.region"() ({
      %run_scoped3A = tpu.sem_alloc : memref<!tpu.dma_semaphore, #tpu.memory_space<semaphore_mem>>
      %dma_start3A = arith.constant 0 : i32
      %dma_start3A_348 = arith.constant 0 : i32
      %dma_start3A_349 = tpu.memref_slice %arg4[%add3A_300, %dma_start3A, %dma_start3A_348] : memref<5000x2x2000xf32, #tpu.memory_space<hbm>> -> memref<8x2x2000xf32, #tpu.memory_space<hbm>>
      %dma_start3A_350 = arith.constant 0 : i32
      %dma_start3A_351 = arith.constant 0 : i32
      %dma_start3A_352 = tpu.memref_slice %arg4[%add3A_300, %dma_start3A_350, %dma_start3A_351] : memref<5000x2x2000xf32, #tpu.memory_space<hbm>> -> memref<8x2x2000xf32, #tpu.memory_space<hbm>>
      tpu.enqueue_dma source(%dma_start3A_352 : memref<8x2x2000xf32, #tpu.memory_space<hbm>>) target(%arg9 : memref<8x2x2000xf32, #tpu.memory_space<vmem>>) target_semaphore(%run_scoped3A : memref<!tpu.dma_semaphore, #tpu.memory_space<semaphore_mem>>)
      %dma_wait3A = arith.constant 0 : i32
      %dma_wait3A_353 = arith.constant 0 : i32
      %dma_wait3A_354 = tpu.memref_slice %arg4[%add3A_300, %dma_wait3A, %dma_wait3A_353] : memref<5000x2x2000xf32, #tpu.memory_space<hbm>> -> memref<8x2x2000xf32, #tpu.memory_space<hbm>>
      %dma_wait3A_355 = arith.constant 0 : i32
      %dma_wait3A_356 = arith.constant 0 : i32
      %dma_wait3A_357 = tpu.memref_slice %arg4[%add3A_300, %dma_wait3A_355, %dma_wait3A_356] : memref<5000x2x2000xf32, #tpu.memory_space<hbm>> -> memref<8x2x2000xf32, #tpu.memory_space<hbm>>
      tpu.wait_dma2 semaphore(%run_scoped3A : memref<!tpu.dma_semaphore, #tpu.memory_space<semaphore_mem>>) src(%dma_wait3A_357 : memref<8x2x2000xf32, #tpu.memory_space<hbm>>) dst(%arg9 : memref<8x2x2000xf32, #tpu.memory_space<vmem>>)
      tpu.yield
    }) : () -> ()
    %scan3A = arith.constant 0 : i32
    %scan3A_301 = arith.constant 0 : i32
    %scan3A_302 = arith.constant 8 : i32
    %scan3A_303 = arith.addi %scan3A_301, %scan3A_302 : i32
    %scan3A_304 = arith.constant 1 : i32
    scf.for %scan3A_348 = %scan3A_301 to %scan3A_303 step %scan3A_304  : i32 {
      %add3A_349 = arith.constant 0 : i32
      %add3A_350 = arith.addi %scan3A_348, %add3A_349 : i32
      %add3A_351 = vector.broadcast %add3A_350 : i32 to vector<16xi32>
      %add3A_352 = arith.addi %broadcast_in_dim3A_3, %add3A_351 : vector<16xi32>
      %gather3A_353 = tpu.vector_load_idx %arg10[%add3A_352] : memref<48xf32, #tpu.memory_space<vmem>>[vector<16xi32>], vector<16xf32>,
      %gather3A_354 = tpu.vector_load_idx %arg11[%add3A_352] : memref<48xf32, #tpu.memory_space<vmem>>[vector<16xi32>], vector<16xf32>,
      %gather3A_355 = tpu.vector_load_idx %arg12[%add3A_352] : memref<48xf32, #tpu.memory_space<vmem>>[vector<16xi32>], vector<16xf32>,
      %gather3A_356 = tpu.vector_load_idx %arg13[%add3A_352] : memref<48xf32, #tpu.memory_space<vmem>>[vector<16xi32>], vector<16xf32>,
      %gather3A_357 = tpu.vector_load_idx %arg14[%add3A_352] : memref<48xf32, #tpu.memory_space<vmem>>[vector<16xi32>], vector<16xf32>,
      %gather3A_358 = tpu.vector_load_idx %arg15[%add3A_352] : memref<48xf32, #tpu.memory_space<vmem>>[vector<16xi32>], vector<16xf32>,
      %broadcast_in_dim3A_359 = arith.constant 0xFF800000 : f32
      %broadcast_in_dim3A_360 = vector.broadcast %broadcast_in_dim3A_359 : f32 to vector<16xf32>
      %broadcast_in_dim3A_361 = arith.constant 0 : i32
      %broadcast_in_dim3A_362 = vector.broadcast %broadcast_in_dim3A_361 : i32 to vector<16xi32>
      %scan3A_363 = arith.constant 0 : i32
      %scan3A_364 = arith.constant 125 : i32
      %scan3A_365 = arith.addi %scan3A_363, %scan3A_364 : i32
      %scan3A_366 = arith.constant 1 : i32
      %scan3A_367:2 = scf.for %scan3A_443 = %scan3A_363 to %scan3A_365 step %scan3A_366 iter_args(%scan3A_444 = %broadcast_in_dim3A_360, %scan3A_445 = %broadcast_in_dim3A_362) -> (vector<16xf32>, vector<16xi32>)  : i32 {
        %mul3A_446 = arith.constant 16 : i32
        %mul3A_447 = arith.muli %scan3A_443, %mul3A_446 : i32
        %get3A_448 = arith.constant 0 : i32
        %get3A_449 = arith.index_cast %get3A_448 : i32 to index
        %get3A_450 = arith.index_cast %scan3A_348 : i32 to index
        %get3A_451 = arith.index_cast %mul3A_447 : i32 to index
        %get3A_452 = tpu.vector_load %arg8[%get3A_449, %get3A_450, %get3A_451] {strides = array<i32>} : memref<4x8x2000xf32, #tpu.memory_space<vmem>>, vector<16xf32>,
        %get3A_453 = arith.constant 1 : i32
        %get3A_454 = arith.index_cast %get3A_453 : i32 to index
        %get3A_455 = arith.index_cast %scan3A_348 : i32 to index
        %get3A_456 = arith.index_cast %mul3A_447 : i32 to index
        %get3A_457 = tpu.vector_load %arg8[%get3A_454, %get3A_455, %get3A_456] {strides = array<i32>} : memref<4x8x2000xf32, #tpu.memory_space<vmem>>, vector<16xf32>,
        %get3A_458 = arith.constant 2 : i32
        %get3A_459 = arith.index_cast %get3A_458 : i32 to index
        %get3A_460 = arith.index_cast %scan3A_348 : i32 to index
        %get3A_461 = arith.index_cast %mul3A_447 : i32 to index
        %get3A_462 = tpu.vector_load %arg8[%get3A_459, %get3A_460, %get3A_461] {strides = array<i32>} : memref<4x8x2000xf32, #tpu.memory_space<vmem>>, vector<16xf32>,
        %get3A_463 = arith.constant 3 : i32
        %get3A_464 = arith.index_cast %get3A_463 : i32 to index
        %get3A_465 = arith.index_cast %scan3A_348 : i32 to index
        %get3A_466 = arith.index_cast %mul3A_447 : i32 to index
        %get3A_467 = tpu.vector_load %arg8[%get3A_464, %get3A_465, %get3A_466] {strides = array<i32>} : memref<4x8x2000xf32, #tpu.memory_space<vmem>>, vector<16xf32>,
        %get3A_468 = arith.constant 1 : i32
        %get3A_469 = arith.index_cast %scan3A_348 : i32 to index
        %get3A_470 = arith.index_cast %get3A_468 : i32 to index
        %get3A_471 = arith.index_cast %mul3A_447 : i32 to index
        %get3A_472 = tpu.vector_load %arg9[%get3A_469, %get3A_470, %get3A_471] {strides = array<i32>} : memref<8x2x2000xf32, #tpu.memory_space<vmem>>, vector<16xf32>,
        %add3A_473 = arith.addf %get3A_452, %get3A_462 : vector<16xf32>
        %mul3A_474 = arith.constant 5.000000e-01 : f32
        %mul3A_475 = vector.broadcast %mul3A_474 : f32 to vector<16xf32>
        %mul3A_476 = arith.mulf %add3A_473, %mul3A_475 : vector<16xf32>
        %add3A_477 = arith.addf %get3A_457, %get3A_467 : vector<16xf32>
        %mul3A_478 = arith.constant 5.000000e-01 : f32
        %mul3A_479 = vector.broadcast %mul3A_478 : f32 to vector<16xf32>
        %mul3A_480 = arith.mulf %add3A_477, %mul3A_479 : vector<16xf32>
        %sub3A_481 = arith.subf %get3A_452, %get3A_462 : vector<16xf32>
        %abs3A_482 = math.absf %sub3A_481 : vector<16xf32>
        %add3A_483 = arith.constant 9.99999974E-5 : f32
        %add3A_484 = vector.broadcast %add3A_483 : f32 to vector<16xf32>
        %add3A_485 = arith.addf %abs3A_482, %add3A_484 : vector<16xf32>
        %sub3A_486 = arith.subf %get3A_457, %get3A_467 : vector<16xf32>
        %abs3A_487 = math.absf %sub3A_486 : vector<16xf32>
        %add3A_488 = arith.constant 9.99999974E-5 : f32
        %add3A_489 = vector.broadcast %add3A_488 : f32 to vector<16xf32>
        %add3A_490 = arith.addf %abs3A_487, %add3A_489 : vector<16xf32>
        %add3A_491 = arith.addf %add3A_485, %add3A_490 : vector<16xf32>
        %mul3A_492 = arith.constant 5.000000e-01 : f32
        %mul3A_493 = vector.broadcast %mul3A_492 : f32 to vector<16xf32>
        %mul3A_494 = arith.mulf %add3A_491, %mul3A_493 : vector<16xf32>
        %add3A_495 = arith.addf %add3A_485, %mul3A_494 : vector<16xf32>
        %add3A_496 = arith.addf %add3A_490, %mul3A_494 : vector<16xf32>
        %mul3A_497 = arith.mulf %add3A_495, %add3A_496 : vector<16xf32>
        %bitcast_convert_type3A_498 = tpu.bitcast %mul3A_497 : vector<16xf32> -> vector<16xi32>
        %shift_right_arithmetic3A_499 = arith.constant 1 : i32
        %shift_right_arithmetic3A_500 = vector.broadcast %shift_right_arithmetic3A_499 : i32 to vector<16xi32>
        %shift_right_arithmetic3A_501 = arith.shrsi %bitcast_convert_type3A_498, %shift_right_arithmetic3A_500 : vector<16xi32>
        %sub3A_502 = arith.constant 1597463007 : i32
        %sub3A_503 = vector.broadcast %sub3A_502 : i32 to vector<16xi32>
        %sub3A_504 = arith.subi %sub3A_503, %shift_right_arithmetic3A_501 : vector<16xi32>
        %bitcast_convert_type3A_505 = tpu.bitcast %sub3A_504 : vector<16xi32> -> vector<16xf32>
        %mul3A_506 = arith.constant 5.000000e-01 : f32
        %mul3A_507 = vector.broadcast %mul3A_506 : f32 to vector<16xf32>
        %mul3A_508 = arith.mulf %mul3A_507, %mul3A_497 : vector<16xf32>
        %mul3A_509 = arith.mulf %mul3A_508, %bitcast_convert_type3A_505 : vector<16xf32>
        %mul3A_510 = arith.mulf %mul3A_509, %bitcast_convert_type3A_505 : vector<16xf32>
        %sub3A_511 = arith.constant 1.500000e+00 : f32
        %sub3A_512 = vector.broadcast %sub3A_511 : f32 to vector<16xf32>
        %sub3A_513 = arith.subf %sub3A_512, %mul3A_510 : vector<16xf32>
        %mul3A_514 = arith.mulf %bitcast_convert_type3A_505, %sub3A_513 : vector<16xf32>
        %mul3A_515 = arith.constant 5.000000e-01 : f32
        %mul3A_516 = vector.broadcast %mul3A_515 : f32 to vector<16xf32>
        %mul3A_517 = arith.mulf %mul3A_516, %mul3A_497 : vector<16xf32>
        %mul3A_518 = arith.mulf %mul3A_517, %mul3A_514 : vector<16xf32>
        %mul3A_519 = arith.mulf %mul3A_518, %mul3A_514 : vector<16xf32>
        %sub3A_520 = arith.constant 1.500000e+00 : f32
        %sub3A_521 = vector.broadcast %sub3A_520 : f32 to vector<16xf32>
        %sub3A_522 = arith.subf %sub3A_521, %mul3A_519 : vector<16xf32>
        %mul3A_523 = arith.mulf %mul3A_514, %sub3A_522 : vector<16xf32>
        %mul3A_524 = arith.constant 5.000000e-01 : f32
        %mul3A_525 = vector.broadcast %mul3A_524 : f32 to vector<16xf32>
        %mul3A_526 = arith.mulf %mul3A_525, %mul3A_497 : vector<16xf32>
        %mul3A_527 = arith.mulf %mul3A_526, %mul3A_523 : vector<16xf32>
        %mul3A_528 = arith.mulf %mul3A_527, %mul3A_523 : vector<16xf32>
        %sub3A_529 = arith.constant 1.500000e+00 : f32
        %sub3A_530 = vector.broadcast %sub3A_529 : f32 to vector<16xf32>
        %sub3A_531 = arith.subf %sub3A_530, %mul3A_528 : vector<16xf32>
        %mul3A_532 = arith.mulf %mul3A_523, %sub3A_531 : vector<16xf32>
        %mul3A_533 = arith.mulf %gather3A_355, %mul3A_532 : vector<16xf32>
        %mul3A_534 = arith.mulf %mul3A_497, %mul3A_532 : vector<16xf32>
        %mul3A_535 = arith.mulf %mul3A_534, %gather3A_356 : vector<16xf32>
        %max3A_536 = arith.maximumf %mul3A_533, %mul3A_535 : vector<16xf32>
        %mul3A_537 = arith.mulf %gather3A_357, %max3A_536 : vector<16xf32>
        %add3A_538 = arith.constant 5.500000e-02 : f32
        %add3A_539 = vector.broadcast %add3A_538 : f32 to vector<16xf32>
        %add3A_540 = arith.addf %mul3A_537, %add3A_539 : vector<16xf32>
        %exp3A = math.exp %add3A_540 : vector<16xf32>
        %sub3A_541 = arith.subf %gather3A_353, %mul3A_476 : vector<16xf32>
        %sub3A_542 = arith.subf %gather3A_354, %mul3A_480 : vector<16xf32>
        %mul3A_543 = arith.mulf %sub3A_541, %sub3A_541 : vector<16xf32>
        %mul3A_544 = arith.mulf %sub3A_542, %sub3A_542 : vector<16xf32>
        %add3A_545 = arith.addf %mul3A_543, %mul3A_544 : vector<16xf32>
        %mul3A_546 = arith.mulf %add3A_545, %gather3A_358 : vector<16xf32>
        %broadcast_in_dim3A_547 = arith.constant 4.26837869E-6 : f32
        %broadcast_in_dim3A_548 = vector.broadcast %broadcast_in_dim3A_547 : f32 to vector<16xf32>
        %mul3A_549 = arith.mulf %broadcast_in_dim3A_548, %mul3A_546 : vector<16xf32>
        %add3A_550 = arith.constant -1.04598148E-4 : f32
        %add3A_551 = vector.broadcast %add3A_550 : f32 to vector<16xf32>
        %add3A_552 = arith.addf %mul3A_549, %add3A_551 : vector<16xf32>
        %mul3A_553 = arith.mulf %add3A_552, %mul3A_546 : vector<16xf32>
        %add3A_554 = arith.constant 0.00192954647 : f32
        %add3A_555 = vector.broadcast %add3A_554 : f32 to vector<16xf32>
        %add3A_556 = arith.addf %mul3A_553, %add3A_555 : vector<16xf32>
        %mul3A_557 = arith.mulf %add3A_556, %mul3A_546 : vector<16xf32>
        %add3A_558 = arith.constant -0.0258068796 : f32
        %add3A_559 = vector.broadcast %add3A_558 : f32 to vector<16xf32>
        %add3A_560 = arith.addf %mul3A_557, %add3A_559 : vector<16xf32>
        %mul3A_561 = arith.mulf %add3A_560, %mul3A_546 : vector<16xf32>
        %add3A_562 = arith.constant 0.235330626 : f32
        %add3A_563 = vector.broadcast %add3A_562 : f32 to vector<16xf32>
        %add3A_564 = arith.addf %mul3A_561, %add3A_563 : vector<16xf32>
        %mul3A_565 = arith.mulf %add3A_564, %mul3A_546 : vector<16xf32>
        %add3A_566 = arith.constant -1.33526278 : f32
        %add3A_567 = vector.broadcast %add3A_566 : f32 to vector<16xf32>
        %add3A_568 = arith.addf %mul3A_565, %add3A_567 : vector<16xf32>
        %mul3A_569 = arith.mulf %add3A_568, %mul3A_546 : vector<16xf32>
        %add3A_570 = arith.constant 4.05871201 : f32
        %add3A_571 = vector.broadcast %add3A_570 : f32 to vector<16xf32>
        %add3A_572 = arith.addf %mul3A_569, %add3A_571 : vector<16xf32>
        %mul3A_573 = arith.mulf %add3A_572, %mul3A_546 : vector<16xf32>
        %add3A_574 = arith.constant -4.93480206 : f32
        %add3A_575 = vector.broadcast %add3A_574 : f32 to vector<16xf32>
        %add3A_576 = arith.addf %mul3A_573, %add3A_575 : vector<16xf32>
        %mul3A_577 = arith.mulf %add3A_576, %mul3A_546 : vector<16xf32>
        %add3A_578 = arith.constant 1.000000e+00 : f32
        %add3A_579 = vector.broadcast %add3A_578 : f32 to vector<16xf32>
        %add3A_580 = arith.addf %mul3A_577, %add3A_579 : vector<16xf32>
        %mul3A_581 = arith.constant 2.100000e-01 : f32
        %mul3A_582 = vector.broadcast %mul3A_581 : f32 to vector<16xf32>
        %mul3A_583 = arith.mulf %mul3A_582, %add3A_580 : vector<16xf32>
        %add3A_584 = arith.constant 2.100000e-01 : f32
        %add3A_585 = vector.broadcast %add3A_584 : f32 to vector<16xf32>
        %add3A_586 = arith.addf %mul3A_583, %add3A_585 : vector<16xf32>
        %gt3A = arith.constant 1.000000e+00 : f32
        %gt3A_587 = vector.broadcast %gt3A : f32 to vector<16xf32>
        %gt3A_588 = arith.cmpf ogt, %mul3A_546, %gt3A_587 : vector<16xf32>
        %jit3A_589 = arith.constant 0.000000e+00 : f32
        %broadcast_in_dim3A_590 = vector.broadcast %jit3A_589 : f32 to vector<16xf32>
        %select_n3A_591 = arith.select %gt3A_588, %broadcast_in_dim3A_590, %add3A_586 : vector<16xi1>, vector<16xf32>
        %mul3A_592 = arith.mulf %get3A_472, %exp3A : vector<16xf32>
        %add3A_593 = arith.addf %mul3A_592, %select_n3A_591 : vector<16xf32>
        %mul3A_594 = arith.constant 16 : i32
        %mul3A_595 = arith.muli %scan3A_443, %mul3A_594 : i32
        %add3A_596 = vector.broadcast %mul3A_595 : i32 to vector<16xi32>
        %add3A_597 = arith.addi %iota3A, %add3A_596 : vector<16xi32>
        %gt3A_598 = arith.cmpf ogt, %add3A_593, %scan3A_444 : vector<16xf32>
        %select_n3A_599 = arith.select %gt3A_598, %add3A_593, %scan3A_444 : vector<16xi1>, vector<16xf32>
        %select_n3A_600 = arith.select %gt3A_598, %add3A_597, %scan3A_445 : vector<16xi1>, vector<16xi32>
        scf.yield %select_n3A_599, %select_n3A_600 : vector<16xf32>, vector<16xi32>
      }
      %scan3A_368 = arith.constant 125 : i32
      %reduce_max3A = arith.constant true
      %reduce_max3A_369 = vector.broadcast %reduce_max3A : i1 to vector<16xi1>
      %reduce_max3A_370 = tpu.scan <max>, %scan3A_367#0 masked %reduce_max3A_369 : vector<16xf32>, vector<16xi1> -> vector<16xf32>
      %reduce_max3A_371 = vector.extract %reduce_max3A_370[15] : f32 from vector<16xf32>
      %eq3A = vector.broadcast %reduce_max3A_371 : f32 to vector<16xf32>
      %eq3A_372 = arith.cmpf oeq, %scan3A_367#0, %eq3A : vector<16xf32>
      %jit3A = arith.constant 1073741824 : i32
      %broadcast_in_dim3A_373 = vector.broadcast %jit3A : i32 to vector<16xi32>
      %select_n3A = arith.select %eq3A_372, %scan3A_367#1, %broadcast_in_dim3A_373 : vector<16xi1>, vector<16xi32>
      %reduce_min3A = arith.constant true
      %reduce_min3A_374 = vector.broadcast %reduce_min3A : i1 to vector<16xi1>
      %reduce_min3A_375 = arith.constant -2147483648 : i32
      %reduce_min3A_376 = vector.broadcast %reduce_min3A_375 : i32 to vector<16xi32>
      %reduce_min3A_377 = arith.xori %select_n3A, %reduce_min3A_376 : vector<16xi32>
      %reduce_min3A_378 = tpu.scan <min>, %reduce_min3A_377 masked %reduce_min3A_374 : vector<16xi32>, vector<16xi1> -> vector<16xi32>
      %reduce_min3A_379 = arith.xori %reduce_min3A_378, %reduce_min3A_376 : vector<16xi32>
      %reduce_min3A_380 = vector.extract %reduce_min3A_379[15] : i32 from vector<16xi32>
      %min3A = arith.constant 1984 : i32
      %min3A_381 = arith.minsi %reduce_min3A_380, %min3A : i32
      %sub3A_382 = arith.subi %reduce_min3A_380, %min3A_381 : i32
      %get3A = arith.constant 0 : i32
      %get3A_383 = arith.index_cast %get3A : i32 to index
      %get3A_384 = arith.index_cast %scan3A_348 : i32 to index
      %get3A_385 = arith.index_cast %min3A_381 : i32 to index
      %get3A_386 = tpu.vector_load %arg8[%get3A_383, %get3A_384, %get3A_385] {strides = array<i32>} : memref<4x8x2000xf32, #tpu.memory_space<vmem>>, vector<16xf32>,
      %mul3A_387 = arith.constant 4 : i32
      %mul3A_388 = arith.muli %add3A_350, %mul3A_387 : i32
      %add3A_389 = arith.constant 0 : i32
      %add3A_390 = arith.addi %mul3A_388, %add3A_389 : i32
      %add3A_391 = vector.broadcast %add3A_390 : i32 to vector<16xi32>
      %add3A_392 = arith.addi %broadcast_in_dim3A_3, %add3A_391 : vector<16xi32>
      %eq3A_393 = vector.broadcast %sub3A_382 : i32 to vector<16xi32>
      %eq3A_394 = arith.cmpi eq, %iota3A, %eq3A_393 : vector<16xi32>
      tpu.vector_store_idx %arg16[%add3A_392], %get3A_386 masked %eq3A_394 : memref<192xf32, #tpu.memory_space<vmem>>[vector<16xi32>], vector<16xf32>, vector<16xi1>
      %get3A_395 = arith.constant 1 : i32
      %get3A_396 = arith.index_cast %get3A_395 : i32 to index
      %get3A_397 = arith.index_cast %scan3A_348 : i32 to index
      %get3A_398 = arith.index_cast %min3A_381 : i32 to index
      %get3A_399 = tpu.vector_load %arg8[%get3A_396, %get3A_397, %get3A_398] {strides = array<i32>} : memref<4x8x2000xf32, #tpu.memory_space<vmem>>, vector<16xf32>,
      %mul3A_400 = arith.constant 4 : i32
      %mul3A_401 = arith.muli %add3A_350, %mul3A_400 : i32
      %add3A_402 = arith.constant 1 : i32
      %add3A_403 = arith.addi %mul3A_401, %add3A_402 : i32
      %add3A_404 = vector.broadcast %add3A_403 : i32 to vector<16xi32>
      %add3A_405 = arith.addi %broadcast_in_dim3A_3, %add3A_404 : vector<16xi32>
      %eq3A_406 = vector.broadcast %sub3A_382 : i32 to vector<16xi32>
      %eq3A_407 = arith.cmpi eq, %iota3A, %eq3A_406 : vector<16xi32>
      tpu.vector_store_idx %arg16[%add3A_405], %get3A_399 masked %eq3A_407 : memref<192xf32, #tpu.memory_space<vmem>>[vector<16xi32>], vector<16xf32>, vector<16xi1>
      %get3A_408 = arith.constant 2 : i32
      %get3A_409 = arith.index_cast %get3A_408 : i32 to index
      %get3A_410 = arith.index_cast %scan3A_348 : i32 to index
      %get3A_411 = arith.index_cast %min3A_381 : i32 to index
      %get3A_412 = tpu.vector_load %arg8[%get3A_409, %get3A_410, %get3A_411] {strides = array<i32>} : memref<4x8x2000xf32, #tpu.memory_space<vmem>>, vector<16xf32>,
      %mul3A_413 = arith.constant 4 : i32
      %mul3A_414 = arith.muli %add3A_350, %mul3A_413 : i32
      %add3A_415 = arith.constant 2 : i32
      %add3A_416 = arith.addi %mul3A_414, %add3A_415 : i32
      %add3A_417 = vector.broadcast %add3A_416 : i32 to vector<16xi32>
      %add3A_418 = arith.addi %broadcast_in_dim3A_3, %add3A_417 : vector<16xi32>
      %eq3A_419 = vector.broadcast %sub3A_382 : i32 to vector<16xi32>
      %eq3A_420 = arith.cmpi eq, %iota3A, %eq3A_419 : vector<16xi32>
      tpu.vector_store_idx %arg16[%add3A_418], %get3A_412 masked %eq3A_420 : memref<192xf32, #tpu.memory_space<vmem>>[vector<16xi32>], vector<16xf32>, vector<16xi1>
      %get3A_421 = arith.constant 3 : i32
      %get3A_422 = arith.index_cast %get3A_421 : i32 to index
      %get3A_423 = arith.index_cast %scan3A_348 : i32 to index
      %get3A_424 = arith.index_cast %min3A_381 : i32 to index
      %get3A_425 = tpu.vector_load %arg8[%get3A_422, %get3A_423, %get3A_424] {strides = array<i32>} : memref<4x8x2000xf32, #tpu.memory_space<vmem>>, vector<16xf32>,
      %mul3A_426 = arith.constant 4 : i32
      %mul3A_427 = arith.muli %add3A_350, %mul3A_426 : i32
      %add3A_428 = arith.constant 3 : i32
      %add3A_429 = arith.addi %mul3A_427, %add3A_428 : i32
      %add3A_430 = vector.broadcast %add3A_429 : i32 to vector<16xi32>
      %add3A_431 = arith.addi %broadcast_in_dim3A_3, %add3A_430 : vector<16xi32>
      %eq3A_432 = vector.broadcast %sub3A_382 : i32 to vector<16xi32>
      %eq3A_433 = arith.cmpi eq, %iota3A, %eq3A_432 : vector<16xi32>
      tpu.vector_store_idx %arg16[%add3A_431], %get3A_425 masked %eq3A_433 : memref<192xf32, #tpu.memory_space<vmem>>[vector<16xi32>], vector<16xf32>, vector<16xi1>
      %get3A_434 = arith.constant 1 : i32
      %get3A_435 = arith.index_cast %scan3A_348 : i32 to index
      %get3A_436 = arith.index_cast %get3A_434 : i32 to index
      %get3A_437 = arith.index_cast %min3A_381 : i32 to index
      %get3A_438 = tpu.vector_load %arg9[%get3A_435, %get3A_436, %get3A_437] {strides = array<i32>} : memref<8x2x2000xf32, #tpu.memory_space<vmem>>, vector<16xf32>,
      %add3A_439 = vector.broadcast %add3A_350 : i32 to vector<16xi32>
      %add3A_440 = arith.addi %broadcast_in_dim3A_3, %add3A_439 : vector<16xi32>
      %eq3A_441 = vector.broadcast %sub3A_382 : i32 to vector<16xi32>
      %eq3A_442 = arith.cmpi eq, %iota3A, %eq3A_441 : vector<16xi32>
      tpu.vector_store_idx %arg17[%add3A_440], %get3A_438 masked %eq3A_442 : memref<48xf32, #tpu.memory_space<vmem>>[vector<16xi32>], vector<16xf32>, vector<16xi1>
    }
    %scan3A_305 = arith.constant 8 : i32
    %add3A_306 = arith.constant 8 : i32
    %add3A_307 = arith.addi %mul3A_2, %add3A_306 : i32
    "tpu.region"() ({
      %run_scoped3A = tpu.sem_alloc : memref<!tpu.dma_semaphore, #tpu.memory_space<semaphore_mem>>
      %dma_start3A = arith.constant 1 : i32
      %dma_start3A_348 = arith.constant 0 : i32
      %dma_start3A_349 = tpu.memref_slice %arg3[%dma_start3A, %add3A_307, %dma_start3A_348] : memref<5x5000x2000xf32, #tpu.memory_space<hbm>> -> memref<4x8x2000xf32, #tpu.memory_space<hbm>>
      %dma_start3A_350 = arith.constant 1 : i32
      %dma_start3A_351 = arith.constant 0 : i32
      %dma_start3A_352 = tpu.memref_slice %arg3[%dma_start3A_350, %add3A_307, %dma_start3A_351] : memref<5x5000x2000xf32, #tpu.memory_space<hbm>> -> memref<4x8x2000xf32, #tpu.memory_space<hbm>>
      tpu.enqueue_dma source(%dma_start3A_352 : memref<4x8x2000xf32, #tpu.memory_space<hbm>>) target(%arg8 : memref<4x8x2000xf32, #tpu.memory_space<vmem>>) target_semaphore(%run_scoped3A : memref<!tpu.dma_semaphore, #tpu.memory_space<semaphore_mem>>)
      %dma_wait3A = arith.constant 1 : i32
      %dma_wait3A_353 = arith.constant 0 : i32
      %dma_wait3A_354 = tpu.memref_slice %arg3[%dma_wait3A, %add3A_307, %dma_wait3A_353] : memref<5x5000x2000xf32, #tpu.memory_space<hbm>> -> memref<4x8x2000xf32, #tpu.memory_space<hbm>>
      %dma_wait3A_355 = arith.constant 1 : i32
      %dma_wait3A_356 = arith.constant 0 : i32
      %dma_wait3A_357 = tpu.memref_slice %arg3[%dma_wait3A_355, %add3A_307, %dma_wait3A_356] : memref<5x5000x2000xf32, #tpu.memory_space<hbm>> -> memref<4x8x2000xf32, #tpu.memory_space<hbm>>
      tpu.wait_dma2 semaphore(%run_scoped3A : memref<!tpu.dma_semaphore, #tpu.memory_space<semaphore_mem>>) src(%dma_wait3A_357 : memref<4x8x2000xf32, #tpu.memory_space<hbm>>) dst(%arg8 : memref<4x8x2000xf32, #tpu.memory_space<vmem>>)
      tpu.yield
    }) : () -> ()
    "tpu.region"() ({
      %run_scoped3A = tpu.sem_alloc : memref<!tpu.dma_semaphore, #tpu.memory_space<semaphore_mem>>
      %dma_start3A = arith.constant 0 : i32
      %dma_start3A_348 = arith.constant 0 : i32
      %dma_start3A_349 = tpu.memref_slice %arg4[%add3A_307, %dma_start3A, %dma_start3A_348] : memref<5000x2x2000xf32, #tpu.memory_space<hbm>> -> memref<8x2x2000xf32, #tpu.memory_space<hbm>>
      %dma_start3A_350 = arith.constant 0 : i32
      %dma_start3A_351 = arith.constant 0 : i32
      %dma_start3A_352 = tpu.memref_slice %arg4[%add3A_307, %dma_start3A_350, %dma_start3A_351] : memref<5000x2x2000xf32, #tpu.memory_space<hbm>> -> memref<8x2x2000xf32, #tpu.memory_space<hbm>>
      tpu.enqueue_dma source(%dma_start3A_352 : memref<8x2x2000xf32, #tpu.memory_space<hbm>>) target(%arg9 : memref<8x2x2000xf32, #tpu.memory_space<vmem>>) target_semaphore(%run_scoped3A : memref<!tpu.dma_semaphore, #tpu.memory_space<semaphore_mem>>)
      %dma_wait3A = arith.constant 0 : i32
      %dma_wait3A_353 = arith.constant 0 : i32
      %dma_wait3A_354 = tpu.memref_slice %arg4[%add3A_307, %dma_wait3A, %dma_wait3A_353] : memref<5000x2x2000xf32, #tpu.memory_space<hbm>> -> memref<8x2x2000xf32, #tpu.memory_space<hbm>>
      %dma_wait3A_355 = arith.constant 0 : i32
      %dma_wait3A_356 = arith.constant 0 : i32
      %dma_wait3A_357 = tpu.memref_slice %arg4[%add3A_307, %dma_wait3A_355, %dma_wait3A_356] : memref<5000x2x2000xf32, #tpu.memory_space<hbm>> -> memref<8x2x2000xf32, #tpu.memory_space<hbm>>
      tpu.wait_dma2 semaphore(%run_scoped3A : memref<!tpu.dma_semaphore, #tpu.memory_space<semaphore_mem>>) src(%dma_wait3A_357 : memref<8x2x2000xf32, #tpu.memory_space<hbm>>) dst(%arg9 : memref<8x2x2000xf32, #tpu.memory_space<vmem>>)
      tpu.yield
    }) : () -> ()
    %scan3A_308 = arith.constant 0 : i32
    %scan3A_309 = arith.constant 0 : i32
    %scan3A_310 = arith.constant 8 : i32
    %scan3A_311 = arith.addi %scan3A_309, %scan3A_310 : i32
    %scan3A_312 = arith.constant 1 : i32
    scf.for %scan3A_348 = %scan3A_309 to %scan3A_311 step %scan3A_312  : i32 {
      %add3A_349 = arith.constant 8 : i32
      %add3A_350 = arith.addi %scan3A_348, %add3A_349 : i32
      %add3A_351 = vector.broadcast %add3A_350 : i32 to vector<16xi32>
      %add3A_352 = arith.addi %broadcast_in_dim3A_3, %add3A_351 : vector<16xi32>
      %gather3A_353 = tpu.vector_load_idx %arg10[%add3A_352] : memref<48xf32, #tpu.memory_space<vmem>>[vector<16xi32>], vector<16xf32>,
      %gather3A_354 = tpu.vector_load_idx %arg11[%add3A_352] : memref<48xf32, #tpu.memory_space<vmem>>[vector<16xi32>], vector<16xf32>,
      %gather3A_355 = tpu.vector_load_idx %arg12[%add3A_352] : memref<48xf32, #tpu.memory_space<vmem>>[vector<16xi32>], vector<16xf32>,
      %gather3A_356 = tpu.vector_load_idx %arg13[%add3A_352] : memref<48xf32, #tpu.memory_space<vmem>>[vector<16xi32>], vector<16xf32>,
      %gather3A_357 = tpu.vector_load_idx %arg14[%add3A_352] : memref<48xf32, #tpu.memory_space<vmem>>[vector<16xi32>], vector<16xf32>,
      %gather3A_358 = tpu.vector_load_idx %arg15[%add3A_352] : memref<48xf32, #tpu.memory_space<vmem>>[vector<16xi32>], vector<16xf32>,
      %broadcast_in_dim3A_359 = arith.constant 0xFF800000 : f32
      %broadcast_in_dim3A_360 = vector.broadcast %broadcast_in_dim3A_359 : f32 to vector<16xf32>
      %broadcast_in_dim3A_361 = arith.constant 0 : i32
      %broadcast_in_dim3A_362 = vector.broadcast %broadcast_in_dim3A_361 : i32 to vector<16xi32>
      %scan3A_363 = arith.constant 0 : i32
      %scan3A_364 = arith.constant 125 : i32
      %scan3A_365 = arith.addi %scan3A_363, %scan3A_364 : i32
      %scan3A_366 = arith.constant 1 : i32
      %scan3A_367:2 = scf.for %scan3A_443 = %scan3A_363 to %scan3A_365 step %scan3A_366 iter_args(%scan3A_444 = %broadcast_in_dim3A_360, %scan3A_445 = %broadcast_in_dim3A_362) -> (vector<16xf32>, vector<16xi32>)  : i32 {
        %mul3A_446 = arith.constant 16 : i32
        %mul3A_447 = arith.muli %scan3A_443, %mul3A_446 : i32
        %get3A_448 = arith.constant 0 : i32
        %get3A_449 = arith.index_cast %get3A_448 : i32 to index
        %get3A_450 = arith.index_cast %scan3A_348 : i32 to index
        %get3A_451 = arith.index_cast %mul3A_447 : i32 to index
        %get3A_452 = tpu.vector_load %arg8[%get3A_449, %get3A_450, %get3A_451] {strides = array<i32>} : memref<4x8x2000xf32, #tpu.memory_space<vmem>>, vector<16xf32>,
        %get3A_453 = arith.constant 1 : i32
        %get3A_454 = arith.index_cast %get3A_453 : i32 to index
        %get3A_455 = arith.index_cast %scan3A_348 : i32 to index
        %get3A_456 = arith.index_cast %mul3A_447 : i32 to index
        %get3A_457 = tpu.vector_load %arg8[%get3A_454, %get3A_455, %get3A_456] {strides = array<i32>} : memref<4x8x2000xf32, #tpu.memory_space<vmem>>, vector<16xf32>,
        %get3A_458 = arith.constant 2 : i32
        %get3A_459 = arith.index_cast %get3A_458 : i32 to index
        %get3A_460 = arith.index_cast %scan3A_348 : i32 to index
        %get3A_461 = arith.index_cast %mul3A_447 : i32 to index
        %get3A_462 = tpu.vector_load %arg8[%get3A_459, %get3A_460, %get3A_461] {strides = array<i32>} : memref<4x8x2000xf32, #tpu.memory_space<vmem>>, vector<16xf32>,
        %get3A_463 = arith.constant 3 : i32
        %get3A_464 = arith.index_cast %get3A_463 : i32 to index
        %get3A_465 = arith.index_cast %scan3A_348 : i32 to index
        %get3A_466 = arith.index_cast %mul3A_447 : i32 to index
        %get3A_467 = tpu.vector_load %arg8[%get3A_464, %get3A_465, %get3A_466] {strides = array<i32>} : memref<4x8x2000xf32, #tpu.memory_space<vmem>>, vector<16xf32>,
        %get3A_468 = arith.constant 1 : i32
        %get3A_469 = arith.index_cast %scan3A_348 : i32 to index
        %get3A_470 = arith.index_cast %get3A_468 : i32 to index
        %get3A_471 = arith.index_cast %mul3A_447 : i32 to index
        %get3A_472 = tpu.vector_load %arg9[%get3A_469, %get3A_470, %get3A_471] {strides = array<i32>} : memref<8x2x2000xf32, #tpu.memory_space<vmem>>, vector<16xf32>,
        %add3A_473 = arith.addf %get3A_452, %get3A_462 : vector<16xf32>
        %mul3A_474 = arith.constant 5.000000e-01 : f32
        %mul3A_475 = vector.broadcast %mul3A_474 : f32 to vector<16xf32>
        %mul3A_476 = arith.mulf %add3A_473, %mul3A_475 : vector<16xf32>
        %add3A_477 = arith.addf %get3A_457, %get3A_467 : vector<16xf32>
        %mul3A_478 = arith.constant 5.000000e-01 : f32
        %mul3A_479 = vector.broadcast %mul3A_478 : f32 to vector<16xf32>
        %mul3A_480 = arith.mulf %add3A_477, %mul3A_479 : vector<16xf32>
        %sub3A_481 = arith.subf %get3A_452, %get3A_462 : vector<16xf32>
        %abs3A_482 = math.absf %sub3A_481 : vector<16xf32>
        %add3A_483 = arith.constant 9.99999974E-5 : f32
        %add3A_484 = vector.broadcast %add3A_483 : f32 to vector<16xf32>
        %add3A_485 = arith.addf %abs3A_482, %add3A_484 : vector<16xf32>
        %sub3A_486 = arith.subf %get3A_457, %get3A_467 : vector<16xf32>
        %abs3A_487 = math.absf %sub3A_486 : vector<16xf32>
        %add3A_488 = arith.constant 9.99999974E-5 : f32
        %add3A_489 = vector.broadcast %add3A_488 : f32 to vector<16xf32>
        %add3A_490 = arith.addf %abs3A_487, %add3A_489 : vector<16xf32>
        %add3A_491 = arith.addf %add3A_485, %add3A_490 : vector<16xf32>
        %mul3A_492 = arith.constant 5.000000e-01 : f32
        %mul3A_493 = vector.broadcast %mul3A_492 : f32 to vector<16xf32>
        %mul3A_494 = arith.mulf %add3A_491, %mul3A_493 : vector<16xf32>
        %add3A_495 = arith.addf %add3A_485, %mul3A_494 : vector<16xf32>
        %add3A_496 = arith.addf %add3A_490, %mul3A_494 : vector<16xf32>
        %mul3A_497 = arith.mulf %add3A_495, %add3A_496 : vector<16xf32>
        %bitcast_convert_type3A_498 = tpu.bitcast %mul3A_497 : vector<16xf32> -> vector<16xi32>
        %shift_right_arithmetic3A_499 = arith.constant 1 : i32
        %shift_right_arithmetic3A_500 = vector.broadcast %shift_right_arithmetic3A_499 : i32 to vector<16xi32>
        %shift_right_arithmetic3A_501 = arith.shrsi %bitcast_convert_type3A_498, %shift_right_arithmetic3A_500 : vector<16xi32>
        %sub3A_502 = arith.constant 1597463007 : i32
        %sub3A_503 = vector.broadcast %sub3A_502 : i32 to vector<16xi32>
        %sub3A_504 = arith.subi %sub3A_503, %shift_right_arithmetic3A_501 : vector<16xi32>
        %bitcast_convert_type3A_505 = tpu.bitcast %sub3A_504 : vector<16xi32> -> vector<16xf32>
        %mul3A_506 = arith.constant 5.000000e-01 : f32
        %mul3A_507 = vector.broadcast %mul3A_506 : f32 to vector<16xf32>
        %mul3A_508 = arith.mulf %mul3A_507, %mul3A_497 : vector<16xf32>
        %mul3A_509 = arith.mulf %mul3A_508, %bitcast_convert_type3A_505 : vector<16xf32>
        %mul3A_510 = arith.mulf %mul3A_509, %bitcast_convert_type3A_505 : vector<16xf32>
        %sub3A_511 = arith.constant 1.500000e+00 : f32
        %sub3A_512 = vector.broadcast %sub3A_511 : f32 to vector<16xf32>
        %sub3A_513 = arith.subf %sub3A_512, %mul3A_510 : vector<16xf32>
        %mul3A_514 = arith.mulf %bitcast_convert_type3A_505, %sub3A_513 : vector<16xf32>
        %mul3A_515 = arith.constant 5.000000e-01 : f32
        %mul3A_516 = vector.broadcast %mul3A_515 : f32 to vector<16xf32>
        %mul3A_517 = arith.mulf %mul3A_516, %mul3A_497 : vector<16xf32>
        %mul3A_518 = arith.mulf %mul3A_517, %mul3A_514 : vector<16xf32>
        %mul3A_519 = arith.mulf %mul3A_518, %mul3A_514 : vector<16xf32>
        %sub3A_520 = arith.constant 1.500000e+00 : f32
        %sub3A_521 = vector.broadcast %sub3A_520 : f32 to vector<16xf32>
        %sub3A_522 = arith.subf %sub3A_521, %mul3A_519 : vector<16xf32>
        %mul3A_523 = arith.mulf %mul3A_514, %sub3A_522 : vector<16xf32>
        %mul3A_524 = arith.constant 5.000000e-01 : f32
        %mul3A_525 = vector.broadcast %mul3A_524 : f32 to vector<16xf32>
        %mul3A_526 = arith.mulf %mul3A_525, %mul3A_497 : vector<16xf32>
        %mul3A_527 = arith.mulf %mul3A_526, %mul3A_523 : vector<16xf32>
        %mul3A_528 = arith.mulf %mul3A_527, %mul3A_523 : vector<16xf32>
        %sub3A_529 = arith.constant 1.500000e+00 : f32
        %sub3A_530 = vector.broadcast %sub3A_529 : f32 to vector<16xf32>
        %sub3A_531 = arith.subf %sub3A_530, %mul3A_528 : vector<16xf32>
        %mul3A_532 = arith.mulf %mul3A_523, %sub3A_531 : vector<16xf32>
        %mul3A_533 = arith.mulf %gather3A_355, %mul3A_532 : vector<16xf32>
        %mul3A_534 = arith.mulf %mul3A_497, %mul3A_532 : vector<16xf32>
        %mul3A_535 = arith.mulf %mul3A_534, %gather3A_356 : vector<16xf32>
        %max3A_536 = arith.maximumf %mul3A_533, %mul3A_535 : vector<16xf32>
        %mul3A_537 = arith.mulf %gather3A_357, %max3A_536 : vector<16xf32>
        %add3A_538 = arith.constant 5.500000e-02 : f32
        %add3A_539 = vector.broadcast %add3A_538 : f32 to vector<16xf32>
        %add3A_540 = arith.addf %mul3A_537, %add3A_539 : vector<16xf32>
        %exp3A = math.exp %add3A_540 : vector<16xf32>
        %sub3A_541 = arith.subf %gather3A_353, %mul3A_476 : vector<16xf32>
        %sub3A_542 = arith.subf %gather3A_354, %mul3A_480 : vector<16xf32>
        %mul3A_543 = arith.mulf %sub3A_541, %sub3A_541 : vector<16xf32>
        %mul3A_544 = arith.mulf %sub3A_542, %sub3A_542 : vector<16xf32>
        %add3A_545 = arith.addf %mul3A_543, %mul3A_544 : vector<16xf32>
        %mul3A_546 = arith.mulf %add3A_545, %gather3A_358 : vector<16xf32>
        %broadcast_in_dim3A_547 = arith.constant 4.26837869E-6 : f32
        %broadcast_in_dim3A_548 = vector.broadcast %broadcast_in_dim3A_547 : f32 to vector<16xf32>
        %mul3A_549 = arith.mulf %broadcast_in_dim3A_548, %mul3A_546 : vector<16xf32>
        %add3A_550 = arith.constant -1.04598148E-4 : f32
        %add3A_551 = vector.broadcast %add3A_550 : f32 to vector<16xf32>
        %add3A_552 = arith.addf %mul3A_549, %add3A_551 : vector<16xf32>
        %mul3A_553 = arith.mulf %add3A_552, %mul3A_546 : vector<16xf32>
        %add3A_554 = arith.constant 0.00192954647 : f32
        %add3A_555 = vector.broadcast %add3A_554 : f32 to vector<16xf32>
        %add3A_556 = arith.addf %mul3A_553, %add3A_555 : vector<16xf32>
        %mul3A_557 = arith.mulf %add3A_556, %mul3A_546 : vector<16xf32>
        %add3A_558 = arith.constant -0.0258068796 : f32
        %add3A_559 = vector.broadcast %add3A_558 : f32 to vector<16xf32>
        %add3A_560 = arith.addf %mul3A_557, %add3A_559 : vector<16xf32>
        %mul3A_561 = arith.mulf %add3A_560, %mul3A_546 : vector<16xf32>
        %add3A_562 = arith.constant 0.235330626 : f32
        %add3A_563 = vector.broadcast %add3A_562 : f32 to vector<16xf32>
        %add3A_564 = arith.addf %mul3A_561, %add3A_563 : vector<16xf32>
        %mul3A_565 = arith.mulf %add3A_564, %mul3A_546 : vector<16xf32>
        %add3A_566 = arith.constant -1.33526278 : f32
        %add3A_567 = vector.broadcast %add3A_566 : f32 to vector<16xf32>
        %add3A_568 = arith.addf %mul3A_565, %add3A_567 : vector<16xf32>
        %mul3A_569 = arith.mulf %add3A_568, %mul3A_546 : vector<16xf32>
        %add3A_570 = arith.constant 4.05871201 : f32
        %add3A_571 = vector.broadcast %add3A_570 : f32 to vector<16xf32>
        %add3A_572 = arith.addf %mul3A_569, %add3A_571 : vector<16xf32>
        %mul3A_573 = arith.mulf %add3A_572, %mul3A_546 : vector<16xf32>
        %add3A_574 = arith.constant -4.93480206 : f32
        %add3A_575 = vector.broadcast %add3A_574 : f32 to vector<16xf32>
        %add3A_576 = arith.addf %mul3A_573, %add3A_575 : vector<16xf32>
        %mul3A_577 = arith.mulf %add3A_576, %mul3A_546 : vector<16xf32>
        %add3A_578 = arith.constant 1.000000e+00 : f32
        %add3A_579 = vector.broadcast %add3A_578 : f32 to vector<16xf32>
        %add3A_580 = arith.addf %mul3A_577, %add3A_579 : vector<16xf32>
        %mul3A_581 = arith.constant 2.100000e-01 : f32
        %mul3A_582 = vector.broadcast %mul3A_581 : f32 to vector<16xf32>
        %mul3A_583 = arith.mulf %mul3A_582, %add3A_580 : vector<16xf32>
        %add3A_584 = arith.constant 2.100000e-01 : f32
        %add3A_585 = vector.broadcast %add3A_584 : f32 to vector<16xf32>
        %add3A_586 = arith.addf %mul3A_583, %add3A_585 : vector<16xf32>
        %gt3A = arith.constant 1.000000e+00 : f32
        %gt3A_587 = vector.broadcast %gt3A : f32 to vector<16xf32>
        %gt3A_588 = arith.cmpf ogt, %mul3A_546, %gt3A_587 : vector<16xf32>
        %jit3A_589 = arith.constant 0.000000e+00 : f32
        %broadcast_in_dim3A_590 = vector.broadcast %jit3A_589 : f32 to vector<16xf32>
        %select_n3A_591 = arith.select %gt3A_588, %broadcast_in_dim3A_590, %add3A_586 : vector<16xi1>, vector<16xf32>
        %mul3A_592 = arith.mulf %get3A_472, %exp3A : vector<16xf32>
        %add3A_593 = arith.addf %mul3A_592, %select_n3A_591 : vector<16xf32>
        %mul3A_594 = arith.constant 16 : i32
        %mul3A_595 = arith.muli %scan3A_443, %mul3A_594 : i32
        %add3A_596 = vector.broadcast %mul3A_595 : i32 to vector<16xi32>
        %add3A_597 = arith.addi %iota3A, %add3A_596 : vector<16xi32>
        %gt3A_598 = arith.cmpf ogt, %add3A_593, %scan3A_444 : vector<16xf32>
        %select_n3A_599 = arith.select %gt3A_598, %add3A_593, %scan3A_444 : vector<16xi1>, vector<16xf32>
        %select_n3A_600 = arith.select %gt3A_598, %add3A_597, %scan3A_445 : vector<16xi1>, vector<16xi32>
        scf.yield %select_n3A_599, %select_n3A_600 : vector<16xf32>, vector<16xi32>
      }
      %scan3A_368 = arith.constant 125 : i32
      %reduce_max3A = arith.constant true
      %reduce_max3A_369 = vector.broadcast %reduce_max3A : i1 to vector<16xi1>
      %reduce_max3A_370 = tpu.scan <max>, %scan3A_367#0 masked %reduce_max3A_369 : vector<16xf32>, vector<16xi1> -> vector<16xf32>
      %reduce_max3A_371 = vector.extract %reduce_max3A_370[15] : f32 from vector<16xf32>
      %eq3A = vector.broadcast %reduce_max3A_371 : f32 to vector<16xf32>
      %eq3A_372 = arith.cmpf oeq, %scan3A_367#0, %eq3A : vector<16xf32>
      %jit3A = arith.constant 1073741824 : i32
      %broadcast_in_dim3A_373 = vector.broadcast %jit3A : i32 to vector<16xi32>
      %select_n3A = arith.select %eq3A_372, %scan3A_367#1, %broadcast_in_dim3A_373 : vector<16xi1>, vector<16xi32>
      %reduce_min3A = arith.constant true
      %reduce_min3A_374 = vector.broadcast %reduce_min3A : i1 to vector<16xi1>
      %reduce_min3A_375 = arith.constant -2147483648 : i32
      %reduce_min3A_376 = vector.broadcast %reduce_min3A_375 : i32 to vector<16xi32>
      %reduce_min3A_377 = arith.xori %select_n3A, %reduce_min3A_376 : vector<16xi32>
      %reduce_min3A_378 = tpu.scan <min>, %reduce_min3A_377 masked %reduce_min3A_374 : vector<16xi32>, vector<16xi1> -> vector<16xi32>
      %reduce_min3A_379 = arith.xori %reduce_min3A_378, %reduce_min3A_376 : vector<16xi32>
      %reduce_min3A_380 = vector.extract %reduce_min3A_379[15] : i32 from vector<16xi32>
      %min3A = arith.constant 1984 : i32
      %min3A_381 = arith.minsi %reduce_min3A_380, %min3A : i32
      %sub3A_382 = arith.subi %reduce_min3A_380, %min3A_381 : i32
      %get3A = arith.constant 0 : i32
      %get3A_383 = arith.index_cast %get3A : i32 to index
      %get3A_384 = arith.index_cast %scan3A_348 : i32 to index
      %get3A_385 = arith.index_cast %min3A_381 : i32 to index
      %get3A_386 = tpu.vector_load %arg8[%get3A_383, %get3A_384, %get3A_385] {strides = array<i32>} : memref<4x8x2000xf32, #tpu.memory_space<vmem>>, vector<16xf32>,
      %mul3A_387 = arith.constant 4 : i32
      %mul3A_388 = arith.muli %add3A_350, %mul3A_387 : i32
      %add3A_389 = arith.constant 0 : i32
      %add3A_390 = arith.addi %mul3A_388, %add3A_389 : i32
      %add3A_391 = vector.broadcast %add3A_390 : i32 to vector<16xi32>
      %add3A_392 = arith.addi %broadcast_in_dim3A_3, %add3A_391 : vector<16xi32>
      %eq3A_393 = vector.broadcast %sub3A_382 : i32 to vector<16xi32>
      %eq3A_394 = arith.cmpi eq, %iota3A, %eq3A_393 : vector<16xi32>
      tpu.vector_store_idx %arg16[%add3A_392], %get3A_386 masked %eq3A_394 : memref<192xf32, #tpu.memory_space<vmem>>[vector<16xi32>], vector<16xf32>, vector<16xi1>
      %get3A_395 = arith.constant 1 : i32
      %get3A_396 = arith.index_cast %get3A_395 : i32 to index
      %get3A_397 = arith.index_cast %scan3A_348 : i32 to index
      %get3A_398 = arith.index_cast %min3A_381 : i32 to index
      %get3A_399 = tpu.vector_load %arg8[%get3A_396, %get3A_397, %get3A_398] {strides = array<i32>} : memref<4x8x2000xf32, #tpu.memory_space<vmem>>, vector<16xf32>,
      %mul3A_400 = arith.constant 4 : i32
      %mul3A_401 = arith.muli %add3A_350, %mul3A_400 : i32
      %add3A_402 = arith.constant 1 : i32
      %add3A_403 = arith.addi %mul3A_401, %add3A_402 : i32
      %add3A_404 = vector.broadcast %add3A_403 : i32 to vector<16xi32>
      %add3A_405 = arith.addi %broadcast_in_dim3A_3, %add3A_404 : vector<16xi32>
      %eq3A_406 = vector.broadcast %sub3A_382 : i32 to vector<16xi32>
      %eq3A_407 = arith.cmpi eq, %iota3A, %eq3A_406 : vector<16xi32>
      tpu.vector_store_idx %arg16[%add3A_405], %get3A_399 masked %eq3A_407 : memref<192xf32, #tpu.memory_space<vmem>>[vector<16xi32>], vector<16xf32>, vector<16xi1>
      %get3A_408 = arith.constant 2 : i32
      %get3A_409 = arith.index_cast %get3A_408 : i32 to index
      %get3A_410 = arith.index_cast %scan3A_348 : i32 to index
      %get3A_411 = arith.index_cast %min3A_381 : i32 to index
      %get3A_412 = tpu.vector_load %arg8[%get3A_409, %get3A_410, %get3A_411] {strides = array<i32>} : memref<4x8x2000xf32, #tpu.memory_space<vmem>>, vector<16xf32>,
      %mul3A_413 = arith.constant 4 : i32
      %mul3A_414 = arith.muli %add3A_350, %mul3A_413 : i32
      %add3A_415 = arith.constant 2 : i32
      %add3A_416 = arith.addi %mul3A_414, %add3A_415 : i32
      %add3A_417 = vector.broadcast %add3A_416 : i32 to vector<16xi32>
      %add3A_418 = arith.addi %broadcast_in_dim3A_3, %add3A_417 : vector<16xi32>
      %eq3A_419 = vector.broadcast %sub3A_382 : i32 to vector<16xi32>
      %eq3A_420 = arith.cmpi eq, %iota3A, %eq3A_419 : vector<16xi32>
      tpu.vector_store_idx %arg16[%add3A_418], %get3A_412 masked %eq3A_420 : memref<192xf32, #tpu.memory_space<vmem>>[vector<16xi32>], vector<16xf32>, vector<16xi1>
      %get3A_421 = arith.constant 3 : i32
      %get3A_422 = arith.index_cast %get3A_421 : i32 to index
      %get3A_423 = arith.index_cast %scan3A_348 : i32 to index
      %get3A_424 = arith.index_cast %min3A_381 : i32 to index
      %get3A_425 = tpu.vector_load %arg8[%get3A_422, %get3A_423, %get3A_424] {strides = array<i32>} : memref<4x8x2000xf32, #tpu.memory_space<vmem>>, vector<16xf32>,
      %mul3A_426 = arith.constant 4 : i32
      %mul3A_427 = arith.muli %add3A_350, %mul3A_426 : i32
      %add3A_428 = arith.constant 3 : i32
      %add3A_429 = arith.addi %mul3A_427, %add3A_428 : i32
      %add3A_430 = vector.broadcast %add3A_429 : i32 to vector<16xi32>
      %add3A_431 = arith.addi %broadcast_in_dim3A_3, %add3A_430 : vector<16xi32>
      %eq3A_432 = vector.broadcast %sub3A_382 : i32 to vector<16xi32>
      %eq3A_433 = arith.cmpi eq, %iota3A, %eq3A_432 : vector<16xi32>
      tpu.vector_store_idx %arg16[%add3A_431], %get3A_425 masked %eq3A_433 : memref<192xf32, #tpu.memory_space<vmem>>[vector<16xi32>], vector<16xf32>, vector<16xi1>
      %get3A_434 = arith.constant 1 : i32
      %get3A_435 = arith.index_cast %scan3A_348 : i32 to index
      %get3A_436 = arith.index_cast %get3A_434 : i32 to index
      %get3A_437 = arith.index_cast %min3A_381 : i32 to index
      %get3A_438 = tpu.vector_load %arg9[%get3A_435, %get3A_436, %get3A_437] {strides = array<i32>} : memref<8x2x2000xf32, #tpu.memory_space<vmem>>, vector<16xf32>,
      %add3A_439 = vector.broadcast %add3A_350 : i32 to vector<16xi32>
      %add3A_440 = arith.addi %broadcast_in_dim3A_3, %add3A_439 : vector<16xi32>
      %eq3A_441 = vector.broadcast %sub3A_382 : i32 to vector<16xi32>
      %eq3A_442 = arith.cmpi eq, %iota3A, %eq3A_441 : vector<16xi32>
      tpu.vector_store_idx %arg17[%add3A_440], %get3A_438 masked %eq3A_442 : memref<48xf32, #tpu.memory_space<vmem>>[vector<16xi32>], vector<16xf32>, vector<16xi1>
    }
    %scan3A_313 = arith.constant 8 : i32
    %add3A_314 = arith.constant 16 : i32
    %add3A_315 = arith.addi %mul3A_2, %add3A_314 : i32
    "tpu.region"() ({
      %run_scoped3A = tpu.sem_alloc : memref<!tpu.dma_semaphore, #tpu.memory_space<semaphore_mem>>
      %dma_start3A = arith.constant 1 : i32
      %dma_start3A_348 = arith.constant 0 : i32
      %dma_start3A_349 = tpu.memref_slice %arg3[%dma_start3A, %add3A_315, %dma_start3A_348] : memref<5x5000x2000xf32, #tpu.memory_space<hbm>> -> memref<4x8x2000xf32, #tpu.memory_space<hbm>>
      %dma_start3A_350 = arith.constant 1 : i32
      %dma_start3A_351 = arith.constant 0 : i32
      %dma_start3A_352 = tpu.memref_slice %arg3[%dma_start3A_350, %add3A_315, %dma_start3A_351] : memref<5x5000x2000xf32, #tpu.memory_space<hbm>> -> memref<4x8x2000xf32, #tpu.memory_space<hbm>>
      tpu.enqueue_dma source(%dma_start3A_352 : memref<4x8x2000xf32, #tpu.memory_space<hbm>>) target(%arg8 : memref<4x8x2000xf32, #tpu.memory_space<vmem>>) target_semaphore(%run_scoped3A : memref<!tpu.dma_semaphore, #tpu.memory_space<semaphore_mem>>)
      %dma_wait3A = arith.constant 1 : i32
      %dma_wait3A_353 = arith.constant 0 : i32
      %dma_wait3A_354 = tpu.memref_slice %arg3[%dma_wait3A, %add3A_315, %dma_wait3A_353] : memref<5x5000x2000xf32, #tpu.memory_space<hbm>> -> memref<4x8x2000xf32, #tpu.memory_space<hbm>>
      %dma_wait3A_355 = arith.constant 1 : i32
      %dma_wait3A_356 = arith.constant 0 : i32
      %dma_wait3A_357 = tpu.memref_slice %arg3[%dma_wait3A_355, %add3A_315, %dma_wait3A_356] : memref<5x5000x2000xf32, #tpu.memory_space<hbm>> -> memref<4x8x2000xf32, #tpu.memory_space<hbm>>
      tpu.wait_dma2 semaphore(%run_scoped3A : memref<!tpu.dma_semaphore, #tpu.memory_space<semaphore_mem>>) src(%dma_wait3A_357 : memref<4x8x2000xf32, #tpu.memory_space<hbm>>) dst(%arg8 : memref<4x8x2000xf32, #tpu.memory_space<vmem>>)
      tpu.yield
    }) : () -> ()
    "tpu.region"() ({
      %run_scoped3A = tpu.sem_alloc : memref<!tpu.dma_semaphore, #tpu.memory_space<semaphore_mem>>
      %dma_start3A = arith.constant 0 : i32
      %dma_start3A_348 = arith.constant 0 : i32
      %dma_start3A_349 = tpu.memref_slice %arg4[%add3A_315, %dma_start3A, %dma_start3A_348] : memref<5000x2x2000xf32, #tpu.memory_space<hbm>> -> memref<8x2x2000xf32, #tpu.memory_space<hbm>>
      %dma_start3A_350 = arith.constant 0 : i32
      %dma_start3A_351 = arith.constant 0 : i32
      %dma_start3A_352 = tpu.memref_slice %arg4[%add3A_315, %dma_start3A_350, %dma_start3A_351] : memref<5000x2x2000xf32, #tpu.memory_space<hbm>> -> memref<8x2x2000xf32, #tpu.memory_space<hbm>>
      tpu.enqueue_dma source(%dma_start3A_352 : memref<8x2x2000xf32, #tpu.memory_space<hbm>>) target(%arg9 : memref<8x2x2000xf32, #tpu.memory_space<vmem>>) target_semaphore(%run_scoped3A : memref<!tpu.dma_semaphore, #tpu.memory_space<semaphore_mem>>)
      %dma_wait3A = arith.constant 0 : i32
      %dma_wait3A_353 = arith.constant 0 : i32
      %dma_wait3A_354 = tpu.memref_slice %arg4[%add3A_315, %dma_wait3A, %dma_wait3A_353] : memref<5000x2x2000xf32, #tpu.memory_space<hbm>> -> memref<8x2x2000xf32, #tpu.memory_space<hbm>>
      %dma_wait3A_355 = arith.constant 0 : i32
      %dma_wait3A_356 = arith.constant 0 : i32
      %dma_wait3A_357 = tpu.memref_slice %arg4[%add3A_315, %dma_wait3A_355, %dma_wait3A_356] : memref<5000x2x2000xf32, #tpu.memory_space<hbm>> -> memref<8x2x2000xf32, #tpu.memory_space<hbm>>
      tpu.wait_dma2 semaphore(%run_scoped3A : memref<!tpu.dma_semaphore, #tpu.memory_space<semaphore_mem>>) src(%dma_wait3A_357 : memref<8x2x2000xf32, #tpu.memory_space<hbm>>) dst(%arg9 : memref<8x2x2000xf32, #tpu.memory_space<vmem>>)
      tpu.yield
    }) : () -> ()
    %scan3A_316 = arith.constant 0 : i32
    %scan3A_317 = arith.constant 0 : i32
    %scan3A_318 = arith.constant 8 : i32
    %scan3A_319 = arith.addi %scan3A_317, %scan3A_318 : i32
    %scan3A_320 = arith.constant 1 : i32
    scf.for %scan3A_348 = %scan3A_317 to %scan3A_319 step %scan3A_320  : i32 {
      %add3A_349 = arith.constant 16 : i32
      %add3A_350 = arith.addi %scan3A_348, %add3A_349 : i32
      %add3A_351 = vector.broadcast %add3A_350 : i32 to vector<16xi32>
      %add3A_352 = arith.addi %broadcast_in_dim3A_3, %add3A_351 : vector<16xi32>
      %gather3A_353 = tpu.vector_load_idx %arg10[%add3A_352] : memref<48xf32, #tpu.memory_space<vmem>>[vector<16xi32>], vector<16xf32>,
      %gather3A_354 = tpu.vector_load_idx %arg11[%add3A_352] : memref<48xf32, #tpu.memory_space<vmem>>[vector<16xi32>], vector<16xf32>,
      %gather3A_355 = tpu.vector_load_idx %arg12[%add3A_352] : memref<48xf32, #tpu.memory_space<vmem>>[vector<16xi32>], vector<16xf32>,
      %gather3A_356 = tpu.vector_load_idx %arg13[%add3A_352] : memref<48xf32, #tpu.memory_space<vmem>>[vector<16xi32>], vector<16xf32>,
      %gather3A_357 = tpu.vector_load_idx %arg14[%add3A_352] : memref<48xf32, #tpu.memory_space<vmem>>[vector<16xi32>], vector<16xf32>,
      %gather3A_358 = tpu.vector_load_idx %arg15[%add3A_352] : memref<48xf32, #tpu.memory_space<vmem>>[vector<16xi32>], vector<16xf32>,
      %broadcast_in_dim3A_359 = arith.constant 0xFF800000 : f32
      %broadcast_in_dim3A_360 = vector.broadcast %broadcast_in_dim3A_359 : f32 to vector<16xf32>
      %broadcast_in_dim3A_361 = arith.constant 0 : i32
      %broadcast_in_dim3A_362 = vector.broadcast %broadcast_in_dim3A_361 : i32 to vector<16xi32>
      %scan3A_363 = arith.constant 0 : i32
      %scan3A_364 = arith.constant 125 : i32
      %scan3A_365 = arith.addi %scan3A_363, %scan3A_364 : i32
      %scan3A_366 = arith.constant 1 : i32
      %scan3A_367:2 = scf.for %scan3A_443 = %scan3A_363 to %scan3A_365 step %scan3A_366 iter_args(%scan3A_444 = %broadcast_in_dim3A_360, %scan3A_445 = %broadcast_in_dim3A_362) -> (vector<16xf32>, vector<16xi32>)  : i32 {
        %mul3A_446 = arith.constant 16 : i32
        %mul3A_447 = arith.muli %scan3A_443, %mul3A_446 : i32
        %get3A_448 = arith.constant 0 : i32
        %get3A_449 = arith.index_cast %get3A_448 : i32 to index
        %get3A_450 = arith.index_cast %scan3A_348 : i32 to index
        %get3A_451 = arith.index_cast %mul3A_447 : i32 to index
        %get3A_452 = tpu.vector_load %arg8[%get3A_449, %get3A_450, %get3A_451] {strides = array<i32>} : memref<4x8x2000xf32, #tpu.memory_space<vmem>>, vector<16xf32>,
        %get3A_453 = arith.constant 1 : i32
        %get3A_454 = arith.index_cast %get3A_453 : i32 to index
        %get3A_455 = arith.index_cast %scan3A_348 : i32 to index
        %get3A_456 = arith.index_cast %mul3A_447 : i32 to index
        %get3A_457 = tpu.vector_load %arg8[%get3A_454, %get3A_455, %get3A_456] {strides = array<i32>} : memref<4x8x2000xf32, #tpu.memory_space<vmem>>, vector<16xf32>,
        %get3A_458 = arith.constant 2 : i32
        %get3A_459 = arith.index_cast %get3A_458 : i32 to index
        %get3A_460 = arith.index_cast %scan3A_348 : i32 to index
        %get3A_461 = arith.index_cast %mul3A_447 : i32 to index
        %get3A_462 = tpu.vector_load %arg8[%get3A_459, %get3A_460, %get3A_461] {strides = array<i32>} : memref<4x8x2000xf32, #tpu.memory_space<vmem>>, vector<16xf32>,
        %get3A_463 = arith.constant 3 : i32
        %get3A_464 = arith.index_cast %get3A_463 : i32 to index
        %get3A_465 = arith.index_cast %scan3A_348 : i32 to index
        %get3A_466 = arith.index_cast %mul3A_447 : i32 to index
        %get3A_467 = tpu.vector_load %arg8[%get3A_464, %get3A_465, %get3A_466] {strides = array<i32>} : memref<4x8x2000xf32, #tpu.memory_space<vmem>>, vector<16xf32>,
        %get3A_468 = arith.constant 1 : i32
        %get3A_469 = arith.index_cast %scan3A_348 : i32 to index
        %get3A_470 = arith.index_cast %get3A_468 : i32 to index
        %get3A_471 = arith.index_cast %mul3A_447 : i32 to index
        %get3A_472 = tpu.vector_load %arg9[%get3A_469, %get3A_470, %get3A_471] {strides = array<i32>} : memref<8x2x2000xf32, #tpu.memory_space<vmem>>, vector<16xf32>,
        %add3A_473 = arith.addf %get3A_452, %get3A_462 : vector<16xf32>
        %mul3A_474 = arith.constant 5.000000e-01 : f32
        %mul3A_475 = vector.broadcast %mul3A_474 : f32 to vector<16xf32>
        %mul3A_476 = arith.mulf %add3A_473, %mul3A_475 : vector<16xf32>
        %add3A_477 = arith.addf %get3A_457, %get3A_467 : vector<16xf32>
        %mul3A_478 = arith.constant 5.000000e-01 : f32
        %mul3A_479 = vector.broadcast %mul3A_478 : f32 to vector<16xf32>
        %mul3A_480 = arith.mulf %add3A_477, %mul3A_479 : vector<16xf32>
        %sub3A_481 = arith.subf %get3A_452, %get3A_462 : vector<16xf32>
        %abs3A_482 = math.absf %sub3A_481 : vector<16xf32>
        %add3A_483 = arith.constant 9.99999974E-5 : f32
        %add3A_484 = vector.broadcast %add3A_483 : f32 to vector<16xf32>
        %add3A_485 = arith.addf %abs3A_482, %add3A_484 : vector<16xf32>
        %sub3A_486 = arith.subf %get3A_457, %get3A_467 : vector<16xf32>
        %abs3A_487 = math.absf %sub3A_486 : vector<16xf32>
        %add3A_488 = arith.constant 9.99999974E-5 : f32
        %add3A_489 = vector.broadcast %add3A_488 : f32 to vector<16xf32>
        %add3A_490 = arith.addf %abs3A_487, %add3A_489 : vector<16xf32>
        %add3A_491 = arith.addf %add3A_485, %add3A_490 : vector<16xf32>
        %mul3A_492 = arith.constant 5.000000e-01 : f32
        %mul3A_493 = vector.broadcast %mul3A_492 : f32 to vector<16xf32>
        %mul3A_494 = arith.mulf %add3A_491, %mul3A_493 : vector<16xf32>
        %add3A_495 = arith.addf %add3A_485, %mul3A_494 : vector<16xf32>
        %add3A_496 = arith.addf %add3A_490, %mul3A_494 : vector<16xf32>
        %mul3A_497 = arith.mulf %add3A_495, %add3A_496 : vector<16xf32>
        %bitcast_convert_type3A_498 = tpu.bitcast %mul3A_497 : vector<16xf32> -> vector<16xi32>
        %shift_right_arithmetic3A_499 = arith.constant 1 : i32
        %shift_right_arithmetic3A_500 = vector.broadcast %shift_right_arithmetic3A_499 : i32 to vector<16xi32>
        %shift_right_arithmetic3A_501 = arith.shrsi %bitcast_convert_type3A_498, %shift_right_arithmetic3A_500 : vector<16xi32>
        %sub3A_502 = arith.constant 1597463007 : i32
        %sub3A_503 = vector.broadcast %sub3A_502 : i32 to vector<16xi32>
        %sub3A_504 = arith.subi %sub3A_503, %shift_right_arithmetic3A_501 : vector<16xi32>
        %bitcast_convert_type3A_505 = tpu.bitcast %sub3A_504 : vector<16xi32> -> vector<16xf32>
        %mul3A_506 = arith.constant 5.000000e-01 : f32
        %mul3A_507 = vector.broadcast %mul3A_506 : f32 to vector<16xf32>
        %mul3A_508 = arith.mulf %mul3A_507, %mul3A_497 : vector<16xf32>
        %mul3A_509 = arith.mulf %mul3A_508, %bitcast_convert_type3A_505 : vector<16xf32>
        %mul3A_510 = arith.mulf %mul3A_509, %bitcast_convert_type3A_505 : vector<16xf32>
        %sub3A_511 = arith.constant 1.500000e+00 : f32
        %sub3A_512 = vector.broadcast %sub3A_511 : f32 to vector<16xf32>
        %sub3A_513 = arith.subf %sub3A_512, %mul3A_510 : vector<16xf32>
        %mul3A_514 = arith.mulf %bitcast_convert_type3A_505, %sub3A_513 : vector<16xf32>
        %mul3A_515 = arith.constant 5.000000e-01 : f32
        %mul3A_516 = vector.broadcast %mul3A_515 : f32 to vector<16xf32>
        %mul3A_517 = arith.mulf %mul3A_516, %mul3A_497 : vector<16xf32>
        %mul3A_518 = arith.mulf %mul3A_517, %mul3A_514 : vector<16xf32>
        %mul3A_519 = arith.mulf %mul3A_518, %mul3A_514 : vector<16xf32>
        %sub3A_520 = arith.constant 1.500000e+00 : f32
        %sub3A_521 = vector.broadcast %sub3A_520 : f32 to vector<16xf32>
        %sub3A_522 = arith.subf %sub3A_521, %mul3A_519 : vector<16xf32>
        %mul3A_523 = arith.mulf %mul3A_514, %sub3A_522 : vector<16xf32>
        %mul3A_524 = arith.constant 5.000000e-01 : f32
        %mul3A_525 = vector.broadcast %mul3A_524 : f32 to vector<16xf32>
        %mul3A_526 = arith.mulf %mul3A_525, %mul3A_497 : vector<16xf32>
        %mul3A_527 = arith.mulf %mul3A_526, %mul3A_523 : vector<16xf32>
        %mul3A_528 = arith.mulf %mul3A_527, %mul3A_523 : vector<16xf32>
        %sub3A_529 = arith.constant 1.500000e+00 : f32
        %sub3A_530 = vector.broadcast %sub3A_529 : f32 to vector<16xf32>
        %sub3A_531 = arith.subf %sub3A_530, %mul3A_528 : vector<16xf32>
        %mul3A_532 = arith.mulf %mul3A_523, %sub3A_531 : vector<16xf32>
        %mul3A_533 = arith.mulf %gather3A_355, %mul3A_532 : vector<16xf32>
        %mul3A_534 = arith.mulf %mul3A_497, %mul3A_532 : vector<16xf32>
        %mul3A_535 = arith.mulf %mul3A_534, %gather3A_356 : vector<16xf32>
        %max3A_536 = arith.maximumf %mul3A_533, %mul3A_535 : vector<16xf32>
        %mul3A_537 = arith.mulf %gather3A_357, %max3A_536 : vector<16xf32>
        %add3A_538 = arith.constant 5.500000e-02 : f32
        %add3A_539 = vector.broadcast %add3A_538 : f32 to vector<16xf32>
        %add3A_540 = arith.addf %mul3A_537, %add3A_539 : vector<16xf32>
        %exp3A = math.exp %add3A_540 : vector<16xf32>
        %sub3A_541 = arith.subf %gather3A_353, %mul3A_476 : vector<16xf32>
        %sub3A_542 = arith.subf %gather3A_354, %mul3A_480 : vector<16xf32>
        %mul3A_543 = arith.mulf %sub3A_541, %sub3A_541 : vector<16xf32>
        %mul3A_544 = arith.mulf %sub3A_542, %sub3A_542 : vector<16xf32>
        %add3A_545 = arith.addf %mul3A_543, %mul3A_544 : vector<16xf32>
        %mul3A_546 = arith.mulf %add3A_545, %gather3A_358 : vector<16xf32>
        %broadcast_in_dim3A_547 = arith.constant 4.26837869E-6 : f32
        %broadcast_in_dim3A_548 = vector.broadcast %broadcast_in_dim3A_547 : f32 to vector<16xf32>
        %mul3A_549 = arith.mulf %broadcast_in_dim3A_548, %mul3A_546 : vector<16xf32>
        %add3A_550 = arith.constant -1.04598148E-4 : f32
        %add3A_551 = vector.broadcast %add3A_550 : f32 to vector<16xf32>
        %add3A_552 = arith.addf %mul3A_549, %add3A_551 : vector<16xf32>
        %mul3A_553 = arith.mulf %add3A_552, %mul3A_546 : vector<16xf32>
        %add3A_554 = arith.constant 0.00192954647 : f32
        %add3A_555 = vector.broadcast %add3A_554 : f32 to vector<16xf32>
        %add3A_556 = arith.addf %mul3A_553, %add3A_555 : vector<16xf32>
        %mul3A_557 = arith.mulf %add3A_556, %mul3A_546 : vector<16xf32>
        %add3A_558 = arith.constant -0.0258068796 : f32
        %add3A_559 = vector.broadcast %add3A_558 : f32 to vector<16xf32>
        %add3A_560 = arith.addf %mul3A_557, %add3A_559 : vector<16xf32>
        %mul3A_561 = arith.mulf %add3A_560, %mul3A_546 : vector<16xf32>
        %add3A_562 = arith.constant 0.235330626 : f32
        %add3A_563 = vector.broadcast %add3A_562 : f32 to vector<16xf32>
        %add3A_564 = arith.addf %mul3A_561, %add3A_563 : vector<16xf32>
        %mul3A_565 = arith.mulf %add3A_564, %mul3A_546 : vector<16xf32>
        %add3A_566 = arith.constant -1.33526278 : f32
        %add3A_567 = vector.broadcast %add3A_566 : f32 to vector<16xf32>
        %add3A_568 = arith.addf %mul3A_565, %add3A_567 : vector<16xf32>
        %mul3A_569 = arith.mulf %add3A_568, %mul3A_546 : vector<16xf32>
        %add3A_570 = arith.constant 4.05871201 : f32
        %add3A_571 = vector.broadcast %add3A_570 : f32 to vector<16xf32>
        %add3A_572 = arith.addf %mul3A_569, %add3A_571 : vector<16xf32>
        %mul3A_573 = arith.mulf %add3A_572, %mul3A_546 : vector<16xf32>
        %add3A_574 = arith.constant -4.93480206 : f32
        %add3A_575 = vector.broadcast %add3A_574 : f32 to vector<16xf32>
        %add3A_576 = arith.addf %mul3A_573, %add3A_575 : vector<16xf32>
        %mul3A_577 = arith.mulf %add3A_576, %mul3A_546 : vector<16xf32>
        %add3A_578 = arith.constant 1.000000e+00 : f32
        %add3A_579 = vector.broadcast %add3A_578 : f32 to vector<16xf32>
        %add3A_580 = arith.addf %mul3A_577, %add3A_579 : vector<16xf32>
        %mul3A_581 = arith.constant 2.100000e-01 : f32
        %mul3A_582 = vector.broadcast %mul3A_581 : f32 to vector<16xf32>
        %mul3A_583 = arith.mulf %mul3A_582, %add3A_580 : vector<16xf32>
        %add3A_584 = arith.constant 2.100000e-01 : f32
        %add3A_585 = vector.broadcast %add3A_584 : f32 to vector<16xf32>
        %add3A_586 = arith.addf %mul3A_583, %add3A_585 : vector<16xf32>
        %gt3A = arith.constant 1.000000e+00 : f32
        %gt3A_587 = vector.broadcast %gt3A : f32 to vector<16xf32>
        %gt3A_588 = arith.cmpf ogt, %mul3A_546, %gt3A_587 : vector<16xf32>
        %jit3A_589 = arith.constant 0.000000e+00 : f32
        %broadcast_in_dim3A_590 = vector.broadcast %jit3A_589 : f32 to vector<16xf32>
        %select_n3A_591 = arith.select %gt3A_588, %broadcast_in_dim3A_590, %add3A_586 : vector<16xi1>, vector<16xf32>
        %mul3A_592 = arith.mulf %get3A_472, %exp3A : vector<16xf32>
        %add3A_593 = arith.addf %mul3A_592, %select_n3A_591 : vector<16xf32>
        %mul3A_594 = arith.constant 16 : i32
        %mul3A_595 = arith.muli %scan3A_443, %mul3A_594 : i32
        %add3A_596 = vector.broadcast %mul3A_595 : i32 to vector<16xi32>
        %add3A_597 = arith.addi %iota3A, %add3A_596 : vector<16xi32>
        %gt3A_598 = arith.cmpf ogt, %add3A_593, %scan3A_444 : vector<16xf32>
        %select_n3A_599 = arith.select %gt3A_598, %add3A_593, %scan3A_444 : vector<16xi1>, vector<16xf32>
        %select_n3A_600 = arith.select %gt3A_598, %add3A_597, %scan3A_445 : vector<16xi1>, vector<16xi32>
        scf.yield %select_n3A_599, %select_n3A_600 : vector<16xf32>, vector<16xi32>
      }
      %scan3A_368 = arith.constant 125 : i32
      %reduce_max3A = arith.constant true
      %reduce_max3A_369 = vector.broadcast %reduce_max3A : i1 to vector<16xi1>
      %reduce_max3A_370 = tpu.scan <max>, %scan3A_367#0 masked %reduce_max3A_369 : vector<16xf32>, vector<16xi1> -> vector<16xf32>
      %reduce_max3A_371 = vector.extract %reduce_max3A_370[15] : f32 from vector<16xf32>
      %eq3A = vector.broadcast %reduce_max3A_371 : f32 to vector<16xf32>
      %eq3A_372 = arith.cmpf oeq, %scan3A_367#0, %eq3A : vector<16xf32>
      %jit3A = arith.constant 1073741824 : i32
      %broadcast_in_dim3A_373 = vector.broadcast %jit3A : i32 to vector<16xi32>
      %select_n3A = arith.select %eq3A_372, %scan3A_367#1, %broadcast_in_dim3A_373 : vector<16xi1>, vector<16xi32>
      %reduce_min3A = arith.constant true
      %reduce_min3A_374 = vector.broadcast %reduce_min3A : i1 to vector<16xi1>
      %reduce_min3A_375 = arith.constant -2147483648 : i32
      %reduce_min3A_376 = vector.broadcast %reduce_min3A_375 : i32 to vector<16xi32>
      %reduce_min3A_377 = arith.xori %select_n3A, %reduce_min3A_376 : vector<16xi32>
      %reduce_min3A_378 = tpu.scan <min>, %reduce_min3A_377 masked %reduce_min3A_374 : vector<16xi32>, vector<16xi1> -> vector<16xi32>
      %reduce_min3A_379 = arith.xori %reduce_min3A_378, %reduce_min3A_376 : vector<16xi32>
      %reduce_min3A_380 = vector.extract %reduce_min3A_379[15] : i32 from vector<16xi32>
      %min3A = arith.constant 1984 : i32
      %min3A_381 = arith.minsi %reduce_min3A_380, %min3A : i32
      %sub3A_382 = arith.subi %reduce_min3A_380, %min3A_381 : i32
      %get3A = arith.constant 0 : i32
      %get3A_383 = arith.index_cast %get3A : i32 to index
      %get3A_384 = arith.index_cast %scan3A_348 : i32 to index
      %get3A_385 = arith.index_cast %min3A_381 : i32 to index
      %get3A_386 = tpu.vector_load %arg8[%get3A_383, %get3A_384, %get3A_385] {strides = array<i32>} : memref<4x8x2000xf32, #tpu.memory_space<vmem>>, vector<16xf32>,
      %mul3A_387 = arith.constant 4 : i32
      %mul3A_388 = arith.muli %add3A_350, %mul3A_387 : i32
      %add3A_389 = arith.constant 0 : i32
      %add3A_390 = arith.addi %mul3A_388, %add3A_389 : i32
      %add3A_391 = vector.broadcast %add3A_390 : i32 to vector<16xi32>
      %add3A_392 = arith.addi %broadcast_in_dim3A_3, %add3A_391 : vector<16xi32>
      %eq3A_393 = vector.broadcast %sub3A_382 : i32 to vector<16xi32>
      %eq3A_394 = arith.cmpi eq, %iota3A, %eq3A_393 : vector<16xi32>
      tpu.vector_store_idx %arg16[%add3A_392], %get3A_386 masked %eq3A_394 : memref<192xf32, #tpu.memory_space<vmem>>[vector<16xi32>], vector<16xf32>, vector<16xi1>
      %get3A_395 = arith.constant 1 : i32
      %get3A_396 = arith.index_cast %get3A_395 : i32 to index
      %get3A_397 = arith.index_cast %scan3A_348 : i32 to index
      %get3A_398 = arith.index_cast %min3A_381 : i32 to index
      %get3A_399 = tpu.vector_load %arg8[%get3A_396, %get3A_397, %get3A_398] {strides = array<i32>} : memref<4x8x2000xf32, #tpu.memory_space<vmem>>, vector<16xf32>,
      %mul3A_400 = arith.constant 4 : i32
      %mul3A_401 = arith.muli %add3A_350, %mul3A_400 : i32
      %add3A_402 = arith.constant 1 : i32
      %add3A_403 = arith.addi %mul3A_401, %add3A_402 : i32
      %add3A_404 = vector.broadcast %add3A_403 : i32 to vector<16xi32>
      %add3A_405 = arith.addi %broadcast_in_dim3A_3, %add3A_404 : vector<16xi32>
      %eq3A_406 = vector.broadcast %sub3A_382 : i32 to vector<16xi32>
      %eq3A_407 = arith.cmpi eq, %iota3A, %eq3A_406 : vector<16xi32>
      tpu.vector_store_idx %arg16[%add3A_405], %get3A_399 masked %eq3A_407 : memref<192xf32, #tpu.memory_space<vmem>>[vector<16xi32>], vector<16xf32>, vector<16xi1>
      %get3A_408 = arith.constant 2 : i32
      %get3A_409 = arith.index_cast %get3A_408 : i32 to index
      %get3A_410 = arith.index_cast %scan3A_348 : i32 to index
      %get3A_411 = arith.index_cast %min3A_381 : i32 to index
      %get3A_412 = tpu.vector_load %arg8[%get3A_409, %get3A_410, %get3A_411] {strides = array<i32>} : memref<4x8x2000xf32, #tpu.memory_space<vmem>>, vector<16xf32>,
      %mul3A_413 = arith.constant 4 : i32
      %mul3A_414 = arith.muli %add3A_350, %mul3A_413 : i32
      %add3A_415 = arith.constant 2 : i32
      %add3A_416 = arith.addi %mul3A_414, %add3A_415 : i32
      %add3A_417 = vector.broadcast %add3A_416 : i32 to vector<16xi32>
      %add3A_418 = arith.addi %broadcast_in_dim3A_3, %add3A_417 : vector<16xi32>
      %eq3A_419 = vector.broadcast %sub3A_382 : i32 to vector<16xi32>
      %eq3A_420 = arith.cmpi eq, %iota3A, %eq3A_419 : vector<16xi32>
      tpu.vector_store_idx %arg16[%add3A_418], %get3A_412 masked %eq3A_420 : memref<192xf32, #tpu.memory_space<vmem>>[vector<16xi32>], vector<16xf32>, vector<16xi1>
      %get3A_421 = arith.constant 3 : i32
      %get3A_422 = arith.index_cast %get3A_421 : i32 to index
      %get3A_423 = arith.index_cast %scan3A_348 : i32 to index
      %get3A_424 = arith.index_cast %min3A_381 : i32 to index
      %get3A_425 = tpu.vector_load %arg8[%get3A_422, %get3A_423, %get3A_424] {strides = array<i32>} : memref<4x8x2000xf32, #tpu.memory_space<vmem>>, vector<16xf32>,
      %mul3A_426 = arith.constant 4 : i32
      %mul3A_427 = arith.muli %add3A_350, %mul3A_426 : i32
      %add3A_428 = arith.constant 3 : i32
      %add3A_429 = arith.addi %mul3A_427, %add3A_428 : i32
      %add3A_430 = vector.broadcast %add3A_429 : i32 to vector<16xi32>
      %add3A_431 = arith.addi %broadcast_in_dim3A_3, %add3A_430 : vector<16xi32>
      %eq3A_432 = vector.broadcast %sub3A_382 : i32 to vector<16xi32>
      %eq3A_433 = arith.cmpi eq, %iota3A, %eq3A_432 : vector<16xi32>
      tpu.vector_store_idx %arg16[%add3A_431], %get3A_425 masked %eq3A_433 : memref<192xf32, #tpu.memory_space<vmem>>[vector<16xi32>], vector<16xf32>, vector<16xi1>
      %get3A_434 = arith.constant 1 : i32
      %get3A_435 = arith.index_cast %scan3A_348 : i32 to index
      %get3A_436 = arith.index_cast %get3A_434 : i32 to index
      %get3A_437 = arith.index_cast %min3A_381 : i32 to index
      %get3A_438 = tpu.vector_load %arg9[%get3A_435, %get3A_436, %get3A_437] {strides = array<i32>} : memref<8x2x2000xf32, #tpu.memory_space<vmem>>, vector<16xf32>,
      %add3A_439 = vector.broadcast %add3A_350 : i32 to vector<16xi32>
      %add3A_440 = arith.addi %broadcast_in_dim3A_3, %add3A_439 : vector<16xi32>
      %eq3A_441 = vector.broadcast %sub3A_382 : i32 to vector<16xi32>
      %eq3A_442 = arith.cmpi eq, %iota3A, %eq3A_441 : vector<16xi32>
      tpu.vector_store_idx %arg17[%add3A_440], %get3A_438 masked %eq3A_442 : memref<48xf32, #tpu.memory_space<vmem>>[vector<16xi32>], vector<16xf32>, vector<16xi1>
    }
    %scan3A_321 = arith.constant 8 : i32
    %add3A_322 = arith.constant 24 : i32
    %add3A_323 = arith.addi %mul3A_2, %add3A_322 : i32
    "tpu.region"() ({
      %run_scoped3A = tpu.sem_alloc : memref<!tpu.dma_semaphore, #tpu.memory_space<semaphore_mem>>
      %dma_start3A = arith.constant 1 : i32
      %dma_start3A_348 = arith.constant 0 : i32
      %dma_start3A_349 = tpu.memref_slice %arg3[%dma_start3A, %add3A_323, %dma_start3A_348] : memref<5x5000x2000xf32, #tpu.memory_space<hbm>> -> memref<4x8x2000xf32, #tpu.memory_space<hbm>>
      %dma_start3A_350 = arith.constant 1 : i32
      %dma_start3A_351 = arith.constant 0 : i32
      %dma_start3A_352 = tpu.memref_slice %arg3[%dma_start3A_350, %add3A_323, %dma_start3A_351] : memref<5x5000x2000xf32, #tpu.memory_space<hbm>> -> memref<4x8x2000xf32, #tpu.memory_space<hbm>>
      tpu.enqueue_dma source(%dma_start3A_352 : memref<4x8x2000xf32, #tpu.memory_space<hbm>>) target(%arg8 : memref<4x8x2000xf32, #tpu.memory_space<vmem>>) target_semaphore(%run_scoped3A : memref<!tpu.dma_semaphore, #tpu.memory_space<semaphore_mem>>)
      %dma_wait3A = arith.constant 1 : i32
      %dma_wait3A_353 = arith.constant 0 : i32
      %dma_wait3A_354 = tpu.memref_slice %arg3[%dma_wait3A, %add3A_323, %dma_wait3A_353] : memref<5x5000x2000xf32, #tpu.memory_space<hbm>> -> memref<4x8x2000xf32, #tpu.memory_space<hbm>>
      %dma_wait3A_355 = arith.constant 1 : i32
      %dma_wait3A_356 = arith.constant 0 : i32
      %dma_wait3A_357 = tpu.memref_slice %arg3[%dma_wait3A_355, %add3A_323, %dma_wait3A_356] : memref<5x5000x2000xf32, #tpu.memory_space<hbm>> -> memref<4x8x2000xf32, #tpu.memory_space<hbm>>
      tpu.wait_dma2 semaphore(%run_scoped3A : memref<!tpu.dma_semaphore, #tpu.memory_space<semaphore_mem>>) src(%dma_wait3A_357 : memref<4x8x2000xf32, #tpu.memory_space<hbm>>) dst(%arg8 : memref<4x8x2000xf32, #tpu.memory_space<vmem>>)
      tpu.yield
    }) : () -> ()
    "tpu.region"() ({
      %run_scoped3A = tpu.sem_alloc : memref<!tpu.dma_semaphore, #tpu.memory_space<semaphore_mem>>
      %dma_start3A = arith.constant 0 : i32
      %dma_start3A_348 = arith.constant 0 : i32
      %dma_start3A_349 = tpu.memref_slice %arg4[%add3A_323, %dma_start3A, %dma_start3A_348] : memref<5000x2x2000xf32, #tpu.memory_space<hbm>> -> memref<8x2x2000xf32, #tpu.memory_space<hbm>>
      %dma_start3A_350 = arith.constant 0 : i32
      %dma_start3A_351 = arith.constant 0 : i32
      %dma_start3A_352 = tpu.memref_slice %arg4[%add3A_323, %dma_start3A_350, %dma_start3A_351] : memref<5000x2x2000xf32, #tpu.memory_space<hbm>> -> memref<8x2x2000xf32, #tpu.memory_space<hbm>>
      tpu.enqueue_dma source(%dma_start3A_352 : memref<8x2x2000xf32, #tpu.memory_space<hbm>>) target(%arg9 : memref<8x2x2000xf32, #tpu.memory_space<vmem>>) target_semaphore(%run_scoped3A : memref<!tpu.dma_semaphore, #tpu.memory_space<semaphore_mem>>)
      %dma_wait3A = arith.constant 0 : i32
      %dma_wait3A_353 = arith.constant 0 : i32
      %dma_wait3A_354 = tpu.memref_slice %arg4[%add3A_323, %dma_wait3A, %dma_wait3A_353] : memref<5000x2x2000xf32, #tpu.memory_space<hbm>> -> memref<8x2x2000xf32, #tpu.memory_space<hbm>>
      %dma_wait3A_355 = arith.constant 0 : i32
      %dma_wait3A_356 = arith.constant 0 : i32
      %dma_wait3A_357 = tpu.memref_slice %arg4[%add3A_323, %dma_wait3A_355, %dma_wait3A_356] : memref<5000x2x2000xf32, #tpu.memory_space<hbm>> -> memref<8x2x2000xf32, #tpu.memory_space<hbm>>
      tpu.wait_dma2 semaphore(%run_scoped3A : memref<!tpu.dma_semaphore, #tpu.memory_space<semaphore_mem>>) src(%dma_wait3A_357 : memref<8x2x2000xf32, #tpu.memory_space<hbm>>) dst(%arg9 : memref<8x2x2000xf32, #tpu.memory_space<vmem>>)
      tpu.yield
    }) : () -> ()
    %scan3A_324 = arith.constant 0 : i32
    %scan3A_325 = arith.constant 0 : i32
    %scan3A_326 = arith.constant 8 : i32
    %scan3A_327 = arith.addi %scan3A_325, %scan3A_326 : i32
    %scan3A_328 = arith.constant 1 : i32
    scf.for %scan3A_348 = %scan3A_325 to %scan3A_327 step %scan3A_328  : i32 {
      %add3A_349 = arith.constant 24 : i32
      %add3A_350 = arith.addi %scan3A_348, %add3A_349 : i32
      %add3A_351 = vector.broadcast %add3A_350 : i32 to vector<16xi32>
      %add3A_352 = arith.addi %broadcast_in_dim3A_3, %add3A_351 : vector<16xi32>
      %gather3A_353 = tpu.vector_load_idx %arg10[%add3A_352] : memref<48xf32, #tpu.memory_space<vmem>>[vector<16xi32>], vector<16xf32>,
      %gather3A_354 = tpu.vector_load_idx %arg11[%add3A_352] : memref<48xf32, #tpu.memory_space<vmem>>[vector<16xi32>], vector<16xf32>,
      %gather3A_355 = tpu.vector_load_idx %arg12[%add3A_352] : memref<48xf32, #tpu.memory_space<vmem>>[vector<16xi32>], vector<16xf32>,
      %gather3A_356 = tpu.vector_load_idx %arg13[%add3A_352] : memref<48xf32, #tpu.memory_space<vmem>>[vector<16xi32>], vector<16xf32>,
      %gather3A_357 = tpu.vector_load_idx %arg14[%add3A_352] : memref<48xf32, #tpu.memory_space<vmem>>[vector<16xi32>], vector<16xf32>,
      %gather3A_358 = tpu.vector_load_idx %arg15[%add3A_352] : memref<48xf32, #tpu.memory_space<vmem>>[vector<16xi32>], vector<16xf32>,
      %broadcast_in_dim3A_359 = arith.constant 0xFF800000 : f32
      %broadcast_in_dim3A_360 = vector.broadcast %broadcast_in_dim3A_359 : f32 to vector<16xf32>
      %broadcast_in_dim3A_361 = arith.constant 0 : i32
      %broadcast_in_dim3A_362 = vector.broadcast %broadcast_in_dim3A_361 : i32 to vector<16xi32>
      %scan3A_363 = arith.constant 0 : i32
      %scan3A_364 = arith.constant 125 : i32
      %scan3A_365 = arith.addi %scan3A_363, %scan3A_364 : i32
      %scan3A_366 = arith.constant 1 : i32
      %scan3A_367:2 = scf.for %scan3A_443 = %scan3A_363 to %scan3A_365 step %scan3A_366 iter_args(%scan3A_444 = %broadcast_in_dim3A_360, %scan3A_445 = %broadcast_in_dim3A_362) -> (vector<16xf32>, vector<16xi32>)  : i32 {
        %mul3A_446 = arith.constant 16 : i32
        %mul3A_447 = arith.muli %scan3A_443, %mul3A_446 : i32
        %get3A_448 = arith.constant 0 : i32
        %get3A_449 = arith.index_cast %get3A_448 : i32 to index
        %get3A_450 = arith.index_cast %scan3A_348 : i32 to index
        %get3A_451 = arith.index_cast %mul3A_447 : i32 to index
        %get3A_452 = tpu.vector_load %arg8[%get3A_449, %get3A_450, %get3A_451] {strides = array<i32>} : memref<4x8x2000xf32, #tpu.memory_space<vmem>>, vector<16xf32>,
        %get3A_453 = arith.constant 1 : i32
        %get3A_454 = arith.index_cast %get3A_453 : i32 to index
        %get3A_455 = arith.index_cast %scan3A_348 : i32 to index
        %get3A_456 = arith.index_cast %mul3A_447 : i32 to index
        %get3A_457 = tpu.vector_load %arg8[%get3A_454, %get3A_455, %get3A_456] {strides = array<i32>} : memref<4x8x2000xf32, #tpu.memory_space<vmem>>, vector<16xf32>,
        %get3A_458 = arith.constant 2 : i32
        %get3A_459 = arith.index_cast %get3A_458 : i32 to index
        %get3A_460 = arith.index_cast %scan3A_348 : i32 to index
        %get3A_461 = arith.index_cast %mul3A_447 : i32 to index
        %get3A_462 = tpu.vector_load %arg8[%get3A_459, %get3A_460, %get3A_461] {strides = array<i32>} : memref<4x8x2000xf32, #tpu.memory_space<vmem>>, vector<16xf32>,
        %get3A_463 = arith.constant 3 : i32
        %get3A_464 = arith.index_cast %get3A_463 : i32 to index
        %get3A_465 = arith.index_cast %scan3A_348 : i32 to index
        %get3A_466 = arith.index_cast %mul3A_447 : i32 to index
        %get3A_467 = tpu.vector_load %arg8[%get3A_464, %get3A_465, %get3A_466] {strides = array<i32>} : memref<4x8x2000xf32, #tpu.memory_space<vmem>>, vector<16xf32>,
        %get3A_468 = arith.constant 1 : i32
        %get3A_469 = arith.index_cast %scan3A_348 : i32 to index
        %get3A_470 = arith.index_cast %get3A_468 : i32 to index
        %get3A_471 = arith.index_cast %mul3A_447 : i32 to index
        %get3A_472 = tpu.vector_load %arg9[%get3A_469, %get3A_470, %get3A_471] {strides = array<i32>} : memref<8x2x2000xf32, #tpu.memory_space<vmem>>, vector<16xf32>,
        %add3A_473 = arith.addf %get3A_452, %get3A_462 : vector<16xf32>
        %mul3A_474 = arith.constant 5.000000e-01 : f32
        %mul3A_475 = vector.broadcast %mul3A_474 : f32 to vector<16xf32>
        %mul3A_476 = arith.mulf %add3A_473, %mul3A_475 : vector<16xf32>
        %add3A_477 = arith.addf %get3A_457, %get3A_467 : vector<16xf32>
        %mul3A_478 = arith.constant 5.000000e-01 : f32
        %mul3A_479 = vector.broadcast %mul3A_478 : f32 to vector<16xf32>
        %mul3A_480 = arith.mulf %add3A_477, %mul3A_479 : vector<16xf32>
        %sub3A_481 = arith.subf %get3A_452, %get3A_462 : vector<16xf32>
        %abs3A_482 = math.absf %sub3A_481 : vector<16xf32>
        %add3A_483 = arith.constant 9.99999974E-5 : f32
        %add3A_484 = vector.broadcast %add3A_483 : f32 to vector<16xf32>
        %add3A_485 = arith.addf %abs3A_482, %add3A_484 : vector<16xf32>
        %sub3A_486 = arith.subf %get3A_457, %get3A_467 : vector<16xf32>
        %abs3A_487 = math.absf %sub3A_486 : vector<16xf32>
        %add3A_488 = arith.constant 9.99999974E-5 : f32
        %add3A_489 = vector.broadcast %add3A_488 : f32 to vector<16xf32>
        %add3A_490 = arith.addf %abs3A_487, %add3A_489 : vector<16xf32>
        %add3A_491 = arith.addf %add3A_485, %add3A_490 : vector<16xf32>
        %mul3A_492 = arith.constant 5.000000e-01 : f32
        %mul3A_493 = vector.broadcast %mul3A_492 : f32 to vector<16xf32>
        %mul3A_494 = arith.mulf %add3A_491, %mul3A_493 : vector<16xf32>
        %add3A_495 = arith.addf %add3A_485, %mul3A_494 : vector<16xf32>
        %add3A_496 = arith.addf %add3A_490, %mul3A_494 : vector<16xf32>
        %mul3A_497 = arith.mulf %add3A_495, %add3A_496 : vector<16xf32>
        %bitcast_convert_type3A_498 = tpu.bitcast %mul3A_497 : vector<16xf32> -> vector<16xi32>
        %shift_right_arithmetic3A_499 = arith.constant 1 : i32
        %shift_right_arithmetic3A_500 = vector.broadcast %shift_right_arithmetic3A_499 : i32 to vector<16xi32>
        %shift_right_arithmetic3A_501 = arith.shrsi %bitcast_convert_type3A_498, %shift_right_arithmetic3A_500 : vector<16xi32>
        %sub3A_502 = arith.constant 1597463007 : i32
        %sub3A_503 = vector.broadcast %sub3A_502 : i32 to vector<16xi32>
        %sub3A_504 = arith.subi %sub3A_503, %shift_right_arithmetic3A_501 : vector<16xi32>
        %bitcast_convert_type3A_505 = tpu.bitcast %sub3A_504 : vector<16xi32> -> vector<16xf32>
        %mul3A_506 = arith.constant 5.000000e-01 : f32
        %mul3A_507 = vector.broadcast %mul3A_506 : f32 to vector<16xf32>
        %mul3A_508 = arith.mulf %mul3A_507, %mul3A_497 : vector<16xf32>
        %mul3A_509 = arith.mulf %mul3A_508, %bitcast_convert_type3A_505 : vector<16xf32>
        %mul3A_510 = arith.mulf %mul3A_509, %bitcast_convert_type3A_505 : vector<16xf32>
        %sub3A_511 = arith.constant 1.500000e+00 : f32
        %sub3A_512 = vector.broadcast %sub3A_511 : f32 to vector<16xf32>
        %sub3A_513 = arith.subf %sub3A_512, %mul3A_510 : vector<16xf32>
        %mul3A_514 = arith.mulf %bitcast_convert_type3A_505, %sub3A_513 : vector<16xf32>
        %mul3A_515 = arith.constant 5.000000e-01 : f32
        %mul3A_516 = vector.broadcast %mul3A_515 : f32 to vector<16xf32>
        %mul3A_517 = arith.mulf %mul3A_516, %mul3A_497 : vector<16xf32>
        %mul3A_518 = arith.mulf %mul3A_517, %mul3A_514 : vector<16xf32>
        %mul3A_519 = arith.mulf %mul3A_518, %mul3A_514 : vector<16xf32>
        %sub3A_520 = arith.constant 1.500000e+00 : f32
        %sub3A_521 = vector.broadcast %sub3A_520 : f32 to vector<16xf32>
        %sub3A_522 = arith.subf %sub3A_521, %mul3A_519 : vector<16xf32>
        %mul3A_523 = arith.mulf %mul3A_514, %sub3A_522 : vector<16xf32>
        %mul3A_524 = arith.constant 5.000000e-01 : f32
        %mul3A_525 = vector.broadcast %mul3A_524 : f32 to vector<16xf32>
        %mul3A_526 = arith.mulf %mul3A_525, %mul3A_497 : vector<16xf32>
        %mul3A_527 = arith.mulf %mul3A_526, %mul3A_523 : vector<16xf32>
        %mul3A_528 = arith.mulf %mul3A_527, %mul3A_523 : vector<16xf32>
        %sub3A_529 = arith.constant 1.500000e+00 : f32
        %sub3A_530 = vector.broadcast %sub3A_529 : f32 to vector<16xf32>
        %sub3A_531 = arith.subf %sub3A_530, %mul3A_528 : vector<16xf32>
        %mul3A_532 = arith.mulf %mul3A_523, %sub3A_531 : vector<16xf32>
        %mul3A_533 = arith.mulf %gather3A_355, %mul3A_532 : vector<16xf32>
        %mul3A_534 = arith.mulf %mul3A_497, %mul3A_532 : vector<16xf32>
        %mul3A_535 = arith.mulf %mul3A_534, %gather3A_356 : vector<16xf32>
        %max3A_536 = arith.maximumf %mul3A_533, %mul3A_535 : vector<16xf32>
        %mul3A_537 = arith.mulf %gather3A_357, %max3A_536 : vector<16xf32>
        %add3A_538 = arith.constant 5.500000e-02 : f32
        %add3A_539 = vector.broadcast %add3A_538 : f32 to vector<16xf32>
        %add3A_540 = arith.addf %mul3A_537, %add3A_539 : vector<16xf32>
        %exp3A = math.exp %add3A_540 : vector<16xf32>
        %sub3A_541 = arith.subf %gather3A_353, %mul3A_476 : vector<16xf32>
        %sub3A_542 = arith.subf %gather3A_354, %mul3A_480 : vector<16xf32>
        %mul3A_543 = arith.mulf %sub3A_541, %sub3A_541 : vector<16xf32>
        %mul3A_544 = arith.mulf %sub3A_542, %sub3A_542 : vector<16xf32>
        %add3A_545 = arith.addf %mul3A_543, %mul3A_544 : vector<16xf32>
        %mul3A_546 = arith.mulf %add3A_545, %gather3A_358 : vector<16xf32>
        %broadcast_in_dim3A_547 = arith.constant 4.26837869E-6 : f32
        %broadcast_in_dim3A_548 = vector.broadcast %broadcast_in_dim3A_547 : f32 to vector<16xf32>
        %mul3A_549 = arith.mulf %broadcast_in_dim3A_548, %mul3A_546 : vector<16xf32>
        %add3A_550 = arith.constant -1.04598148E-4 : f32
        %add3A_551 = vector.broadcast %add3A_550 : f32 to vector<16xf32>
        %add3A_552 = arith.addf %mul3A_549, %add3A_551 : vector<16xf32>
        %mul3A_553 = arith.mulf %add3A_552, %mul3A_546 : vector<16xf32>
        %add3A_554 = arith.constant 0.00192954647 : f32
        %add3A_555 = vector.broadcast %add3A_554 : f32 to vector<16xf32>
        %add3A_556 = arith.addf %mul3A_553, %add3A_555 : vector<16xf32>
        %mul3A_557 = arith.mulf %add3A_556, %mul3A_546 : vector<16xf32>
        %add3A_558 = arith.constant -0.0258068796 : f32
        %add3A_559 = vector.broadcast %add3A_558 : f32 to vector<16xf32>
        %add3A_560 = arith.addf %mul3A_557, %add3A_559 : vector<16xf32>
        %mul3A_561 = arith.mulf %add3A_560, %mul3A_546 : vector<16xf32>
        %add3A_562 = arith.constant 0.235330626 : f32
        %add3A_563 = vector.broadcast %add3A_562 : f32 to vector<16xf32>
        %add3A_564 = arith.addf %mul3A_561, %add3A_563 : vector<16xf32>
        %mul3A_565 = arith.mulf %add3A_564, %mul3A_546 : vector<16xf32>
        %add3A_566 = arith.constant -1.33526278 : f32
        %add3A_567 = vector.broadcast %add3A_566 : f32 to vector<16xf32>
        %add3A_568 = arith.addf %mul3A_565, %add3A_567 : vector<16xf32>
        %mul3A_569 = arith.mulf %add3A_568, %mul3A_546 : vector<16xf32>
        %add3A_570 = arith.constant 4.05871201 : f32
        %add3A_571 = vector.broadcast %add3A_570 : f32 to vector<16xf32>
        %add3A_572 = arith.addf %mul3A_569, %add3A_571 : vector<16xf32>
        %mul3A_573 = arith.mulf %add3A_572, %mul3A_546 : vector<16xf32>
        %add3A_574 = arith.constant -4.93480206 : f32
        %add3A_575 = vector.broadcast %add3A_574 : f32 to vector<16xf32>
        %add3A_576 = arith.addf %mul3A_573, %add3A_575 : vector<16xf32>
        %mul3A_577 = arith.mulf %add3A_576, %mul3A_546 : vector<16xf32>
        %add3A_578 = arith.constant 1.000000e+00 : f32
        %add3A_579 = vector.broadcast %add3A_578 : f32 to vector<16xf32>
        %add3A_580 = arith.addf %mul3A_577, %add3A_579 : vector<16xf32>
        %mul3A_581 = arith.constant 2.100000e-01 : f32
        %mul3A_582 = vector.broadcast %mul3A_581 : f32 to vector<16xf32>
        %mul3A_583 = arith.mulf %mul3A_582, %add3A_580 : vector<16xf32>
        %add3A_584 = arith.constant 2.100000e-01 : f32
        %add3A_585 = vector.broadcast %add3A_584 : f32 to vector<16xf32>
        %add3A_586 = arith.addf %mul3A_583, %add3A_585 : vector<16xf32>
        %gt3A = arith.constant 1.000000e+00 : f32
        %gt3A_587 = vector.broadcast %gt3A : f32 to vector<16xf32>
        %gt3A_588 = arith.cmpf ogt, %mul3A_546, %gt3A_587 : vector<16xf32>
        %jit3A_589 = arith.constant 0.000000e+00 : f32
        %broadcast_in_dim3A_590 = vector.broadcast %jit3A_589 : f32 to vector<16xf32>
        %select_n3A_591 = arith.select %gt3A_588, %broadcast_in_dim3A_590, %add3A_586 : vector<16xi1>, vector<16xf32>
        %mul3A_592 = arith.mulf %get3A_472, %exp3A : vector<16xf32>
        %add3A_593 = arith.addf %mul3A_592, %select_n3A_591 : vector<16xf32>
        %mul3A_594 = arith.constant 16 : i32
        %mul3A_595 = arith.muli %scan3A_443, %mul3A_594 : i32
        %add3A_596 = vector.broadcast %mul3A_595 : i32 to vector<16xi32>
        %add3A_597 = arith.addi %iota3A, %add3A_596 : vector<16xi32>
        %gt3A_598 = arith.cmpf ogt, %add3A_593, %scan3A_444 : vector<16xf32>
        %select_n3A_599 = arith.select %gt3A_598, %add3A_593, %scan3A_444 : vector<16xi1>, vector<16xf32>
        %select_n3A_600 = arith.select %gt3A_598, %add3A_597, %scan3A_445 : vector<16xi1>, vector<16xi32>
        scf.yield %select_n3A_599, %select_n3A_600 : vector<16xf32>, vector<16xi32>
      }
      %scan3A_368 = arith.constant 125 : i32
      %reduce_max3A = arith.constant true
      %reduce_max3A_369 = vector.broadcast %reduce_max3A : i1 to vector<16xi1>
      %reduce_max3A_370 = tpu.scan <max>, %scan3A_367#0 masked %reduce_max3A_369 : vector<16xf32>, vector<16xi1> -> vector<16xf32>
      %reduce_max3A_371 = vector.extract %reduce_max3A_370[15] : f32 from vector<16xf32>
      %eq3A = vector.broadcast %reduce_max3A_371 : f32 to vector<16xf32>
      %eq3A_372 = arith.cmpf oeq, %scan3A_367#0, %eq3A : vector<16xf32>
      %jit3A = arith.constant 1073741824 : i32
      %broadcast_in_dim3A_373 = vector.broadcast %jit3A : i32 to vector<16xi32>
      %select_n3A = arith.select %eq3A_372, %scan3A_367#1, %broadcast_in_dim3A_373 : vector<16xi1>, vector<16xi32>
      %reduce_min3A = arith.constant true
      %reduce_min3A_374 = vector.broadcast %reduce_min3A : i1 to vector<16xi1>
      %reduce_min3A_375 = arith.constant -2147483648 : i32
      %reduce_min3A_376 = vector.broadcast %reduce_min3A_375 : i32 to vector<16xi32>
      %reduce_min3A_377 = arith.xori %select_n3A, %reduce_min3A_376 : vector<16xi32>
      %reduce_min3A_378 = tpu.scan <min>, %reduce_min3A_377 masked %reduce_min3A_374 : vector<16xi32>, vector<16xi1> -> vector<16xi32>
      %reduce_min3A_379 = arith.xori %reduce_min3A_378, %reduce_min3A_376 : vector<16xi32>
      %reduce_min3A_380 = vector.extract %reduce_min3A_379[15] : i32 from vector<16xi32>
      %min3A = arith.constant 1984 : i32
      %min3A_381 = arith.minsi %reduce_min3A_380, %min3A : i32
      %sub3A_382 = arith.subi %reduce_min3A_380, %min3A_381 : i32
      %get3A = arith.constant 0 : i32
      %get3A_383 = arith.index_cast %get3A : i32 to index
      %get3A_384 = arith.index_cast %scan3A_348 : i32 to index
      %get3A_385 = arith.index_cast %min3A_381 : i32 to index
      %get3A_386 = tpu.vector_load %arg8[%get3A_383, %get3A_384, %get3A_385] {strides = array<i32>} : memref<4x8x2000xf32, #tpu.memory_space<vmem>>, vector<16xf32>,
      %mul3A_387 = arith.constant 4 : i32
      %mul3A_388 = arith.muli %add3A_350, %mul3A_387 : i32
      %add3A_389 = arith.constant 0 : i32
      %add3A_390 = arith.addi %mul3A_388, %add3A_389 : i32
      %add3A_391 = vector.broadcast %add3A_390 : i32 to vector<16xi32>
      %add3A_392 = arith.addi %broadcast_in_dim3A_3, %add3A_391 : vector<16xi32>
      %eq3A_393 = vector.broadcast %sub3A_382 : i32 to vector<16xi32>
      %eq3A_394 = arith.cmpi eq, %iota3A, %eq3A_393 : vector<16xi32>
      tpu.vector_store_idx %arg16[%add3A_392], %get3A_386 masked %eq3A_394 : memref<192xf32, #tpu.memory_space<vmem>>[vector<16xi32>], vector<16xf32>, vector<16xi1>
      %get3A_395 = arith.constant 1 : i32
      %get3A_396 = arith.index_cast %get3A_395 : i32 to index
      %get3A_397 = arith.index_cast %scan3A_348 : i32 to index
      %get3A_398 = arith.index_cast %min3A_381 : i32 to index
      %get3A_399 = tpu.vector_load %arg8[%get3A_396, %get3A_397, %get3A_398] {strides = array<i32>} : memref<4x8x2000xf32, #tpu.memory_space<vmem>>, vector<16xf32>,
      %mul3A_400 = arith.constant 4 : i32
      %mul3A_401 = arith.muli %add3A_350, %mul3A_400 : i32
      %add3A_402 = arith.constant 1 : i32
      %add3A_403 = arith.addi %mul3A_401, %add3A_402 : i32
      %add3A_404 = vector.broadcast %add3A_403 : i32 to vector<16xi32>
      %add3A_405 = arith.addi %broadcast_in_dim3A_3, %add3A_404 : vector<16xi32>
      %eq3A_406 = vector.broadcast %sub3A_382 : i32 to vector<16xi32>
      %eq3A_407 = arith.cmpi eq, %iota3A, %eq3A_406 : vector<16xi32>
      tpu.vector_store_idx %arg16[%add3A_405], %get3A_399 masked %eq3A_407 : memref<192xf32, #tpu.memory_space<vmem>>[vector<16xi32>], vector<16xf32>, vector<16xi1>
      %get3A_408 = arith.constant 2 : i32
      %get3A_409 = arith.index_cast %get3A_408 : i32 to index
      %get3A_410 = arith.index_cast %scan3A_348 : i32 to index
      %get3A_411 = arith.index_cast %min3A_381 : i32 to index
      %get3A_412 = tpu.vector_load %arg8[%get3A_409, %get3A_410, %get3A_411] {strides = array<i32>} : memref<4x8x2000xf32, #tpu.memory_space<vmem>>, vector<16xf32>,
      %mul3A_413 = arith.constant 4 : i32
      %mul3A_414 = arith.muli %add3A_350, %mul3A_413 : i32
      %add3A_415 = arith.constant 2 : i32
      %add3A_416 = arith.addi %mul3A_414, %add3A_415 : i32
      %add3A_417 = vector.broadcast %add3A_416 : i32 to vector<16xi32>
      %add3A_418 = arith.addi %broadcast_in_dim3A_3, %add3A_417 : vector<16xi32>
      %eq3A_419 = vector.broadcast %sub3A_382 : i32 to vector<16xi32>
      %eq3A_420 = arith.cmpi eq, %iota3A, %eq3A_419 : vector<16xi32>
      tpu.vector_store_idx %arg16[%add3A_418], %get3A_412 masked %eq3A_420 : memref<192xf32, #tpu.memory_space<vmem>>[vector<16xi32>], vector<16xf32>, vector<16xi1>
      %get3A_421 = arith.constant 3 : i32
      %get3A_422 = arith.index_cast %get3A_421 : i32 to index
      %get3A_423 = arith.index_cast %scan3A_348 : i32 to index
      %get3A_424 = arith.index_cast %min3A_381 : i32 to index
      %get3A_425 = tpu.vector_load %arg8[%get3A_422, %get3A_423, %get3A_424] {strides = array<i32>} : memref<4x8x2000xf32, #tpu.memory_space<vmem>>, vector<16xf32>,
      %mul3A_426 = arith.constant 4 : i32
      %mul3A_427 = arith.muli %add3A_350, %mul3A_426 : i32
      %add3A_428 = arith.constant 3 : i32
      %add3A_429 = arith.addi %mul3A_427, %add3A_428 : i32
      %add3A_430 = vector.broadcast %add3A_429 : i32 to vector<16xi32>
      %add3A_431 = arith.addi %broadcast_in_dim3A_3, %add3A_430 : vector<16xi32>
      %eq3A_432 = vector.broadcast %sub3A_382 : i32 to vector<16xi32>
      %eq3A_433 = arith.cmpi eq, %iota3A, %eq3A_432 : vector<16xi32>
      tpu.vector_store_idx %arg16[%add3A_431], %get3A_425 masked %eq3A_433 : memref<192xf32, #tpu.memory_space<vmem>>[vector<16xi32>], vector<16xf32>, vector<16xi1>
      %get3A_434 = arith.constant 1 : i32
      %get3A_435 = arith.index_cast %scan3A_348 : i32 to index
      %get3A_436 = arith.index_cast %get3A_434 : i32 to index
      %get3A_437 = arith.index_cast %min3A_381 : i32 to index
      %get3A_438 = tpu.vector_load %arg9[%get3A_435, %get3A_436, %get3A_437] {strides = array<i32>} : memref<8x2x2000xf32, #tpu.memory_space<vmem>>, vector<16xf32>,
      %add3A_439 = vector.broadcast %add3A_350 : i32 to vector<16xi32>
      %add3A_440 = arith.addi %broadcast_in_dim3A_3, %add3A_439 : vector<16xi32>
      %eq3A_441 = vector.broadcast %sub3A_382 : i32 to vector<16xi32>
      %eq3A_442 = arith.cmpi eq, %iota3A, %eq3A_441 : vector<16xi32>
      tpu.vector_store_idx %arg17[%add3A_440], %get3A_438 masked %eq3A_442 : memref<48xf32, #tpu.memory_space<vmem>>[vector<16xi32>], vector<16xf32>, vector<16xi1>
    }
    %scan3A_329 = arith.constant 8 : i32
    %add3A_330 = arith.constant 32 : i32
    %add3A_331 = arith.addi %mul3A_2, %add3A_330 : i32
    "tpu.region"() ({
      %run_scoped3A = tpu.sem_alloc : memref<!tpu.dma_semaphore, #tpu.memory_space<semaphore_mem>>
      %dma_start3A = arith.constant 1 : i32
      %dma_start3A_348 = arith.constant 0 : i32
      %dma_start3A_349 = tpu.memref_slice %arg3[%dma_start3A, %add3A_331, %dma_start3A_348] : memref<5x5000x2000xf32, #tpu.memory_space<hbm>> -> memref<4x8x2000xf32, #tpu.memory_space<hbm>>
      %dma_start3A_350 = arith.constant 1 : i32
      %dma_start3A_351 = arith.constant 0 : i32
      %dma_start3A_352 = tpu.memref_slice %arg3[%dma_start3A_350, %add3A_331, %dma_start3A_351] : memref<5x5000x2000xf32, #tpu.memory_space<hbm>> -> memref<4x8x2000xf32, #tpu.memory_space<hbm>>
      tpu.enqueue_dma source(%dma_start3A_352 : memref<4x8x2000xf32, #tpu.memory_space<hbm>>) target(%arg8 : memref<4x8x2000xf32, #tpu.memory_space<vmem>>) target_semaphore(%run_scoped3A : memref<!tpu.dma_semaphore, #tpu.memory_space<semaphore_mem>>)
      %dma_wait3A = arith.constant 1 : i32
      %dma_wait3A_353 = arith.constant 0 : i32
      %dma_wait3A_354 = tpu.memref_slice %arg3[%dma_wait3A, %add3A_331, %dma_wait3A_353] : memref<5x5000x2000xf32, #tpu.memory_space<hbm>> -> memref<4x8x2000xf32, #tpu.memory_space<hbm>>
      %dma_wait3A_355 = arith.constant 1 : i32
      %dma_wait3A_356 = arith.constant 0 : i32
      %dma_wait3A_357 = tpu.memref_slice %arg3[%dma_wait3A_355, %add3A_331, %dma_wait3A_356] : memref<5x5000x2000xf32, #tpu.memory_space<hbm>> -> memref<4x8x2000xf32, #tpu.memory_space<hbm>>
      tpu.wait_dma2 semaphore(%run_scoped3A : memref<!tpu.dma_semaphore, #tpu.memory_space<semaphore_mem>>) src(%dma_wait3A_357 : memref<4x8x2000xf32, #tpu.memory_space<hbm>>) dst(%arg8 : memref<4x8x2000xf32, #tpu.memory_space<vmem>>)
      tpu.yield
    }) : () -> ()
    "tpu.region"() ({
      %run_scoped3A = tpu.sem_alloc : memref<!tpu.dma_semaphore, #tpu.memory_space<semaphore_mem>>
      %dma_start3A = arith.constant 0 : i32
      %dma_start3A_348 = arith.constant 0 : i32
      %dma_start3A_349 = tpu.memref_slice %arg4[%add3A_331, %dma_start3A, %dma_start3A_348] : memref<5000x2x2000xf32, #tpu.memory_space<hbm>> -> memref<8x2x2000xf32, #tpu.memory_space<hbm>>
      %dma_start3A_350 = arith.constant 0 : i32
      %dma_start3A_351 = arith.constant 0 : i32
      %dma_start3A_352 = tpu.memref_slice %arg4[%add3A_331, %dma_start3A_350, %dma_start3A_351] : memref<5000x2x2000xf32, #tpu.memory_space<hbm>> -> memref<8x2x2000xf32, #tpu.memory_space<hbm>>
      tpu.enqueue_dma source(%dma_start3A_352 : memref<8x2x2000xf32, #tpu.memory_space<hbm>>) target(%arg9 : memref<8x2x2000xf32, #tpu.memory_space<vmem>>) target_semaphore(%run_scoped3A : memref<!tpu.dma_semaphore, #tpu.memory_space<semaphore_mem>>)
      %dma_wait3A = arith.constant 0 : i32
      %dma_wait3A_353 = arith.constant 0 : i32
      %dma_wait3A_354 = tpu.memref_slice %arg4[%add3A_331, %dma_wait3A, %dma_wait3A_353] : memref<5000x2x2000xf32, #tpu.memory_space<hbm>> -> memref<8x2x2000xf32, #tpu.memory_space<hbm>>
      %dma_wait3A_355 = arith.constant 0 : i32
      %dma_wait3A_356 = arith.constant 0 : i32
      %dma_wait3A_357 = tpu.memref_slice %arg4[%add3A_331, %dma_wait3A_355, %dma_wait3A_356] : memref<5000x2x2000xf32, #tpu.memory_space<hbm>> -> memref<8x2x2000xf32, #tpu.memory_space<hbm>>
      tpu.wait_dma2 semaphore(%run_scoped3A : memref<!tpu.dma_semaphore, #tpu.memory_space<semaphore_mem>>) src(%dma_wait3A_357 : memref<8x2x2000xf32, #tpu.memory_space<hbm>>) dst(%arg9 : memref<8x2x2000xf32, #tpu.memory_space<vmem>>)
      tpu.yield
    }) : () -> ()
    %scan3A_332 = arith.constant 0 : i32
    %scan3A_333 = arith.constant 0 : i32
    %scan3A_334 = arith.constant 8 : i32
    %scan3A_335 = arith.addi %scan3A_333, %scan3A_334 : i32
    %scan3A_336 = arith.constant 1 : i32
    scf.for %scan3A_348 = %scan3A_333 to %scan3A_335 step %scan3A_336  : i32 {
      %add3A_349 = arith.constant 32 : i32
      %add3A_350 = arith.addi %scan3A_348, %add3A_349 : i32
      %add3A_351 = vector.broadcast %add3A_350 : i32 to vector<16xi32>
      %add3A_352 = arith.addi %broadcast_in_dim3A_3, %add3A_351 : vector<16xi32>
      %gather3A_353 = tpu.vector_load_idx %arg10[%add3A_352] : memref<48xf32, #tpu.memory_space<vmem>>[vector<16xi32>], vector<16xf32>,
      %gather3A_354 = tpu.vector_load_idx %arg11[%add3A_352] : memref<48xf32, #tpu.memory_space<vmem>>[vector<16xi32>], vector<16xf32>,
      %gather3A_355 = tpu.vector_load_idx %arg12[%add3A_352] : memref<48xf32, #tpu.memory_space<vmem>>[vector<16xi32>], vector<16xf32>,
      %gather3A_356 = tpu.vector_load_idx %arg13[%add3A_352] : memref<48xf32, #tpu.memory_space<vmem>>[vector<16xi32>], vector<16xf32>,
      %gather3A_357 = tpu.vector_load_idx %arg14[%add3A_352] : memref<48xf32, #tpu.memory_space<vmem>>[vector<16xi32>], vector<16xf32>,
      %gather3A_358 = tpu.vector_load_idx %arg15[%add3A_352] : memref<48xf32, #tpu.memory_space<vmem>>[vector<16xi32>], vector<16xf32>,
      %broadcast_in_dim3A_359 = arith.constant 0xFF800000 : f32
      %broadcast_in_dim3A_360 = vector.broadcast %broadcast_in_dim3A_359 : f32 to vector<16xf32>
      %broadcast_in_dim3A_361 = arith.constant 0 : i32
      %broadcast_in_dim3A_362 = vector.broadcast %broadcast_in_dim3A_361 : i32 to vector<16xi32>
      %scan3A_363 = arith.constant 0 : i32
      %scan3A_364 = arith.constant 125 : i32
      %scan3A_365 = arith.addi %scan3A_363, %scan3A_364 : i32
      %scan3A_366 = arith.constant 1 : i32
      %scan3A_367:2 = scf.for %scan3A_443 = %scan3A_363 to %scan3A_365 step %scan3A_366 iter_args(%scan3A_444 = %broadcast_in_dim3A_360, %scan3A_445 = %broadcast_in_dim3A_362) -> (vector<16xf32>, vector<16xi32>)  : i32 {
        %mul3A_446 = arith.constant 16 : i32
        %mul3A_447 = arith.muli %scan3A_443, %mul3A_446 : i32
        %get3A_448 = arith.constant 0 : i32
        %get3A_449 = arith.index_cast %get3A_448 : i32 to index
        %get3A_450 = arith.index_cast %scan3A_348 : i32 to index
        %get3A_451 = arith.index_cast %mul3A_447 : i32 to index
        %get3A_452 = tpu.vector_load %arg8[%get3A_449, %get3A_450, %get3A_451] {strides = array<i32>} : memref<4x8x2000xf32, #tpu.memory_space<vmem>>, vector<16xf32>,
        %get3A_453 = arith.constant 1 : i32
        %get3A_454 = arith.index_cast %get3A_453 : i32 to index
        %get3A_455 = arith.index_cast %scan3A_348 : i32 to index
        %get3A_456 = arith.index_cast %mul3A_447 : i32 to index
        %get3A_457 = tpu.vector_load %arg8[%get3A_454, %get3A_455, %get3A_456] {strides = array<i32>} : memref<4x8x2000xf32, #tpu.memory_space<vmem>>, vector<16xf32>,
        %get3A_458 = arith.constant 2 : i32
        %get3A_459 = arith.index_cast %get3A_458 : i32 to index
        %get3A_460 = arith.index_cast %scan3A_348 : i32 to index
        %get3A_461 = arith.index_cast %mul3A_447 : i32 to index
        %get3A_462 = tpu.vector_load %arg8[%get3A_459, %get3A_460, %get3A_461] {strides = array<i32>} : memref<4x8x2000xf32, #tpu.memory_space<vmem>>, vector<16xf32>,
        %get3A_463 = arith.constant 3 : i32
        %get3A_464 = arith.index_cast %get3A_463 : i32 to index
        %get3A_465 = arith.index_cast %scan3A_348 : i32 to index
        %get3A_466 = arith.index_cast %mul3A_447 : i32 to index
        %get3A_467 = tpu.vector_load %arg8[%get3A_464, %get3A_465, %get3A_466] {strides = array<i32>} : memref<4x8x2000xf32, #tpu.memory_space<vmem>>, vector<16xf32>,
        %get3A_468 = arith.constant 1 : i32
        %get3A_469 = arith.index_cast %scan3A_348 : i32 to index
        %get3A_470 = arith.index_cast %get3A_468 : i32 to index
        %get3A_471 = arith.index_cast %mul3A_447 : i32 to index
        %get3A_472 = tpu.vector_load %arg9[%get3A_469, %get3A_470, %get3A_471] {strides = array<i32>} : memref<8x2x2000xf32, #tpu.memory_space<vmem>>, vector<16xf32>,
        %add3A_473 = arith.addf %get3A_452, %get3A_462 : vector<16xf32>
        %mul3A_474 = arith.constant 5.000000e-01 : f32
        %mul3A_475 = vector.broadcast %mul3A_474 : f32 to vector<16xf32>
        %mul3A_476 = arith.mulf %add3A_473, %mul3A_475 : vector<16xf32>
        %add3A_477 = arith.addf %get3A_457, %get3A_467 : vector<16xf32>
        %mul3A_478 = arith.constant 5.000000e-01 : f32
        %mul3A_479 = vector.broadcast %mul3A_478 : f32 to vector<16xf32>
        %mul3A_480 = arith.mulf %add3A_477, %mul3A_479 : vector<16xf32>
        %sub3A_481 = arith.subf %get3A_452, %get3A_462 : vector<16xf32>
        %abs3A_482 = math.absf %sub3A_481 : vector<16xf32>
        %add3A_483 = arith.constant 9.99999974E-5 : f32
        %add3A_484 = vector.broadcast %add3A_483 : f32 to vector<16xf32>
        %add3A_485 = arith.addf %abs3A_482, %add3A_484 : vector<16xf32>
        %sub3A_486 = arith.subf %get3A_457, %get3A_467 : vector<16xf32>
        %abs3A_487 = math.absf %sub3A_486 : vector<16xf32>
        %add3A_488 = arith.constant 9.99999974E-5 : f32
        %add3A_489 = vector.broadcast %add3A_488 : f32 to vector<16xf32>
        %add3A_490 = arith.addf %abs3A_487, %add3A_489 : vector<16xf32>
        %add3A_491 = arith.addf %add3A_485, %add3A_490 : vector<16xf32>
        %mul3A_492 = arith.constant 5.000000e-01 : f32
        %mul3A_493 = vector.broadcast %mul3A_492 : f32 to vector<16xf32>
        %mul3A_494 = arith.mulf %add3A_491, %mul3A_493 : vector<16xf32>
        %add3A_495 = arith.addf %add3A_485, %mul3A_494 : vector<16xf32>
        %add3A_496 = arith.addf %add3A_490, %mul3A_494 : vector<16xf32>
        %mul3A_497 = arith.mulf %add3A_495, %add3A_496 : vector<16xf32>
        %bitcast_convert_type3A_498 = tpu.bitcast %mul3A_497 : vector<16xf32> -> vector<16xi32>
        %shift_right_arithmetic3A_499 = arith.constant 1 : i32
        %shift_right_arithmetic3A_500 = vector.broadcast %shift_right_arithmetic3A_499 : i32 to vector<16xi32>
        %shift_right_arithmetic3A_501 = arith.shrsi %bitcast_convert_type3A_498, %shift_right_arithmetic3A_500 : vector<16xi32>
        %sub3A_502 = arith.constant 1597463007 : i32
        %sub3A_503 = vector.broadcast %sub3A_502 : i32 to vector<16xi32>
        %sub3A_504 = arith.subi %sub3A_503, %shift_right_arithmetic3A_501 : vector<16xi32>
        %bitcast_convert_type3A_505 = tpu.bitcast %sub3A_504 : vector<16xi32> -> vector<16xf32>
        %mul3A_506 = arith.constant 5.000000e-01 : f32
        %mul3A_507 = vector.broadcast %mul3A_506 : f32 to vector<16xf32>
        %mul3A_508 = arith.mulf %mul3A_507, %mul3A_497 : vector<16xf32>
        %mul3A_509 = arith.mulf %mul3A_508, %bitcast_convert_type3A_505 : vector<16xf32>
        %mul3A_510 = arith.mulf %mul3A_509, %bitcast_convert_type3A_505 : vector<16xf32>
        %sub3A_511 = arith.constant 1.500000e+00 : f32
        %sub3A_512 = vector.broadcast %sub3A_511 : f32 to vector<16xf32>
        %sub3A_513 = arith.subf %sub3A_512, %mul3A_510 : vector<16xf32>
        %mul3A_514 = arith.mulf %bitcast_convert_type3A_505, %sub3A_513 : vector<16xf32>
        %mul3A_515 = arith.constant 5.000000e-01 : f32
        %mul3A_516 = vector.broadcast %mul3A_515 : f32 to vector<16xf32>
        %mul3A_517 = arith.mulf %mul3A_516, %mul3A_497 : vector<16xf32>
        %mul3A_518 = arith.mulf %mul3A_517, %mul3A_514 : vector<16xf32>
        %mul3A_519 = arith.mulf %mul3A_518, %mul3A_514 : vector<16xf32>
        %sub3A_520 = arith.constant 1.500000e+00 : f32
        %sub3A_521 = vector.broadcast %sub3A_520 : f32 to vector<16xf32>
        %sub3A_522 = arith.subf %sub3A_521, %mul3A_519 : vector<16xf32>
        %mul3A_523 = arith.mulf %mul3A_514, %sub3A_522 : vector<16xf32>
        %mul3A_524 = arith.constant 5.000000e-01 : f32
        %mul3A_525 = vector.broadcast %mul3A_524 : f32 to vector<16xf32>
        %mul3A_526 = arith.mulf %mul3A_525, %mul3A_497 : vector<16xf32>
        %mul3A_527 = arith.mulf %mul3A_526, %mul3A_523 : vector<16xf32>
        %mul3A_528 = arith.mulf %mul3A_527, %mul3A_523 : vector<16xf32>
        %sub3A_529 = arith.constant 1.500000e+00 : f32
        %sub3A_530 = vector.broadcast %sub3A_529 : f32 to vector<16xf32>
        %sub3A_531 = arith.subf %sub3A_530, %mul3A_528 : vector<16xf32>
        %mul3A_532 = arith.mulf %mul3A_523, %sub3A_531 : vector<16xf32>
        %mul3A_533 = arith.mulf %gather3A_355, %mul3A_532 : vector<16xf32>
        %mul3A_534 = arith.mulf %mul3A_497, %mul3A_532 : vector<16xf32>
        %mul3A_535 = arith.mulf %mul3A_534, %gather3A_356 : vector<16xf32>
        %max3A_536 = arith.maximumf %mul3A_533, %mul3A_535 : vector<16xf32>
        %mul3A_537 = arith.mulf %gather3A_357, %max3A_536 : vector<16xf32>
        %add3A_538 = arith.constant 5.500000e-02 : f32
        %add3A_539 = vector.broadcast %add3A_538 : f32 to vector<16xf32>
        %add3A_540 = arith.addf %mul3A_537, %add3A_539 : vector<16xf32>
        %exp3A = math.exp %add3A_540 : vector<16xf32>
        %sub3A_541 = arith.subf %gather3A_353, %mul3A_476 : vector<16xf32>
        %sub3A_542 = arith.subf %gather3A_354, %mul3A_480 : vector<16xf32>
        %mul3A_543 = arith.mulf %sub3A_541, %sub3A_541 : vector<16xf32>
        %mul3A_544 = arith.mulf %sub3A_542, %sub3A_542 : vector<16xf32>
        %add3A_545 = arith.addf %mul3A_543, %mul3A_544 : vector<16xf32>
        %mul3A_546 = arith.mulf %add3A_545, %gather3A_358 : vector<16xf32>
        %broadcast_in_dim3A_547 = arith.constant 4.26837869E-6 : f32
        %broadcast_in_dim3A_548 = vector.broadcast %broadcast_in_dim3A_547 : f32 to vector<16xf32>
        %mul3A_549 = arith.mulf %broadcast_in_dim3A_548, %mul3A_546 : vector<16xf32>
        %add3A_550 = arith.constant -1.04598148E-4 : f32
        %add3A_551 = vector.broadcast %add3A_550 : f32 to vector<16xf32>
        %add3A_552 = arith.addf %mul3A_549, %add3A_551 : vector<16xf32>
        %mul3A_553 = arith.mulf %add3A_552, %mul3A_546 : vector<16xf32>
        %add3A_554 = arith.constant 0.00192954647 : f32
        %add3A_555 = vector.broadcast %add3A_554 : f32 to vector<16xf32>
        %add3A_556 = arith.addf %mul3A_553, %add3A_555 : vector<16xf32>
        %mul3A_557 = arith.mulf %add3A_556, %mul3A_546 : vector<16xf32>
        %add3A_558 = arith.constant -0.0258068796 : f32
        %add3A_559 = vector.broadcast %add3A_558 : f32 to vector<16xf32>
        %add3A_560 = arith.addf %mul3A_557, %add3A_559 : vector<16xf32>
        %mul3A_561 = arith.mulf %add3A_560, %mul3A_546 : vector<16xf32>
        %add3A_562 = arith.constant 0.235330626 : f32
        %add3A_563 = vector.broadcast %add3A_562 : f32 to vector<16xf32>
        %add3A_564 = arith.addf %mul3A_561, %add3A_563 : vector<16xf32>
        %mul3A_565 = arith.mulf %add3A_564, %mul3A_546 : vector<16xf32>
        %add3A_566 = arith.constant -1.33526278 : f32
        %add3A_567 = vector.broadcast %add3A_566 : f32 to vector<16xf32>
        %add3A_568 = arith.addf %mul3A_565, %add3A_567 : vector<16xf32>
        %mul3A_569 = arith.mulf %add3A_568, %mul3A_546 : vector<16xf32>
        %add3A_570 = arith.constant 4.05871201 : f32
        %add3A_571 = vector.broadcast %add3A_570 : f32 to vector<16xf32>
        %add3A_572 = arith.addf %mul3A_569, %add3A_571 : vector<16xf32>
        %mul3A_573 = arith.mulf %add3A_572, %mul3A_546 : vector<16xf32>
        %add3A_574 = arith.constant -4.93480206 : f32
        %add3A_575 = vector.broadcast %add3A_574 : f32 to vector<16xf32>
        %add3A_576 = arith.addf %mul3A_573, %add3A_575 : vector<16xf32>
        %mul3A_577 = arith.mulf %add3A_576, %mul3A_546 : vector<16xf32>
        %add3A_578 = arith.constant 1.000000e+00 : f32
        %add3A_579 = vector.broadcast %add3A_578 : f32 to vector<16xf32>
        %add3A_580 = arith.addf %mul3A_577, %add3A_579 : vector<16xf32>
        %mul3A_581 = arith.constant 2.100000e-01 : f32
        %mul3A_582 = vector.broadcast %mul3A_581 : f32 to vector<16xf32>
        %mul3A_583 = arith.mulf %mul3A_582, %add3A_580 : vector<16xf32>
        %add3A_584 = arith.constant 2.100000e-01 : f32
        %add3A_585 = vector.broadcast %add3A_584 : f32 to vector<16xf32>
        %add3A_586 = arith.addf %mul3A_583, %add3A_585 : vector<16xf32>
        %gt3A = arith.constant 1.000000e+00 : f32
        %gt3A_587 = vector.broadcast %gt3A : f32 to vector<16xf32>
        %gt3A_588 = arith.cmpf ogt, %mul3A_546, %gt3A_587 : vector<16xf32>
        %jit3A_589 = arith.constant 0.000000e+00 : f32
        %broadcast_in_dim3A_590 = vector.broadcast %jit3A_589 : f32 to vector<16xf32>
        %select_n3A_591 = arith.select %gt3A_588, %broadcast_in_dim3A_590, %add3A_586 : vector<16xi1>, vector<16xf32>
        %mul3A_592 = arith.mulf %get3A_472, %exp3A : vector<16xf32>
        %add3A_593 = arith.addf %mul3A_592, %select_n3A_591 : vector<16xf32>
        %mul3A_594 = arith.constant 16 : i32
        %mul3A_595 = arith.muli %scan3A_443, %mul3A_594 : i32
        %add3A_596 = vector.broadcast %mul3A_595 : i32 to vector<16xi32>
        %add3A_597 = arith.addi %iota3A, %add3A_596 : vector<16xi32>
        %gt3A_598 = arith.cmpf ogt, %add3A_593, %scan3A_444 : vector<16xf32>
        %select_n3A_599 = arith.select %gt3A_598, %add3A_593, %scan3A_444 : vector<16xi1>, vector<16xf32>
        %select_n3A_600 = arith.select %gt3A_598, %add3A_597, %scan3A_445 : vector<16xi1>, vector<16xi32>
        scf.yield %select_n3A_599, %select_n3A_600 : vector<16xf32>, vector<16xi32>
      }
      %scan3A_368 = arith.constant 125 : i32
      %reduce_max3A = arith.constant true
      %reduce_max3A_369 = vector.broadcast %reduce_max3A : i1 to vector<16xi1>
      %reduce_max3A_370 = tpu.scan <max>, %scan3A_367#0 masked %reduce_max3A_369 : vector<16xf32>, vector<16xi1> -> vector<16xf32>
      %reduce_max3A_371 = vector.extract %reduce_max3A_370[15] : f32 from vector<16xf32>
      %eq3A = vector.broadcast %reduce_max3A_371 : f32 to vector<16xf32>
      %eq3A_372 = arith.cmpf oeq, %scan3A_367#0, %eq3A : vector<16xf32>
      %jit3A = arith.constant 1073741824 : i32
      %broadcast_in_dim3A_373 = vector.broadcast %jit3A : i32 to vector<16xi32>
      %select_n3A = arith.select %eq3A_372, %scan3A_367#1, %broadcast_in_dim3A_373 : vector<16xi1>, vector<16xi32>
      %reduce_min3A = arith.constant true
      %reduce_min3A_374 = vector.broadcast %reduce_min3A : i1 to vector<16xi1>
      %reduce_min3A_375 = arith.constant -2147483648 : i32
      %reduce_min3A_376 = vector.broadcast %reduce_min3A_375 : i32 to vector<16xi32>
      %reduce_min3A_377 = arith.xori %select_n3A, %reduce_min3A_376 : vector<16xi32>
      %reduce_min3A_378 = tpu.scan <min>, %reduce_min3A_377 masked %reduce_min3A_374 : vector<16xi32>, vector<16xi1> -> vector<16xi32>
      %reduce_min3A_379 = arith.xori %reduce_min3A_378, %reduce_min3A_376 : vector<16xi32>
      %reduce_min3A_380 = vector.extract %reduce_min3A_379[15] : i32 from vector<16xi32>
      %min3A = arith.constant 1984 : i32
      %min3A_381 = arith.minsi %reduce_min3A_380, %min3A : i32
      %sub3A_382 = arith.subi %reduce_min3A_380, %min3A_381 : i32
      %get3A = arith.constant 0 : i32
      %get3A_383 = arith.index_cast %get3A : i32 to index
      %get3A_384 = arith.index_cast %scan3A_348 : i32 to index
      %get3A_385 = arith.index_cast %min3A_381 : i32 to index
      %get3A_386 = tpu.vector_load %arg8[%get3A_383, %get3A_384, %get3A_385] {strides = array<i32>} : memref<4x8x2000xf32, #tpu.memory_space<vmem>>, vector<16xf32>,
      %mul3A_387 = arith.constant 4 : i32
      %mul3A_388 = arith.muli %add3A_350, %mul3A_387 : i32
      %add3A_389 = arith.constant 0 : i32
      %add3A_390 = arith.addi %mul3A_388, %add3A_389 : i32
      %add3A_391 = vector.broadcast %add3A_390 : i32 to vector<16xi32>
      %add3A_392 = arith.addi %broadcast_in_dim3A_3, %add3A_391 : vector<16xi32>
      %eq3A_393 = vector.broadcast %sub3A_382 : i32 to vector<16xi32>
      %eq3A_394 = arith.cmpi eq, %iota3A, %eq3A_393 : vector<16xi32>
      tpu.vector_store_idx %arg16[%add3A_392], %get3A_386 masked %eq3A_394 : memref<192xf32, #tpu.memory_space<vmem>>[vector<16xi32>], vector<16xf32>, vector<16xi1>
      %get3A_395 = arith.constant 1 : i32
      %get3A_396 = arith.index_cast %get3A_395 : i32 to index
      %get3A_397 = arith.index_cast %scan3A_348 : i32 to index
      %get3A_398 = arith.index_cast %min3A_381 : i32 to index
      %get3A_399 = tpu.vector_load %arg8[%get3A_396, %get3A_397, %get3A_398] {strides = array<i32>} : memref<4x8x2000xf32, #tpu.memory_space<vmem>>, vector<16xf32>,
      %mul3A_400 = arith.constant 4 : i32
      %mul3A_401 = arith.muli %add3A_350, %mul3A_400 : i32
      %add3A_402 = arith.constant 1 : i32
      %add3A_403 = arith.addi %mul3A_401, %add3A_402 : i32
      %add3A_404 = vector.broadcast %add3A_403 : i32 to vector<16xi32>
      %add3A_405 = arith.addi %broadcast_in_dim3A_3, %add3A_404 : vector<16xi32>
      %eq3A_406 = vector.broadcast %sub3A_382 : i32 to vector<16xi32>
      %eq3A_407 = arith.cmpi eq, %iota3A, %eq3A_406 : vector<16xi32>
      tpu.vector_store_idx %arg16[%add3A_405], %get3A_399 masked %eq3A_407 : memref<192xf32, #tpu.memory_space<vmem>>[vector<16xi32>], vector<16xf32>, vector<16xi1>
      %get3A_408 = arith.constant 2 : i32
      %get3A_409 = arith.index_cast %get3A_408 : i32 to index
      %get3A_410 = arith.index_cast %scan3A_348 : i32 to index
      %get3A_411 = arith.index_cast %min3A_381 : i32 to index
      %get3A_412 = tpu.vector_load %arg8[%get3A_409, %get3A_410, %get3A_411] {strides = array<i32>} : memref<4x8x2000xf32, #tpu.memory_space<vmem>>, vector<16xf32>,
      %mul3A_413 = arith.constant 4 : i32
      %mul3A_414 = arith.muli %add3A_350, %mul3A_413 : i32
      %add3A_415 = arith.constant 2 : i32
      %add3A_416 = arith.addi %mul3A_414, %add3A_415 : i32
      %add3A_417 = vector.broadcast %add3A_416 : i32 to vector<16xi32>
      %add3A_418 = arith.addi %broadcast_in_dim3A_3, %add3A_417 : vector<16xi32>
      %eq3A_419 = vector.broadcast %sub3A_382 : i32 to vector<16xi32>
      %eq3A_420 = arith.cmpi eq, %iota3A, %eq3A_419 : vector<16xi32>
      tpu.vector_store_idx %arg16[%add3A_418], %get3A_412 masked %eq3A_420 : memref<192xf32, #tpu.memory_space<vmem>>[vector<16xi32>], vector<16xf32>, vector<16xi1>
      %get3A_421 = arith.constant 3 : i32
      %get3A_422 = arith.index_cast %get3A_421 : i32 to index
      %get3A_423 = arith.index_cast %scan3A_348 : i32 to index
      %get3A_424 = arith.index_cast %min3A_381 : i32 to index
      %get3A_425 = tpu.vector_load %arg8[%get3A_422, %get3A_423, %get3A_424] {strides = array<i32>} : memref<4x8x2000xf32, #tpu.memory_space<vmem>>, vector<16xf32>,
      %mul3A_426 = arith.constant 4 : i32
      %mul3A_427 = arith.muli %add3A_350, %mul3A_426 : i32
      %add3A_428 = arith.constant 3 : i32
      %add3A_429 = arith.addi %mul3A_427, %add3A_428 : i32
      %add3A_430 = vector.broadcast %add3A_429 : i32 to vector<16xi32>
      %add3A_431 = arith.addi %broadcast_in_dim3A_3, %add3A_430 : vector<16xi32>
      %eq3A_432 = vector.broadcast %sub3A_382 : i32 to vector<16xi32>
      %eq3A_433 = arith.cmpi eq, %iota3A, %eq3A_432 : vector<16xi32>
      tpu.vector_store_idx %arg16[%add3A_431], %get3A_425 masked %eq3A_433 : memref<192xf32, #tpu.memory_space<vmem>>[vector<16xi32>], vector<16xf32>, vector<16xi1>
      %get3A_434 = arith.constant 1 : i32
      %get3A_435 = arith.index_cast %scan3A_348 : i32 to index
      %get3A_436 = arith.index_cast %get3A_434 : i32 to index
      %get3A_437 = arith.index_cast %min3A_381 : i32 to index
      %get3A_438 = tpu.vector_load %arg9[%get3A_435, %get3A_436, %get3A_437] {strides = array<i32>} : memref<8x2x2000xf32, #tpu.memory_space<vmem>>, vector<16xf32>,
      %add3A_439 = vector.broadcast %add3A_350 : i32 to vector<16xi32>
      %add3A_440 = arith.addi %broadcast_in_dim3A_3, %add3A_439 : vector<16xi32>
      %eq3A_441 = vector.broadcast %sub3A_382 : i32 to vector<16xi32>
      %eq3A_442 = arith.cmpi eq, %iota3A, %eq3A_441 : vector<16xi32>
      tpu.vector_store_idx %arg17[%add3A_440], %get3A_438 masked %eq3A_442 : memref<48xf32, #tpu.memory_space<vmem>>[vector<16xi32>], vector<16xf32>, vector<16xi1>
    }
    %scan3A_337 = arith.constant 8 : i32
    %add3A_338 = arith.constant 40 : i32
    %add3A_339 = arith.addi %mul3A_2, %add3A_338 : i32
    "tpu.region"() ({
      %run_scoped3A = tpu.sem_alloc : memref<!tpu.dma_semaphore, #tpu.memory_space<semaphore_mem>>
      %dma_start3A = arith.constant 1 : i32
      %dma_start3A_348 = arith.constant 0 : i32
      %dma_start3A_349 = tpu.memref_slice %arg3[%dma_start3A, %add3A_339, %dma_start3A_348] : memref<5x5000x2000xf32, #tpu.memory_space<hbm>> -> memref<4x8x2000xf32, #tpu.memory_space<hbm>>
      %dma_start3A_350 = arith.constant 1 : i32
      %dma_start3A_351 = arith.constant 0 : i32
      %dma_start3A_352 = tpu.memref_slice %arg3[%dma_start3A_350, %add3A_339, %dma_start3A_351] : memref<5x5000x2000xf32, #tpu.memory_space<hbm>> -> memref<4x8x2000xf32, #tpu.memory_space<hbm>>
      tpu.enqueue_dma source(%dma_start3A_352 : memref<4x8x2000xf32, #tpu.memory_space<hbm>>) target(%arg8 : memref<4x8x2000xf32, #tpu.memory_space<vmem>>) target_semaphore(%run_scoped3A : memref<!tpu.dma_semaphore, #tpu.memory_space<semaphore_mem>>)
      %dma_wait3A = arith.constant 1 : i32
      %dma_wait3A_353 = arith.constant 0 : i32
      %dma_wait3A_354 = tpu.memref_slice %arg3[%dma_wait3A, %add3A_339, %dma_wait3A_353] : memref<5x5000x2000xf32, #tpu.memory_space<hbm>> -> memref<4x8x2000xf32, #tpu.memory_space<hbm>>
      %dma_wait3A_355 = arith.constant 1 : i32
      %dma_wait3A_356 = arith.constant 0 : i32
      %dma_wait3A_357 = tpu.memref_slice %arg3[%dma_wait3A_355, %add3A_339, %dma_wait3A_356] : memref<5x5000x2000xf32, #tpu.memory_space<hbm>> -> memref<4x8x2000xf32, #tpu.memory_space<hbm>>
      tpu.wait_dma2 semaphore(%run_scoped3A : memref<!tpu.dma_semaphore, #tpu.memory_space<semaphore_mem>>) src(%dma_wait3A_357 : memref<4x8x2000xf32, #tpu.memory_space<hbm>>) dst(%arg8 : memref<4x8x2000xf32, #tpu.memory_space<vmem>>)
      tpu.yield
    }) : () -> ()
    "tpu.region"() ({
      %run_scoped3A = tpu.sem_alloc : memref<!tpu.dma_semaphore, #tpu.memory_space<semaphore_mem>>
      %dma_start3A = arith.constant 0 : i32
      %dma_start3A_348 = arith.constant 0 : i32
      %dma_start3A_349 = tpu.memref_slice %arg4[%add3A_339, %dma_start3A, %dma_start3A_348] : memref<5000x2x2000xf32, #tpu.memory_space<hbm>> -> memref<8x2x2000xf32, #tpu.memory_space<hbm>>
      %dma_start3A_350 = arith.constant 0 : i32
      %dma_start3A_351 = arith.constant 0 : i32
      %dma_start3A_352 = tpu.memref_slice %arg4[%add3A_339, %dma_start3A_350, %dma_start3A_351] : memref<5000x2x2000xf32, #tpu.memory_space<hbm>> -> memref<8x2x2000xf32, #tpu.memory_space<hbm>>
      tpu.enqueue_dma source(%dma_start3A_352 : memref<8x2x2000xf32, #tpu.memory_space<hbm>>) target(%arg9 : memref<8x2x2000xf32, #tpu.memory_space<vmem>>) target_semaphore(%run_scoped3A : memref<!tpu.dma_semaphore, #tpu.memory_space<semaphore_mem>>)
      %dma_wait3A = arith.constant 0 : i32
      %dma_wait3A_353 = arith.constant 0 : i32
      %dma_wait3A_354 = tpu.memref_slice %arg4[%add3A_339, %dma_wait3A, %dma_wait3A_353] : memref<5000x2x2000xf32, #tpu.memory_space<hbm>> -> memref<8x2x2000xf32, #tpu.memory_space<hbm>>
      %dma_wait3A_355 = arith.constant 0 : i32
      %dma_wait3A_356 = arith.constant 0 : i32
      %dma_wait3A_357 = tpu.memref_slice %arg4[%add3A_339, %dma_wait3A_355, %dma_wait3A_356] : memref<5000x2x2000xf32, #tpu.memory_space<hbm>> -> memref<8x2x2000xf32, #tpu.memory_space<hbm>>
      tpu.wait_dma2 semaphore(%run_scoped3A : memref<!tpu.dma_semaphore, #tpu.memory_space<semaphore_mem>>) src(%dma_wait3A_357 : memref<8x2x2000xf32, #tpu.memory_space<hbm>>) dst(%arg9 : memref<8x2x2000xf32, #tpu.memory_space<vmem>>)
      tpu.yield
    }) : () -> ()
    %scan3A_340 = arith.constant 0 : i32
    %scan3A_341 = arith.constant 0 : i32
    %scan3A_342 = arith.constant 8 : i32
    %scan3A_343 = arith.addi %scan3A_341, %scan3A_342 : i32
    %scan3A_344 = arith.constant 1 : i32
    scf.for %scan3A_348 = %scan3A_341 to %scan3A_343 step %scan3A_344  : i32 {
      %add3A_349 = arith.constant 40 : i32
      %add3A_350 = arith.addi %scan3A_348, %add3A_349 : i32
      %add3A_351 = vector.broadcast %add3A_350 : i32 to vector<16xi32>
      %add3A_352 = arith.addi %broadcast_in_dim3A_3, %add3A_351 : vector<16xi32>
      %gather3A_353 = tpu.vector_load_idx %arg10[%add3A_352] : memref<48xf32, #tpu.memory_space<vmem>>[vector<16xi32>], vector<16xf32>,
      %gather3A_354 = tpu.vector_load_idx %arg11[%add3A_352] : memref<48xf32, #tpu.memory_space<vmem>>[vector<16xi32>], vector<16xf32>,
      %gather3A_355 = tpu.vector_load_idx %arg12[%add3A_352] : memref<48xf32, #tpu.memory_space<vmem>>[vector<16xi32>], vector<16xf32>,
      %gather3A_356 = tpu.vector_load_idx %arg13[%add3A_352] : memref<48xf32, #tpu.memory_space<vmem>>[vector<16xi32>], vector<16xf32>,
      %gather3A_357 = tpu.vector_load_idx %arg14[%add3A_352] : memref<48xf32, #tpu.memory_space<vmem>>[vector<16xi32>], vector<16xf32>,
      %gather3A_358 = tpu.vector_load_idx %arg15[%add3A_352] : memref<48xf32, #tpu.memory_space<vmem>>[vector<16xi32>], vector<16xf32>,
      %broadcast_in_dim3A_359 = arith.constant 0xFF800000 : f32
      %broadcast_in_dim3A_360 = vector.broadcast %broadcast_in_dim3A_359 : f32 to vector<16xf32>
      %broadcast_in_dim3A_361 = arith.constant 0 : i32
      %broadcast_in_dim3A_362 = vector.broadcast %broadcast_in_dim3A_361 : i32 to vector<16xi32>
      %scan3A_363 = arith.constant 0 : i32
      %scan3A_364 = arith.constant 125 : i32
      %scan3A_365 = arith.addi %scan3A_363, %scan3A_364 : i32
      %scan3A_366 = arith.constant 1 : i32
      %scan3A_367:2 = scf.for %scan3A_443 = %scan3A_363 to %scan3A_365 step %scan3A_366 iter_args(%scan3A_444 = %broadcast_in_dim3A_360, %scan3A_445 = %broadcast_in_dim3A_362) -> (vector<16xf32>, vector<16xi32>)  : i32 {
        %mul3A_446 = arith.constant 16 : i32
        %mul3A_447 = arith.muli %scan3A_443, %mul3A_446 : i32
        %get3A_448 = arith.constant 0 : i32
        %get3A_449 = arith.index_cast %get3A_448 : i32 to index
        %get3A_450 = arith.index_cast %scan3A_348 : i32 to index
        %get3A_451 = arith.index_cast %mul3A_447 : i32 to index
        %get3A_452 = tpu.vector_load %arg8[%get3A_449, %get3A_450, %get3A_451] {strides = array<i32>} : memref<4x8x2000xf32, #tpu.memory_space<vmem>>, vector<16xf32>,
        %get3A_453 = arith.constant 1 : i32
        %get3A_454 = arith.index_cast %get3A_453 : i32 to index
        %get3A_455 = arith.index_cast %scan3A_348 : i32 to index
        %get3A_456 = arith.index_cast %mul3A_447 : i32 to index
        %get3A_457 = tpu.vector_load %arg8[%get3A_454, %get3A_455, %get3A_456] {strides = array<i32>} : memref<4x8x2000xf32, #tpu.memory_space<vmem>>, vector<16xf32>,
        %get3A_458 = arith.constant 2 : i32
        %get3A_459 = arith.index_cast %get3A_458 : i32 to index
        %get3A_460 = arith.index_cast %scan3A_348 : i32 to index
        %get3A_461 = arith.index_cast %mul3A_447 : i32 to index
        %get3A_462 = tpu.vector_load %arg8[%get3A_459, %get3A_460, %get3A_461] {strides = array<i32>} : memref<4x8x2000xf32, #tpu.memory_space<vmem>>, vector<16xf32>,
        %get3A_463 = arith.constant 3 : i32
        %get3A_464 = arith.index_cast %get3A_463 : i32 to index
        %get3A_465 = arith.index_cast %scan3A_348 : i32 to index
        %get3A_466 = arith.index_cast %mul3A_447 : i32 to index
        %get3A_467 = tpu.vector_load %arg8[%get3A_464, %get3A_465, %get3A_466] {strides = array<i32>} : memref<4x8x2000xf32, #tpu.memory_space<vmem>>, vector<16xf32>,
        %get3A_468 = arith.constant 1 : i32
        %get3A_469 = arith.index_cast %scan3A_348 : i32 to index
        %get3A_470 = arith.index_cast %get3A_468 : i32 to index
        %get3A_471 = arith.index_cast %mul3A_447 : i32 to index
        %get3A_472 = tpu.vector_load %arg9[%get3A_469, %get3A_470, %get3A_471] {strides = array<i32>} : memref<8x2x2000xf32, #tpu.memory_space<vmem>>, vector<16xf32>,
        %add3A_473 = arith.addf %get3A_452, %get3A_462 : vector<16xf32>
        %mul3A_474 = arith.constant 5.000000e-01 : f32
        %mul3A_475 = vector.broadcast %mul3A_474 : f32 to vector<16xf32>
        %mul3A_476 = arith.mulf %add3A_473, %mul3A_475 : vector<16xf32>
        %add3A_477 = arith.addf %get3A_457, %get3A_467 : vector<16xf32>
        %mul3A_478 = arith.constant 5.000000e-01 : f32
        %mul3A_479 = vector.broadcast %mul3A_478 : f32 to vector<16xf32>
        %mul3A_480 = arith.mulf %add3A_477, %mul3A_479 : vector<16xf32>
        %sub3A_481 = arith.subf %get3A_452, %get3A_462 : vector<16xf32>
        %abs3A_482 = math.absf %sub3A_481 : vector<16xf32>
        %add3A_483 = arith.constant 9.99999974E-5 : f32
        %add3A_484 = vector.broadcast %add3A_483 : f32 to vector<16xf32>
        %add3A_485 = arith.addf %abs3A_482, %add3A_484 : vector<16xf32>
        %sub3A_486 = arith.subf %get3A_457, %get3A_467 : vector<16xf32>
        %abs3A_487 = math.absf %sub3A_486 : vector<16xf32>
        %add3A_488 = arith.constant 9.99999974E-5 : f32
        %add3A_489 = vector.broadcast %add3A_488 : f32 to vector<16xf32>
        %add3A_490 = arith.addf %abs3A_487, %add3A_489 : vector<16xf32>
        %add3A_491 = arith.addf %add3A_485, %add3A_490 : vector<16xf32>
        %mul3A_492 = arith.constant 5.000000e-01 : f32
        %mul3A_493 = vector.broadcast %mul3A_492 : f32 to vector<16xf32>
        %mul3A_494 = arith.mulf %add3A_491, %mul3A_493 : vector<16xf32>
        %add3A_495 = arith.addf %add3A_485, %mul3A_494 : vector<16xf32>
        %add3A_496 = arith.addf %add3A_490, %mul3A_494 : vector<16xf32>
        %mul3A_497 = arith.mulf %add3A_495, %add3A_496 : vector<16xf32>
        %bitcast_convert_type3A_498 = tpu.bitcast %mul3A_497 : vector<16xf32> -> vector<16xi32>
        %shift_right_arithmetic3A_499 = arith.constant 1 : i32
        %shift_right_arithmetic3A_500 = vector.broadcast %shift_right_arithmetic3A_499 : i32 to vector<16xi32>
        %shift_right_arithmetic3A_501 = arith.shrsi %bitcast_convert_type3A_498, %shift_right_arithmetic3A_500 : vector<16xi32>
        %sub3A_502 = arith.constant 1597463007 : i32
        %sub3A_503 = vector.broadcast %sub3A_502 : i32 to vector<16xi32>
        %sub3A_504 = arith.subi %sub3A_503, %shift_right_arithmetic3A_501 : vector<16xi32>
        %bitcast_convert_type3A_505 = tpu.bitcast %sub3A_504 : vector<16xi32> -> vector<16xf32>
        %mul3A_506 = arith.constant 5.000000e-01 : f32
        %mul3A_507 = vector.broadcast %mul3A_506 : f32 to vector<16xf32>
        %mul3A_508 = arith.mulf %mul3A_507, %mul3A_497 : vector<16xf32>
        %mul3A_509 = arith.mulf %mul3A_508, %bitcast_convert_type3A_505 : vector<16xf32>
        %mul3A_510 = arith.mulf %mul3A_509, %bitcast_convert_type3A_505 : vector<16xf32>
        %sub3A_511 = arith.constant 1.500000e+00 : f32
        %sub3A_512 = vector.broadcast %sub3A_511 : f32 to vector<16xf32>
        %sub3A_513 = arith.subf %sub3A_512, %mul3A_510 : vector<16xf32>
        %mul3A_514 = arith.mulf %bitcast_convert_type3A_505, %sub3A_513 : vector<16xf32>
        %mul3A_515 = arith.constant 5.000000e-01 : f32
        %mul3A_516 = vector.broadcast %mul3A_515 : f32 to vector<16xf32>
        %mul3A_517 = arith.mulf %mul3A_516, %mul3A_497 : vector<16xf32>
        %mul3A_518 = arith.mulf %mul3A_517, %mul3A_514 : vector<16xf32>
        %mul3A_519 = arith.mulf %mul3A_518, %mul3A_514 : vector<16xf32>
        %sub3A_520 = arith.constant 1.500000e+00 : f32
        %sub3A_521 = vector.broadcast %sub3A_520 : f32 to vector<16xf32>
        %sub3A_522 = arith.subf %sub3A_521, %mul3A_519 : vector<16xf32>
        %mul3A_523 = arith.mulf %mul3A_514, %sub3A_522 : vector<16xf32>
        %mul3A_524 = arith.constant 5.000000e-01 : f32
        %mul3A_525 = vector.broadcast %mul3A_524 : f32 to vector<16xf32>
        %mul3A_526 = arith.mulf %mul3A_525, %mul3A_497 : vector<16xf32>
        %mul3A_527 = arith.mulf %mul3A_526, %mul3A_523 : vector<16xf32>
        %mul3A_528 = arith.mulf %mul3A_527, %mul3A_523 : vector<16xf32>
        %sub3A_529 = arith.constant 1.500000e+00 : f32
        %sub3A_530 = vector.broadcast %sub3A_529 : f32 to vector<16xf32>
        %sub3A_531 = arith.subf %sub3A_530, %mul3A_528 : vector<16xf32>
        %mul3A_532 = arith.mulf %mul3A_523, %sub3A_531 : vector<16xf32>
        %mul3A_533 = arith.mulf %gather3A_355, %mul3A_532 : vector<16xf32>
        %mul3A_534 = arith.mulf %mul3A_497, %mul3A_532 : vector<16xf32>
        %mul3A_535 = arith.mulf %mul3A_534, %gather3A_356 : vector<16xf32>
        %max3A_536 = arith.maximumf %mul3A_533, %mul3A_535 : vector<16xf32>
        %mul3A_537 = arith.mulf %gather3A_357, %max3A_536 : vector<16xf32>
        %add3A_538 = arith.constant 5.500000e-02 : f32
        %add3A_539 = vector.broadcast %add3A_538 : f32 to vector<16xf32>
        %add3A_540 = arith.addf %mul3A_537, %add3A_539 : vector<16xf32>
        %exp3A = math.exp %add3A_540 : vector<16xf32>
        %sub3A_541 = arith.subf %gather3A_353, %mul3A_476 : vector<16xf32>
        %sub3A_542 = arith.subf %gather3A_354, %mul3A_480 : vector<16xf32>
        %mul3A_543 = arith.mulf %sub3A_541, %sub3A_541 : vector<16xf32>
        %mul3A_544 = arith.mulf %sub3A_542, %sub3A_542 : vector<16xf32>
        %add3A_545 = arith.addf %mul3A_543, %mul3A_544 : vector<16xf32>
        %mul3A_546 = arith.mulf %add3A_545, %gather3A_358 : vector<16xf32>
        %broadcast_in_dim3A_547 = arith.constant 4.26837869E-6 : f32
        %broadcast_in_dim3A_548 = vector.broadcast %broadcast_in_dim3A_547 : f32 to vector<16xf32>
        %mul3A_549 = arith.mulf %broadcast_in_dim3A_548, %mul3A_546 : vector<16xf32>
        %add3A_550 = arith.constant -1.04598148E-4 : f32
        %add3A_551 = vector.broadcast %add3A_550 : f32 to vector<16xf32>
        %add3A_552 = arith.addf %mul3A_549, %add3A_551 : vector<16xf32>
        %mul3A_553 = arith.mulf %add3A_552, %mul3A_546 : vector<16xf32>
        %add3A_554 = arith.constant 0.00192954647 : f32
        %add3A_555 = vector.broadcast %add3A_554 : f32 to vector<16xf32>
        %add3A_556 = arith.addf %mul3A_553, %add3A_555 : vector<16xf32>
        %mul3A_557 = arith.mulf %add3A_556, %mul3A_546 : vector<16xf32>
        %add3A_558 = arith.constant -0.0258068796 : f32
        %add3A_559 = vector.broadcast %add3A_558 : f32 to vector<16xf32>
        %add3A_560 = arith.addf %mul3A_557, %add3A_559 : vector<16xf32>
        %mul3A_561 = arith.mulf %add3A_560, %mul3A_546 : vector<16xf32>
        %add3A_562 = arith.constant 0.235330626 : f32
        %add3A_563 = vector.broadcast %add3A_562 : f32 to vector<16xf32>
        %add3A_564 = arith.addf %mul3A_561, %add3A_563 : vector<16xf32>
        %mul3A_565 = arith.mulf %add3A_564, %mul3A_546 : vector<16xf32>
        %add3A_566 = arith.constant -1.33526278 : f32
        %add3A_567 = vector.broadcast %add3A_566 : f32 to vector<16xf32>
        %add3A_568 = arith.addf %mul3A_565, %add3A_567 : vector<16xf32>
        %mul3A_569 = arith.mulf %add3A_568, %mul3A_546 : vector<16xf32>
        %add3A_570 = arith.constant 4.05871201 : f32
        %add3A_571 = vector.broadcast %add3A_570 : f32 to vector<16xf32>
        %add3A_572 = arith.addf %mul3A_569, %add3A_571 : vector<16xf32>
        %mul3A_573 = arith.mulf %add3A_572, %mul3A_546 : vector<16xf32>
        %add3A_574 = arith.constant -4.93480206 : f32
        %add3A_575 = vector.broadcast %add3A_574 : f32 to vector<16xf32>
        %add3A_576 = arith.addf %mul3A_573, %add3A_575 : vector<16xf32>
        %mul3A_577 = arith.mulf %add3A_576, %mul3A_546 : vector<16xf32>
        %add3A_578 = arith.constant 1.000000e+00 : f32
        %add3A_579 = vector.broadcast %add3A_578 : f32 to vector<16xf32>
        %add3A_580 = arith.addf %mul3A_577, %add3A_579 : vector<16xf32>
        %mul3A_581 = arith.constant 2.100000e-01 : f32
        %mul3A_582 = vector.broadcast %mul3A_581 : f32 to vector<16xf32>
        %mul3A_583 = arith.mulf %mul3A_582, %add3A_580 : vector<16xf32>
        %add3A_584 = arith.constant 2.100000e-01 : f32
        %add3A_585 = vector.broadcast %add3A_584 : f32 to vector<16xf32>
        %add3A_586 = arith.addf %mul3A_583, %add3A_585 : vector<16xf32>
        %gt3A = arith.constant 1.000000e+00 : f32
        %gt3A_587 = vector.broadcast %gt3A : f32 to vector<16xf32>
        %gt3A_588 = arith.cmpf ogt, %mul3A_546, %gt3A_587 : vector<16xf32>
        %jit3A_589 = arith.constant 0.000000e+00 : f32
        %broadcast_in_dim3A_590 = vector.broadcast %jit3A_589 : f32 to vector<16xf32>
        %select_n3A_591 = arith.select %gt3A_588, %broadcast_in_dim3A_590, %add3A_586 : vector<16xi1>, vector<16xf32>
        %mul3A_592 = arith.mulf %get3A_472, %exp3A : vector<16xf32>
        %add3A_593 = arith.addf %mul3A_592, %select_n3A_591 : vector<16xf32>
        %mul3A_594 = arith.constant 16 : i32
        %mul3A_595 = arith.muli %scan3A_443, %mul3A_594 : i32
        %add3A_596 = vector.broadcast %mul3A_595 : i32 to vector<16xi32>
        %add3A_597 = arith.addi %iota3A, %add3A_596 : vector<16xi32>
        %gt3A_598 = arith.cmpf ogt, %add3A_593, %scan3A_444 : vector<16xf32>
        %select_n3A_599 = arith.select %gt3A_598, %add3A_593, %scan3A_444 : vector<16xi1>, vector<16xf32>
        %select_n3A_600 = arith.select %gt3A_598, %add3A_597, %scan3A_445 : vector<16xi1>, vector<16xi32>
        scf.yield %select_n3A_599, %select_n3A_600 : vector<16xf32>, vector<16xi32>
      }
      %scan3A_368 = arith.constant 125 : i32
      %reduce_max3A = arith.constant true
      %reduce_max3A_369 = vector.broadcast %reduce_max3A : i1 to vector<16xi1>
      %reduce_max3A_370 = tpu.scan <max>, %scan3A_367#0 masked %reduce_max3A_369 : vector<16xf32>, vector<16xi1> -> vector<16xf32>
      %reduce_max3A_371 = vector.extract %reduce_max3A_370[15] : f32 from vector<16xf32>
      %eq3A = vector.broadcast %reduce_max3A_371 : f32 to vector<16xf32>
      %eq3A_372 = arith.cmpf oeq, %scan3A_367#0, %eq3A : vector<16xf32>
      %jit3A = arith.constant 1073741824 : i32
      %broadcast_in_dim3A_373 = vector.broadcast %jit3A : i32 to vector<16xi32>
      %select_n3A = arith.select %eq3A_372, %scan3A_367#1, %broadcast_in_dim3A_373 : vector<16xi1>, vector<16xi32>
      %reduce_min3A = arith.constant true
      %reduce_min3A_374 = vector.broadcast %reduce_min3A : i1 to vector<16xi1>
      %reduce_min3A_375 = arith.constant -2147483648 : i32
      %reduce_min3A_376 = vector.broadcast %reduce_min3A_375 : i32 to vector<16xi32>
      %reduce_min3A_377 = arith.xori %select_n3A, %reduce_min3A_376 : vector<16xi32>
      %reduce_min3A_378 = tpu.scan <min>, %reduce_min3A_377 masked %reduce_min3A_374 : vector<16xi32>, vector<16xi1> -> vector<16xi32>
      %reduce_min3A_379 = arith.xori %reduce_min3A_378, %reduce_min3A_376 : vector<16xi32>
      %reduce_min3A_380 = vector.extract %reduce_min3A_379[15] : i32 from vector<16xi32>
      %min3A = arith.constant 1984 : i32
      %min3A_381 = arith.minsi %reduce_min3A_380, %min3A : i32
      %sub3A_382 = arith.subi %reduce_min3A_380, %min3A_381 : i32
      %get3A = arith.constant 0 : i32
      %get3A_383 = arith.index_cast %get3A : i32 to index
      %get3A_384 = arith.index_cast %scan3A_348 : i32 to index
      %get3A_385 = arith.index_cast %min3A_381 : i32 to index
      %get3A_386 = tpu.vector_load %arg8[%get3A_383, %get3A_384, %get3A_385] {strides = array<i32>} : memref<4x8x2000xf32, #tpu.memory_space<vmem>>, vector<16xf32>,
      %mul3A_387 = arith.constant 4 : i32
      %mul3A_388 = arith.muli %add3A_350, %mul3A_387 : i32
      %add3A_389 = arith.constant 0 : i32
      %add3A_390 = arith.addi %mul3A_388, %add3A_389 : i32
      %add3A_391 = vector.broadcast %add3A_390 : i32 to vector<16xi32>
      %add3A_392 = arith.addi %broadcast_in_dim3A_3, %add3A_391 : vector<16xi32>
      %eq3A_393 = vector.broadcast %sub3A_382 : i32 to vector<16xi32>
      %eq3A_394 = arith.cmpi eq, %iota3A, %eq3A_393 : vector<16xi32>
      tpu.vector_store_idx %arg16[%add3A_392], %get3A_386 masked %eq3A_394 : memref<192xf32, #tpu.memory_space<vmem>>[vector<16xi32>], vector<16xf32>, vector<16xi1>
      %get3A_395 = arith.constant 1 : i32
      %get3A_396 = arith.index_cast %get3A_395 : i32 to index
      %get3A_397 = arith.index_cast %scan3A_348 : i32 to index
      %get3A_398 = arith.index_cast %min3A_381 : i32 to index
      %get3A_399 = tpu.vector_load %arg8[%get3A_396, %get3A_397, %get3A_398] {strides = array<i32>} : memref<4x8x2000xf32, #tpu.memory_space<vmem>>, vector<16xf32>,
      %mul3A_400 = arith.constant 4 : i32
      %mul3A_401 = arith.muli %add3A_350, %mul3A_400 : i32
      %add3A_402 = arith.constant 1 : i32
      %add3A_403 = arith.addi %mul3A_401, %add3A_402 : i32
      %add3A_404 = vector.broadcast %add3A_403 : i32 to vector<16xi32>
      %add3A_405 = arith.addi %broadcast_in_dim3A_3, %add3A_404 : vector<16xi32>
      %eq3A_406 = vector.broadcast %sub3A_382 : i32 to vector<16xi32>
      %eq3A_407 = arith.cmpi eq, %iota3A, %eq3A_406 : vector<16xi32>
      tpu.vector_store_idx %arg16[%add3A_405], %get3A_399 masked %eq3A_407 : memref<192xf32, #tpu.memory_space<vmem>>[vector<16xi32>], vector<16xf32>, vector<16xi1>
      %get3A_408 = arith.constant 2 : i32
      %get3A_409 = arith.index_cast %get3A_408 : i32 to index
      %get3A_410 = arith.index_cast %scan3A_348 : i32 to index
      %get3A_411 = arith.index_cast %min3A_381 : i32 to index
      %get3A_412 = tpu.vector_load %arg8[%get3A_409, %get3A_410, %get3A_411] {strides = array<i32>} : memref<4x8x2000xf32, #tpu.memory_space<vmem>>, vector<16xf32>,
      %mul3A_413 = arith.constant 4 : i32
      %mul3A_414 = arith.muli %add3A_350, %mul3A_413 : i32
      %add3A_415 = arith.constant 2 : i32
      %add3A_416 = arith.addi %mul3A_414, %add3A_415 : i32
      %add3A_417 = vector.broadcast %add3A_416 : i32 to vector<16xi32>
      %add3A_418 = arith.addi %broadcast_in_dim3A_3, %add3A_417 : vector<16xi32>
      %eq3A_419 = vector.broadcast %sub3A_382 : i32 to vector<16xi32>
      %eq3A_420 = arith.cmpi eq, %iota3A, %eq3A_419 : vector<16xi32>
      tpu.vector_store_idx %arg16[%add3A_418], %get3A_412 masked %eq3A_420 : memref<192xf32, #tpu.memory_space<vmem>>[vector<16xi32>], vector<16xf32>, vector<16xi1>
      %get3A_421 = arith.constant 3 : i32
      %get3A_422 = arith.index_cast %get3A_421 : i32 to index
      %get3A_423 = arith.index_cast %scan3A_348 : i32 to index
      %get3A_424 = arith.index_cast %min3A_381 : i32 to index
      %get3A_425 = tpu.vector_load %arg8[%get3A_422, %get3A_423, %get3A_424] {strides = array<i32>} : memref<4x8x2000xf32, #tpu.memory_space<vmem>>, vector<16xf32>,
      %mul3A_426 = arith.constant 4 : i32
      %mul3A_427 = arith.muli %add3A_350, %mul3A_426 : i32
      %add3A_428 = arith.constant 3 : i32
      %add3A_429 = arith.addi %mul3A_427, %add3A_428 : i32
      %add3A_430 = vector.broadcast %add3A_429 : i32 to vector<16xi32>
      %add3A_431 = arith.addi %broadcast_in_dim3A_3, %add3A_430 : vector<16xi32>
      %eq3A_432 = vector.broadcast %sub3A_382 : i32 to vector<16xi32>
      %eq3A_433 = arith.cmpi eq, %iota3A, %eq3A_432 : vector<16xi32>
      tpu.vector_store_idx %arg16[%add3A_431], %get3A_425 masked %eq3A_433 : memref<192xf32, #tpu.memory_space<vmem>>[vector<16xi32>], vector<16xf32>, vector<16xi1>
      %get3A_434 = arith.constant 1 : i32
      %get3A_435 = arith.index_cast %scan3A_348 : i32 to index
      %get3A_436 = arith.index_cast %get3A_434 : i32 to index
      %get3A_437 = arith.index_cast %min3A_381 : i32 to index
      %get3A_438 = tpu.vector_load %arg9[%get3A_435, %get3A_436, %get3A_437] {strides = array<i32>} : memref<8x2x2000xf32, #tpu.memory_space<vmem>>, vector<16xf32>,
      %add3A_439 = vector.broadcast %add3A_350 : i32 to vector<16xi32>
      %add3A_440 = arith.addi %broadcast_in_dim3A_3, %add3A_439 : vector<16xi32>
      %eq3A_441 = vector.broadcast %sub3A_382 : i32 to vector<16xi32>
      %eq3A_442 = arith.cmpi eq, %iota3A, %eq3A_441 : vector<16xi32>
      tpu.vector_store_idx %arg17[%add3A_440], %get3A_438 masked %eq3A_442 : memref<48xf32, #tpu.memory_space<vmem>>[vector<16xi32>], vector<16xf32>, vector<16xi1>
    }
    %scan3A_345 = arith.constant 8 : i32
    %mul3A_346 = arith.constant 4 : i32
    %mul3A_347 = arith.muli %mul3A_2, %mul3A_346 : i32
    "tpu.region"() ({
      %run_scoped3A = tpu.sem_alloc : memref<!tpu.dma_semaphore, #tpu.memory_space<semaphore_mem>>
      %dma_start3A = tpu.memref_slice %arg5[%mul3A_347] : memref<6144xf32, #tpu.memory_space<hbm>> -> memref<192xf32, #tpu.memory_space<hbm>>
      %dma_start3A_348 = tpu.memref_slice %arg5[%mul3A_347] : memref<6144xf32, #tpu.memory_space<hbm>> -> memref<192xf32, #tpu.memory_space<hbm>>
      tpu.enqueue_dma source(%arg16 : memref<192xf32, #tpu.memory_space<vmem>>) target(%dma_start3A_348 : memref<192xf32, #tpu.memory_space<hbm>>) target_semaphore(%run_scoped3A : memref<!tpu.dma_semaphore, #tpu.memory_space<semaphore_mem>>)
      %dma_wait3A = tpu.memref_slice %arg5[%mul3A_347] : memref<6144xf32, #tpu.memory_space<hbm>> -> memref<192xf32, #tpu.memory_space<hbm>>
      %dma_wait3A_349 = tpu.memref_slice %arg5[%mul3A_347] : memref<6144xf32, #tpu.memory_space<hbm>> -> memref<192xf32, #tpu.memory_space<hbm>>
      tpu.wait_dma2 semaphore(%run_scoped3A : memref<!tpu.dma_semaphore, #tpu.memory_space<semaphore_mem>>) src(%arg16 : memref<192xf32, #tpu.memory_space<vmem>>) dst(%dma_wait3A_349 : memref<192xf32, #tpu.memory_space<hbm>>)
      tpu.yield
    }) : () -> ()
    "tpu.region"() ({
      %run_scoped3A = tpu.sem_alloc : memref<!tpu.dma_semaphore, #tpu.memory_space<semaphore_mem>>
      %dma_start3A = tpu.memref_slice %arg6[%mul3A_2] : memref<1536xf32, #tpu.memory_space<hbm>> -> memref<48xf32, #tpu.memory_space<hbm>>
      %dma_start3A_348 = tpu.memref_slice %arg6[%mul3A_2] : memref<1536xf32, #tpu.memory_space<hbm>> -> memref<48xf32, #tpu.memory_space<hbm>>
      tpu.enqueue_dma source(%arg17 : memref<48xf32, #tpu.memory_space<vmem>>) target(%dma_start3A_348 : memref<48xf32, #tpu.memory_space<hbm>>) target_semaphore(%run_scoped3A : memref<!tpu.dma_semaphore, #tpu.memory_space<semaphore_mem>>)
      %dma_wait3A = tpu.memref_slice %arg6[%mul3A_2] : memref<1536xf32, #tpu.memory_space<hbm>> -> memref<48xf32, #tpu.memory_space<hbm>>
      %dma_wait3A_349 = tpu.memref_slice %arg6[%mul3A_2] : memref<1536xf32, #tpu.memory_space<hbm>> -> memref<48xf32, #tpu.memory_space<hbm>>
      tpu.wait_dma2 semaphore(%run_scoped3A : memref<!tpu.dma_semaphore, #tpu.memory_space<semaphore_mem>>) src(%arg17 : memref<48xf32, #tpu.memory_space<vmem>>) dst(%dma_wait3A_349 : memref<48xf32, #tpu.memory_space<hbm>>)
      tpu.yield
    }) : () -> ()
    return
  }
}

module attributes {stable_mosaic.version = 14 : i64} {
  func.func @tc_body(%arg0: i32, %arg1: memref<200x4xf32, #tpu.memory_space<vmem>>, %arg2: memref<1x200x2000xf32, #tpu.memory_space<vmem>>, %arg3: memref<1x200x2000xf32, #tpu.memory_space<vmem>>, %arg4: memref<1x200x2000xf32, #tpu.memory_space<vmem>>, %arg5: memref<1x200x2000xf32, #tpu.memory_space<vmem>>, %arg6: memref<200x2x2000xf32, #tpu.memory_space<vmem>>, %arg7: memref<200x4xf32, #tpu.memory_space<vmem>>, %arg8: memref<200x1xf32, #tpu.memory_space<vmem>>) attributes {dimension_semantics = [#tpu.dimension_semantics<arbitrary>], iteration_bounds = array<i64: 18>, scalar_prefetch = 0 : i64, scratch_operands = 0 : i64, tpu.core_type = #tpu.core_type<tc>, window_params = [{transform_indices = @transform_0, window_bounds = array<i64: 200, 4>}, {transform_indices = @transform_1, window_bounds = array<i64: 1, 200, 2000>}, {transform_indices = @transform_2, window_bounds = array<i64: 1, 200, 2000>}, {transform_indices = @transform_3, window_bounds = array<i64: 1, 200, 2000>}, {transform_indices = @transform_4, window_bounds = array<i64: 1, 200, 2000>}, {transform_indices = @transform_5, window_bounds = array<i64: 200, 2, 2000>}, {transform_indices = @transform_6, window_bounds = array<i64: 200, 4>}, {transform_indices = @transform_7, window_bounds = array<i64: 200, 1>}]} {
    %get3A = arith.constant 0 : index
    %get3A_0 = arith.constant 0 : index
    %get3A_1 = arith.constant 0 : index
    %get3A_2 = vector.load %arg2[%get3A, %get3A_0, %get3A_1] : memref<1x200x2000xf32, #tpu.memory_space<vmem>>, vector<1x200x2000xf32>
    %get3A_3 = vector.shape_cast %get3A_2 : vector<1x200x2000xf32> to vector<200x2000xf32>
    %get3A_4 = arith.constant 0 : index
    %get3A_5 = arith.constant 0 : index
    %get3A_6 = arith.constant 0 : index
    %get3A_7 = vector.load %arg3[%get3A_4, %get3A_5, %get3A_6] : memref<1x200x2000xf32, #tpu.memory_space<vmem>>, vector<1x200x2000xf32>
    %get3A_8 = vector.shape_cast %get3A_7 : vector<1x200x2000xf32> to vector<200x2000xf32>
    %get3A_9 = arith.constant 0 : index
    %get3A_10 = arith.constant 0 : index
    %get3A_11 = arith.constant 0 : index
    %get3A_12 = vector.load %arg4[%get3A_9, %get3A_10, %get3A_11] : memref<1x200x2000xf32, #tpu.memory_space<vmem>>, vector<1x200x2000xf32>
    %get3A_13 = vector.shape_cast %get3A_12 : vector<1x200x2000xf32> to vector<200x2000xf32>
    %get3A_14 = arith.constant 0 : index
    %get3A_15 = arith.constant 0 : index
    %get3A_16 = arith.constant 0 : index
    %get3A_17 = vector.load %arg5[%get3A_14, %get3A_15, %get3A_16] : memref<1x200x2000xf32, #tpu.memory_space<vmem>>, vector<1x200x2000xf32>
    %get3A_18 = vector.shape_cast %get3A_17 : vector<1x200x2000xf32> to vector<200x2000xf32>
    %get3A_19 = arith.constant 0 : index
    %get3A_20 = arith.constant 1 : index
    %get3A_21 = arith.constant 0 : index
    %get3A_22 = vector.load %arg6[%get3A_19, %get3A_20, %get3A_21] : memref<200x2x2000xf32, #tpu.memory_space<vmem>>, vector<200x1x2000xf32>
    %get3A_23 = vector.shape_cast %get3A_22 : vector<200x1x2000xf32> to vector<200x2000xf32>
    %get3A_24 = arith.constant 0 : index
    %get3A_25 = arith.constant 0 : index
    %get3A_26 = vector.load %arg1[%get3A_24, %get3A_25] : memref<200x4xf32, #tpu.memory_space<vmem>>, vector<200x4xf32>
    %slice3A = vector.extract_strided_slice %get3A_26 {offsets = [0, 0], sizes = [200, 1], strides = [1, 1]} : vector<200x4xf32> to vector<200x1xf32>
    %slice3A_27 = vector.extract_strided_slice %get3A_26 {offsets = [0, 1], sizes = [200, 1], strides = [1, 1]} : vector<200x4xf32> to vector<200x1xf32>
    %slice3A_28 = vector.extract_strided_slice %get3A_26 {offsets = [0, 2], sizes = [200, 1], strides = [1, 1]} : vector<200x4xf32> to vector<200x1xf32>
    %slice3A_29 = vector.extract_strided_slice %get3A_26 {offsets = [0, 3], sizes = [200, 1], strides = [1, 1]} : vector<200x4xf32> to vector<200x1xf32>
    %add3A = arith.addf %slice3A, %slice3A_28 : vector<200x1xf32>
    %div3A = arith.constant 2.000000e+00 : f32
    %div3A_30 = vector.broadcast %div3A : f32 to vector<200x1xf32>
    %div3A_31 = arith.divf %add3A, %div3A_30 : vector<200x1xf32>
    %add3A_32 = arith.addf %slice3A_27, %slice3A_29 : vector<200x1xf32>
    %div3A_33 = arith.constant 2.000000e+00 : f32
    %div3A_34 = vector.broadcast %div3A_33 : f32 to vector<200x1xf32>
    %div3A_35 = arith.divf %add3A_32, %div3A_34 : vector<200x1xf32>
    %sub3A = arith.subf %slice3A, %slice3A_28 : vector<200x1xf32>
    %abs3A = math.absf %sub3A : vector<200x1xf32>
    %add3A_36 = arith.constant 9.99999974E-5 : f32
    %add3A_37 = vector.broadcast %add3A_36 : f32 to vector<200x1xf32>
    %add3A_38 = arith.addf %abs3A, %add3A_37 : vector<200x1xf32>
    %sub3A_39 = arith.subf %slice3A_27, %slice3A_29 : vector<200x1xf32>
    %abs3A_40 = math.absf %sub3A_39 : vector<200x1xf32>
    %add3A_41 = arith.constant 9.99999974E-5 : f32
    %add3A_42 = vector.broadcast %add3A_41 : f32 to vector<200x1xf32>
    %add3A_43 = arith.addf %abs3A_40, %add3A_42 : vector<200x1xf32>
    %add3A_44 = arith.addf %add3A_38, %add3A_43 : vector<200x1xf32>
    %div3A_45 = arith.constant 2.000000e+00 : f32
    %div3A_46 = vector.broadcast %div3A_45 : f32 to vector<200x1xf32>
    %div3A_47 = arith.divf %add3A_44, %div3A_46 : vector<200x1xf32>
    %add3A_48 = arith.addf %add3A_38, %div3A_47 : vector<200x1xf32>
    %add3A_49 = arith.addf %add3A_43, %div3A_47 : vector<200x1xf32>
    %mul3A = arith.mulf %add3A_48, %add3A_49 : vector<200x1xf32>
    %sqrt3A = math.sqrt %mul3A : vector<200x1xf32>
    %div3A_50 = arith.divf %add3A_38, %add3A_43 : vector<200x1xf32>
    %div3A_51 = arith.constant 1.000000e+00 : f32
    %div3A_52 = vector.broadcast %div3A_51 : f32 to vector<200x1xf32>
    %div3A_53 = arith.divf %div3A_52, %sqrt3A : vector<200x1xf32>
    %div3A_54 = arith.constant 1.000000e+00 : f32
    %div3A_55 = vector.broadcast %div3A_54 : f32 to vector<200x1xf32>
    %div3A_56 = arith.divf %div3A_55, %div3A_50 : vector<200x1xf32>
    %max3A = arith.maximumf %div3A_50, %div3A_56 : vector<200x1xf32>
    %mul3A_57 = arith.constant -5.500000e-02 : f32
    %mul3A_58 = vector.broadcast %mul3A_57 : f32 to vector<200x1xf32>
    %mul3A_59 = arith.mulf %mul3A_58, %max3A : vector<200x1xf32>
    %mul3A_60 = arith.mulf %div3A_53, %div3A_53 : vector<200x1xf32>
    %mul3A_61 = arith.constant 2.500000e-01 : f32
    %mul3A_62 = vector.broadcast %mul3A_61 : f32 to vector<200x1xf32>
    %mul3A_63 = arith.mulf %mul3A_60, %mul3A_62 : vector<200x1xf32>
    %add3A_64 = arith.addf %get3A_3, %get3A_13 : vector<200x2000xf32>
    %mul3A_65 = arith.constant 5.000000e-01 : f32
    %mul3A_66 = vector.broadcast %mul3A_65 : f32 to vector<200x2000xf32>
    %mul3A_67 = arith.mulf %add3A_64, %mul3A_66 : vector<200x2000xf32>
    %add3A_68 = arith.addf %get3A_8, %get3A_18 : vector<200x2000xf32>
    %mul3A_69 = arith.constant 5.000000e-01 : f32
    %mul3A_70 = vector.broadcast %mul3A_69 : f32 to vector<200x2000xf32>
    %mul3A_71 = arith.mulf %add3A_68, %mul3A_70 : vector<200x2000xf32>
    %sub3A_72 = arith.subf %get3A_3, %get3A_13 : vector<200x2000xf32>
    %abs3A_73 = math.absf %sub3A_72 : vector<200x2000xf32>
    %add3A_74 = arith.constant 9.99999974E-5 : f32
    %add3A_75 = vector.broadcast %add3A_74 : f32 to vector<200x2000xf32>
    %add3A_76 = arith.addf %abs3A_73, %add3A_75 : vector<200x2000xf32>
    %sub3A_77 = arith.subf %get3A_8, %get3A_18 : vector<200x2000xf32>
    %abs3A_78 = math.absf %sub3A_77 : vector<200x2000xf32>
    %add3A_79 = arith.constant 9.99999974E-5 : f32
    %add3A_80 = vector.broadcast %add3A_79 : f32 to vector<200x2000xf32>
    %add3A_81 = arith.addf %abs3A_78, %add3A_80 : vector<200x2000xf32>
    %add3A_82 = arith.addf %add3A_76, %add3A_81 : vector<200x2000xf32>
    %mul3A_83 = arith.constant 5.000000e-01 : f32
    %mul3A_84 = vector.broadcast %mul3A_83 : f32 to vector<200x2000xf32>
    %mul3A_85 = arith.mulf %add3A_82, %mul3A_84 : vector<200x2000xf32>
    %add3A_86 = arith.addf %add3A_76, %mul3A_85 : vector<200x2000xf32>
    %add3A_87 = arith.addf %add3A_81, %mul3A_85 : vector<200x2000xf32>
    %mul3A_88 = arith.mulf %add3A_86, %add3A_87 : vector<200x2000xf32>
    %rsqrt3A = math.rsqrt %mul3A_88 : vector<200x2000xf32>
    %mul3A_89 = vector.broadcast %sqrt3A : vector<200x1xf32> to vector<200x2000xf32>
    %mul3A_90 = arith.mulf %mul3A_89, %rsqrt3A : vector<200x2000xf32>
    %mul3A_91 = arith.mulf %mul3A_88, %rsqrt3A : vector<200x2000xf32>
    %mul3A_92 = vector.broadcast %div3A_53 : vector<200x1xf32> to vector<200x2000xf32>
    %mul3A_93 = arith.mulf %mul3A_91, %mul3A_92 : vector<200x2000xf32>
    %max3A_94 = arith.maximumf %mul3A_90, %mul3A_93 : vector<200x2000xf32>
    %mul3A_95 = vector.broadcast %mul3A_59 : vector<200x1xf32> to vector<200x2000xf32>
    %mul3A_96 = arith.mulf %mul3A_95, %max3A_94 : vector<200x2000xf32>
    %add3A_97 = arith.constant 5.500000e-02 : f32
    %add3A_98 = vector.broadcast %add3A_97 : f32 to vector<200x2000xf32>
    %add3A_99 = arith.addf %mul3A_96, %add3A_98 : vector<200x2000xf32>
    %exp3A = math.exp %add3A_99 : vector<200x2000xf32>
    %sub3A_100 = vector.broadcast %div3A_31 : vector<200x1xf32> to vector<200x2000xf32>
    %sub3A_101 = arith.subf %sub3A_100, %mul3A_67 : vector<200x2000xf32>
    %sub3A_102 = vector.broadcast %div3A_35 : vector<200x1xf32> to vector<200x2000xf32>
    %sub3A_103 = arith.subf %sub3A_102, %mul3A_71 : vector<200x2000xf32>
    %mul3A_104 = arith.mulf %sub3A_101, %sub3A_101 : vector<200x2000xf32>
    %mul3A_105 = arith.mulf %sub3A_103, %sub3A_103 : vector<200x2000xf32>
    %add3A_106 = arith.addf %mul3A_104, %mul3A_105 : vector<200x2000xf32>
    %mul3A_107 = vector.broadcast %mul3A_63 : vector<200x1xf32> to vector<200x2000xf32>
    %mul3A_108 = arith.mulf %add3A_106, %mul3A_107 : vector<200x2000xf32>
    %broadcast_in_dim3A = arith.constant 4.26837869E-6 : f32
    %broadcast_in_dim3A_109 = vector.broadcast %broadcast_in_dim3A : f32 to vector<200x2000xf32>
    %mul3A_110 = arith.mulf %broadcast_in_dim3A_109, %mul3A_108 : vector<200x2000xf32>
    %add3A_111 = arith.constant -1.04598148E-4 : f32
    %add3A_112 = vector.broadcast %add3A_111 : f32 to vector<200x2000xf32>
    %add3A_113 = arith.addf %mul3A_110, %add3A_112 : vector<200x2000xf32>
    %mul3A_114 = arith.mulf %add3A_113, %mul3A_108 : vector<200x2000xf32>
    %add3A_115 = arith.constant 0.00192954647 : f32
    %add3A_116 = vector.broadcast %add3A_115 : f32 to vector<200x2000xf32>
    %add3A_117 = arith.addf %mul3A_114, %add3A_116 : vector<200x2000xf32>
    %mul3A_118 = arith.mulf %add3A_117, %mul3A_108 : vector<200x2000xf32>
    %add3A_119 = arith.constant -0.0258068796 : f32
    %add3A_120 = vector.broadcast %add3A_119 : f32 to vector<200x2000xf32>
    %add3A_121 = arith.addf %mul3A_118, %add3A_120 : vector<200x2000xf32>
    %mul3A_122 = arith.mulf %add3A_121, %mul3A_108 : vector<200x2000xf32>
    %add3A_123 = arith.constant 0.235330626 : f32
    %add3A_124 = vector.broadcast %add3A_123 : f32 to vector<200x2000xf32>
    %add3A_125 = arith.addf %mul3A_122, %add3A_124 : vector<200x2000xf32>
    %mul3A_126 = arith.mulf %add3A_125, %mul3A_108 : vector<200x2000xf32>
    %add3A_127 = arith.constant -1.33526278 : f32
    %add3A_128 = vector.broadcast %add3A_127 : f32 to vector<200x2000xf32>
    %add3A_129 = arith.addf %mul3A_126, %add3A_128 : vector<200x2000xf32>
    %mul3A_130 = arith.mulf %add3A_129, %mul3A_108 : vector<200x2000xf32>
    %add3A_131 = arith.constant 4.05871201 : f32
    %add3A_132 = vector.broadcast %add3A_131 : f32 to vector<200x2000xf32>
    %add3A_133 = arith.addf %mul3A_130, %add3A_132 : vector<200x2000xf32>
    %mul3A_134 = arith.mulf %add3A_133, %mul3A_108 : vector<200x2000xf32>
    %add3A_135 = arith.constant -4.93480206 : f32
    %add3A_136 = vector.broadcast %add3A_135 : f32 to vector<200x2000xf32>
    %add3A_137 = arith.addf %mul3A_134, %add3A_136 : vector<200x2000xf32>
    %mul3A_138 = arith.mulf %add3A_137, %mul3A_108 : vector<200x2000xf32>
    %add3A_139 = arith.constant 1.000000e+00 : f32
    %add3A_140 = vector.broadcast %add3A_139 : f32 to vector<200x2000xf32>
    %add3A_141 = arith.addf %mul3A_138, %add3A_140 : vector<200x2000xf32>
    %mul3A_142 = arith.constant 2.100000e-01 : f32
    %mul3A_143 = vector.broadcast %mul3A_142 : f32 to vector<200x2000xf32>
    %mul3A_144 = arith.mulf %mul3A_143, %add3A_141 : vector<200x2000xf32>
    %add3A_145 = arith.constant 2.100000e-01 : f32
    %add3A_146 = vector.broadcast %add3A_145 : f32 to vector<200x2000xf32>
    %add3A_147 = arith.addf %mul3A_144, %add3A_146 : vector<200x2000xf32>
    %gt3A = arith.constant 1.000000e+00 : f32
    %gt3A_148 = vector.broadcast %gt3A : f32 to vector<200x2000xf32>
    %gt3A_149 = arith.cmpf ogt, %mul3A_108, %gt3A_148 : vector<200x2000xf32>
    %jit3A = arith.constant 0.000000e+00 : f32
    %broadcast_in_dim3A_150 = vector.broadcast %jit3A : f32 to vector<200x2000xf32>
    %select_n3A = arith.select %gt3A_149, %broadcast_in_dim3A_150, %add3A_147 : vector<200x2000xi1>, vector<200x2000xf32>
    %mul3A_151 = arith.mulf %get3A_23, %exp3A : vector<200x2000xf32>
    %add3A_152 = arith.addf %mul3A_151, %select_n3A : vector<200x2000xf32>
    %reduce_max3A = arith.constant dense<0xFF800000> : vector<200xf32>
    %reduce_max3A_153 = vector.multi_reduction <maximumf>, %add3A_152, %reduce_max3A [1] : vector<200x2000xf32> to vector<200xf32>
    %broadcast_in_dim3A_154 = vector.shape_cast %reduce_max3A_153 : vector<200xf32> to vector<200x1xf32>
    %iota3A = tpu.iota {dimensions = array<i32: 1>} : vector<200x2000xi32>
    %eq3A = vector.broadcast %broadcast_in_dim3A_154 : vector<200x1xf32> to vector<200x2000xf32>
    %eq3A_155 = arith.cmpf oeq, %add3A_152, %eq3A : vector<200x2000xf32>
    %jit3A_156 = arith.constant 2000 : i32
    %broadcast_in_dim3A_157 = vector.broadcast %jit3A_156 : i32 to vector<200x2000xi32>
    %select_n3A_158 = arith.select %eq3A_155, %iota3A, %broadcast_in_dim3A_157 : vector<200x2000xi1>, vector<200x2000xi32>
    %reduce_min3A = arith.constant dense<2147483647> : vector<200xi32>
    %reduce_min3A_159 = vector.multi_reduction <minsi>, %select_n3A_158, %reduce_min3A [1] : vector<200x2000xi32> to vector<200xi32>
    %broadcast_in_dim3A_160 = vector.shape_cast %reduce_min3A_159 : vector<200xi32> to vector<200x1xi32>
    %eq3A_161 = vector.broadcast %broadcast_in_dim3A_160 : vector<200x1xi32> to vector<200x2000xi32>
    %eq3A_162 = arith.cmpi eq, %iota3A, %eq3A_161 : vector<200x2000xi32>
    %jit3A_163 = arith.constant 0.000000e+00 : f32
    %broadcast_in_dim3A_164 = vector.broadcast %jit3A_163 : f32 to vector<200x2000xf32>
    %select_n3A_165 = arith.select %eq3A_162, %get3A_3, %broadcast_in_dim3A_164 : vector<200x2000xi1>, vector<200x2000xf32>
    %reduce_sum3A = arith.constant dense<0.000000e+00> : vector<200xf32>
    %reduce_sum3A_166 = vector.multi_reduction <add>, %select_n3A_165, %reduce_sum3A [1] : vector<200x2000xf32> to vector<200xf32>
    %broadcast_in_dim3A_167 = vector.shape_cast %reduce_sum3A_166 : vector<200xf32> to vector<200x1xf32>
    %swap3A = arith.constant 0 : index
    %swap3A_168 = arith.constant 0 : index
    %swap3A_169 = vector.load %arg7[%swap3A, %swap3A_168] : memref<200x4xf32, #tpu.memory_space<vmem>>, vector<200x1xf32>
    tpu.vector_store %arg7[%swap3A, %swap3A_168], %broadcast_in_dim3A_167 {strides = array<i32>} : memref<200x4xf32, #tpu.memory_space<vmem>>, vector<200x1xf32>,
    %jit3A_170 = arith.constant 0.000000e+00 : f32
    %broadcast_in_dim3A_171 = vector.broadcast %jit3A_170 : f32 to vector<200x2000xf32>
    %select_n3A_172 = arith.select %eq3A_162, %get3A_8, %broadcast_in_dim3A_171 : vector<200x2000xi1>, vector<200x2000xf32>
    %reduce_sum3A_173 = arith.constant dense<0.000000e+00> : vector<200xf32>
    %reduce_sum3A_174 = vector.multi_reduction <add>, %select_n3A_172, %reduce_sum3A_173 [1] : vector<200x2000xf32> to vector<200xf32>
    %broadcast_in_dim3A_175 = vector.shape_cast %reduce_sum3A_174 : vector<200xf32> to vector<200x1xf32>
    %swap3A_176 = arith.constant 0 : index
    %swap3A_177 = arith.constant 1 : index
    %swap3A_178 = vector.load %arg7[%swap3A_176, %swap3A_177] : memref<200x4xf32, #tpu.memory_space<vmem>>, vector<200x1xf32>
    tpu.vector_store %arg7[%swap3A_176, %swap3A_177], %broadcast_in_dim3A_175 {strides = array<i32>} : memref<200x4xf32, #tpu.memory_space<vmem>>, vector<200x1xf32>,
    %jit3A_179 = arith.constant 0.000000e+00 : f32
    %broadcast_in_dim3A_180 = vector.broadcast %jit3A_179 : f32 to vector<200x2000xf32>
    %select_n3A_181 = arith.select %eq3A_162, %get3A_13, %broadcast_in_dim3A_180 : vector<200x2000xi1>, vector<200x2000xf32>
    %reduce_sum3A_182 = arith.constant dense<0.000000e+00> : vector<200xf32>
    %reduce_sum3A_183 = vector.multi_reduction <add>, %select_n3A_181, %reduce_sum3A_182 [1] : vector<200x2000xf32> to vector<200xf32>
    %broadcast_in_dim3A_184 = vector.shape_cast %reduce_sum3A_183 : vector<200xf32> to vector<200x1xf32>
    %swap3A_185 = arith.constant 0 : index
    %swap3A_186 = arith.constant 2 : index
    %swap3A_187 = vector.load %arg7[%swap3A_185, %swap3A_186] : memref<200x4xf32, #tpu.memory_space<vmem>>, vector<200x1xf32>
    tpu.vector_store %arg7[%swap3A_185, %swap3A_186], %broadcast_in_dim3A_184 {strides = array<i32>} : memref<200x4xf32, #tpu.memory_space<vmem>>, vector<200x1xf32>,
    %jit3A_188 = arith.constant 0.000000e+00 : f32
    %broadcast_in_dim3A_189 = vector.broadcast %jit3A_188 : f32 to vector<200x2000xf32>
    %select_n3A_190 = arith.select %eq3A_162, %get3A_18, %broadcast_in_dim3A_189 : vector<200x2000xi1>, vector<200x2000xf32>
    %reduce_sum3A_191 = arith.constant dense<0.000000e+00> : vector<200xf32>
    %reduce_sum3A_192 = vector.multi_reduction <add>, %select_n3A_190, %reduce_sum3A_191 [1] : vector<200x2000xf32> to vector<200xf32>
    %broadcast_in_dim3A_193 = vector.shape_cast %reduce_sum3A_192 : vector<200xf32> to vector<200x1xf32>
    %swap3A_194 = arith.constant 0 : index
    %swap3A_195 = arith.constant 3 : index
    %swap3A_196 = vector.load %arg7[%swap3A_194, %swap3A_195] : memref<200x4xf32, #tpu.memory_space<vmem>>, vector<200x1xf32>
    tpu.vector_store %arg7[%swap3A_194, %swap3A_195], %broadcast_in_dim3A_193 {strides = array<i32>} : memref<200x4xf32, #tpu.memory_space<vmem>>, vector<200x1xf32>,
    %jit3A_197 = arith.constant 0.000000e+00 : f32
    %broadcast_in_dim3A_198 = vector.broadcast %jit3A_197 : f32 to vector<200x2000xf32>
    %select_n3A_199 = arith.select %eq3A_162, %get3A_23, %broadcast_in_dim3A_198 : vector<200x2000xi1>, vector<200x2000xf32>
    %reduce_sum3A_200 = arith.constant dense<0.000000e+00> : vector<200xf32>
    %reduce_sum3A_201 = vector.multi_reduction <add>, %select_n3A_199, %reduce_sum3A_200 [1] : vector<200x2000xf32> to vector<200xf32>
    %broadcast_in_dim3A_202 = vector.shape_cast %reduce_sum3A_201 : vector<200xf32> to vector<200x1xf32>
    %swap3A_203 = arith.constant 0 : index
    %swap3A_204 = arith.constant 0 : index
    %swap3A_205 = vector.load %arg8[%swap3A_203, %swap3A_204] : memref<200x1xf32, #tpu.memory_space<vmem>>, vector<200x1xf32>
    tpu.vector_store %arg8[%swap3A_203, %swap3A_204], %broadcast_in_dim3A_202 {strides = array<i32>} : memref<200x1xf32, #tpu.memory_space<vmem>>, vector<200x1xf32>,
    return
  }
  func.func @transform_0(%arg0: i32) -> (i32, i32) {
    %add3A = arith.constant 7 : i32
    %add3A_0 = arith.addi %arg0, %add3A : i32
    %c0_i32 = arith.constant 0 : i32
    %c0_i32_1 = arith.constant 0 : i32
    return %add3A_0, %c0_i32 : i32, i32
  }
  func.func @transform_1(%arg0: i32) -> (i32, i32, i32) {
    %add3A = arith.constant 7 : i32
    %add3A_0 = arith.addi %arg0, %add3A : i32
    %c1_i32 = arith.constant 1 : i32
    %c0_i32 = arith.constant 0 : i32
    %c0_i32_1 = arith.constant 0 : i32
    return %c1_i32, %add3A_0, %c0_i32 : i32, i32, i32
  }
  func.func @transform_2(%arg0: i32) -> (i32, i32, i32) {
    %add3A = arith.constant 7 : i32
    %add3A_0 = arith.addi %arg0, %add3A : i32
    %c2_i32 = arith.constant 2 : i32
    %c0_i32 = arith.constant 0 : i32
    %c0_i32_1 = arith.constant 0 : i32
    return %c2_i32, %add3A_0, %c0_i32 : i32, i32, i32
  }
  func.func @transform_3(%arg0: i32) -> (i32, i32, i32) {
    %add3A = arith.constant 7 : i32
    %add3A_0 = arith.addi %arg0, %add3A : i32
    %c3_i32 = arith.constant 3 : i32
    %c0_i32 = arith.constant 0 : i32
    %c0_i32_1 = arith.constant 0 : i32
    return %c3_i32, %add3A_0, %c0_i32 : i32, i32, i32
  }
  func.func @transform_4(%arg0: i32) -> (i32, i32, i32) {
    %add3A = arith.constant 7 : i32
    %add3A_0 = arith.addi %arg0, %add3A : i32
    %c4_i32 = arith.constant 4 : i32
    %c0_i32 = arith.constant 0 : i32
    %c0_i32_1 = arith.constant 0 : i32
    return %c4_i32, %add3A_0, %c0_i32 : i32, i32, i32
  }
  func.func @transform_5(%arg0: i32) -> (i32, i32, i32) {
    %add3A = arith.constant 7 : i32
    %add3A_0 = arith.addi %arg0, %add3A : i32
    %c0_i32 = arith.constant 0 : i32
    %c0_i32_1 = arith.constant 0 : i32
    %c0_i32_2 = arith.constant 0 : i32
    return %add3A_0, %c0_i32, %c0_i32_1 : i32, i32, i32
  }
  func.func @transform_6(%arg0: i32) -> (i32, i32) {
    %c0_i32 = arith.constant 0 : i32
    %c0_i32_0 = arith.constant 0 : i32
    return %arg0, %c0_i32 : i32, i32
  }
  func.func @transform_7(%arg0: i32) -> (i32, i32) {
    %c0_i32 = arith.constant 0 : i32
    %c0_i32_0 = arith.constant 0 : i32
    return %arg0, %c0_i32 : i32, i32
  }
}

</mosaic_0001>

<sc_bundles>
// kernel: kernel.4.cloned.1.call-start
scs
__scs_entry_jumppad:
0x0: {  	(pc) =	sbr.rel $0x88, $3  }
0x1: {  	(tag) =	ssettag $0x0;
	lr =	simm.s32 $0x1  }
0x2: {  	[smem:$0x3F9E] =	sst lr;
	_ =	strace $0xD0000000  }
0x3: {  	_ = 	snop  }
0x4: {  	_ = 	snop  }
0x5: {  	_ = 	snop  }
0x6: {  	_ = 	snop  }
0x7: {  	_ = 	snop  }
__scs_overlays_trampoline_lowered:
0x8: {  	[smem:$0x3FAD] =	sst s0  }
0x9: {  	[smem:$0x3FAE] =	sst s1  }
0xa: {  	[smem:$0x3FAF] =	sst s2  }
0xb: {  	[smem:$0x3FB0] =	sst s3  }
0xc: {  	[smem:$0x3FB1] =	sst s4  }
0xd: {  	[smem:$0x3FB2] =	sst s5  }
0xe: {  	[smem:$0x3FB3] =	sst s6  }
0xf: {  	[smem:$0x3FB4] =	sst s7  }
0x10: {  	[smem:$0x3FB5] =	sst s8  }
0x11: {  	[smem:$0x3FB6] =	sst s9;
	s0 =	simm.s32 @!p0 $0x0  }
0x12: {  	s1 =	sld [smem:$0x3F9C];
	s0 =	simm.s32 @p0 $0x1  }
0x13: {  	[smem:$0x3FB7] =	sst s0;
	s0 =	simm.s32 @!p1 $0x0  }
0x14: {  	s2 =	sld [smem:$0x3F9B];
	s0 =	simm.s32 @p1 $0x1  }
0x15: {  	[smem:$0x3FB8] =	sst s0;
	s0 =	simm.s32 @!p2 $0x0  }
0x16: {  	s3 =	sld [smem:$0x3FDB];
	s0 =	simm.s32 @p2 $0x1  }
0x17: {  	s4 =	simm.s32 $0x1BF5;
	[smem:$0x3FBA] =	sst s0  }
0x18: {  	s0 =	sld [smem:$0x3F9D];
	_ =	swait.ge [sflag:s4], $0x0  }
0x19: {  	s7 =	sld [smem:$0x3F9E]  }
0x1a: {  	s8 =	sadd.s32 $0xFFFFE003, lr  }
0x1b: {  	s9 =	sadd.s32 $0xFFFFFEF7, lr;
	s5 =	simm.s32 $0xFFFFFFFF;
	p2 =	slt.u32 s8, $0xFFFFF086  }
0x1c: {  	p1 =	slt.u32 s9, $0xF7A;
	s5 =	simm.s32 @!p2 $0x0  }
0x1d: {  	s5 =	simm.s32 @p1 $0x1;
	p0 =	seq.s32 s7, s2  }
0x1e: {  	s7 =	smul.u32 @!p0 $0xF7A, s2;
	p2 =	seq.s32 @!p0 s5, $0x0  }
0x1f: {  	s9 =	smul.u32 $0xF7A, s1;
	s8 =	simm.s32 @!p0 $0x1BF5;
	p2 =	por !p2, p0  }
0x20: {  	[sflag:s8] =	ssyncset.s32 @!p0 $0xFFFFF086;
	s6 =	sadd.s32 @!p0 s3, s7;
	s7 =	simm.s32 @!p0 $0x108  }
0x21: {  	s3 =	sadd.s32 s3, s9;
	s6 =	sadd.s32 @!p0 $0x88, s6;
	s7 =	simm.s32 @p2 $0x1082  }
0x22: {  	[simem:s7], [sflag:s8] =	dma.local @!p0 [hbm:s6], $0xF7A  }
0x23: {  	s9 =	sor.u32 $0xD0000000, s2;
	s6 =	simm.s32 $0x108;
	_ =	swait.ge @!p0 [sflag:s8], $0x0  }
0x24: {  	s3 =	sadd.s32 $0x88, s3;
	s6 =	simm.s32 @!p1 $0x1082;
	[sflag:s4] =	ssyncset.s32 $0xFFFFF086  }
0x25: {  	[simem:s6], [sflag:s4] =	dma.local [hbm:s3], $0xF7A  }
0x26: {  	[smem:$0x3F9E] =	sst s1;
	(tag) =	ssettag s2;
	_ =	strace s9  }
0x27: {  	s1 =	sld [smem:$0x3FAE]  }
0x28: {  	s2 =	sld [smem:$0x3FAF]  }
0x29: {  	s4 =	sld [smem:$0x3FB1]  }
0x2a: {  	p0 =	seq.s32 s5, $0x0;
	s5 =	sld [smem:$0x3FB2]  }
0x2b: {  	s6 =	sld [smem:$0x3FB3]  }
0x2c: {  	s7 =	sld [smem:$0x3FB4]  }
0x2d: {  	s3 =	simm.s32 $0x108;
	s8 =	sld [smem:$0x3FB5]  }
0x2e: {  	s3 =	simm.s32 @!p0 $0x1082;
	s9 =	sld [smem:$0x3FB6]  }
0x2f: {  	lr =	sadd.s32 s0, s3;
	s0 =	sld [smem:$0x3FAD]  }
0x30: {  	s3 =	sld [smem:$0x3FB0]  }
0x31: {  	[smem:$0x3FB9] =	sst s10  }
0x32: {  	s10 =	sld [smem:$0x3FB7];
	_ =	sdelay $0x3  }
0x33: {  	p0 =	seq.s32 s10, $0x1;
	s10 =	sld [smem:$0x3FB9];
	_ =	sdelay $0x3  }
0x34: {  	[smem:$0x3FB9] =	sst s10  }
0x35: {  	s10 =	sld [smem:$0x3FB8];
	_ =	sdelay $0x3  }
0x36: {  	p1 =	seq.s32 s10, $0x1;
	s10 =	sld [smem:$0x3FB9];
	_ =	sdelay $0x3  }
0x37: {  	[smem:$0x3FB9] =	sst s10  }
0x38: {  	s10 =	sld [smem:$0x3FBA]  }
0x39: {  	_ = 	snop;
	(pc) =	sbr.ind lr, $3  }
0x3a: {  	_ = 	snop  }
0x3b: {  	_ = 	snop  }
0x3c: {  	p2 =	seq.s32 s10, $0x1;
	s10 =	sld [smem:$0x3FB9]  }
0x3d: {  	_ =	shalt  }
0x3e: {  	_ =	shalt  }
0x3f: {  	_ =	shalt  }
0x40: {  	_ =	shalt  }
0x41: {  	_ =	shalt  }
0x42: {  	_ =	shalt  }
0x43: {  	_ =	shalt  }
0x44: {  	_ =	shalt  }
0x45: {  	_ =	shalt  }
0x46: {  	_ =	shalt  }
0x47: {  	_ =	shalt  }
0x48: {  	_ =	shalt  }
0x49: {  	_ =	shalt  }
0x4a: {  	_ =	shalt  }
0x4b: {  	_ =	shalt  }
0x4c: {  	_ =	shalt  }
0x4d: {  	_ =	shalt  }
0x4e: {  	_ =	shalt  }
0x4f: {  	_ =	shalt  }
0x50: {  	_ =	shalt  }
0x51: {  	_ =	shalt  }
0x52: {  	_ =	shalt  }
0x53: {  	_ =	shalt  }
0x54: {  	_ =	shalt  }
0x55: {  	_ =	shalt  }
0x56: {  	_ =	shalt  }
0x57: {  	_ =	shalt  }
0x58: {  	_ =	shalt  }
0x59: {  	_ =	shalt  }
0x5a: {  	_ =	shalt  }
0x5b: {  	_ =	shalt  }
0x5c: {  	_ =	shalt  }
0x5d: {  	_ =	shalt  }
0x5e: {  	_ =	shalt  }
0x5f: {  	_ =	shalt  }
0x60: {  	_ =	shalt  }
0x61: {  	_ =	shalt  }
0x62: {  	_ =	shalt  }
0x63: {  	_ =	shalt  }
0x64: {  	_ =	shalt  }
0x65: {  	_ =	shalt  }
0x66: {  	_ =	shalt  }
0x67: {  	_ =	shalt  }
0x68: {  	_ =	shalt  }
0x69: {  	_ =	shalt  }
0x6a: {  	_ =	shalt  }
0x6b: {  	_ =	shalt  }
0x6c: {  	_ =	shalt  }
0x6d: {  	_ =	shalt  }
0x6e: {  	_ =	shalt  }
0x6f: {  	_ =	shalt  }
0x70: {  	_ =	shalt  }
0x71: {  	_ =	shalt  }
0x72: {  	_ =	shalt  }
0x73: {  	_ =	shalt  }
0x74: {  	_ =	shalt  }
0x75: {  	_ =	shalt  }
0x76: {  	_ =	shalt  }
0x77: {  	_ =	shalt  }
0x78: {  	_ =	shalt  }
0x79: {  	_ =	shalt  }
0x7a: {  	_ =	shalt  }
0x7b: {  	_ =	shalt  }
0x7c: {  	_ =	shalt  }
0x7d: {  	_ =	shalt  }
0x7e: {  	_ =	shalt  }
0x7f: {  	_ =	shalt  }
0x80: {  	_ =	shalt  }
0x81: {  	_ =	shalt  }
0x82: {  	_ =	shalt  }
0x83: {  	_ =	shalt  }
0x84: {  	_ =	shalt  }
0x85: {  	_ =	shalt  }
0x86: {  	_ =	shalt  }
0x87: {  	_ =	shalt  }
.Lfunc_end0:
.L_simem_size_0:
called_computation_lowered:
.L_overlay_start_0:
0x88: {  	s2 =	sld [smem:$0x3FD9]  }
0x89: {  	s3 =	sld [smem:$0x3FFE];
	_ =	sdelay $0x1  }
0x8a: {  	s1 =	srdreg.scid  }
0x8b: {  	s0 =	sand.u32 $0x1, s1  }
0x8c: {  	s14 =	sshll.u32 s0, $0xA;
	s2 =	sadd.s32 s3, s2  }
0x8d: {  	s2 =	sadd.s32 s2, s14  }
0x8e: {  	[smem:$0x3FC5] =	sst s2  }
0x8f: {  	_ = 	snop  }
0x90: {  	s2 =	sld [smem:$0x3FD0];
	_ =	sdelay $0x1  }
0x91: {  	s15 =	sld [smem:$0x3FC8]  }
0x92: {  	s5 =	simm.s32 $0xA;
	s6 =	simm.s32 $0x10;
	s4 =	sld [smem:$0x3FC7]  }
0x93: {  	[smem:s6], [sflag:s5] =	dma.local [hbm:s2], $0x1  }
0x94: {  	_ =	swait.eq [sflag:s5], $0x1  }
0x95: {  	[sflag:s5] =	ssyncset.done $0x0  }
0x96: {  	s16 =	sld [smem:$0x10];
	[sflag:s5] =	ssyncadd.s32 $0xFFFFFFFF  }
0x97: {  	s17 =	sld [smem:$0x11];
	(tm) =	ssettm $0x1  }
0x98: {  	s18 =	sld [smem:$0x3FFB];
	_ =	sdelay $0x3  }
0x99: {  	_ =	strace s18  }
0x9a: {  	s6 =	sld [smem:$0x3FFC];
	_ =	sdelay $0x3  }
0x9b: {  	_ =	strace s6  }
0x9c: {  	s6 =	sld [smem:$0x3FFD];
	_ =	sdelay $0x3  }
0x9d: {  	_ =	strace s6  }
0x9e: {  	_ =	strace $0x8FFFFFFF  }
0x9f: {  	s19 =	sld [smem:$0x3FDB];
	_ =	sdelay $0x1  }
0xa0: {  	s7 =	simm.s32 $_scs_section_size  }
0xa1: {  	s8 =	simm.s32 $_size__tile_overlayer_lowered;
	s9 =	simm.s32 $_tile_overlayer_lowered  }
0xa2: {  	s22 =	simm.s32 $0x1BFF;
	s21 =	sshll.u32 s9, $0x1;
	s6 =	sadd.s32 s7, s19  }
0xa3: {  	s10 =	simm.s32 $0x0;
	s20 =	sshll.u32 s8, $0x1;
	s8 =	sadd.s32 s21, s6  }
0xa4: {  	[timem:s10], [sflag:s22] =	dma.local [hbm:s8], s20  }
0xa5: {  	_ =	swait.ge [sflag:s22], s20  }
0xa6: {  	s7 =	ssub.s32 $0x0, s20;
	[sflag:s22] =	ssyncset.done $0x0  }
0xa7: {  	[sflag:s22] =	ssyncadd.s32 s7;
	_ =	sdelay $0x1  }
0xa8: {  	s23 =	simm.s32 $0x1B8B  }
0xa9: {  	_ =	swait.ge [sflag:s23], $0x1  }
0xaa: {  	[sflag:s23] =	ssyncset.done $0x0  }
0xab: {  	s25 =	simm.s32 $0x1B8E;
	s24 =	sld [smem:$0x3FFE];
	[sflag:s23] =	ssyncadd.s32 $0xFFFFFFFF  }
0xac: {  	s26 =	simm.s32 $execute0_lowered;
	[smem:$0x3FD2] =	sst s25  }
0xad: {  	s8 =	sshll.u32 s26, $0x1;
	_ =	strace $0x80000046;
	[dreg:$0x1] =	wrdreg $0xFFFFFFFF  }
0xae: {  	s28 =	simm.s32 $_size_execute0_lowered;
	s6 =	sadd.s32 s6, s8;
	[dreg:$0x0] =	wrdreg $0x0  }
0xaf: {  	s8 =	sshll.u32 s28, $0x1;
	[dreg:$0x2] =	wrdreg s6  }
0xb0: {  	[dreg:$0x3] =	wrdreg s8  }
0xb1: {  	[dreg:$0x4] =	wrdreg $0xC0  }
0xb2: {  	_ =	task [dreg:s10], $0x5FFFF  }
0xb3: {  	[dreg:$0x1] =	wrdreg $0xFFFFFFFF  }
0xb4: {  	[dreg:$0x0] =	wrdreg $0x60  }
0xb5: {  	[dreg:$0x2] =	wrdreg s24  }
0xb6: {  	[dreg:$0x3] =	wrdreg s15  }
0xb7: {  	[dreg:$0x4] =	wrdreg s4  }
0xb8: {  	[dreg:$0x5] =	wrdreg s16  }
0xb9: {  	[dreg:$0x6] =	wrdreg s17  }
0xba: {  	[dreg:$0x7] =	wrdreg $0x9  }
0xbb: {  	_ =	task.clear_ibuf [dreg:s10], $0x8FFFF;
	_ =	strace $0x90000046  }
0xbc: {  	s29 =	simm.s32 $0x9;
	_ =	strace $0x80000048  }
0xbd: {  	_ =	swait.ge [sflag:s29], $0x1  }
0xbe: {  	[sflag:s29] =	ssyncadd.s32 $0xFFFFFFFF  }
0xbf: {  	_ =	strace $0x90000048  }
0xc0: {  	_ =	sfence  }
0xc1: {  	s30 =	sld [smem:$0x0];
	_ =	sdelay $0x2  }
0xc2: {  	s31 =	sshll.u32 s1, $0xD;
	s1 =	sshrl.u32 s1, $0x2  }
0xc3: {  	s3 =	sand.u32 $0x4000, s31;
	s1 =	sadd.s32 s1, s30  }
0xc4: {  	s0 =	sor.u32 s3, s0;
	s1 =	sshll.u32 s1, $0x11  }
0xc5: {  	s0 =	sor.u32 s1, s0  }
0xc6: {  	s0 =	sadd.s32 $0x8F2B, s0  }
0xc7: {  	[sflag:s0] =	ssyncadd.remote.s32 $0x1  }
0xc8: {  	_ =	sfence.sel $0xFFFF  }
0xc9: {  	[dreg:$0x0] =	wrdreg $0xFFFFFFFF;
	(pc) =	sbr.abs _section_cstart, $3  }
0xca: {  	[dreg:$0x1] =	wrdreg $0xFFFFFFFF  }
0xcb: {  	_ =	task.clear_ibuf [dreg:s10], $0x2FFFF;
	_ =	strace $0x9FFFFFFF  }
0xcc: {  	(tm) =	ssettm $0x7FFFFFFF  }
0xcd: {  	_ =	shalt  }
tec
execute0_lowered:
.L_overlay_start_1:
0x0: {  	(tag) =	ssettag $0x1  }
0x1: {  	s0 =	rddreg [dreg:$0x0]  }
0x2: {  	s1 =	rddreg [dreg:$0x1]  }
0x3: {  	s3 =	rddreg [dreg:$0x2]  }
0x4: {  	s2 =	srdreg.scid;
	s7 =	stileid.u32  }
0x5: {  	s4 =	rddreg [dreg:$0x3];
	s6 =	sand.u32 $0x1, s2;
	s7 =	sshll.u32 s7, $0x1  }
0x6: {  	s5 =	rddreg [dreg:$0x4];
	s7 =	sor.u32 s6, s7  }
0x7: {  	s28 =	simm.s32 $0x19980;
	s29 =	simm.s32 $0x19A00;
	s8 =	smul.u32 $0x300, s7  }
0x8: {  	s30 =	simm.s32 $0x19A80;
	s31 =	simm.s32 $0x19B00;
	s9 =	smul.u32 $0x30, s7  }
0x9: {  	s2 =	simm.s32 $0x0;
	s1 =	sadd.s32 $0x138800, s1;
	s10 =	smul.u32 $0x18000, s7  }
0xa: {  	[smem:$0x7FF] =	sst s2;
	s6 =	ssub.s32 $0x2, s6;
	s24 =	smul.u32 $0x6000, s7  }
0xb: {  	_ =	strace $0x80000047;
	s23 =	sshrl.u32 s6, $0x1;
	s7 =	smul.u32 $0x18, s7  }
0xc: {  	s6 =	ssub.s32 s6, s23;
	s0 =	sadd.s32 s8, s0;
	s25 =	sshrl.u32 s10, $0x3  }
0xd: {  	s26 =	sor.u32 $0x8, s9;
	s12 =	sadd.s32 $0x10, s9;
	s15 =	sadd.s32 $0x18, s9  }
0xe: {  	s17 =	sadd.s32 $0x20, s9;
	s20 =	sadd.s32 $0x28, s9;
	s0 =	sadd.s32 $0xC00, s0  }
0xf: {  	s23 =	sshrl.u32 s9, $0x3;
	s8 =	sadd.s32 s25, s1;
	[dreg:$0x6] =	wrdreg s0  }
0x10: {  	s11 =	sshll.u32 s26, $0x9;
	s25 =	sadd.s32 s5, s23;
	[dreg:$0x7] =	wrdreg s8  }
0x11: {  	s13 =	sshll.u32 s12, $0x8;
	s0 =	sadd.s32 s3, s24;
	[dreg:$0x14] =	wrdreg s25  }
0x12: {  	s16 =	sshll.u32 s15, $0x8;
	s24 =	sadd.s32 s4, s7;
	[dreg:$0x8] =	wrdreg s0  }
0x13: {  	s8 =	sshll.u32 s26, $0x8;
	s26 =	smax.u32 s6, $0x1;
	[dreg:$0x13] =	wrdreg s24  }
0x14: {  	s18 =	sshll.u32 s17, $0x8;
	s0 =	sadd.s32 s8, s1;
	[dreg:$0x15] =	wrdreg s26  }
0x15: {  	s8 =	sshll.u32 s12, $0x9;
	[dreg:$0x9] =	wrdreg s0;
	s0 =	sadd.s32 s3, s11  }
0x16: {  	s19 =	sshll.u32 s17, $0x9;
	s14 =	sadd.s32 s3, s8;
	[dreg:$0xa] =	wrdreg s0  }
0x17: {  	s21 =	sshll.u32 s20, $0x8;
	s0 =	sadd.s32 s13, s1;
	[dreg:$0xc] =	wrdreg s14  }
0x18: {  	v0 =	vlaneseq.u32;
	s8 =	sadd.s32 s16, s1;
	[dreg:$0xb] =	wrdreg s0;
	s0 =	sshll.u32 s15, $0x9  }
0x19: {  	v1 =	vmul.u32 $0x80, v0;
	s22 =	sshll.u32 s20, $0x9;
	[dreg:$0xd] =	wrdreg s8;
	s0 =	sadd.s32 s3, s0  }
0x1a: {  	s25 =	simm.s32 $0x19880;
	[dreg:$0xe] =	wrdreg s0;
	s0 =	sadd.s32 s18, s1  }
0x1b: {  	v2 =	vor.u32 $0x1, v1;
	v3 =	vor.u32 $0x2, v1;
	s24 =	simm.s32 $0x19800;
	[dreg:$0xf] =	wrdreg s0;
	s0 =	sadd.s32 s3, s19  }
0x1c: {  	v4 =	vor.u32 $0x3, v1;
	v5 =	vor.u32 $0x800, v1;
	v6 =	vor.u32 $0x801, v1;
	s26 =	simm.s32 $0x19900;
	[dreg:$0x10] =	wrdreg s0;
	s0 =	sadd.s32 s21, s1  }
0x1d: {  	v7 =	vor.u32 $0x802, v1;
	v8 =	vor.u32 $0x803, v1;
	v9 =	vor.u32 $0x1000, v1;
	s19 =	simm.s32 $0x1;
	[dreg:$0x11] =	wrdreg s0;
	s0 =	sadd.s32 s3, s22  }
0x1e: {  	v10 =	vor.u32 $0x1001, v1;
	v11 =	vor.u32 $0x1002, v1;
	v12 =	vor.u32 $0x1003, v1;
	s1 =	simm.s32 $0x19C00;
	s3 =	simm.s32 $0x0;
	[dreg:$0x12] =	wrdreg s0  }
.LBB2_1:
0x1f: {  	[dreg:$0x16] =	wrdreg s3  }
0x20: {  	s0 =	rddreg [dreg:$0x6]  }
0x21: {  	[tilespmem:s2], [sflag:$0x1] =	stream.linear.gather [hbm4b:s0+s2], $0x1800, $0x38;
	[tilespmem:$0x19C80] =	vst v63  }
0x22: {  	_ =	swait.ge [sflag:s19], $0x1800  }
0x23: {  	[sflag:s19] =	ssyncset.done $0x0  }
0x24: {  	[sflag:s19] =	ssyncadd.s32 $0xFFFFE800  }
0x25: {  	v13 =	vld.idx.msk [tilespmem:v1+s2+$0x0], $0xffff  }
0x26: {  	v14 =	vld.idx.msk [tilespmem:v2+s2+$0x0], $0xffff  }
0x27: {  	v15 =	vld.idx.msk [tilespmem:v3+s2+$0x0], $0xffff  }
0x28: {  	v16 =	vld.idx.msk [tilespmem:v4+s2+$0x0], $0xffff;
	_ =	sdelay $0x4  }
0x29: {  	v17 =	vsub.f32 v13, v15;
	v18 =	vsub.f32 v14, v16;
	_ =	sdelay $0x1  }
0x2a: {  	v17 =	vand.u32 $0x7FFFFFFF, v17;
	v18 =	vand.u32 $0x7FFFFFFF, v18  }
0x2b: {  	v17 =	vadd.f32 $9.999999740e-05, v17;
	v18 =	vadd.f32 $9.999999740e-05, v18;
	_ =	sdelay $0x1  }
0x2c: {  	v19 =	vadd.f32 v18, v17;
	_ =	sdelay $0x1  }
0x2d: {  	v19 =	vmul.f32 $5.000000000e-01, v19;
	_ =	sdelay $0x1  }
0x2e: {  	v20 =	vadd.f32 v19, v17;
	v19 =	vadd.f32 v19, v18;
	_ =	sdelay $0x1  }
0x2f: {  	v19 =	vmul.f32 v19, v20;
	_ =	sdelay $0x1  }
0x30: {  	v20 =	vshra.s32 v19, $0x1;
	v21 =	vmul.f32 $5.000000000e-01, v19  }
0x31: {  	v20 =	vsub.s32 $0x5F3759DF, v20  }
0x32: {  	(erf) = vrcp.f32 v18;
	v22 =	vmul.f32 v20, v21;
	_ =	sdelay $0x1  }
0x33: {  	v22 =	vmul.f32 v20, v22;
	_ =	sdelay $0x1  }
0x34: {  	v40 =	vsub.f32 $1.500000000e+00, v22;
	_ =	sdelay $0x1  }
0x35: {  	v18 =	vmul.f32 v20, v40;
	_ =	sdelay $0x1  }
0x36: {  	v20 =	vmul.f32 v18, v21  }
0x37: {  	v41 =	vpop (erf)  }
0x38: {  	v17 =	vmul.f32 v41, v17;
	v20 =	vmul.f32 v20, v18;
	_ =	sdelay $0x1  }
0x39: {  	(erf) = vrcp.f32 v17;
	v20 =	vsub.f32 $1.500000000e+00, v20;
	_ =	sdelay $0x1  }
0x3a: {  	v18 =	vmul.f32 v20, v18;
	_ =	sdelay $0x1  }
0x3b: {  	v20 =	vmul.f32 v18, v21;
	_ =	sdelay $0x1  }
0x3c: {  	v13 =	vadd.f32 v15, v13;
	v20 =	vmul.f32 v20, v18;
	_ =	sdelay $0x1  }
0x3d: {  	v14 =	vadd.f32 v16, v14;
	v13 =	vmul.f32 $5.000000000e-01, v13;
	v15 =	vsub.f32 $1.500000000e+00, v20  }
0x3e: {  	v43 =	vpop (erf)  }
0x3f: {  	v14 =	vmul.f32 $5.000000000e-01, v14;
	[tilespmem:$0x19800] =	vst v13;
	v13 =	vmax.f32 v17, v43;
	v15 =	vmul.f32 v15, v18  }
0x40: {  	v13 =	vmul.f32 $-5.499999970e-02, v13  }
0x41: {  	[tilespmem:$0x19880] =	vst v14;
	v14 =	vmul.f32 v15, v15  }
0x42: {  	[tilespmem:$0x19A00] =	vst v13;
	v42 =	vmul.f32 v15, v19  }
0x43: {  	[tilespmem:$0x19980] =	vst v15;
	v14 =	vmul.f32 $2.500000000e-01, v14  }
0x44: {  	[tilespmem:$0x19900] =	vst v42  }
0x45: {  	[tilespmem:$0x19A80] =	vst v14  }
0x46: {  	v13 =	vld.idx.msk [tilespmem:v5+s2+$0x0], $0xffff  }
0x47: {  	v14 =	vld.idx.msk [tilespmem:v6+s2+$0x0], $0xffff  }
0x48: {  	v15 =	vld.idx.msk [tilespmem:v7+s2+$0x0], $0xffff  }
0x49: {  	v16 =	vld.idx.msk [tilespmem:v8+s2+$0x0], $0xffff;
	_ =	sdelay $0x4  }
0x4a: {  	v44 =	vsub.f32 v13, v15;
	v45 =	vsub.f32 v14, v16;
	_ =	sdelay $0x1  }
0x4b: {  	v17 =	vand.u32 $0x7FFFFFFF, v44;
	v18 =	vand.u32 $0x7FFFFFFF, v45  }
0x4c: {  	v17 =	vadd.f32 $9.999999740e-05, v17;
	v18 =	vadd.f32 $9.999999740e-05, v18;
	_ =	sdelay $0x1  }
0x4d: {  	v46 =	vadd.f32 v18, v17;
	_ =	sdelay $0x1  }
0x4e: {  	v19 =	vmul.f32 $5.000000000e-01, v46;
	_ =	sdelay $0x1  }
0x4f: {  	v47 =	vadd.f32 v19, v17;
	v19 =	vadd.f32 v19, v18;
	_ =	sdelay $0x1  }
0x50: {  	v19 =	vmul.f32 v19, v47;
	_ =	sdelay $0x1  }
0x51: {  	v20 =	vshra.s32 v19, $0x1;
	v48 =	vmul.f32 $5.000000000e-01, v19  }
0x52: {  	v20 =	vsub.s32 $0x5F3759DF, v20  }
0x53: {  	(erf) = vrcp.f32 v18;
	v49 =	vmul.f32 v20, v48;
	_ =	sdelay $0x1  }
0x54: {  	v22 =	vmul.f32 v20, v49;
	_ =	sdelay $0x1  }
0x55: {  	v50 =	vsub.f32 $1.500000000e+00, v22;
	_ =	sdelay $0x1  }
0x56: {  	v18 =	vmul.f32 v20, v50;
	_ =	sdelay $0x1  }
0x57: {  	v20 =	vmul.f32 v18, v48  }
0x58: {  	v51 =	vpop (erf)  }
0x59: {  	v17 =	vmul.f32 v51, v17;
	v20 =	vmul.f32 v20, v18;
	_ =	sdelay $0x1  }
0x5a: {  	(erf) = vrcp.f32 v17;
	v20 =	vsub.f32 $1.500000000e+00, v20;
	_ =	sdelay $0x1  }
0x5b: {  	v18 =	vmul.f32 v20, v18;
	_ =	sdelay $0x1  }
0x5c: {  	v20 =	vmul.f32 v18, v48;
	_ =	sdelay $0x1  }
0x5d: {  	v13 =	vadd.f32 v15, v13;
	v20 =	vmul.f32 v20, v18;
	_ =	sdelay $0x1  }
0x5e: {  	v14 =	vadd.f32 v16, v14;
	v13 =	vmul.f32 $5.000000000e-01, v13;
	v15 =	vsub.f32 $1.500000000e+00, v20  }
0x5f: {  	v53 =	vpop (erf)  }
0x60: {  	v14 =	vmul.f32 $5.000000000e-01, v14;
	[tilespmem:$0x19810] =	vst v13;
	v13 =	vmax.f32 v17, v53;
	v15 =	vmul.f32 v15, v18  }
0x61: {  	v13 =	vmul.f32 $-5.499999970e-02, v13  }
0x62: {  	[tilespmem:$0x19890] =	vst v14;
	v14 =	vmul.f32 v15, v15  }
0x63: {  	[tilespmem:$0x19A10] =	vst v13;
	v52 =	vmul.f32 v15, v19  }
0x64: {  	[tilespmem:$0x19990] =	vst v15;
	v14 =	vmul.f32 $2.500000000e-01, v14  }
0x65: {  	[tilespmem:$0x19910] =	vst v52  }
0x66: {  	[tilespmem:$0x19A90] =	vst v14  }
0x67: {  	v13 =	vld.idx.msk [tilespmem:v9+s2+$0x0], $0xffff  }
0x68: {  	v14 =	vld.idx.msk [tilespmem:v10+s2+$0x0], $0xffff  }
0x69: {  	v15 =	vld.idx.msk [tilespmem:v11+s2+$0x0], $0xffff  }
0x6a: {  	v16 =	vld.idx.msk [tilespmem:v12+s2+$0x0], $0xffff;
	_ =	sdelay $0x4  }
0x6b: {  	v54 =	vsub.f32 v13, v15;
	v55 =	vsub.f32 v14, v16;
	_ =	sdelay $0x1  }
0x6c: {  	v17 =	vand.u32 $0x7FFFFFFF, v54;
	v18 =	vand.u32 $0x7FFFFFFF, v55  }
0x6d: {  	v17 =	vadd.f32 $9.999999740e-05, v17;
	v18 =	vadd.f32 $9.999999740e-05, v18;
	_ =	sdelay $0x1  }
0x6e: {  	v56 =	vadd.f32 v18, v17;
	_ =	sdelay $0x1  }
0x6f: {  	v19 =	vmul.f32 $5.000000000e-01, v56;
	_ =	sdelay $0x1  }
0x70: {  	v57 =	vadd.f32 v19, v17;
	v19 =	vadd.f32 v19, v18;
	_ =	sdelay $0x1  }
0x71: {  	v19 =	vmul.f32 v19, v57;
	_ =	sdelay $0x1  }
0x72: {  	v20 =	vshra.s32 v19, $0x1;
	v58 =	vmul.f32 $5.000000000e-01, v19  }
0x73: {  	v20 =	vsub.s32 $0x5F3759DF, v20  }
0x74: {  	(erf) = vrcp.f32 v18;
	v59 =	vmul.f32 v20, v58;
	_ =	sdelay $0x1  }
0x75: {  	v22 =	vmul.f32 v20, v59;
	_ =	sdelay $0x1  }
0x76: {  	v60 =	vsub.f32 $1.500000000e+00, v22;
	_ =	sdelay $0x1  }
0x77: {  	v18 =	vmul.f32 v20, v60;
	_ =	sdelay $0x1  }
0x78: {  	v20 =	vmul.f32 v18, v58  }
0x79: {  	v61 =	vpop (erf)  }
0x7a: {  	v17 =	vmul.f32 v61, v17;
	v20 =	vmul.f32 v20, v18;
	_ =	sdelay $0x1  }
0x7b: {  	(erf) = vrcp.f32 v17;
	v20 =	vsub.f32 $1.500000000e+00, v20;
	_ =	sdelay $0x1  }
0x7c: {  	v18 =	vmul.f32 v20, v18;
	_ =	sdelay $0x1  }
0x7d: {  	v20 =	vmul.f32 v18, v58;
	_ =	sdelay $0x1  }
0x7e: {  	v13 =	vadd.f32 v15, v13;
	v20 =	vmul.f32 v20, v18;
	_ =	sdelay $0x1  }
0x7f: {  	v14 =	vadd.f32 v16, v14;
	v13 =	vmul.f32 $5.000000000e-01, v13;
	v15 =	vsub.f32 $1.500000000e+00, v20  }
0x80: {  	v63 =	vpop (erf)  }
0x81: {  	v14 =	vmul.f32 $5.000000000e-01, v14;
	[tilespmem:$0x19820] =	vst v13;
	v13 =	vmax.f32 v17, v63;
	v15 =	vmul.f32 v15, v18  }
0x82: {  	v13 =	vmul.f32 $-5.499999970e-02, v13  }
0x83: {  	[tilespmem:$0x198A0] =	vst v14;
	v14 =	vmul.f32 v15, v15  }
0x84: {  	[tilespmem:$0x19A20] =	vst v13;
	v62 =	vmul.f32 v15, v19  }
0x85: {  	[tilespmem:$0x199A0] =	vst v15;
	v14 =	vmul.f32 $2.500000000e-01, v14  }
0x86: {  	s21 =	simm.s32 $0x4000;
	[tilespmem:$0x19920] =	vst v62  }
0x87: {  	s4 =	simm.s32 $0x9C4000;
	s5 =	simm.s32 $0x1800;
	s20 =	rddreg [dreg:$0x7];
	[tilespmem:$0x19AA0] =	vst v14  }
0x88: {  	[tilespmem:s5], [sflag:$0x1] =	stream.strided.gather [hbm4b:s20+s21], $0x10000, s4, s21, $0x38;
	[tilespmem:$0x19C80] =	vst v63  }
0x89: {  	_ =	swait.ge [sflag:s19], $0x10000  }
0x8a: {  	[sflag:s19] =	ssyncset.done $0x0  }
0x8b: {  	s23 =	simm.s32 $0x11800;
	s22 =	rddreg [dreg:$0x8];
	[sflag:s19] =	ssyncadd.s32 $0xFFFF0000  }
0x8c: {  	[tilespmem:s23], [sflag:$0x1] =	stream.linear.gather [hbm4b:s22+s2], $0x8000, $0x38;
	[tilespmem:$0x19C80] =	vst v63  }
0x8d: {  	_ =	swait.ge [sflag:s19], $0x8000  }
0x8e: {  	[sflag:s19] =	ssyncset.done $0x0  }
0x8f: {  	s3 =	simm.s32 $0x0;
	[sflag:s19] =	ssyncadd.s32 $0xFFFF8000  }
.LBB2_2:
0x90: {  	s4 =	sshll.u32 s3, $0x7;
	s9 =	simm.s32 $0x0  }
0x91: {  	s10 =	sadd.s32 $0x1800, s4;
	s18 =	sand.u32 $0x3C00, s9  }
0x92: {  	s11 =	sadd.s32 $0x9800, s4;
	s17 =	sand.u32 $0x70, s9;
	s5 =	sadd.s32 s18, s10  }
0x93: {  	s12 =	sadd.s32 $0x5800, s4;
	s6 =	sadd.s32 s18, s11;
	s5 =	sadd.s32 s17, s5  }
0x94: {  	s13 =	sadd.s32 $0xD800, s4;
	s22 =	sadd.s32 s18, s12;
	s21 =	sadd.s32 s17, s6;
	v14 =	vld [tilespmem:s5+$0x0]  }
0x95: {  	s0 =	sadd.s32 s18, s13;
	s23 =	sadd.s32 s17, s22;
	v15 =	vld [tilespmem:s21+$0x0]  }
0x96: {  	s6 =	sadd.s32 s17, s0;
	v16 =	vld [tilespmem:s23+$0x0]  }
0x97: {  	v17 =	vld [tilespmem:s6+$0x0];
	_ =	sdelay $0x4  }
0x98: {  	v13 =	vsub.f32 v14, v15;
	v18 =	vsub.f32 v16, v17;
	_ =	sdelay $0x1  }
0x99: {  	v13 =	vand.u32 $0x7FFFFFFF, v13;
	v18 =	vand.u32 $0x7FFFFFFF, v18  }
0x9a: {  	v19 =	vadd.f32 $9.999999740e-05, v13;
	v18 =	vadd.f32 $9.999999740e-05, v18;
	_ =	sdelay $0x1  }
0x9b: {  	v13 =	vmov s3;
	v20 =	vadd.f32 v18, v19;
	_ =	sdelay $0x1  }
0x9c: {  	v20 =	vmul.f32 $5.000000000e-01, v20;
	_ =	sdelay $0x1  }
0x9d: {  	s7 =	simm.s32 $0x80;
	v19 =	vadd.f32 v20, v19;
	v18 =	vadd.f32 v20, v18  }
0x9e: {  	s20 =	simm.s32 $0x10;
	s6 =	sand.u32 $0x3C00, s7;
	v22 =	vld.idx.msk [tilespmem:v13+s24+$0x0], $0xffff  }
0x9f: {  	s5 =	sand.u32 $0x70, s20;
	s7 =	sadd.s32 s6, s10;
	v20 =	vld.idx.msk [tilespmem:v13+s25+$0x0], $0xffff;
	v19 =	vmul.f32 v18, v19  }
0xa0: {  	s8 =	sadd.s32 s6, s11;
	s7 =	sadd.s32 s5, s7;
	v14 =	vadd.f32 v15, v14;
	v15 =	vadd.f32 v17, v16  }
0xa1: {  	s14 =	sadd.s32 s6, s12;
	s8 =	sadd.s32 s5, s8;
	v23 =	vld [tilespmem:s7+$0x0];
	v16 =	vmul.f32 $5.000000000e-01, v19;
	v17 =	vshra.s32 v19, $0x1  }
0xa2: {  	s16 =	sadd.s32 s6, s13;
	s15 =	sadd.s32 s5, s14;
	v24 =	vld [tilespmem:s8+$0x0];
	v14 =	vmul.f32 $5.000000000e-01, v14;
	v15 =	vmul.f32 $5.000000000e-01, v15;
	v17 =	vsub.s32 $0x5F3759DF, v17  }
0xa3: {  	s21 =	sadd.s32 s5, s16;
	v25 =	vld [tilespmem:s15+$0x0];
	v21 =	vmul.f32 v17, v16  }
0xa4: {  	v26 =	vld [tilespmem:s21+$0x0];
	v14 =	vsub.f32 v22, v14;
	v15 =	vsub.f32 v20, v15  }
0xa5: {  	v18 =	vld.idx.msk [tilespmem:v13+s30+$0x0], $0xffff;
	v21 =	vmul.f32 v17, v21  }
0xa6: {  	v14 =	vmul.f32 v14, v14;
	v15 =	vmul.f32 v15, v15  }
0xa7: {  	v21 =	vsub.f32 $1.500000000e+00, v21  }
0xa8: {  	v14 =	vadd.f32 v15, v14  }
0xa9: {  	v15 =	vmul.f32 v17, v21  }
0xaa: {  	v29 =	vmul.f32 v14, v18;
	v14 =	vsub.f32 v25, v26;
	v17 =	vsub.f32 v23, v24  }
0xab: {  	v21 =	vmul.f32 v15, v16  }
0xac: {  	v27 =	vmul.f32 $4.268378690e-06, v29;
	v14 =	vand.u32 $0x7FFFFFFF, v14;
	v17 =	vand.u32 $0x7FFFFFFF, v17  }
0xad: {  	v14 =	vadd.f32 $9.999999740e-05, v14;
	v28 =	vadd.f32 $9.999999740e-05, v17;
	v17 =	vmul.f32 v21, v15  }
0xae: {  	v21 =	vadd.f32 $-1.045981480e-04, v27  }
0xaf: {  	v27 =	vadd.f32 v14, v28;
	v17 =	vsub.f32 $1.500000000e+00, v17  }
0xb0: {  	s22 =	simm.s32 $0x100;
	v21 =	vmul.f32 v21, v29  }
0xb1: {  	s8 =	sand.u32 $0x3C00, s22;
	s21 =	simm.s32 $0x20;
	v27 =	vmul.f32 $5.000000000e-01, v27;
	v15 =	vmul.f32 v17, v15  }
0xb2: {  	s7 =	sand.u32 $0x70, s21;
	s14 =	sadd.s32 s8, s10;
	v21 =	vadd.f32 $1.929546470e-03, v21  }
0xb3: {  	s15 =	sadd.s32 s8, s11;
	s0 =	sadd.s32 s8, s12;
	s14 =	sadd.s32 s7, s14;
	v28 =	vadd.f32 v27, v28;
	v14 =	vadd.f32 v27, v14;
	v16 =	vmul.f32 v15, v16  }
0xb4: {  	s16 =	sadd.s32 s8, s13;
	s23 =	sadd.s32 s7, s15;
	s15 =	sadd.s32 s7, s0;
	v31 =	vld [tilespmem:s14+$0x0];
	v25 =	vadd.f32 v26, v25;
	v23 =	vadd.f32 v24, v23;
	v27 =	vmul.f32 v21, v29  }
0xb5: {  	s22 =	sadd.s32 s7, s16;
	v34 =	vld [tilespmem:s15+$0x0];
	v33 =	vmul.f32 v14, v28;
	v16 =	vmul.f32 v16, v15  }
0xb6: {  	v35 =	vld [tilespmem:s22+$0x0];
	v25 =	vmul.f32 $5.000000000e-01, v25;
	v23 =	vmul.f32 $5.000000000e-01, v23;
	v24 =	vadd.f32 $-2.580687960e-02, v27  }
0xb7: {  	v17 =	vld.idx.msk [tilespmem:v13+s26+$0x0], $0xffff;
	v32 =	vmul.f32 $5.000000000e-01, v33;
	v26 =	vshra.s32 v33, $0x1;
	v16 =	vsub.f32 $1.500000000e+00, v16  }
0xb8: {  	v25 =	vsub.f32 v20, v25;
	v21 =	vld.idx.msk [tilespmem:v13+s28+$0x0], $0xffff;
	v24 =	vmul.f32 v24, v29;
	v28 =	vsub.s32 $0x5F3759DF, v26  }
0xb9: {  	v27 =	vld [tilespmem:s23+$0x0];
	v30 =	vmul.f32 v28, v32;
	v16 =	vmul.f32 v16, v15  }
0xba: {  	v23 =	vsub.f32 v22, v23;
	v25 =	vmul.f32 v25, v25;
	v24 =	vadd.f32 $2.353306260e-01, v24  }
0xbb: {  	v26 =	vld.idx.msk [tilespmem:v13+s29+$0x0], $0xffff;
	v30 =	vmul.f32 v28, v30;
	v19 =	vmul.f32 v16, v19  }
0xbc: {  	v37 =	vsub.f32 v34, v35;
	v23 =	vmul.f32 v23, v23;
	v24 =	vmul.f32 v24, v29  }
0xbd: {  	v16 =	vmul.f32 v16, v17;
	v30 =	vsub.f32 $1.500000000e+00, v30;
	v19 =	vmul.f32 v19, v21  }
0xbe: {  	v23 =	vadd.f32 v25, v23;
	v25 =	vand.u32 $0x7FFFFFFF, v37;
	v36 =	vsub.f32 v31, v27  }
0xbf: {  	v52 =	vmul.f32 v28, v30;
	v16 =	vmax.f32 v16, v19;
	v19 =	vadd.f32 $-1.335262780e+00, v24  }
0xc0: {  	v38 =	vadd.f32 $9.999999740e-05, v25;
	v23 =	vmul.f32 v23, v18;
	v16 =	vmul.f32 v16, v26  }
0xc1: {  	v24 =	vand.u32 $0x7FFFFFFF, v36;
	v25 =	vmul.f32 v52, v32;
	v19 =	vmul.f32 v19, v29  }
0xc2: {  	v28 =	vmul.f32 $4.268378690e-06, v23;
	v53 =	vadd.f32 $9.999999740e-05, v24;
	v24 =	vadd.f32 $5.499999970e-02, v16  }
0xc3: {  	v25 =	vmul.f32 v25, v52;
	v19 =	vadd.f32 $4.058712010e+00, v19  }
0xc4: {  	v35 =	vadd.f32 v35, v34;
	s23 =	simm.s32 $0x180;
	v41 =	vadd.f32 $-1.045981480e-04, v28;
	v24 =	vmul.f32 $1.442695020e+00, v24  }
0xc5: {  	s16 =	simm.s32 $0x30;
	s15 =	sand.u32 $0x3C00, s23;
	v27 =	vadd.f32 v27, v31;
	v25 =	vsub.f32 $1.500000000e+00, v25;
	v40 =	vmul.f32 v19, v29  }
0xc6: {  	s14 =	sand.u32 $0x70, s16;
	s22 =	sshll.u32 s3, $0xC;
	s0 =	sadd.s32 s15, s10;
	v39 =	vadd.f32 v38, v53;
	v31 =	vmul.f32 v41, v23;
	(erf) = vpow2.f32 v24  }
0xc7: {  	v16 =	vor.u32 s9, v0;
	s9 =	sadd.s32 s14, s0;
	s0 =	sand.u32 $0x3FFFF000, s22;
	v54 =	vmul.f32 v25, v52;
	v40 =	vadd.f32 $-4.934802060e+00, v40  }
0xc8: {  	s18 =	sshrl.u32 s18, $0x2;
	v58 =	vmul.f32 $5.000000000e-01, v35;
	v30 =	vld [tilespmem:s9+$0x0];
	s9 =	sadd.s32 $0x11800, s0;
	v39 =	vmul.f32 $5.000000000e-01, v39;
	v31 =	vadd.f32 $1.929546470e-03, v31  }
0xc9: {  	vm0 =	vgt.f32 v29, $1.000000000e+00;
	s18 =	sadd.s32 s18, s9;
	v32 =	vmul.f32 v54, v32;
	v55 =	vmul.f32 v40, v29  }
0xca: {  	v14 =	vimm.f32 $-Inf;
	s17 =	sadd.s32 s17, s18;
	v37 =	vadd.f32 v39, v53;
	v31 =	vmul.f32 v31, v23  }
0xcb: {  	v38 =	vadd.f32 v39, v38;
	v57 =	vld [tilespmem:s17+$0x80];
	v32 =	vmul.f32 v32, v54;
	v36 =	vadd.f32 $1.000000000e+00, v55  }
0xcc: {  	s23 =	sadd.s32 s15, s11;
	v56 =	vmul.f32 $5.000000000e-01, v27;
	v19 =	vor.u32 s20, v0;
	v31 =	vadd.f32 $-2.580687960e-02, v31  }
0xcd: {  	s20 =	sadd.s32 s14, s23;
	v27 =	vmul.f32 v38, v37;
	v32 =	vsub.f32 $1.500000000e+00, v32;
	v36 =	vmul.f32 $2.099999930e-01, v36  }
0xce: {  	v15 =	vimm.s32 $0x0;
	v24 =	vor.u32 s21, v0;
	v28 =	vld [tilespmem:s20+$0x0];
	s21 =	sadd.s32 s15, s12;
	v31 =	vmul.f32 v31, v23  }
0xcf: {  	s22 =	sadd.s32 s15, s13;
	s17 =	sadd.s32 s14, s21;
	v29 =	vmul.f32 $5.000000000e-01, v27;
	v35 =	vmul.f32 v32, v54;
	v59 =	vadd.f32 $2.099999930e-01, v36;
	v60 =	vpop (erf)  }
0xd0: {  	s23 =	sadd.s32 s14, s22;
	v61 =	vshra.s32 v27, $0x1;
	v42 =	vadd.f32 $2.353306260e-01, v31;
	v32 =	vld [tilespmem:s17+$0x0];
	v40 =	vmul.f32 v60, v57  }
0xd1: {  	v36 =	vsub.s32 $0x5F3759DF, v61;
	v38 =	vmul.f32 v35, v33;
	v33 =	vld [tilespmem:s23+$0x0];
	v62 =	vsel vm0, $0x0, v59  }
0xd2: {  	v25 =	vor.u32 s16, v0;
	v63 =	vmul.f32 v36, v29;
	v31 =	vadd.f32 v40, v62  }
0xd3: {  	v39 =	vsub.f32 v22, v56;
	v34 =	vsub.f32 v30, v28;
	v37 =	vmul.f32 v42, v23  }
0xd4: {  	s17 =	simm.s32 $0x200;
	v40 =	vsub.f32 v20, v58;
	v41 =	vmul.f32 v36, v63;
	vm0 =	vgt.f32 v31, v14  }
.LBB2_3:
0xd5: {  	p0 =	sne.s32 s17, $0x3E00;
	v35 =	vmul.f32 v35, v17;
	v38 =	vmul.f32 v38, v21;
	v14 =	vsel vm0, v31, v14  }
0xd6: {  	v39 =	vmul.f32 v39, v39;
	v40 =	vmul.f32 v40, v40;
	v31 =	vsub.f32 v32, v33  }
0xd7: {  	v41 =	vsub.f32 $1.500000000e+00, v41;
	v37 =	vadd.f32 $-1.335262780e+00, v37;
	v35 =	vmax.f32 v35, v38  }
0xd8: {  	v34 =	vand.u32 $0x7FFFFFFF, v34;
	v38 =	vadd.f32 v40, v39;
	v35 =	vmul.f32 v35, v26  }
0xd9: {  	v31 =	vand.u32 $0x7FFFFFFF, v31;
	v36 =	vmul.f32 v36, v41;
	v37 =	vmul.f32 v37, v23  }
0xda: {  	v34 =	vadd.f32 $9.999999740e-05, v34;
	v38 =	vmul.f32 v38, v18;
	v35 =	vadd.f32 $5.499999970e-02, v35  }
0xdb: {  	v31 =	vadd.f32 $9.999999740e-05, v31;
	v39 =	vmul.f32 v36, v29;
	v37 =	vadd.f32 $4.058712010e+00, v37  }
0xdc: {  	s18 =	sand.u32 $0x3C00, s17;
	s16 =	sadd.s32 $0x10, s16;
	v15 =	vsel vm0, v16, v15;
	v16 =	vmovc v19;
	v19 =	vmovc v24;
	v40 =	vmul.f32 $4.268378690e-06, v38;
	v35 =	vmul.f32 $1.442695020e+00, v35  }
0xdd: {  	v24 =	vmovc v25;
	s20 =	sand.u32 $0x70, s16;
	s21 =	sadd.s32 s18, s10;
	v41 =	vadd.f32 v31, v34;
	v39 =	vmul.f32 v39, v36;
	v37 =	vmul.f32 v37, v23  }
0xde: {  	s22 =	sadd.s32 s18, s11;
	v25 =	vor.u32 s16, v0;
	s21 =	sadd.s32 s20, s21;
	v40 =	vadd.f32 $-1.045981480e-04, v40;
	(erf) = vpow2.f32 v35  }
0xdf: {  	v41 =	vmul.f32 $5.000000000e-01, v41;
	v39 =	vsub.f32 $1.500000000e+00, v39;
	v37 =	vadd.f32 $-4.934802060e+00, v37;
	v35 =	vld [tilespmem:s21+$0x0];
	s21 =	sadd.s32 s20, s22  }
0xe0: {  	v30 =	vadd.f32 v28, v30;
	v40 =	vmul.f32 v40, v38;
	v28 =	vld [tilespmem:s21+$0x0];
	s21 =	sshrl.u32 s6, $0x2;
	s6 =	smov.u32 s8;
	s8 =	smov.u32 s15  }
0xe1: {  	v34 =	vadd.f32 v41, v34;
	v39 =	vmul.f32 v39, v36;
	v36 =	vmul.f32 v37, v23;
	s15 =	smov.u32 s18;
	s21 =	sadd.s32 s21, s9  }
0xe2: {  	v31 =	vadd.f32 v41, v31;
	v37 =	vadd.f32 $1.929546470e-03, v40;
	s18 =	sadd.s32 s5, s21;
	s5 =	smov.u32 s7;
	s7 =	smov.u32 s14  }
0xe3: {  	v40 =	vmul.f32 $5.000000000e-01, v30;
	v29 =	vmul.f32 v39, v29;
	v36 =	vadd.f32 $1.000000000e+00, v36;
	s14 =	smov.u32 s20;
	v41 =	vld [tilespmem:s18+$0x80]  }
0xe4: {  	v32 =	vadd.f32 v33, v32;
	v42 =	vmul.f32 v31, v34;
	v31 =	vmul.f32 v37, v38;
	v30 =	vmovc v35  }
0xe5: {  	v44 =	vmul.f32 v29, v39;
	v35 =	vmul.f32 $2.099999930e-01, v36;
	v34 =	vsub.f32 v30, v28  }
0xe6: {  	vm0 =	vgt.f32 v23, $1.000000000e+00;
	v23 =	vmovc v38;
	s18 =	sadd.s32 s15, s12;
	v37 =	vmul.f32 $5.000000000e-01, v32;
	v31 =	vadd.f32 $-2.580687960e-02, v31  }
0xe7: {  	s20 =	sadd.s32 s15, s13;
	s18 =	sadd.s32 s14, s18;
	v29 =	vmul.f32 $5.000000000e-01, v42;
	v38 =	vsub.f32 $1.500000000e+00, v44;
	v43 =	vadd.f32 $2.099999930e-01, v35;
	v33 =	vpop (erf)  }
.Ltmp0:
0xe8: {  	v35 =	vshra.s32 v42, $0x1;
	v31 =	vmul.f32 v31, v23;
	v32 =	vld [tilespmem:s18+$0x0];
	s18 =	sadd.s32 s14, s20;
	v41 =	vmul.f32 v33, v41;
	(pc) =	sbr.rel @p0 .LBB2_3-.Ltmp0, $4  }
0xe9: {  	v36 =	vsub.s32 $0x5F3759DF, v35;
	v35 =	vmul.f32 v38, v39;
	v38 =	vsel vm0, $0x0, v43;
	v33 =	vld [tilespmem:s18+$0x0]  }
0xea: {  	v43 =	vmul.f32 v36, v29;
	v44 =	vadd.f32 $2.353306260e-01, v31;
	v31 =	vadd.f32 v41, v38  }
0xeb: {  	v39 =	vsub.f32 v22, v40;
	v40 =	vsub.f32 v20, v37;
	v38 =	vmul.f32 v35, v27;
	v27 =	vmovc v42  }
0xec: {  	s17 =	sadd.s32 $0x80, s17;
	v41 =	vmul.f32 v36, v43;
	v37 =	vmul.f32 v44, v23;
	vm0 =	vgt.f32 v31, v14  }
0xed: {  	_ = 	snop  }
0xee: {  	v42 =	vsub.f32 v32, v33;
	_ =	sdelay $0x1  }
0xef: {  	v34 =	vand.u32 $0x7FFFFFFF, v34;
	v42 =	vand.u32 $0x7FFFFFFF, v42  }
0xf0: {  	v34 =	vadd.f32 $9.999999740e-05, v34;
	v42 =	vadd.f32 $9.999999740e-05, v42;
	_ =	sdelay $0x1  }
0xf1: {  	v43 =	vadd.f32 v42, v34;
	_ =	sdelay $0x1  }
0xf2: {  	v43 =	vmul.f32 $5.000000000e-01, v43;
	_ =	sdelay $0x1  }
0xf3: {  	v34 =	vadd.f32 v43, v34;
	v42 =	vadd.f32 v43, v42;
	_ =	sdelay $0x1  }
0xf4: {  	v49 =	vmul.f32 v42, v34  }
0xf5: {  	v28 =	vadd.f32 v28, v30;
	v50 =	vadd.f32 v33, v32  }
0xf6: {  	v51 =	vmul.f32 $5.000000000e-01, v49;
	v34 =	vshra.s32 v49, $0x1  }
0xf7: {  	v28 =	vmul.f32 $5.000000000e-01, v28;
	v32 =	vmul.f32 $5.000000000e-01, v50;
	v34 =	vsub.s32 $0x5F3759DF, v34  }
0xf8: {  	v39 =	vmul.f32 v39, v39;
	v52 =	vmul.f32 v34, v51  }
0xf9: {  	v40 =	vmul.f32 v40, v40;
	v22 =	vsub.f32 v22, v28;
	v20 =	vsub.f32 v20, v32  }
0xfa: {  	v41 =	vsub.f32 $1.500000000e+00, v41;
	v28 =	vmul.f32 v34, v52  }
0xfb: {  	v54 =	vadd.f32 v40, v39;
	v22 =	vmul.f32 v22, v22;
	v20 =	vmul.f32 v20, v20  }
0xfc: {  	v53 =	vmul.f32 v36, v41;
	v28 =	vsub.f32 $1.500000000e+00, v28  }
0xfd: {  	v20 =	vadd.f32 v20, v22;
	v22 =	vmul.f32 v54, v18  }
0xfe: {  	v55 =	vmul.f32 v53, v29;
	v28 =	vmul.f32 v34, v28  }
0xff: {  	v18 =	vmul.f32 v20, v18;
	v57 =	vmul.f32 $4.268378690e-06, v22  }
0x100: {  	v56 =	vmul.f32 v55, v53;
	v58 =	vmul.f32 v28, v51  }
0x101: {  	v59 =	vmul.f32 $4.268378690e-06, v18;
	v20 =	vadd.f32 $-1.045981480e-04, v57  }
0x102: {  	v34 =	vsub.f32 $1.500000000e+00, v56;
	v36 =	vmul.f32 v58, v28  }
0x103: {  	v60 =	vadd.f32 $-1.045981480e-04, v59;
	v20 =	vmul.f32 v20, v22  }
0x104: {  	v32 =	vmul.f32 v34, v53;
	v36 =	vsub.f32 $1.500000000e+00, v36  }
0x105: {  	v20 =	vadd.f32 $1.929546470e-03, v20;
	v34 =	vmul.f32 v60, v18  }
0x106: {  	v61 =	vmul.f32 v32, v29;
	v28 =	vmul.f32 v36, v28  }
0x107: {  	v20 =	vmul.f32 v20, v22;
	v34 =	vadd.f32 $1.929546470e-03, v34  }
0x108: {  	v29 =	vmul.f32 v61, v32;
	v33 =	vmul.f32 v28, v51  }
0x109: {  	v35 =	vmul.f32 v35, v17;
	v20 =	vadd.f32 $-2.580687960e-02, v20;
	v34 =	vmul.f32 v34, v18  }
0x10a: {  	v62 =	vmul.f32 v38, v21;
	v29 =	vsub.f32 $1.500000000e+00, v29;
	v33 =	vmul.f32 v33, v28  }
0x10b: {  	v20 =	vmul.f32 v20, v22;
	v39 =	vadd.f32 $-2.580687960e-02, v34  }
0x10c: {  	v35 =	vmax.f32 v35, v62;
	v29 =	vmul.f32 v29, v32;
	v33 =	vsub.f32 $1.500000000e+00, v33  }
0x10d: {  	v35 =	vmul.f32 v35, v26;
	v20 =	vadd.f32 $2.353306260e-01, v20;
	v32 =	vmul.f32 v39, v18  }
0x10e: {  	v63 =	vadd.f32 $-1.335262780e+00, v37;
	v27 =	vmul.f32 v29, v27;
	v28 =	vmul.f32 v33, v28  }
0x10f: {  	v20 =	vmul.f32 v20, v22;
	v29 =	vmul.f32 v29, v17;
	v32 =	vadd.f32 $2.353306260e-01, v32  }
0x110: {  	v27 =	vmul.f32 v27, v21;
	v30 =	vmul.f32 v28, v49  }
0x111: {  	v40 =	vmul.f32 v63, v23;
	v20 =	vadd.f32 $-1.335262780e+00, v20;
	v43 =	vmul.f32 v32, v18  }
0x112: {  	v27 =	vmax.f32 v29, v27;
	v44 =	vmul.f32 v28, v17;
	v45 =	vmul.f32 v30, v21  }
0x113: {  	v35 =	vadd.f32 $5.499999970e-02, v35;
	v41 =	vadd.f32 $4.058712010e+00, v40;
	v27 =	vmul.f32 v27, v26  }
0x114: {  	v20 =	vmul.f32 v20, v22;
	v47 =	vadd.f32 $-1.335262780e+00, v43;
	v17 =	vmax.f32 v44, v45  }
0x115: {  	v42 =	vmul.f32 $1.442695020e+00, v35;
	v27 =	vadd.f32 $5.499999970e-02, v27;
	v17 =	vmul.f32 v17, v26  }
0x116: {  	v46 =	vmul.f32 v41, v23;
	v20 =	vadd.f32 $4.058712010e+00, v20;
	v21 =	vmul.f32 v47, v18  }
0x117: {  	(erf) = vpow2.f32 v42;
	v27 =	vmul.f32 $1.442695020e+00, v27;
	v17 =	vadd.f32 $5.499999970e-02, v17  }
0x118: {  	v48 =	vadd.f32 $-4.934802060e+00, v46;
	v20 =	vmul.f32 v20, v22;
	v21 =	vadd.f32 $4.058712010e+00, v21  }
0x119: {  	s6 =	sshrl.u32 s6, $0x2;
	(erf) = vpow2.f32 v27;
	v17 =	vmul.f32 $1.442695020e+00, v17  }
0x11a: {  	s6 =	sadd.s32 s6, s9;
	v20 =	vadd.f32 $-4.934802060e+00, v20;
	v26 =	vmul.f32 v48, v23;
	v21 =	vmul.f32 v21, v18  }
0x11b: {  	s12 =	sshrl.u32 s8, $0x2;
	s5 =	sadd.s32 s5, s6;
	(erf) = vpow2.f32 v17  }
0x11c: {  	v50 =	vmul.f32 v20, v22;
	v49 =	vld [tilespmem:s5+$0x80];
	s5 =	sadd.s32 s12, s9;
	v26 =	vadd.f32 $1.000000000e+00, v26;
	v51 =	vadd.f32 $-4.934802060e+00, v21  }
0x11d: {  	s13 =	sshrl.u32 s15, $0x2;
	s5 =	sadd.s32 s7, s5  }
0x11e: {  	s15 =	sadd.s32 s13, s9;
	v53 =	vld [tilespmem:s5+$0x80];
	v52 =	vmul.f32 $2.099999930e-01, v26;
	v20 =	vmul.f32 v51, v18;
	v17 =	vadd.f32 $1.000000000e+00, v50  }
0x11f: {  	s5 =	sadd.s32 s14, s15  }
0x120: {  	v54 =	vpop (erf);
	v56 =	vld [tilespmem:s5+$0x80];
	v21 =	vadd.f32 $2.099999930e-01, v52;
	v20 =	vadd.f32 $1.000000000e+00, v20;
	v17 =	vmul.f32 $2.099999930e-01, v17  }
0x121: {  	vm1 =	vgt.f32 v23, $1.000000000e+00;
	v14 =	vsel vm0, v31, v14;
	v55 =	vmul.f32 v54, v49  }
0x122: {  	v21 =	vsel vm1, $0x0, v21;
	v57 =	vpop (erf);
	v20 =	vmul.f32 $2.099999930e-01, v20;
	v17 =	vadd.f32 $2.099999930e-01, v17  }
0x123: {  	vm11 =	vgt.f32 v22, $1.000000000e+00;
	v21 =	vadd.f32 v55, v21;
	v58 =	vmul.f32 v57, v53  }
0x124: {  	vm12 =	vgt.f32 v18, $1.000000000e+00;
	v20 =	vadd.f32 $2.099999930e-01, v20;
	v17 =	vsel vm11, $0x0, v17;
	v59 =	vpop (erf)  }
0x125: {  	vm2 =	vgt.f32 v21, v14;
	v17 =	vadd.f32 v58, v17;
	v60 =	vmul.f32 v59, v56  }
0x126: {  	v14 =	vsel vm2, v21, v14;
	v20 =	vsel vm12, $0x0, v20  }
0x127: {  	vm13 =	vgt.f32 v17, v14;
	v18 =	vadd.f32 v60, v20  }
0x128: {  	v14 =	vsel vm13, v17, v14  }
0x129: {  	vm3 =	vgt.f32 v18, v14  }
0x12a: {  	v14 =	vsel vm3, v18, v14  }
0x12b: {  	(xrf0) =	vmax.scan.msk.f32 $0xffff, v14;
	_ =	sdelay $0x4  }
0x12c: {  	v15 =	vsel vm0, v16, v15  }
0x12d: {  	v15 =	vsel vm2, v19, v15;
	v61, _, _ =	vpop (xrf0)  }
0x12e: {  	v15 =	vsel vm13, v24, v15;
	v16 =	vbroadcast v61, $0xF  }
0x12f: {  	v15 =	vsel vm3, v25, v15  }
0x130: {  	vm14 =	veq.f32 v14, v16;
	v14 =	vxor.u32 $0x80000000, v15  }
0x131: {  	v14 =	vnsel vm14, $0xC0000000, v14  }
0x132: {  	(xrf0) =	vmin.scan.msk.u32 $0xffff, v14;
	_ =	sdelay $0x5  }
0x133: {  	v14, _, _ =	vpop (xrf0)  }
0x134: {  	(v2sf) =	vpush v14, $0xF;
	_ =	sdelay $0xe  }
0x135: {  	s16 =	spop (v2sf)  }
0x136: {  	s5 =	sxor.u32 $0x80000000, s16  }
0x137: {  	p0 =	slt.s32 s5, $0x7C0;
	s6 =	smov.u32 s5  }
0x138: {  	s6 =	simm.s32 @!p0 $0x7C0  }
0x139: {  	s17 =	sshll.u32 s6, $0x3  }
0x13a: {  	s18 =	sshll.u32 s3, $0x2;
	s5 =	ssub.s32 s5, s6;
	s7 =	sand.u32 $0xFFFFFC00, s17  }
0x13b: {  	v14 =	vmov s18;
	s6 =	sand.u32 $0x7F, s6;
	v15 =	vmov s5;
	s4 =	sadd.s32 s4, s7  }
0x13c: {  	v14 =	vbroadcast v14, $0x0;
	vm15 =	veq.s32 v15, v0;
	s4 =	sadd.s32 s6, s4  }
0x13d: {  	v15 =	vld [tilespmem:s4+$0x1800];
	_ =	sdelay $0x2  }
0x13e: {  	s20 =	sor.u32 $0x1, s18  }
0x13f: {  	v62 =	vmov s20  }
0x140: {  	[tilespmem:v14+s31+$0x0] =	vst.idx.msk vm15, v15;
	v14 =	vbroadcast v62, $0x0  }
0x141: {  	v15 =	vld [tilespmem:s4+$0x5800];
	_ =	sdelay $0x2  }
0x142: {  	s21 =	sor.u32 $0x2, s18  }
0x143: {  	v63 =	vmov s21  }
0x144: {  	[tilespmem:v14+s31+$0x0] =	vst.idx.msk vm15, v15;
	v14 =	vbroadcast v63, $0x0  }
0x145: {  	v15 =	vld [tilespmem:s4+$0x9800];
	_ =	sdelay $0x4  }
0x146: {  	s22 =	sshllo.u32 s3, $0x2;
	[tilespmem:v14+s31+$0x0] =	vst.idx.msk vm15, v15  }
0x147: {  	v15 =	vmov s22;
	v14 =	vld [tilespmem:s4+$0xD800];
	_ =	sdelay $0x2  }
0x148: {  	s23 =	sshra.s32 s7, $0x2  }
0x149: {  	s4 =	sadd.s32 s23, s9  }
0x14a: {  	s3 =	sadd.s32 $0x1, s3;
	s4 =	sadd.s32 s6, s4;
	[tilespmem:v15+s31+$0x0] =	vst.idx.msk vm15, v14  }
0x14b: {  	p0 =	sne.s32 s3, $0x8;
	v14 =	vld [tilespmem:s4+$0x80]  }
.Ltmp1:
0x14c: {  	_ = 	snop;
	(pc) =	sbr.rel @p0 .LBB2_2-.Ltmp1, $2  }
0x14d: {  	_ =	sdelay $0x2  }
0x14e: {  	[tilespmem:v13+s1+$0x0] =	vst.idx.msk vm15, v14  }
0x14f: {  	s0 =	rddreg [dreg:$0x9]  }
0x150: {  	s3 =	simm.s32 $0x4000;
	s4 =	simm.s32 $0x9C4000;
	s5 =	simm.s32 $0x1800  }
0x151: {  	[tilespmem:s5], [sflag:$0x1] =	stream.strided.gather [hbm4b:s0+s3], $0x10000, s4, s3, $0x38;
	[tilespmem:$0x19C80] =	vst v63  }
0x152: {  	_ =	swait.ge [sflag:s19], $0x10000  }
0x153: {  	s23 =	simm.s32 $0x11800;
	[sflag:s19] =	ssyncset.done $0x0  }
0x154: {  	s3 =	simm.s32 $0x0;
	s22 =	rddreg [dreg:$0xa];
	[sflag:s19] =	ssyncadd.s32 $0xFFFF0000  }
0x155: {  	[tilespmem:s23], [sflag:$0x1] =	stream.linear.gather [hbm4b:s22+s3], $0x8000, $0x38;
	[tilespmem:$0x19C80] =	vst v63  }
0x156: {  	_ =	swait.ge [sflag:s19], $0x8000  }
0x157: {  	[sflag:s19] =	ssyncset.done $0x0  }
0x158: {  	s4 =	simm.s32 $0x0;
	[sflag:s19] =	ssyncadd.s32 $0xFFFF8000  }
.LBB2_6:
0x159: {  	s5 =	sshll.u32 s4, $0x7  }
0x15a: {  	s21 =	sand.u32 $0x3C00, s3;
	s12 =	sadd.s32 $0x1800, s5  }
0x15b: {  	s20 =	sand.u32 $0x70, s3;
	s13 =	sadd.s32 $0x9800, s5;
	s6 =	sadd.s32 s21, s12  }
0x15c: {  	s14 =	sadd.s32 $0x5800, s5;
	s7 =	sadd.s32 s21, s13;
	s6 =	sadd.s32 s20, s6  }
0x15d: {  	s15 =	sadd.s32 $0xD800, s5;
	s9 =	sadd.s32 s21, s14;
	s8 =	sadd.s32 s20, s7;
	v14 =	vld [tilespmem:s6+$0x0]  }
0x15e: {  	s11 =	sadd.s32 s21, s15;
	s10 =	sadd.s32 s20, s9;
	v15 =	vld [tilespmem:s8+$0x0]  }
0x15f: {  	s16 =	sadd.s32 s20, s11;
	v16 =	vld [tilespmem:s10+$0x0]  }
0x160: {  	v17 =	vld [tilespmem:s16+$0x0];
	_ =	sdelay $0x4  }
0x161: {  	v13 =	vsub.f32 v14, v15;
	v18 =	vsub.f32 v16, v17;
	_ =	sdelay $0x1  }
0x162: {  	v13 =	vand.u32 $0x7FFFFFFF, v13;
	v18 =	vand.u32 $0x7FFFFFFF, v18  }
0x163: {  	v19 =	vadd.f32 $9.999999740e-05, v13;
	v18 =	vadd.f32 $9.999999740e-05, v18  }
0x164: {  	s6 =	sor.u32 $0x8, s4  }
0x165: {  	v13 =	vmov s6;
	v20 =	vadd.f32 v18, v19;
	_ =	sdelay $0x1  }
0x166: {  	v20 =	vmul.f32 $5.000000000e-01, v20;
	_ =	sdelay $0x1  }
0x167: {  	s17 =	simm.s32 $0x80;
	v19 =	vadd.f32 v20, v19;
	v18 =	vadd.f32 v20, v18  }
0x168: {  	s11 =	simm.s32 $0x10;
	s8 =	sand.u32 $0x3C00, s17;
	v22 =	vld.idx.msk [tilespmem:v13+s24+$0x0], $0xffff  }
0x169: {  	s7 =	sand.u32 $0x70, s11;
	s9 =	sadd.s32 s8, s12;
	v20 =	vld.idx.msk [tilespmem:v13+s25+$0x0], $0xffff;
	v19 =	vmul.f32 v18, v19  }
0x16a: {  	s10 =	sadd.s32 s8, s13;
	s9 =	sadd.s32 s7, s9;
	v14 =	vadd.f32 v15, v14;
	v15 =	vadd.f32 v17, v16  }
0x16b: {  	s22 =	sadd.s32 s8, s14;
	s18 =	sadd.s32 s7, s10;
	v23 =	vld [tilespmem:s9+$0x0];
	v16 =	vmul.f32 $5.000000000e-01, v19;
	v17 =	vshra.s32 v19, $0x1  }
0x16c: {  	s0 =	sadd.s32 s8, s15;
	s23 =	sadd.s32 s7, s22;
	v24 =	vld [tilespmem:s18+$0x0];
	v14 =	vmul.f32 $5.000000000e-01, v14;
	v15 =	vmul.f32 $5.000000000e-01, v15;
	v17 =	vsub.s32 $0x5F3759DF, v17  }
0x16d: {  	s10 =	sadd.s32 s7, s0;
	v25 =	vld [tilespmem:s23+$0x0];
	v21 =	vmul.f32 v17, v16  }
0x16e: {  	v26 =	vld [tilespmem:s10+$0x0];
	v14 =	vsub.f32 v22, v14;
	v15 =	vsub.f32 v20, v15  }
0x16f: {  	v18 =	vld.idx.msk [tilespmem:v13+s30+$0x0], $0xffff;
	v21 =	vmul.f32 v17, v21  }
0x170: {  	v14 =	vmul.f32 v14, v14;
	v15 =	vmul.f32 v15, v15  }
0x171: {  	v21 =	vsub.f32 $1.500000000e+00, v21  }
0x172: {  	v14 =	vadd.f32 v15, v14  }
0x173: {  	v15 =	vmul.f32 v17, v21  }
0x174: {  	v29 =	vmul.f32 v14, v18;
	v14 =	vsub.f32 v25, v26;
	v17 =	vsub.f32 v23, v24  }
0x175: {  	v21 =	vmul.f32 v15, v16  }
0x176: {  	v27 =	vmul.f32 $4.268378690e-06, v29;
	v14 =	vand.u32 $0x7FFFFFFF, v14;
	v17 =	vand.u32 $0x7FFFFFFF, v17  }
0x177: {  	v14 =	vadd.f32 $9.999999740e-05, v14;
	v28 =	vadd.f32 $9.999999740e-05, v17;
	v17 =	vmul.f32 v21, v15  }
0x178: {  	v21 =	vadd.f32 $-1.045981480e-04, v27  }
0x179: {  	v27 =	vadd.f32 v14, v28;
	v17 =	vsub.f32 $1.500000000e+00, v17  }
0x17a: {  	s16 =	simm.s32 $0x100;
	v21 =	vmul.f32 v21, v29  }
0x17b: {  	s22 =	simm.s32 $0x20;
	s10 =	sand.u32 $0x3C00, s16;
	v27 =	vmul.f32 $5.000000000e-01, v27;
	v15 =	vmul.f32 v17, v15  }
0x17c: {  	s9 =	sand.u32 $0x70, s22;
	s18 =	sadd.s32 s10, s14;
	v21 =	vadd.f32 $1.929546470e-03, v21  }
0x17d: {  	s23 =	sadd.s32 s9, s18;
	v28 =	vadd.f32 v27, v28;
	v14 =	vadd.f32 v27, v14;
	v16 =	vmul.f32 v15, v16  }
0x17e: {  	s17 =	sadd.s32 s10, s13;
	v34 =	vld [tilespmem:s23+$0x0];
	v25 =	vadd.f32 v26, v25;
	v23 =	vadd.f32 v24, v23;
	v27 =	vmul.f32 v21, v29  }
0x17f: {  	s0 =	sadd.s32 s10, s15;
	s17 =	sadd.s32 s9, s17;
	v17 =	vld.idx.msk [tilespmem:v13+s26+$0x0], $0xffff;
	v33 =	vmul.f32 v14, v28;
	v16 =	vmul.f32 v16, v15  }
0x180: {  	v25 =	vmul.f32 $5.000000000e-01, v25;
	v23 =	vmul.f32 $5.000000000e-01, v23;
	v24 =	vadd.f32 $-2.580687960e-02, v27;
	v27 =	vld [tilespmem:s17+$0x0];
	s17 =	sadd.s32 s9, s0  }
0x181: {  	s16 =	sadd.s32 s10, s12;
	v32 =	vmul.f32 $5.000000000e-01, v33;
	v26 =	vshra.s32 v33, $0x1;
	v35 =	vld [tilespmem:s17+$0x0];
	v16 =	vsub.f32 $1.500000000e+00, v16  }
0x182: {  	s16 =	sadd.s32 s9, s16;
	v25 =	vsub.f32 v20, v25;
	v21 =	vld.idx.msk [tilespmem:v13+s28+$0x0], $0xffff;
	v24 =	vmul.f32 v24, v29;
	v28 =	vsub.s32 $0x5F3759DF, v26  }
0x183: {  	v31 =	vld [tilespmem:s16+$0x0];
	v30 =	vmul.f32 v28, v32;
	v16 =	vmul.f32 v16, v15  }
0x184: {  	v23 =	vsub.f32 v22, v23;
	v25 =	vmul.f32 v25, v25;
	v24 =	vadd.f32 $2.353306260e-01, v24  }
0x185: {  	v26 =	vld.idx.msk [tilespmem:v13+s29+$0x0], $0xffff;
	v30 =	vmul.f32 v28, v30;
	v19 =	vmul.f32 v16, v19  }
0x186: {  	v23 =	vmul.f32 v23, v23;
	v24 =	vmul.f32 v24, v29;
	v37 =	vsub.f32 v34, v35  }
0x187: {  	v16 =	vmul.f32 v16, v17;
	v30 =	vsub.f32 $1.500000000e+00, v30;
	v19 =	vmul.f32 v19, v21  }
0x188: {  	v23 =	vadd.f32 v25, v23;
	v36 =	vsub.f32 v31, v27;
	v25 =	vand.u32 $0x7FFFFFFF, v37  }
0x189: {  	v52 =	vmul.f32 v28, v30;
	v16 =	vmax.f32 v16, v19;
	v19 =	vadd.f32 $-1.335262780e+00, v24  }
0x18a: {  	v23 =	vmul.f32 v23, v18;
	v38 =	vadd.f32 $9.999999740e-05, v25;
	v16 =	vmul.f32 v16, v26  }
0x18b: {  	v24 =	vand.u32 $0x7FFFFFFF, v36;
	v25 =	vmul.f32 v52, v32;
	v19 =	vmul.f32 v19, v29  }
0x18c: {  	v28 =	vmul.f32 $4.268378690e-06, v23;
	v53 =	vadd.f32 $9.999999740e-05, v24;
	v24 =	vadd.f32 $5.499999970e-02, v16  }
0x18d: {  	s18 =	simm.s32 $0x180;
	v25 =	vmul.f32 v25, v52;
	v19 =	vadd.f32 $4.058712010e+00, v19  }
0x18e: {  	s17 =	sand.u32 $0x3C00, s18;
	s18 =	simm.s32 $0x30;
	v27 =	vadd.f32 v27, v31;
	v41 =	vadd.f32 $-1.045981480e-04, v28;
	v24 =	vmul.f32 $1.442695020e+00, v24  }
0x18f: {  	s16 =	sand.u32 $0x70, s18;
	s23 =	sadd.s32 s17, s12;
	v39 =	vadd.f32 v38, v53;
	v25 =	vsub.f32 $1.500000000e+00, v25;
	v40 =	vmul.f32 v19, v29  }
0x190: {  	s0 =	sshll.u32 s4, $0xC;
	v31 =	vmul.f32 v41, v23;
	v19 =	vor.u32 s11, v0;
	s11 =	sadd.s32 s16, s23;
	s23 =	sadd.s32 s17, s13;
	(erf) = vpow2.f32 v24  }
0x191: {  	vm0 =	vgt.f32 v29, $1.000000000e+00;
	s0 =	sand.u32 $0x3FFFF000, s0;
	v30 =	vld [tilespmem:s11+$0x0];
	s23 =	sadd.s32 s16, s23;
	v54 =	vmul.f32 v25, v52;
	v40 =	vadd.f32 $-4.934802060e+00, v40  }
0x192: {  	v14 =	vimm.f32 $-Inf;
	v39 =	vmul.f32 $5.000000000e-01, v39;
	v31 =	vadd.f32 $1.929546470e-03, v31;
	s11 =	sadd.s32 $0x11800, s0;
	v28 =	vld [tilespmem:s23+$0x0];
	s23 =	sshrl.u32 s21, $0x2  }
0x193: {  	v15 =	vimm.s32 $0x0;
	s0 =	sadd.s32 s23, s11;
	v32 =	vmul.f32 v54, v32;
	v55 =	vmul.f32 v40, v29  }
0x194: {  	v35 =	vadd.f32 v35, v34;
	v37 =	vadd.f32 v39, v53;
	v31 =	vmul.f32 v31, v23;
	s0 =	sadd.s32 s20, s0  }
0x195: {  	v38 =	vadd.f32 v39, v38;
	v57 =	vld [tilespmem:s0+$0x80];
	v32 =	vmul.f32 v32, v54;
	v36 =	vadd.f32 $1.000000000e+00, v55  }
0x196: {  	v56 =	vmul.f32 $5.000000000e-01, v27;
	v58 =	vmul.f32 $5.000000000e-01, v35;
	v31 =	vadd.f32 $-2.580687960e-02, v31  }
0x197: {  	v27 =	vmul.f32 v38, v37;
	v32 =	vsub.f32 $1.500000000e+00, v32;
	v36 =	vmul.f32 $2.099999930e-01, v36  }
0x198: {  	v16 =	vor.u32 s3, v0;
	v24 =	vor.u32 s22, v0;
	s21 =	sadd.s32 s17, s14;
	v31 =	vmul.f32 v31, v23  }
0x199: {  	s22 =	sadd.s32 s17, s15;
	v29 =	vmul.f32 $5.000000000e-01, v27;
	s0 =	sadd.s32 s16, s21;
	v35 =	vmul.f32 v32, v54;
	v59 =	vadd.f32 $2.099999930e-01, v36;
	v60 =	vpop (erf)  }
0x19a: {  	s23 =	sadd.s32 s16, s22;
	v61 =	vshra.s32 v27, $0x1;
	v42 =	vadd.f32 $2.353306260e-01, v31;
	v32 =	vld [tilespmem:s0+$0x0];
	v40 =	vmul.f32 v60, v57  }
0x19b: {  	v36 =	vsub.s32 $0x5F3759DF, v61;
	v38 =	vmul.f32 v35, v33;
	v33 =	vld [tilespmem:s23+$0x0];
	v62 =	vsel vm0, $0x0, v59  }
0x19c: {  	v25 =	vor.u32 s18, v0;
	v63 =	vmul.f32 v36, v29;
	v31 =	vadd.f32 v40, v62  }
0x19d: {  	v39 =	vsub.f32 v22, v56;
	v34 =	vsub.f32 v30, v28;
	v37 =	vmul.f32 v42, v23  }
0x19e: {  	s20 =	simm.s32 $0x200;
	v40 =	vsub.f32 v20, v58;
	v41 =	vmul.f32 v36, v63;
	vm0 =	vgt.f32 v31, v14  }
.LBB2_7:
0x19f: {  	p0 =	sne.s32 s20, $0x3E00;
	v35 =	vmul.f32 v35, v17;
	v38 =	vmul.f32 v38, v21;
	v14 =	vsel vm0, v31, v14  }
0x1a0: {  	v39 =	vmul.f32 v39, v39;
	v40 =	vmul.f32 v40, v40;
	v31 =	vsub.f32 v32, v33  }
0x1a1: {  	v41 =	vsub.f32 $1.500000000e+00, v41;
	v37 =	vadd.f32 $-1.335262780e+00, v37;
	v35 =	vmax.f32 v35, v38  }
0x1a2: {  	v34 =	vand.u32 $0x7FFFFFFF, v34;
	v38 =	vadd.f32 v40, v39;
	v35 =	vmul.f32 v35, v26  }
0x1a3: {  	v31 =	vand.u32 $0x7FFFFFFF, v31;
	v36 =	vmul.f32 v36, v41;
	v37 =	vmul.f32 v37, v23  }
0x1a4: {  	v34 =	vadd.f32 $9.999999740e-05, v34;
	v38 =	vmul.f32 v38, v18;
	v35 =	vadd.f32 $5.499999970e-02, v35  }
0x1a5: {  	v31 =	vadd.f32 $9.999999740e-05, v31;
	v39 =	vmul.f32 v36, v29;
	v37 =	vadd.f32 $4.058712010e+00, v37  }
0x1a6: {  	s0 =	sand.u32 $0x3C00, s20;
	s18 =	sadd.s32 $0x10, s18;
	v15 =	vsel vm0, v16, v15;
	v16 =	vmovc v19;
	v19 =	vmovc v24;
	v40 =	vmul.f32 $4.268378690e-06, v38;
	v35 =	vmul.f32 $1.442695020e+00, v35  }
0x1a7: {  	v24 =	vmovc v25;
	s21 =	sand.u32 $0x70, s18;
	s22 =	sadd.s32 s0, s12;
	v41 =	vadd.f32 v31, v34;
	v39 =	vmul.f32 v39, v36;
	v37 =	vmul.f32 v37, v23  }
0x1a8: {  	s23 =	sadd.s32 s0, s13;
	v25 =	vor.u32 s18, v0;
	s22 =	sadd.s32 s21, s22;
	v40 =	vadd.f32 $-1.045981480e-04, v40;
	(erf) = vpow2.f32 v35  }
0x1a9: {  	v41 =	vmul.f32 $5.000000000e-01, v41;
	v39 =	vsub.f32 $1.500000000e+00, v39;
	v37 =	vadd.f32 $-4.934802060e+00, v37;
	v35 =	vld [tilespmem:s22+$0x0];
	s22 =	sadd.s32 s21, s23  }
0x1aa: {  	v30 =	vadd.f32 v28, v30;
	v40 =	vmul.f32 v40, v38;
	v28 =	vld [tilespmem:s22+$0x0];
	s22 =	sshrl.u32 s8, $0x2;
	s8 =	smov.u32 s10;
	s10 =	smov.u32 s17  }
0x1ab: {  	v34 =	vadd.f32 v41, v34;
	v39 =	vmul.f32 v39, v36;
	v36 =	vmul.f32 v37, v23;
	s17 =	smov.u32 s0;
	s22 =	sadd.s32 s22, s11  }
0x1ac: {  	v31 =	vadd.f32 v41, v31;
	v37 =	vadd.f32 $1.929546470e-03, v40;
	s0 =	sadd.s32 s7, s22;
	s7 =	smov.u32 s9;
	s9 =	smov.u32 s16  }
0x1ad: {  	v40 =	vmul.f32 $5.000000000e-01, v30;
	v29 =	vmul.f32 v39, v29;
	v36 =	vadd.f32 $1.000000000e+00, v36;
	s16 =	smov.u32 s21;
	v41 =	vld [tilespmem:s0+$0x80]  }
0x1ae: {  	v32 =	vadd.f32 v33, v32;
	v42 =	vmul.f32 v31, v34;
	v31 =	vmul.f32 v37, v38;
	v30 =	vmovc v35  }
0x1af: {  	v44 =	vmul.f32 v29, v39;
	v35 =	vmul.f32 $2.099999930e-01, v36;
	v34 =	vsub.f32 v30, v28  }
0x1b0: {  	vm0 =	vgt.f32 v23, $1.000000000e+00;
	v23 =	vmovc v38;
	s0 =	sadd.s32 s17, s14;
	v37 =	vmul.f32 $5.000000000e-01, v32;
	v31 =	vadd.f32 $-2.580687960e-02, v31  }
0x1b1: {  	s21 =	sadd.s32 s17, s15;
	s0 =	sadd.s32 s16, s0;
	v29 =	vmul.f32 $5.000000000e-01, v42;
	v38 =	vsub.f32 $1.500000000e+00, v44;
	v43 =	vadd.f32 $2.099999930e-01, v35;
	v33 =	vpop (erf)  }
.Ltmp2:
0x1b2: {  	v35 =	vshra.s32 v42, $0x1;
	v31 =	vmul.f32 v31, v23;
	v32 =	vld [tilespmem:s0+$0x0];
	s0 =	sadd.s32 s16, s21;
	v41 =	vmul.f32 v33, v41;
	(pc) =	sbr.rel @p0 .LBB2_7-.Ltmp2, $4  }
0x1b3: {  	v36 =	vsub.s32 $0x5F3759DF, v35;
	v35 =	vmul.f32 v38, v39;
	v38 =	vsel vm0, $0x0, v43;
	v33 =	vld [tilespmem:s0+$0x0]  }
0x1b4: {  	v43 =	vmul.f32 v36, v29;
	v44 =	vadd.f32 $2.353306260e-01, v31;
	v31 =	vadd.f32 v41, v38  }
0x1b5: {  	v39 =	vsub.f32 v22, v40;
	v40 =	vsub.f32 v20, v37;
	v38 =	vmul.f32 v35, v27;
	v27 =	vmovc v42  }
0x1b6: {  	s20 =	sadd.s32 $0x80, s20;
	v41 =	vmul.f32 v36, v43;
	v37 =	vmul.f32 v44, v23;
	vm0 =	vgt.f32 v31, v14  }
0x1b7: {  	_ = 	snop  }
0x1b8: {  	v42 =	vsub.f32 v32, v33;
	_ =	sdelay $0x1  }
0x1b9: {  	v34 =	vand.u32 $0x7FFFFFFF, v34;
	v42 =	vand.u32 $0x7FFFFFFF, v42  }
0x1ba: {  	v34 =	vadd.f32 $9.999999740e-05, v34;
	v42 =	vadd.f32 $9.999999740e-05, v42;
	_ =	sdelay $0x1  }
0x1bb: {  	v43 =	vadd.f32 v42, v34;
	_ =	sdelay $0x1  }
0x1bc: {  	v43 =	vmul.f32 $5.000000000e-01, v43;
	_ =	sdelay $0x1  }
0x1bd: {  	v34 =	vadd.f32 v43, v34;
	v42 =	vadd.f32 v43, v42;
	_ =	sdelay $0x1  }
0x1be: {  	v49 =	vmul.f32 v42, v34  }
0x1bf: {  	v28 =	vadd.f32 v28, v30;
	v50 =	vadd.f32 v33, v32  }
0x1c0: {  	v51 =	vmul.f32 $5.000000000e-01, v49;
	v34 =	vshra.s32 v49, $0x1  }
0x1c1: {  	v28 =	vmul.f32 $5.000000000e-01, v28;
	v32 =	vmul.f32 $5.000000000e-01, v50;
	v34 =	vsub.s32 $0x5F3759DF, v34  }
0x1c2: {  	v39 =	vmul.f32 v39, v39;
	v52 =	vmul.f32 v34, v51  }
0x1c3: {  	v40 =	vmul.f32 v40, v40;
	v22 =	vsub.f32 v22, v28;
	v20 =	vsub.f32 v20, v32  }
0x1c4: {  	v41 =	vsub.f32 $1.500000000e+00, v41;
	v28 =	vmul.f32 v34, v52  }
0x1c5: {  	v54 =	vadd.f32 v40, v39;
	v22 =	vmul.f32 v22, v22;
	v20 =	vmul.f32 v20, v20  }
0x1c6: {  	v53 =	vmul.f32 v36, v41;
	v28 =	vsub.f32 $1.500000000e+00, v28  }
0x1c7: {  	v20 =	vadd.f32 v20, v22;
	v22 =	vmul.f32 v54, v18  }
0x1c8: {  	v55 =	vmul.f32 v53, v29;
	v28 =	vmul.f32 v34, v28  }
0x1c9: {  	v18 =	vmul.f32 v20, v18;
	v57 =	vmul.f32 $4.268378690e-06, v22  }
0x1ca: {  	v56 =	vmul.f32 v55, v53;
	v58 =	vmul.f32 v28, v51  }
0x1cb: {  	v59 =	vmul.f32 $4.268378690e-06, v18;
	v20 =	vadd.f32 $-1.045981480e-04, v57  }
0x1cc: {  	v34 =	vsub.f32 $1.500000000e+00, v56;
	v36 =	vmul.f32 v58, v28  }
0x1cd: {  	v60 =	vadd.f32 $-1.045981480e-04, v59;
	v20 =	vmul.f32 v20, v22  }
0x1ce: {  	v32 =	vmul.f32 v34, v53;
	v36 =	vsub.f32 $1.500000000e+00, v36  }
0x1cf: {  	v20 =	vadd.f32 $1.929546470e-03, v20;
	v34 =	vmul.f32 v60, v18  }
0x1d0: {  	v61 =	vmul.f32 v32, v29;
	v28 =	vmul.f32 v36, v28  }
0x1d1: {  	v20 =	vmul.f32 v20, v22;
	v34 =	vadd.f32 $1.929546470e-03, v34  }
0x1d2: {  	v29 =	vmul.f32 v61, v32;
	v33 =	vmul.f32 v28, v51  }
0x1d3: {  	v35 =	vmul.f32 v35, v17;
	v20 =	vadd.f32 $-2.580687960e-02, v20;
	v34 =	vmul.f32 v34, v18  }
0x1d4: {  	v62 =	vmul.f32 v38, v21;
	v29 =	vsub.f32 $1.500000000e+00, v29;
	v33 =	vmul.f32 v33, v28  }
0x1d5: {  	v20 =	vmul.f32 v20, v22;
	v39 =	vadd.f32 $-2.580687960e-02, v34  }
0x1d6: {  	v35 =	vmax.f32 v35, v62;
	v29 =	vmul.f32 v29, v32;
	v33 =	vsub.f32 $1.500000000e+00, v33  }
0x1d7: {  	v35 =	vmul.f32 v35, v26;
	v20 =	vadd.f32 $2.353306260e-01, v20;
	v32 =	vmul.f32 v39, v18  }
0x1d8: {  	v63 =	vadd.f32 $-1.335262780e+00, v37;
	v27 =	vmul.f32 v29, v27;
	v28 =	vmul.f32 v33, v28  }
0x1d9: {  	v20 =	vmul.f32 v20, v22;
	v29 =	vmul.f32 v29, v17;
	v32 =	vadd.f32 $2.353306260e-01, v32  }
0x1da: {  	v27 =	vmul.f32 v27, v21;
	v30 =	vmul.f32 v28, v49  }
0x1db: {  	v40 =	vmul.f32 v63, v23;
	v20 =	vadd.f32 $-1.335262780e+00, v20;
	v43 =	vmul.f32 v32, v18  }
0x1dc: {  	v27 =	vmax.f32 v29, v27;
	v44 =	vmul.f32 v28, v17;
	v45 =	vmul.f32 v30, v21  }
0x1dd: {  	v35 =	vadd.f32 $5.499999970e-02, v35;
	v41 =	vadd.f32 $4.058712010e+00, v40;
	v27 =	vmul.f32 v27, v26  }
0x1de: {  	v20 =	vmul.f32 v20, v22;
	v47 =	vadd.f32 $-1.335262780e+00, v43;
	v17 =	vmax.f32 v44, v45  }
0x1df: {  	v42 =	vmul.f32 $1.442695020e+00, v35;
	v27 =	vadd.f32 $5.499999970e-02, v27;
	v17 =	vmul.f32 v17, v26  }
0x1e0: {  	v46 =	vmul.f32 v41, v23;
	v20 =	vadd.f32 $4.058712010e+00, v20;
	v21 =	vmul.f32 v47, v18  }
0x1e1: {  	(erf) = vpow2.f32 v42;
	v27 =	vmul.f32 $1.442695020e+00, v27;
	v17 =	vadd.f32 $5.499999970e-02, v17  }
0x1e2: {  	v48 =	vadd.f32 $-4.934802060e+00, v46;
	v20 =	vmul.f32 v20, v22;
	v21 =	vadd.f32 $4.058712010e+00, v21  }
0x1e3: {  	s0 =	sshrl.u32 s8, $0x2;
	(erf) = vpow2.f32 v27;
	v17 =	vmul.f32 $1.442695020e+00, v17  }
0x1e4: {  	s0 =	sadd.s32 s0, s11;
	v20 =	vadd.f32 $-4.934802060e+00, v20;
	v26 =	vmul.f32 v48, v23;
	v21 =	vmul.f32 v21, v18  }
0x1e5: {  	s12 =	sshrl.u32 s10, $0x2;
	s0 =	sadd.s32 s7, s0;
	(erf) = vpow2.f32 v17  }
0x1e6: {  	v50 =	vmul.f32 v20, v22;
	v49 =	vld [tilespmem:s0+$0x80];
	s0 =	sadd.s32 s12, s11;
	v26 =	vadd.f32 $1.000000000e+00, v26;
	v51 =	vadd.f32 $-4.934802060e+00, v21  }
0x1e7: {  	s13 =	sshrl.u32 s17, $0x2;
	s0 =	sadd.s32 s9, s0  }
0x1e8: {  	s14 =	sadd.s32 s13, s11;
	v53 =	vld [tilespmem:s0+$0x80];
	v52 =	vmul.f32 $2.099999930e-01, v26;
	v20 =	vmul.f32 v51, v18;
	v17 =	vadd.f32 $1.000000000e+00, v50  }
0x1e9: {  	s0 =	sadd.s32 s16, s14  }
0x1ea: {  	v54 =	vpop (erf);
	v56 =	vld [tilespmem:s0+$0x80];
	v21 =	vadd.f32 $2.099999930e-01, v52;
	v20 =	vadd.f32 $1.000000000e+00, v20;
	v17 =	vmul.f32 $2.099999930e-01, v17  }
0x1eb: {  	vm1 =	vgt.f32 v23, $1.000000000e+00;
	v14 =	vsel vm0, v31, v14;
	v55 =	vmul.f32 v54, v49  }
0x1ec: {  	v21 =	vsel vm1, $0x0, v21;
	v57 =	vpop (erf);
	v20 =	vmul.f32 $2.099999930e-01, v20;
	v17 =	vadd.f32 $2.099999930e-01, v17  }
0x1ed: {  	vm11 =	vgt.f32 v22, $1.000000000e+00;
	v21 =	vadd.f32 v55, v21;
	v58 =	vmul.f32 v57, v53  }
0x1ee: {  	vm12 =	vgt.f32 v18, $1.000000000e+00;
	v20 =	vadd.f32 $2.099999930e-01, v20;
	v17 =	vsel vm11, $0x0, v17;
	v59 =	vpop (erf)  }
0x1ef: {  	vm2 =	vgt.f32 v21, v14;
	v17 =	vadd.f32 v58, v17;
	v60 =	vmul.f32 v59, v56  }
0x1f0: {  	v14 =	vsel vm2, v21, v14;
	v20 =	vsel vm12, $0x0, v20  }
0x1f1: {  	vm13 =	vgt.f32 v17, v14;
	v18 =	vadd.f32 v60, v20  }
0x1f2: {  	v14 =	vsel vm13, v17, v14  }
0x1f3: {  	vm3 =	vgt.f32 v18, v14  }
0x1f4: {  	v14 =	vsel vm3, v18, v14  }
0x1f5: {  	(xrf0) =	vmax.scan.msk.f32 $0xffff, v14;
	_ =	sdelay $0x4  }
0x1f6: {  	v15 =	vsel vm0, v16, v15  }
0x1f7: {  	v15 =	vsel vm2, v19, v15;
	v61, _, _ =	vpop (xrf0)  }
0x1f8: {  	v15 =	vsel vm13, v24, v15;
	v16 =	vbroadcast v61, $0xF  }
0x1f9: {  	v15 =	vsel vm3, v25, v15  }
0x1fa: {  	vm14 =	veq.f32 v14, v16;
	v14 =	vxor.u32 $0x80000000, v15  }
0x1fb: {  	v14 =	vnsel vm14, $0xC0000000, v14  }
0x1fc: {  	(xrf0) =	vmin.scan.msk.u32 $0xffff, v14;
	_ =	sdelay $0x5  }
0x1fd: {  	v14, _, _ =	vpop (xrf0)  }
0x1fe: {  	(v2sf) =	vpush v14, $0xF;
	_ =	sdelay $0xe  }
0x1ff: {  	s15 =	spop (v2sf)  }
0x200: {  	s0 =	sxor.u32 $0x80000000, s15  }
0x201: {  	p0 =	slt.s32 s0, $0x7C0;
	s7 =	smov.u32 s0  }
0x202: {  	s7 =	simm.s32 @!p0 $0x7C0  }
0x203: {  	s16 =	sshll.u32 s7, $0x3  }
0x204: {  	s17 =	sshll.u32 s6, $0x2;
	s0 =	ssub.s32 s0, s7;
	s8 =	sand.u32 $0xFFFFFC00, s16  }
0x205: {  	v14 =	vmov s17;
	s7 =	sand.u32 $0x7F, s7;
	v15 =	vmov s0;
	s5 =	sadd.s32 s5, s8  }
0x206: {  	v14 =	vbroadcast v14, $0x0;
	vm15 =	veq.s32 v15, v0;
	s18 =	sadd.s32 s7, s5  }
0x207: {  	v15 =	vld [tilespmem:s18+$0x1800];
	_ =	sdelay $0x2  }
0x208: {  	s20 =	sor.u32 $0x1, s17  }
0x209: {  	v62 =	vmov s20  }
0x20a: {  	[tilespmem:v14+s31+$0x0] =	vst.idx.msk vm15, v15;
	v14 =	vbroadcast v62, $0x0  }
0x20b: {  	v15 =	vld [tilespmem:s18+$0x5800];
	_ =	sdelay $0x2  }
0x20c: {  	s21 =	sor.u32 $0x2, s17  }
0x20d: {  	v63 =	vmov s21  }
0x20e: {  	[tilespmem:v14+s31+$0x0] =	vst.idx.msk vm15, v15;
	v14 =	vbroadcast v63, $0x0  }
0x20f: {  	v15 =	vld [tilespmem:s18+$0x9800];
	_ =	sdelay $0x4  }
0x210: {  	s22 =	sshllo.u32 s6, $0x2;
	[tilespmem:v14+s31+$0x0] =	vst.idx.msk vm15, v15  }
0x211: {  	v15 =	vmov s22;
	v14 =	vld [tilespmem:s18+$0xD800];
	_ =	sdelay $0x2  }
0x212: {  	s23 =	sshra.s32 s8, $0x2  }
0x213: {  	s0 =	sadd.s32 s23, s11  }
0x214: {  	s4 =	sadd.s32 $0x1, s4;
	s0 =	sadd.s32 s7, s0;
	[tilespmem:v15+s31+$0x0] =	vst.idx.msk vm15, v14  }
0x215: {  	p0 =	sne.s32 s4, $0x8;
	v14 =	vld [tilespmem:s0+$0x80]  }
.Ltmp3:
0x216: {  	_ = 	snop;
	(pc) =	sbr.rel @p0 .LBB2_6-.Ltmp3, $2  }
0x217: {  	_ =	sdelay $0x2  }
0x218: {  	[tilespmem:v13+s1+$0x0] =	vst.idx.msk vm15, v14  }
0x219: {  	s0 =	rddreg [dreg:$0xb]  }
0x21a: {  	s3 =	simm.s32 $0x4000;
	s4 =	simm.s32 $0x9C4000;
	s5 =	simm.s32 $0x1800  }
0x21b: {  	[tilespmem:s5], [sflag:$0x1] =	stream.strided.gather [hbm4b:s0+s3], $0x10000, s4, s3, $0x38;
	[tilespmem:$0x19C80] =	vst v63  }
0x21c: {  	_ =	swait.ge [sflag:s19], $0x10000  }
0x21d: {  	s23 =	simm.s32 $0x11800;
	[sflag:s19] =	ssyncset.done $0x0  }
0x21e: {  	s3 =	simm.s32 $0x0;
	s22 =	rddreg [dreg:$0xc];
	[sflag:s19] =	ssyncadd.s32 $0xFFFF0000  }
0x21f: {  	[tilespmem:s23], [sflag:$0x1] =	stream.linear.gather [hbm4b:s22+s3], $0x8000, $0x38;
	[tilespmem:$0x19C80] =	vst v63  }
0x220: {  	_ =	swait.ge [sflag:s19], $0x8000  }
0x221: {  	[sflag:s19] =	ssyncset.done $0x0  }
0x222: {  	s4 =	simm.s32 $0x0;
	[sflag:s19] =	ssyncadd.s32 $0xFFFF8000  }
.LBB2_10:
0x223: {  	s5 =	sshll.u32 s4, $0x7  }
0x224: {  	s21 =	sand.u32 $0x3C00, s3;
	s12 =	sadd.s32 $0x1800, s5  }
0x225: {  	s20 =	sand.u32 $0x70, s3;
	s13 =	sadd.s32 $0x9800, s5;
	s0 =	sadd.s32 s21, s12  }
0x226: {  	s14 =	sadd.s32 $0x5800, s5;
	s6 =	sadd.s32 s21, s13;
	s0 =	sadd.s32 s20, s0  }
0x227: {  	s15 =	sadd.s32 $0xD800, s5;
	s8 =	sadd.s32 s21, s14;
	s7 =	sadd.s32 s20, s6;
	v14 =	vld [tilespmem:s0+$0x0]  }
0x228: {  	s10 =	sadd.s32 s21, s15;
	s9 =	sadd.s32 s20, s8;
	v15 =	vld [tilespmem:s7+$0x0]  }
0x229: {  	s11 =	sadd.s32 s20, s10;
	v16 =	vld [tilespmem:s9+$0x0]  }
0x22a: {  	v17 =	vld [tilespmem:s11+$0x0];
	_ =	sdelay $0x4  }
0x22b: {  	v13 =	vsub.f32 v14, v15;
	v18 =	vsub.f32 v16, v17;
	_ =	sdelay $0x1  }
0x22c: {  	v13 =	vand.u32 $0x7FFFFFFF, v13;
	v18 =	vand.u32 $0x7FFFFFFF, v18  }
0x22d: {  	v19 =	vadd.f32 $9.999999740e-05, v13;
	v18 =	vadd.f32 $9.999999740e-05, v18  }
0x22e: {  	s6 =	sor.u32 $0x10, s4  }
0x22f: {  	v13 =	vmov s6;
	v20 =	vadd.f32 v18, v19;
	_ =	sdelay $0x1  }
0x230: {  	v20 =	vmul.f32 $5.000000000e-01, v20;
	_ =	sdelay $0x1  }
0x231: {  	s16 =	simm.s32 $0x80;
	v19 =	vadd.f32 v20, v19;
	v18 =	vadd.f32 v20, v18  }
0x232: {  	s8 =	sand.u32 $0x3C00, s16;
	s11 =	simm.s32 $0x10;
	v22 =	vld.idx.msk [tilespmem:v13+s24+$0x0], $0xffff  }
0x233: {  	s0 =	sadd.s32 s8, s12;
	s7 =	sand.u32 $0x70, s11;
	v20 =	vld.idx.msk [tilespmem:v13+s25+$0x0], $0xffff;
	v19 =	vmul.f32 v18, v19  }
0x234: {  	s9 =	sadd.s32 s8, s13;
	s0 =	sadd.s32 s7, s0;
	v14 =	vadd.f32 v15, v14;
	v15 =	vadd.f32 v17, v16  }
0x235: {  	s18 =	sadd.s32 s8, s14;
	s17 =	sadd.s32 s7, s9;
	v23 =	vld [tilespmem:s0+$0x0];
	v16 =	vmul.f32 $5.000000000e-01, v19;
	v17 =	vshra.s32 v19, $0x1  }
0x236: {  	s23 =	sadd.s32 s8, s15;
	s22 =	sadd.s32 s7, s18;
	v24 =	vld [tilespmem:s17+$0x0];
	v14 =	vmul.f32 $5.000000000e-01, v14;
	v15 =	vmul.f32 $5.000000000e-01, v15;
	v17 =	vsub.s32 $0x5F3759DF, v17  }
0x237: {  	s9 =	sadd.s32 s7, s23;
	v25 =	vld [tilespmem:s22+$0x0];
	v21 =	vmul.f32 v17, v16  }
0x238: {  	v26 =	vld [tilespmem:s9+$0x0];
	v14 =	vsub.f32 v22, v14;
	v15 =	vsub.f32 v20, v15  }
0x239: {  	v18 =	vld.idx.msk [tilespmem:v13+s30+$0x0], $0xffff;
	v21 =	vmul.f32 v17, v21  }
0x23a: {  	v14 =	vmul.f32 v14, v14;
	v15 =	vmul.f32 v15, v15  }
0x23b: {  	v21 =	vsub.f32 $1.500000000e+00, v21  }
0x23c: {  	v14 =	vadd.f32 v15, v14  }
0x23d: {  	v15 =	vmul.f32 v17, v21  }
0x23e: {  	v29 =	vmul.f32 v14, v18;
	v14 =	vsub.f32 v25, v26;
	v17 =	vsub.f32 v23, v24  }
0x23f: {  	v21 =	vmul.f32 v15, v16  }
0x240: {  	v27 =	vmul.f32 $4.268378690e-06, v29;
	v14 =	vand.u32 $0x7FFFFFFF, v14;
	v17 =	vand.u32 $0x7FFFFFFF, v17  }
0x241: {  	v14 =	vadd.f32 $9.999999740e-05, v14;
	v28 =	vadd.f32 $9.999999740e-05, v17;
	v17 =	vmul.f32 v21, v15  }
0x242: {  	v21 =	vadd.f32 $-1.045981480e-04, v27  }
0x243: {  	v27 =	vadd.f32 v14, v28;
	v17 =	vsub.f32 $1.500000000e+00, v17  }
0x244: {  	s10 =	simm.s32 $0x100;
	v21 =	vmul.f32 v21, v29  }
0x245: {  	s10 =	sand.u32 $0x3C00, s10;
	s22 =	simm.s32 $0x20;
	v27 =	vmul.f32 $5.000000000e-01, v27;
	v15 =	vmul.f32 v17, v15  }
0x246: {  	s0 =	sadd.s32 s10, s12;
	s9 =	sand.u32 $0x70, s22;
	v21 =	vadd.f32 $1.929546470e-03, v21  }
0x247: {  	s17 =	sadd.s32 s10, s14;
	s0 =	sadd.s32 s9, s0;
	v28 =	vadd.f32 v27, v28;
	v14 =	vadd.f32 v27, v14;
	v16 =	vmul.f32 v15, v16  }
0x248: {  	s23 =	sadd.s32 s10, s15;
	s18 =	sadd.s32 s9, s17;
	v31 =	vld [tilespmem:s0+$0x0];
	v25 =	vadd.f32 v26, v25;
	v23 =	vadd.f32 v24, v23;
	v27 =	vmul.f32 v21, v29  }
0x249: {  	s17 =	sadd.s32 s9, s23;
	v34 =	vld [tilespmem:s18+$0x0];
	v33 =	vmul.f32 v14, v28;
	v16 =	vmul.f32 v16, v15  }
0x24a: {  	v35 =	vld [tilespmem:s17+$0x0];
	v25 =	vmul.f32 $5.000000000e-01, v25;
	v23 =	vmul.f32 $5.000000000e-01, v23;
	v24 =	vadd.f32 $-2.580687960e-02, v27  }
0x24b: {  	s16 =	sadd.s32 s10, s13;
	v17 =	vld.idx.msk [tilespmem:v13+s26+$0x0], $0xffff;
	v32 =	vmul.f32 $5.000000000e-01, v33;
	v26 =	vshra.s32 v33, $0x1;
	v16 =	vsub.f32 $1.500000000e+00, v16  }
0x24c: {  	s16 =	sadd.s32 s9, s16;
	v25 =	vsub.f32 v20, v25;
	v21 =	vld.idx.msk [tilespmem:v13+s28+$0x0], $0xffff;
	v24 =	vmul.f32 v24, v29;
	v28 =	vsub.s32 $0x5F3759DF, v26  }
0x24d: {  	v27 =	vld [tilespmem:s16+$0x0];
	v30 =	vmul.f32 v28, v32;
	v16 =	vmul.f32 v16, v15  }
0x24e: {  	v23 =	vsub.f32 v22, v23;
	v25 =	vmul.f32 v25, v25;
	v24 =	vadd.f32 $2.353306260e-01, v24  }
0x24f: {  	v26 =	vld.idx.msk [tilespmem:v13+s29+$0x0], $0xffff;
	v30 =	vmul.f32 v28, v30;
	v19 =	vmul.f32 v16, v19  }
0x250: {  	v37 =	vsub.f32 v34, v35;
	v23 =	vmul.f32 v23, v23;
	v24 =	vmul.f32 v24, v29  }
0x251: {  	v16 =	vmul.f32 v16, v17;
	v30 =	vsub.f32 $1.500000000e+00, v30;
	v19 =	vmul.f32 v19, v21  }
0x252: {  	v23 =	vadd.f32 v25, v23;
	v25 =	vand.u32 $0x7FFFFFFF, v37;
	v36 =	vsub.f32 v31, v27  }
0x253: {  	v52 =	vmul.f32 v28, v30;
	v16 =	vmax.f32 v16, v19;
	v19 =	vadd.f32 $-1.335262780e+00, v24  }
0x254: {  	v38 =	vadd.f32 $9.999999740e-05, v25;
	v23 =	vmul.f32 v23, v18;
	v16 =	vmul.f32 v16, v26  }
0x255: {  	v24 =	vand.u32 $0x7FFFFFFF, v36;
	v25 =	vmul.f32 v52, v32;
	v19 =	vmul.f32 v19, v29  }
0x256: {  	v28 =	vmul.f32 $4.268378690e-06, v23;
	v53 =	vadd.f32 $9.999999740e-05, v24;
	v24 =	vadd.f32 $5.499999970e-02, v16  }
0x257: {  	s18 =	simm.s32 $0x180;
	v35 =	vadd.f32 v35, v34;
	v25 =	vmul.f32 v25, v52;
	v19 =	vadd.f32 $4.058712010e+00, v19  }
0x258: {  	s17 =	sand.u32 $0x3C00, s18;
	s18 =	simm.s32 $0x30;
	v27 =	vadd.f32 v27, v31;
	v41 =	vadd.f32 $-1.045981480e-04, v28;
	v24 =	vmul.f32 $1.442695020e+00, v24  }
0x259: {  	s0 =	sadd.s32 s17, s12;
	s16 =	sand.u32 $0x70, s18;
	v39 =	vadd.f32 v38, v53;
	v25 =	vsub.f32 $1.500000000e+00, v25;
	v40 =	vmul.f32 v19, v29  }
0x25a: {  	s23 =	sshll.u32 s4, $0xC;
	s0 =	sadd.s32 s16, s0;
	v31 =	vmul.f32 v41, v23;
	v19 =	vor.u32 s11, v0;
	s11 =	sadd.s32 s17, s13;
	(erf) = vpow2.f32 v24  }
0x25b: {  	v30 =	vld [tilespmem:s0+$0x0];
	s0 =	sand.u32 $0x3FFFF000, s23;
	s23 =	sadd.s32 s16, s11;
	v54 =	vmul.f32 v25, v52;
	v40 =	vadd.f32 $-4.934802060e+00, v40  }
0x25c: {  	v58 =	vmul.f32 $5.000000000e-01, v35;
	v39 =	vmul.f32 $5.000000000e-01, v39;
	v31 =	vadd.f32 $1.929546470e-03, v31;
	s11 =	sadd.s32 $0x11800, s0;
	v28 =	vld [tilespmem:s23+$0x0];
	s23 =	sshrl.u32 s21, $0x2  }
0x25d: {  	vm0 =	vgt.f32 v29, $1.000000000e+00;
	s0 =	sadd.s32 s23, s11;
	v32 =	vmul.f32 v54, v32;
	v55 =	vmul.f32 v40, v29  }
0x25e: {  	v14 =	vimm.f32 $-Inf;
	v37 =	vadd.f32 v39, v53;
	v31 =	vmul.f32 v31, v23;
	s0 =	sadd.s32 s20, s0  }
0x25f: {  	v38 =	vadd.f32 v39, v38;
	v57 =	vld [tilespmem:s0+$0x80];
	v32 =	vmul.f32 v32, v54;
	v36 =	vadd.f32 $1.000000000e+00, v55  }
0x260: {  	v15 =	vimm.s32 $0x0;
	v56 =	vmul.f32 $5.000000000e-01, v27;
	v31 =	vadd.f32 $-2.580687960e-02, v31  }
0x261: {  	v27 =	vmul.f32 v38, v37;
	v32 =	vsub.f32 $1.500000000e+00, v32;
	v36 =	vmul.f32 $2.099999930e-01, v36  }
0x262: {  	v16 =	vor.u32 s3, v0;
	v24 =	vor.u32 s22, v0;
	s21 =	sadd.s32 s17, s14;
	v31 =	vmul.f32 v31, v23  }
0x263: {  	s22 =	sadd.s32 s17, s15;
	v29 =	vmul.f32 $5.000000000e-01, v27;
	s0 =	sadd.s32 s16, s21;
	v35 =	vmul.f32 v32, v54;
	v59 =	vadd.f32 $2.099999930e-01, v36;
	v60 =	vpop (erf)  }
0x264: {  	s23 =	sadd.s32 s16, s22;
	v61 =	vshra.s32 v27, $0x1;
	v42 =	vadd.f32 $2.353306260e-01, v31;
	v32 =	vld [tilespmem:s0+$0x0];
	v40 =	vmul.f32 v60, v57  }
0x265: {  	v36 =	vsub.s32 $0x5F3759DF, v61;
	v38 =	vmul.f32 v35, v33;
	v33 =	vld [tilespmem:s23+$0x0];
	v62 =	vsel vm0, $0x0, v59  }
0x266: {  	v25 =	vor.u32 s18, v0;
	v63 =	vmul.f32 v36, v29;
	v31 =	vadd.f32 v40, v62  }
0x267: {  	v39 =	vsub.f32 v22, v56;
	v34 =	vsub.f32 v30, v28;
	v37 =	vmul.f32 v42, v23  }
0x268: {  	s20 =	simm.s32 $0x200;
	v40 =	vsub.f32 v20, v58;
	v41 =	vmul.f32 v36, v63;
	vm0 =	vgt.f32 v31, v14  }
.LBB2_11:
0x269: {  	p0 =	sne.s32 s20, $0x3E00;
	v35 =	vmul.f32 v35, v17;
	v38 =	vmul.f32 v38, v21;
	v14 =	vsel vm0, v31, v14  }
0x26a: {  	v39 =	vmul.f32 v39, v39;
	v40 =	vmul.f32 v40, v40;
	v31 =	vsub.f32 v32, v33  }
0x26b: {  	v41 =	vsub.f32 $1.500000000e+00, v41;
	v37 =	vadd.f32 $-1.335262780e+00, v37;
	v35 =	vmax.f32 v35, v38  }
0x26c: {  	v34 =	vand.u32 $0x7FFFFFFF, v34;
	v38 =	vadd.f32 v40, v39;
	v35 =	vmul.f32 v35, v26  }
0x26d: {  	v31 =	vand.u32 $0x7FFFFFFF, v31;
	v36 =	vmul.f32 v36, v41;
	v37 =	vmul.f32 v37, v23  }
0x26e: {  	v34 =	vadd.f32 $9.999999740e-05, v34;
	v38 =	vmul.f32 v38, v18;
	v35 =	vadd.f32 $5.499999970e-02, v35  }
0x26f: {  	v31 =	vadd.f32 $9.999999740e-05, v31;
	v39 =	vmul.f32 v36, v29;
	v37 =	vadd.f32 $4.058712010e+00, v37  }
0x270: {  	s0 =	sand.u32 $0x3C00, s20;
	s18 =	sadd.s32 $0x10, s18;
	v15 =	vsel vm0, v16, v15;
	v16 =	vmovc v19;
	v19 =	vmovc v24;
	v40 =	vmul.f32 $4.268378690e-06, v38;
	v35 =	vmul.f32 $1.442695020e+00, v35  }
0x271: {  	v24 =	vmovc v25;
	s21 =	sand.u32 $0x70, s18;
	s22 =	sadd.s32 s0, s12;
	v41 =	vadd.f32 v31, v34;
	v39 =	vmul.f32 v39, v36;
	v37 =	vmul.f32 v37, v23  }
0x272: {  	s23 =	sadd.s32 s0, s13;
	v25 =	vor.u32 s18, v0;
	s22 =	sadd.s32 s21, s22;
	v40 =	vadd.f32 $-1.045981480e-04, v40;
	(erf) = vpow2.f32 v35  }
0x273: {  	v41 =	vmul.f32 $5.000000000e-01, v41;
	v39 =	vsub.f32 $1.500000000e+00, v39;
	v37 =	vadd.f32 $-4.934802060e+00, v37;
	v35 =	vld [tilespmem:s22+$0x0];
	s22 =	sadd.s32 s21, s23  }
0x274: {  	v30 =	vadd.f32 v28, v30;
	v40 =	vmul.f32 v40, v38;
	v28 =	vld [tilespmem:s22+$0x0];
	s22 =	sshrl.u32 s8, $0x2;
	s8 =	smov.u32 s10;
	s10 =	smov.u32 s17  }
0x275: {  	v34 =	vadd.f32 v41, v34;
	v39 =	vmul.f32 v39, v36;
	v36 =	vmul.f32 v37, v23;
	s17 =	smov.u32 s0;
	s22 =	sadd.s32 s22, s11  }
0x276: {  	v31 =	vadd.f32 v41, v31;
	v37 =	vadd.f32 $1.929546470e-03, v40;
	s0 =	sadd.s32 s7, s22;
	s7 =	smov.u32 s9;
	s9 =	smov.u32 s16  }
0x277: {  	v40 =	vmul.f32 $5.000000000e-01, v30;
	v29 =	vmul.f32 v39, v29;
	v36 =	vadd.f32 $1.000000000e+00, v36;
	s16 =	smov.u32 s21;
	v41 =	vld [tilespmem:s0+$0x80]  }
0x278: {  	v32 =	vadd.f32 v33, v32;
	v42 =	vmul.f32 v31, v34;
	v31 =	vmul.f32 v37, v38;
	v30 =	vmovc v35  }
0x279: {  	v44 =	vmul.f32 v29, v39;
	v35 =	vmul.f32 $2.099999930e-01, v36;
	v34 =	vsub.f32 v30, v28  }
0x27a: {  	vm0 =	vgt.f32 v23, $1.000000000e+00;
	v23 =	vmovc v38;
	s0 =	sadd.s32 s17, s14;
	v37 =	vmul.f32 $5.000000000e-01, v32;
	v31 =	vadd.f32 $-2.580687960e-02, v31  }
0x27b: {  	s21 =	sadd.s32 s17, s15;
	s0 =	sadd.s32 s16, s0;
	v29 =	vmul.f32 $5.000000000e-01, v42;
	v38 =	vsub.f32 $1.500000000e+00, v44;
	v43 =	vadd.f32 $2.099999930e-01, v35;
	v33 =	vpop (erf)  }
.Ltmp4:
0x27c: {  	v35 =	vshra.s32 v42, $0x1;
	v31 =	vmul.f32 v31, v23;
	v32 =	vld [tilespmem:s0+$0x0];
	s0 =	sadd.s32 s16, s21;
	v41 =	vmul.f32 v33, v41;
	(pc) =	sbr.rel @p0 .LBB2_11-.Ltmp4, $4  }
0x27d: {  	v36 =	vsub.s32 $0x5F3759DF, v35;
	v35 =	vmul.f32 v38, v39;
	v38 =	vsel vm0, $0x0, v43;
	v33 =	vld [tilespmem:s0+$0x0]  }
0x27e: {  	v43 =	vmul.f32 v36, v29;
	v44 =	vadd.f32 $2.353306260e-01, v31;
	v31 =	vadd.f32 v41, v38  }
0x27f: {  	v39 =	vsub.f32 v22, v40;
	v40 =	vsub.f32 v20, v37;
	v38 =	vmul.f32 v35, v27;
	v27 =	vmovc v42  }
0x280: {  	s20 =	sadd.s32 $0x80, s20;
	v41 =	vmul.f32 v36, v43;
	v37 =	vmul.f32 v44, v23;
	vm0 =	vgt.f32 v31, v14  }
0x281: {  	_ = 	snop  }
0x282: {  	v42 =	vsub.f32 v32, v33;
	_ =	sdelay $0x1  }
0x283: {  	v34 =	vand.u32 $0x7FFFFFFF, v34;
	v42 =	vand.u32 $0x7FFFFFFF, v42  }
0x284: {  	v34 =	vadd.f32 $9.999999740e-05, v34;
	v42 =	vadd.f32 $9.999999740e-05, v42;
	_ =	sdelay $0x1  }
0x285: {  	v43 =	vadd.f32 v42, v34;
	_ =	sdelay $0x1  }
0x286: {  	v43 =	vmul.f32 $5.000000000e-01, v43;
	_ =	sdelay $0x1  }
0x287: {  	v34 =	vadd.f32 v43, v34;
	v42 =	vadd.f32 v43, v42;
	_ =	sdelay $0x1  }
0x288: {  	v49 =	vmul.f32 v42, v34  }
0x289: {  	v28 =	vadd.f32 v28, v30;
	v50 =	vadd.f32 v33, v32  }
0x28a: {  	v51 =	vmul.f32 $5.000000000e-01, v49;
	v34 =	vshra.s32 v49, $0x1  }
0x28b: {  	v28 =	vmul.f32 $5.000000000e-01, v28;
	v32 =	vmul.f32 $5.000000000e-01, v50;
	v34 =	vsub.s32 $0x5F3759DF, v34  }
0x28c: {  	v39 =	vmul.f32 v39, v39;
	v52 =	vmul.f32 v34, v51  }
0x28d: {  	v40 =	vmul.f32 v40, v40;
	v22 =	vsub.f32 v22, v28;
	v20 =	vsub.f32 v20, v32  }
0x28e: {  	v41 =	vsub.f32 $1.500000000e+00, v41;
	v28 =	vmul.f32 v34, v52  }
0x28f: {  	v54 =	vadd.f32 v40, v39;
	v22 =	vmul.f32 v22, v22;
	v20 =	vmul.f32 v20, v20  }
0x290: {  	v53 =	vmul.f32 v36, v41;
	v28 =	vsub.f32 $1.500000000e+00, v28  }
0x291: {  	v20 =	vadd.f32 v20, v22;
	v22 =	vmul.f32 v54, v18  }
0x292: {  	v55 =	vmul.f32 v53, v29;
	v28 =	vmul.f32 v34, v28  }
0x293: {  	v18 =	vmul.f32 v20, v18;
	v57 =	vmul.f32 $4.268378690e-06, v22  }
0x294: {  	v56 =	vmul.f32 v55, v53;
	v58 =	vmul.f32 v28, v51  }
0x295: {  	v59 =	vmul.f32 $4.268378690e-06, v18;
	v20 =	vadd.f32 $-1.045981480e-04, v57  }
0x296: {  	v34 =	vsub.f32 $1.500000000e+00, v56;
	v36 =	vmul.f32 v58, v28  }
0x297: {  	v60 =	vadd.f32 $-1.045981480e-04, v59;
	v20 =	vmul.f32 v20, v22  }
0x298: {  	v32 =	vmul.f32 v34, v53;
	v36 =	vsub.f32 $1.500000000e+00, v36  }
0x299: {  	v20 =	vadd.f32 $1.929546470e-03, v20;
	v34 =	vmul.f32 v60, v18  }
0x29a: {  	v61 =	vmul.f32 v32, v29;
	v28 =	vmul.f32 v36, v28  }
0x29b: {  	v20 =	vmul.f32 v20, v22;
	v34 =	vadd.f32 $1.929546470e-03, v34  }
0x29c: {  	v29 =	vmul.f32 v61, v32;
	v33 =	vmul.f32 v28, v51  }
0x29d: {  	v35 =	vmul.f32 v35, v17;
	v20 =	vadd.f32 $-2.580687960e-02, v20;
	v34 =	vmul.f32 v34, v18  }
0x29e: {  	v62 =	vmul.f32 v38, v21;
	v29 =	vsub.f32 $1.500000000e+00, v29;
	v33 =	vmul.f32 v33, v28  }
0x29f: {  	v20 =	vmul.f32 v20, v22;
	v39 =	vadd.f32 $-2.580687960e-02, v34  }
0x2a0: {  	v35 =	vmax.f32 v35, v62;
	v29 =	vmul.f32 v29, v32;
	v33 =	vsub.f32 $1.500000000e+00, v33  }
0x2a1: {  	v35 =	vmul.f32 v35, v26;
	v20 =	vadd.f32 $2.353306260e-01, v20;
	v32 =	vmul.f32 v39, v18  }
0x2a2: {  	v63 =	vadd.f32 $-1.335262780e+00, v37;
	v27 =	vmul.f32 v29, v27;
	v28 =	vmul.f32 v33, v28  }
0x2a3: {  	v20 =	vmul.f32 v20, v22;
	v29 =	vmul.f32 v29, v17;
	v32 =	vadd.f32 $2.353306260e-01, v32  }
0x2a4: {  	v27 =	vmul.f32 v27, v21;
	v30 =	vmul.f32 v28, v49  }
0x2a5: {  	v40 =	vmul.f32 v63, v23;
	v20 =	vadd.f32 $-1.335262780e+00, v20;
	v43 =	vmul.f32 v32, v18  }
0x2a6: {  	v27 =	vmax.f32 v29, v27;
	v44 =	vmul.f32 v28, v17;
	v45 =	vmul.f32 v30, v21  }
0x2a7: {  	v35 =	vadd.f32 $5.499999970e-02, v35;
	v41 =	vadd.f32 $4.058712010e+00, v40;
	v27 =	vmul.f32 v27, v26  }
0x2a8: {  	v20 =	vmul.f32 v20, v22;
	v47 =	vadd.f32 $-1.335262780e+00, v43;
	v17 =	vmax.f32 v44, v45  }
0x2a9: {  	v42 =	vmul.f32 $1.442695020e+00, v35;
	v27 =	vadd.f32 $5.499999970e-02, v27;
	v17 =	vmul.f32 v17, v26  }
0x2aa: {  	v46 =	vmul.f32 v41, v23;
	v20 =	vadd.f32 $4.058712010e+00, v20;
	v21 =	vmul.f32 v47, v18  }
0x2ab: {  	(erf) = vpow2.f32 v42;
	v27 =	vmul.f32 $1.442695020e+00, v27;
	v17 =	vadd.f32 $5.499999970e-02, v17  }
0x2ac: {  	v48 =	vadd.f32 $-4.934802060e+00, v46;
	v20 =	vmul.f32 v20, v22;
	v21 =	vadd.f32 $4.058712010e+00, v21  }
0x2ad: {  	s0 =	sshrl.u32 s8, $0x2;
	(erf) = vpow2.f32 v27;
	v17 =	vmul.f32 $1.442695020e+00, v17  }
0x2ae: {  	s0 =	sadd.s32 s0, s11;
	v20 =	vadd.f32 $-4.934802060e+00, v20;
	v26 =	vmul.f32 v48, v23;
	v21 =	vmul.f32 v21, v18  }
0x2af: {  	s12 =	sshrl.u32 s10, $0x2;
	s0 =	sadd.s32 s7, s0;
	(erf) = vpow2.f32 v17  }
0x2b0: {  	v50 =	vmul.f32 v20, v22;
	v49 =	vld [tilespmem:s0+$0x80];
	s0 =	sadd.s32 s12, s11;
	v26 =	vadd.f32 $1.000000000e+00, v26;
	v51 =	vadd.f32 $-4.934802060e+00, v21  }
0x2b1: {  	s13 =	sshrl.u32 s17, $0x2;
	s0 =	sadd.s32 s9, s0  }
0x2b2: {  	s14 =	sadd.s32 s13, s11;
	v53 =	vld [tilespmem:s0+$0x80];
	v52 =	vmul.f32 $2.099999930e-01, v26;
	v20 =	vmul.f32 v51, v18;
	v17 =	vadd.f32 $1.000000000e+00, v50  }
0x2b3: {  	s0 =	sadd.s32 s16, s14  }
0x2b4: {  	v54 =	vpop (erf);
	v56 =	vld [tilespmem:s0+$0x80];
	v21 =	vadd.f32 $2.099999930e-01, v52;
	v20 =	vadd.f32 $1.000000000e+00, v20;
	v17 =	vmul.f32 $2.099999930e-01, v17  }
0x2b5: {  	vm1 =	vgt.f32 v23, $1.000000000e+00;
	v14 =	vsel vm0, v31, v14;
	v55 =	vmul.f32 v54, v49  }
0x2b6: {  	v21 =	vsel vm1, $0x0, v21;
	v57 =	vpop (erf);
	v20 =	vmul.f32 $2.099999930e-01, v20;
	v17 =	vadd.f32 $2.099999930e-01, v17  }
0x2b7: {  	vm11 =	vgt.f32 v22, $1.000000000e+00;
	v21 =	vadd.f32 v55, v21;
	v58 =	vmul.f32 v57, v53  }
0x2b8: {  	vm12 =	vgt.f32 v18, $1.000000000e+00;
	v20 =	vadd.f32 $2.099999930e-01, v20;
	v17 =	vsel vm11, $0x0, v17;
	v59 =	vpop (erf)  }
0x2b9: {  	vm2 =	vgt.f32 v21, v14;
	v17 =	vadd.f32 v58, v17;
	v60 =	vmul.f32 v59, v56  }
0x2ba: {  	v14 =	vsel vm2, v21, v14;
	v20 =	vsel vm12, $0x0, v20  }
0x2bb: {  	vm13 =	vgt.f32 v17, v14;
	v18 =	vadd.f32 v60, v20  }
0x2bc: {  	v14 =	vsel vm13, v17, v14  }
0x2bd: {  	vm3 =	vgt.f32 v18, v14  }
0x2be: {  	v14 =	vsel vm3, v18, v14  }
0x2bf: {  	(xrf0) =	vmax.scan.msk.f32 $0xffff, v14;
	_ =	sdelay $0x4  }
0x2c0: {  	v15 =	vsel vm0, v16, v15  }
0x2c1: {  	v15 =	vsel vm2, v19, v15;
	v61, _, _ =	vpop (xrf0)  }
0x2c2: {  	v15 =	vsel vm13, v24, v15;
	v16 =	vbroadcast v61, $0xF  }
0x2c3: {  	v15 =	vsel vm3, v25, v15  }
0x2c4: {  	vm14 =	veq.f32 v14, v16;
	v14 =	vxor.u32 $0x80000000, v15  }
0x2c5: {  	v14 =	vnsel vm14, $0xC0000000, v14  }
0x2c6: {  	(xrf0) =	vmin.scan.msk.u32 $0xffff, v14;
	_ =	sdelay $0x5  }
0x2c7: {  	v14, _, _ =	vpop (xrf0)  }
0x2c8: {  	(v2sf) =	vpush v14, $0xF;
	_ =	sdelay $0xe  }
0x2c9: {  	s15 =	spop (v2sf)  }
0x2ca: {  	s0 =	sxor.u32 $0x80000000, s15  }
0x2cb: {  	p0 =	slt.s32 s0, $0x7C0;
	s7 =	smov.u32 s0  }
0x2cc: {  	s7 =	simm.s32 @!p0 $0x7C0  }
0x2cd: {  	s16 =	sshll.u32 s7, $0x3  }
0x2ce: {  	s17 =	sshll.u32 s6, $0x2;
	s0 =	ssub.s32 s0, s7;
	s8 =	sand.u32 $0xFFFFFC00, s16  }
0x2cf: {  	v14 =	vmov s17;
	s7 =	sand.u32 $0x7F, s7;
	v15 =	vmov s0;
	s5 =	sadd.s32 s5, s8  }
0x2d0: {  	v14 =	vbroadcast v14, $0x0;
	vm15 =	veq.s32 v15, v0;
	s18 =	sadd.s32 s7, s5  }
0x2d1: {  	v15 =	vld [tilespmem:s18+$0x1800];
	_ =	sdelay $0x2  }
0x2d2: {  	s20 =	sor.u32 $0x1, s17  }
0x2d3: {  	v62 =	vmov s20  }
0x2d4: {  	[tilespmem:v14+s31+$0x0] =	vst.idx.msk vm15, v15;
	v14 =	vbroadcast v62, $0x0  }
0x2d5: {  	v15 =	vld [tilespmem:s18+$0x5800];
	_ =	sdelay $0x2  }
0x2d6: {  	s21 =	sor.u32 $0x2, s17  }
0x2d7: {  	v63 =	vmov s21  }
0x2d8: {  	[tilespmem:v14+s31+$0x0] =	vst.idx.msk vm15, v15;
	v14 =	vbroadcast v63, $0x0  }
0x2d9: {  	v15 =	vld [tilespmem:s18+$0x9800];
	_ =	sdelay $0x4  }
0x2da: {  	s22 =	sshllo.u32 s6, $0x2;
	[tilespmem:v14+s31+$0x0] =	vst.idx.msk vm15, v15  }
0x2db: {  	v15 =	vmov s22;
	v14 =	vld [tilespmem:s18+$0xD800];
	_ =	sdelay $0x2  }
0x2dc: {  	s23 =	sshra.s32 s8, $0x2  }
0x2dd: {  	s0 =	sadd.s32 s23, s11  }
0x2de: {  	s4 =	sadd.s32 $0x1, s4;
	s0 =	sadd.s32 s7, s0;
	[tilespmem:v15+s31+$0x0] =	vst.idx.msk vm15, v14  }
0x2df: {  	p0 =	sne.s32 s4, $0x8;
	v14 =	vld [tilespmem:s0+$0x80]  }
.Ltmp5:
0x2e0: {  	_ = 	snop;
	(pc) =	sbr.rel @p0 .LBB2_10-.Ltmp5, $2  }
0x2e1: {  	_ =	sdelay $0x2  }
0x2e2: {  	[tilespmem:v13+s1+$0x0] =	vst.idx.msk vm15, v14  }
0x2e3: {  	s0 =	rddreg [dreg:$0xd]  }
0x2e4: {  	s3 =	simm.s32 $0x4000;
	s4 =	simm.s32 $0x9C4000;
	s5 =	simm.s32 $0x1800  }
0x2e5: {  	[tilespmem:s5], [sflag:$0x1] =	stream.strided.gather [hbm4b:s0+s3], $0x10000, s4, s3, $0x38;
	[tilespmem:$0x19C80] =	vst v63  }
0x2e6: {  	_ =	swait.ge [sflag:s19], $0x10000  }
0x2e7: {  	s23 =	simm.s32 $0x11800;
	[sflag:s19] =	ssyncset.done $0x0  }
0x2e8: {  	s3 =	simm.s32 $0x0;
	s22 =	rddreg [dreg:$0xe];
	[sflag:s19] =	ssyncadd.s32 $0xFFFF0000  }
0x2e9: {  	[tilespmem:s23], [sflag:$0x1] =	stream.linear.gather [hbm4b:s22+s3], $0x8000, $0x38;
	[tilespmem:$0x19C80] =	vst v63  }
0x2ea: {  	_ =	swait.ge [sflag:s19], $0x8000  }
0x2eb: {  	[sflag:s19] =	ssyncset.done $0x0  }
0x2ec: {  	s4 =	simm.s32 $0x0;
	[sflag:s19] =	ssyncadd.s32 $0xFFFF8000  }
.LBB2_14:
0x2ed: {  	s5 =	sshll.u32 s4, $0x7  }
0x2ee: {  	s21 =	sand.u32 $0x3C00, s3;
	s12 =	sadd.s32 $0x1800, s5  }
0x2ef: {  	s20 =	sand.u32 $0x70, s3;
	s13 =	sadd.s32 $0x9800, s5;
	s0 =	sadd.s32 s21, s12  }
0x2f0: {  	s14 =	sadd.s32 $0x5800, s5;
	s6 =	sadd.s32 s21, s13;
	s0 =	sadd.s32 s20, s0  }
0x2f1: {  	s15 =	sadd.s32 $0xD800, s5;
	s8 =	sadd.s32 s21, s14;
	s7 =	sadd.s32 s20, s6;
	v14 =	vld [tilespmem:s0+$0x0]  }
0x2f2: {  	s10 =	sadd.s32 s21, s15;
	s9 =	sadd.s32 s20, s8;
	v15 =	vld [tilespmem:s7+$0x0]  }
0x2f3: {  	s11 =	sadd.s32 s20, s10;
	v16 =	vld [tilespmem:s9+$0x0]  }
0x2f4: {  	v17 =	vld [tilespmem:s11+$0x0];
	_ =	sdelay $0x4  }
0x2f5: {  	v13 =	vsub.f32 v14, v15;
	v18 =	vsub.f32 v16, v17;
	_ =	sdelay $0x1  }
0x2f6: {  	v13 =	vand.u32 $0x7FFFFFFF, v13;
	v18 =	vand.u32 $0x7FFFFFFF, v18  }
0x2f7: {  	v19 =	vadd.f32 $9.999999740e-05, v13;
	v18 =	vadd.f32 $9.999999740e-05, v18  }
0x2f8: {  	s6 =	sor.u32 $0x18, s4  }
0x2f9: {  	v13 =	vmov s6;
	v20 =	vadd.f32 v18, v19;
	_ =	sdelay $0x1  }
0x2fa: {  	v20 =	vmul.f32 $5.000000000e-01, v20;
	_ =	sdelay $0x1  }
0x2fb: {  	s16 =	simm.s32 $0x80;
	v19 =	vadd.f32 v20, v19;
	v18 =	vadd.f32 v20, v18  }
0x2fc: {  	s8 =	sand.u32 $0x3C00, s16;
	s11 =	simm.s32 $0x10;
	v22 =	vld.idx.msk [tilespmem:v13+s24+$0x0], $0xffff  }
0x2fd: {  	s0 =	sadd.s32 s8, s12;
	s7 =	sand.u32 $0x70, s11;
	v20 =	vld.idx.msk [tilespmem:v13+s25+$0x0], $0xffff;
	v19 =	vmul.f32 v18, v19  }
0x2fe: {  	s9 =	sadd.s32 s8, s13;
	s0 =	sadd.s32 s7, s0;
	v14 =	vadd.f32 v15, v14;
	v15 =	vadd.f32 v17, v16  }
0x2ff: {  	s18 =	sadd.s32 s8, s14;
	s17 =	sadd.s32 s7, s9;
	v23 =	vld [tilespmem:s0+$0x0];
	v16 =	vmul.f32 $5.000000000e-01, v19;
	v17 =	vshra.s32 v19, $0x1  }
0x300: {  	s23 =	sadd.s32 s8, s15;
	s22 =	sadd.s32 s7, s18;
	v24 =	vld [tilespmem:s17+$0x0];
	v14 =	vmul.f32 $5.000000000e-01, v14;
	v15 =	vmul.f32 $5.000000000e-01, v15;
	v17 =	vsub.s32 $0x5F3759DF, v17  }
0x301: {  	s9 =	sadd.s32 s7, s23;
	v25 =	vld [tilespmem:s22+$0x0];
	v21 =	vmul.f32 v17, v16  }
0x302: {  	v26 =	vld [tilespmem:s9+$0x0];
	v14 =	vsub.f32 v22, v14;
	v15 =	vsub.f32 v20, v15  }
0x303: {  	v18 =	vld.idx.msk [tilespmem:v13+s30+$0x0], $0xffff;
	v21 =	vmul.f32 v17, v21  }
0x304: {  	v14 =	vmul.f32 v14, v14;
	v15 =	vmul.f32 v15, v15  }
0x305: {  	v21 =	vsub.f32 $1.500000000e+00, v21  }
0x306: {  	v14 =	vadd.f32 v15, v14  }
0x307: {  	v15 =	vmul.f32 v17, v21  }
0x308: {  	v29 =	vmul.f32 v14, v18;
	v14 =	vsub.f32 v25, v26;
	v17 =	vsub.f32 v23, v24  }
0x309: {  	v21 =	vmul.f32 v15, v16  }
0x30a: {  	v27 =	vmul.f32 $4.268378690e-06, v29;
	v14 =	vand.u32 $0x7FFFFFFF, v14;
	v17 =	vand.u32 $0x7FFFFFFF, v17  }
0x30b: {  	v14 =	vadd.f32 $9.999999740e-05, v14;
	v28 =	vadd.f32 $9.999999740e-05, v17;
	v17 =	vmul.f32 v21, v15  }
0x30c: {  	v21 =	vadd.f32 $-1.045981480e-04, v27  }
0x30d: {  	v27 =	vadd.f32 v14, v28;
	v17 =	vsub.f32 $1.500000000e+00, v17  }
0x30e: {  	s10 =	simm.s32 $0x100;
	v21 =	vmul.f32 v21, v29  }
0x30f: {  	s10 =	sand.u32 $0x3C00, s10;
	s22 =	simm.s32 $0x20;
	v27 =	vmul.f32 $5.000000000e-01, v27;
	v15 =	vmul.f32 v17, v15  }
0x310: {  	s0 =	sadd.s32 s10, s12;
	s9 =	sand.u32 $0x70, s22;
	v21 =	vadd.f32 $1.929546470e-03, v21  }
0x311: {  	s17 =	sadd.s32 s10, s14;
	s0 =	sadd.s32 s9, s0;
	v28 =	vadd.f32 v27, v28;
	v14 =	vadd.f32 v27, v14;
	v16 =	vmul.f32 v15, v16  }
0x312: {  	s23 =	sadd.s32 s10, s15;
	s18 =	sadd.s32 s9, s17;
	v31 =	vld [tilespmem:s0+$0x0];
	v25 =	vadd.f32 v26, v25;
	v23 =	vadd.f32 v24, v23;
	v27 =	vmul.f32 v21, v29  }
0x313: {  	s17 =	sadd.s32 s9, s23;
	v34 =	vld [tilespmem:s18+$0x0];
	v33 =	vmul.f32 v14, v28;
	v16 =	vmul.f32 v16, v15  }
0x314: {  	v35 =	vld [tilespmem:s17+$0x0];
	v25 =	vmul.f32 $5.000000000e-01, v25;
	v23 =	vmul.f32 $5.000000000e-01, v23;
	v24 =	vadd.f32 $-2.580687960e-02, v27  }
0x315: {  	s16 =	sadd.s32 s10, s13;
	v17 =	vld.idx.msk [tilespmem:v13+s26+$0x0], $0xffff;
	v32 =	vmul.f32 $5.000000000e-01, v33;
	v26 =	vshra.s32 v33, $0x1;
	v16 =	vsub.f32 $1.500000000e+00, v16  }
0x316: {  	s16 =	sadd.s32 s9, s16;
	v25 =	vsub.f32 v20, v25;
	v21 =	vld.idx.msk [tilespmem:v13+s28+$0x0], $0xffff;
	v24 =	vmul.f32 v24, v29;
	v28 =	vsub.s32 $0x5F3759DF, v26  }
0x317: {  	v27 =	vld [tilespmem:s16+$0x0];
	v30 =	vmul.f32 v28, v32;
	v16 =	vmul.f32 v16, v15  }
0x318: {  	v23 =	vsub.f32 v22, v23;
	v25 =	vmul.f32 v25, v25;
	v24 =	vadd.f32 $2.353306260e-01, v24  }
0x319: {  	v26 =	vld.idx.msk [tilespmem:v13+s29+$0x0], $0xffff;
	v30 =	vmul.f32 v28, v30;
	v19 =	vmul.f32 v16, v19  }
0x31a: {  	v37 =	vsub.f32 v34, v35;
	v23 =	vmul.f32 v23, v23;
	v24 =	vmul.f32 v24, v29  }
0x31b: {  	v16 =	vmul.f32 v16, v17;
	v30 =	vsub.f32 $1.500000000e+00, v30;
	v19 =	vmul.f32 v19, v21  }
0x31c: {  	v23 =	vadd.f32 v25, v23;
	v25 =	vand.u32 $0x7FFFFFFF, v37;
	v36 =	vsub.f32 v31, v27  }
0x31d: {  	v52 =	vmul.f32 v28, v30;
	v16 =	vmax.f32 v16, v19;
	v19 =	vadd.f32 $-1.335262780e+00, v24  }
0x31e: {  	v38 =	vadd.f32 $9.999999740e-05, v25;
	v23 =	vmul.f32 v23, v18;
	v16 =	vmul.f32 v16, v26  }
0x31f: {  	v24 =	vand.u32 $0x7FFFFFFF, v36;
	v25 =	vmul.f32 v52, v32;
	v19 =	vmul.f32 v19, v29  }
0x320: {  	v28 =	vmul.f32 $4.268378690e-06, v23;
	v53 =	vadd.f32 $9.999999740e-05, v24;
	v24 =	vadd.f32 $5.499999970e-02, v16  }
0x321: {  	s18 =	simm.s32 $0x180;
	v35 =	vadd.f32 v35, v34;
	v25 =	vmul.f32 v25, v52;
	v19 =	vadd.f32 $4.058712010e+00, v19  }
0x322: {  	s17 =	sand.u32 $0x3C00, s18;
	s18 =	simm.s32 $0x30;
	v27 =	vadd.f32 v27, v31;
	v41 =	vadd.f32 $-1.045981480e-04, v28;
	v24 =	vmul.f32 $1.442695020e+00, v24  }
0x323: {  	s0 =	sadd.s32 s17, s12;
	s16 =	sand.u32 $0x70, s18;
	v39 =	vadd.f32 v38, v53;
	v25 =	vsub.f32 $1.500000000e+00, v25;
	v40 =	vmul.f32 v19, v29  }
0x324: {  	s23 =	sshll.u32 s4, $0xC;
	s0 =	sadd.s32 s16, s0;
	v31 =	vmul.f32 v41, v23;
	v19 =	vor.u32 s11, v0;
	s11 =	sadd.s32 s17, s13;
	(erf) = vpow2.f32 v24  }
0x325: {  	v30 =	vld [tilespmem:s0+$0x0];
	s0 =	sand.u32 $0x3FFFF000, s23;
	s23 =	sadd.s32 s16, s11;
	v54 =	vmul.f32 v25, v52;
	v40 =	vadd.f32 $-4.934802060e+00, v40  }
0x326: {  	v58 =	vmul.f32 $5.000000000e-01, v35;
	v39 =	vmul.f32 $5.000000000e-01, v39;
	v31 =	vadd.f32 $1.929546470e-03, v31;
	s11 =	sadd.s32 $0x11800, s0;
	v28 =	vld [tilespmem:s23+$0x0];
	s23 =	sshrl.u32 s21, $0x2  }
0x327: {  	vm0 =	vgt.f32 v29, $1.000000000e+00;
	s0 =	sadd.s32 s23, s11;
	v32 =	vmul.f32 v54, v32;
	v55 =	vmul.f32 v40, v29  }
0x328: {  	v14 =	vimm.f32 $-Inf;
	v37 =	vadd.f32 v39, v53;
	v31 =	vmul.f32 v31, v23;
	s0 =	sadd.s32 s20, s0  }
0x329: {  	v38 =	vadd.f32 v39, v38;
	v57 =	vld [tilespmem:s0+$0x80];
	v32 =	vmul.f32 v32, v54;
	v36 =	vadd.f32 $1.000000000e+00, v55  }
0x32a: {  	v15 =	vimm.s32 $0x0;
	v56 =	vmul.f32 $5.000000000e-01, v27;
	v31 =	vadd.f32 $-2.580687960e-02, v31  }
0x32b: {  	v27 =	vmul.f32 v38, v37;
	v32 =	vsub.f32 $1.500000000e+00, v32;
	v36 =	vmul.f32 $2.099999930e-01, v36  }
0x32c: {  	v16 =	vor.u32 s3, v0;
	v24 =	vor.u32 s22, v0;
	s21 =	sadd.s32 s17, s14;
	v31 =	vmul.f32 v31, v23  }
0x32d: {  	s22 =	sadd.s32 s17, s15;
	v29 =	vmul.f32 $5.000000000e-01, v27;
	s0 =	sadd.s32 s16, s21;
	v35 =	vmul.f32 v32, v54;
	v59 =	vadd.f32 $2.099999930e-01, v36;
	v60 =	vpop (erf)  }
0x32e: {  	s23 =	sadd.s32 s16, s22;
	v61 =	vshra.s32 v27, $0x1;
	v42 =	vadd.f32 $2.353306260e-01, v31;
	v32 =	vld [tilespmem:s0+$0x0];
	v40 =	vmul.f32 v60, v57  }
0x32f: {  	v36 =	vsub.s32 $0x5F3759DF, v61;
	v38 =	vmul.f32 v35, v33;
	v33 =	vld [tilespmem:s23+$0x0];
	v62 =	vsel vm0, $0x0, v59  }
0x330: {  	v25 =	vor.u32 s18, v0;
	v63 =	vmul.f32 v36, v29;
	v31 =	vadd.f32 v40, v62  }
0x331: {  	v39 =	vsub.f32 v22, v56;
	v34 =	vsub.f32 v30, v28;
	v37 =	vmul.f32 v42, v23  }
0x332: {  	s20 =	simm.s32 $0x200;
	v40 =	vsub.f32 v20, v58;
	v41 =	vmul.f32 v36, v63;
	vm0 =	vgt.f32 v31, v14  }
.LBB2_15:
0x333: {  	p0 =	sne.s32 s20, $0x3E00;
	v35 =	vmul.f32 v35, v17;
	v38 =	vmul.f32 v38, v21;
	v14 =	vsel vm0, v31, v14  }
0x334: {  	v39 =	vmul.f32 v39, v39;
	v40 =	vmul.f32 v40, v40;
	v31 =	vsub.f32 v32, v33  }
0x335: {  	v41 =	vsub.f32 $1.500000000e+00, v41;
	v37 =	vadd.f32 $-1.335262780e+00, v37;
	v35 =	vmax.f32 v35, v38  }
0x336: {  	v34 =	vand.u32 $0x7FFFFFFF, v34;
	v38 =	vadd.f32 v40, v39;
	v35 =	vmul.f32 v35, v26  }
0x337: {  	v31 =	vand.u32 $0x7FFFFFFF, v31;
	v36 =	vmul.f32 v36, v41;
	v37 =	vmul.f32 v37, v23  }
0x338: {  	v34 =	vadd.f32 $9.999999740e-05, v34;
	v38 =	vmul.f32 v38, v18;
	v35 =	vadd.f32 $5.499999970e-02, v35  }
0x339: {  	v31 =	vadd.f32 $9.999999740e-05, v31;
	v39 =	vmul.f32 v36, v29;
	v37 =	vadd.f32 $4.058712010e+00, v37  }
0x33a: {  	s0 =	sand.u32 $0x3C00, s20;
	s18 =	sadd.s32 $0x10, s18;
	v15 =	vsel vm0, v16, v15;
	v16 =	vmovc v19;
	v19 =	vmovc v24;
	v40 =	vmul.f32 $4.268378690e-06, v38;
	v35 =	vmul.f32 $1.442695020e+00, v35  }
0x33b: {  	v24 =	vmovc v25;
	s21 =	sand.u32 $0x70, s18;
	s22 =	sadd.s32 s0, s12;
	v41 =	vadd.f32 v31, v34;
	v39 =	vmul.f32 v39, v36;
	v37 =	vmul.f32 v37, v23  }
0x33c: {  	s23 =	sadd.s32 s0, s13;
	v25 =	vor.u32 s18, v0;
	s22 =	sadd.s32 s21, s22;
	v40 =	vadd.f32 $-1.045981480e-04, v40;
	(erf) = vpow2.f32 v35  }
0x33d: {  	v41 =	vmul.f32 $5.000000000e-01, v41;
	v39 =	vsub.f32 $1.500000000e+00, v39;
	v37 =	vadd.f32 $-4.934802060e+00, v37;
	v35 =	vld [tilespmem:s22+$0x0];
	s22 =	sadd.s32 s21, s23  }
0x33e: {  	v30 =	vadd.f32 v28, v30;
	v40 =	vmul.f32 v40, v38;
	v28 =	vld [tilespmem:s22+$0x0];
	s22 =	sshrl.u32 s8, $0x2;
	s8 =	smov.u32 s10;
	s10 =	smov.u32 s17  }
0x33f: {  	v34 =	vadd.f32 v41, v34;
	v39 =	vmul.f32 v39, v36;
	v36 =	vmul.f32 v37, v23;
	s17 =	smov.u32 s0;
	s22 =	sadd.s32 s22, s11  }
0x340: {  	v31 =	vadd.f32 v41, v31;
	v37 =	vadd.f32 $1.929546470e-03, v40;
	s0 =	sadd.s32 s7, s22;
	s7 =	smov.u32 s9;
	s9 =	smov.u32 s16  }
0x341: {  	v40 =	vmul.f32 $5.000000000e-01, v30;
	v29 =	vmul.f32 v39, v29;
	v36 =	vadd.f32 $1.000000000e+00, v36;
	s16 =	smov.u32 s21;
	v41 =	vld [tilespmem:s0+$0x80]  }
0x342: {  	v32 =	vadd.f32 v33, v32;
	v42 =	vmul.f32 v31, v34;
	v31 =	vmul.f32 v37, v38;
	v30 =	vmovc v35  }
0x343: {  	v44 =	vmul.f32 v29, v39;
	v35 =	vmul.f32 $2.099999930e-01, v36;
	v34 =	vsub.f32 v30, v28  }
0x344: {  	vm0 =	vgt.f32 v23, $1.000000000e+00;
	v23 =	vmovc v38;
	s0 =	sadd.s32 s17, s14;
	v37 =	vmul.f32 $5.000000000e-01, v32;
	v31 =	vadd.f32 $-2.580687960e-02, v31  }
0x345: {  	s21 =	sadd.s32 s17, s15;
	s0 =	sadd.s32 s16, s0;
	v29 =	vmul.f32 $5.000000000e-01, v42;
	v38 =	vsub.f32 $1.500000000e+00, v44;
	v43 =	vadd.f32 $2.099999930e-01, v35;
	v33 =	vpop (erf)  }
.Ltmp6:
0x346: {  	v35 =	vshra.s32 v42, $0x1;
	v31 =	vmul.f32 v31, v23;
	v32 =	vld [tilespmem:s0+$0x0];
	s0 =	sadd.s32 s16, s21;
	v41 =	vmul.f32 v33, v41;
	(pc) =	sbr.rel @p0 .LBB2_15-.Ltmp6, $4  }
0x347: {  	v36 =	vsub.s32 $0x5F3759DF, v35;
	v35 =	vmul.f32 v38, v39;
	v38 =	vsel vm0, $0x0, v43;
	v33 =	vld [tilespmem:s0+$0x0]  }
0x348: {  	v43 =	vmul.f32 v36, v29;
	v44 =	vadd.f32 $2.353306260e-01, v31;
	v31 =	vadd.f32 v41, v38  }
0x349: {  	v39 =	vsub.f32 v22, v40;
	v40 =	vsub.f32 v20, v37;
	v38 =	vmul.f32 v35, v27;
	v27 =	vmovc v42  }
0x34a: {  	s20 =	sadd.s32 $0x80, s20;
	v41 =	vmul.f32 v36, v43;
	v37 =	vmul.f32 v44, v23;
	vm0 =	vgt.f32 v31, v14  }
0x34b: {  	_ = 	snop  }
0x34c: {  	v42 =	vsub.f32 v32, v33;
	_ =	sdelay $0x1  }
0x34d: {  	v34 =	vand.u32 $0x7FFFFFFF, v34;
	v42 =	vand.u32 $0x7FFFFFFF, v42  }
0x34e: {  	v34 =	vadd.f32 $9.999999740e-05, v34;
	v42 =	vadd.f32 $9.999999740e-05, v42;
	_ =	sdelay $0x1  }
0x34f: {  	v43 =	vadd.f32 v42, v34;
	_ =	sdelay $0x1  }
0x350: {  	v43 =	vmul.f32 $5.000000000e-01, v43;
	_ =	sdelay $0x1  }
0x351: {  	v34 =	vadd.f32 v43, v34;
	v42 =	vadd.f32 v43, v42;
	_ =	sdelay $0x1  }
0x352: {  	v49 =	vmul.f32 v42, v34  }
0x353: {  	v28 =	vadd.f32 v28, v30;
	v50 =	vadd.f32 v33, v32  }
0x354: {  	v51 =	vmul.f32 $5.000000000e-01, v49;
	v34 =	vshra.s32 v49, $0x1  }
0x355: {  	v28 =	vmul.f32 $5.000000000e-01, v28;
	v32 =	vmul.f32 $5.000000000e-01, v50;
	v34 =	vsub.s32 $0x5F3759DF, v34  }
0x356: {  	v39 =	vmul.f32 v39, v39;
	v52 =	vmul.f32 v34, v51  }
0x357: {  	v40 =	vmul.f32 v40, v40;
	v22 =	vsub.f32 v22, v28;
	v20 =	vsub.f32 v20, v32  }
0x358: {  	v41 =	vsub.f32 $1.500000000e+00, v41;
	v28 =	vmul.f32 v34, v52  }
0x359: {  	v54 =	vadd.f32 v40, v39;
	v22 =	vmul.f32 v22, v22;
	v20 =	vmul.f32 v20, v20  }
0x35a: {  	v53 =	vmul.f32 v36, v41;
	v28 =	vsub.f32 $1.500000000e+00, v28  }
0x35b: {  	v20 =	vadd.f32 v20, v22;
	v22 =	vmul.f32 v54, v18  }
0x35c: {  	v55 =	vmul.f32 v53, v29;
	v28 =	vmul.f32 v34, v28  }
0x35d: {  	v18 =	vmul.f32 v20, v18;
	v57 =	vmul.f32 $4.268378690e-06, v22  }
0x35e: {  	v56 =	vmul.f32 v55, v53;
	v58 =	vmul.f32 v28, v51  }
0x35f: {  	v59 =	vmul.f32 $4.268378690e-06, v18;
	v20 =	vadd.f32 $-1.045981480e-04, v57  }
0x360: {  	v34 =	vsub.f32 $1.500000000e+00, v56;
	v36 =	vmul.f32 v58, v28  }
0x361: {  	v60 =	vadd.f32 $-1.045981480e-04, v59;
	v20 =	vmul.f32 v20, v22  }
0x362: {  	v32 =	vmul.f32 v34, v53;
	v36 =	vsub.f32 $1.500000000e+00, v36  }
0x363: {  	v20 =	vadd.f32 $1.929546470e-03, v20;
	v34 =	vmul.f32 v60, v18  }
0x364: {  	v61 =	vmul.f32 v32, v29;
	v28 =	vmul.f32 v36, v28  }
0x365: {  	v20 =	vmul.f32 v20, v22;
	v34 =	vadd.f32 $1.929546470e-03, v34  }
0x366: {  	v29 =	vmul.f32 v61, v32;
	v33 =	vmul.f32 v28, v51  }
0x367: {  	v35 =	vmul.f32 v35, v17;
	v20 =	vadd.f32 $-2.580687960e-02, v20;
	v34 =	vmul.f32 v34, v18  }
0x368: {  	v62 =	vmul.f32 v38, v21;
	v29 =	vsub.f32 $1.500000000e+00, v29;
	v33 =	vmul.f32 v33, v28  }
0x369: {  	v20 =	vmul.f32 v20, v22;
	v39 =	vadd.f32 $-2.580687960e-02, v34  }
0x36a: {  	v35 =	vmax.f32 v35, v62;
	v29 =	vmul.f32 v29, v32;
	v33 =	vsub.f32 $1.500000000e+00, v33  }
0x36b: {  	v35 =	vmul.f32 v35, v26;
	v20 =	vadd.f32 $2.353306260e-01, v20;
	v32 =	vmul.f32 v39, v18  }
0x36c: {  	v63 =	vadd.f32 $-1.335262780e+00, v37;
	v27 =	vmul.f32 v29, v27;
	v28 =	vmul.f32 v33, v28  }
0x36d: {  	v20 =	vmul.f32 v20, v22;
	v29 =	vmul.f32 v29, v17;
	v32 =	vadd.f32 $2.353306260e-01, v32  }
0x36e: {  	v27 =	vmul.f32 v27, v21;
	v30 =	vmul.f32 v28, v49  }
0x36f: {  	v40 =	vmul.f32 v63, v23;
	v20 =	vadd.f32 $-1.335262780e+00, v20;
	v43 =	vmul.f32 v32, v18  }
0x370: {  	v27 =	vmax.f32 v29, v27;
	v44 =	vmul.f32 v28, v17;
	v45 =	vmul.f32 v30, v21  }
0x371: {  	v35 =	vadd.f32 $5.499999970e-02, v35;
	v41 =	vadd.f32 $4.058712010e+00, v40;
	v27 =	vmul.f32 v27, v26  }
0x372: {  	v20 =	vmul.f32 v20, v22;
	v47 =	vadd.f32 $-1.335262780e+00, v43;
	v17 =	vmax.f32 v44, v45  }
0x373: {  	v42 =	vmul.f32 $1.442695020e+00, v35;
	v27 =	vadd.f32 $5.499999970e-02, v27;
	v17 =	vmul.f32 v17, v26  }
0x374: {  	v46 =	vmul.f32 v41, v23;
	v20 =	vadd.f32 $4.058712010e+00, v20;
	v21 =	vmul.f32 v47, v18  }
0x375: {  	(erf) = vpow2.f32 v42;
	v27 =	vmul.f32 $1.442695020e+00, v27;
	v17 =	vadd.f32 $5.499999970e-02, v17  }
0x376: {  	v48 =	vadd.f32 $-4.934802060e+00, v46;
	v20 =	vmul.f32 v20, v22;
	v21 =	vadd.f32 $4.058712010e+00, v21  }
0x377: {  	s0 =	sshrl.u32 s8, $0x2;
	(erf) = vpow2.f32 v27;
	v17 =	vmul.f32 $1.442695020e+00, v17  }
0x378: {  	s0 =	sadd.s32 s0, s11;
	v20 =	vadd.f32 $-4.934802060e+00, v20;
	v26 =	vmul.f32 v48, v23;
	v21 =	vmul.f32 v21, v18  }
0x379: {  	s12 =	sshrl.u32 s10, $0x2;
	s0 =	sadd.s32 s7, s0;
	(erf) = vpow2.f32 v17  }
0x37a: {  	v50 =	vmul.f32 v20, v22;
	v49 =	vld [tilespmem:s0+$0x80];
	s0 =	sadd.s32 s12, s11;
	v26 =	vadd.f32 $1.000000000e+00, v26;
	v51 =	vadd.f32 $-4.934802060e+00, v21  }
0x37b: {  	s13 =	sshrl.u32 s17, $0x2;
	s0 =	sadd.s32 s9, s0  }
0x37c: {  	s14 =	sadd.s32 s13, s11;
	v53 =	vld [tilespmem:s0+$0x80];
	v52 =	vmul.f32 $2.099999930e-01, v26;
	v20 =	vmul.f32 v51, v18;
	v17 =	vadd.f32 $1.000000000e+00, v50  }
0x37d: {  	s0 =	sadd.s32 s16, s14  }
0x37e: {  	v54 =	vpop (erf);
	v56 =	vld [tilespmem:s0+$0x80];
	v21 =	vadd.f32 $2.099999930e-01, v52;
	v20 =	vadd.f32 $1.000000000e+00, v20;
	v17 =	vmul.f32 $2.099999930e-01, v17  }
0x37f: {  	vm1 =	vgt.f32 v23, $1.000000000e+00;
	v14 =	vsel vm0, v31, v14;
	v55 =	vmul.f32 v54, v49  }
0x380: {  	v21 =	vsel vm1, $0x0, v21;
	v57 =	vpop (erf);
	v20 =	vmul.f32 $2.099999930e-01, v20;
	v17 =	vadd.f32 $2.099999930e-01, v17  }
0x381: {  	vm11 =	vgt.f32 v22, $1.000000000e+00;
	v21 =	vadd.f32 v55, v21;
	v58 =	vmul.f32 v57, v53  }
0x382: {  	vm12 =	vgt.f32 v18, $1.000000000e+00;
	v20 =	vadd.f32 $2.099999930e-01, v20;
	v17 =	vsel vm11, $0x0, v17;
	v59 =	vpop (erf)  }
0x383: {  	vm2 =	vgt.f32 v21, v14;
	v17 =	vadd.f32 v58, v17;
	v60 =	vmul.f32 v59, v56  }
0x384: {  	v14 =	vsel vm2, v21, v14;
	v20 =	vsel vm12, $0x0, v20  }
0x385: {  	vm13 =	vgt.f32 v17, v14;
	v18 =	vadd.f32 v60, v20  }
0x386: {  	v14 =	vsel vm13, v17, v14  }
0x387: {  	vm3 =	vgt.f32 v18, v14  }
0x388: {  	v14 =	vsel vm3, v18, v14  }
0x389: {  	(xrf0) =	vmax.scan.msk.f32 $0xffff, v14;
	_ =	sdelay $0x4  }
0x38a: {  	v15 =	vsel vm0, v16, v15  }
0x38b: {  	v15 =	vsel vm2, v19, v15;
	v61, _, _ =	vpop (xrf0)  }
0x38c: {  	v15 =	vsel vm13, v24, v15;
	v16 =	vbroadcast v61, $0xF  }
0x38d: {  	v15 =	vsel vm3, v25, v15  }
0x38e: {  	vm14 =	veq.f32 v14, v16;
	v14 =	vxor.u32 $0x80000000, v15  }
0x38f: {  	v14 =	vnsel vm14, $0xC0000000, v14  }
0x390: {  	(xrf0) =	vmin.scan.msk.u32 $0xffff, v14;
	_ =	sdelay $0x5  }
0x391: {  	v14, _, _ =	vpop (xrf0)  }
0x392: {  	(v2sf) =	vpush v14, $0xF;
	_ =	sdelay $0xe  }
0x393: {  	s15 =	spop (v2sf)  }
0x394: {  	s0 =	sxor.u32 $0x80000000, s15  }
0x395: {  	p0 =	slt.s32 s0, $0x7C0;
	s7 =	smov.u32 s0  }
0x396: {  	s7 =	simm.s32 @!p0 $0x7C0  }
0x397: {  	s16 =	sshll.u32 s7, $0x3  }
0x398: {  	s17 =	sshll.u32 s6, $0x2;
	s0 =	ssub.s32 s0, s7;
	s8 =	sand.u32 $0xFFFFFC00, s16  }
0x399: {  	v14 =	vmov s17;
	s7 =	sand.u32 $0x7F, s7;
	v15 =	vmov s0;
	s5 =	sadd.s32 s5, s8  }
0x39a: {  	v14 =	vbroadcast v14, $0x0;
	vm15 =	veq.s32 v15, v0;
	s18 =	sadd.s32 s7, s5  }
0x39b: {  	v15 =	vld [tilespmem:s18+$0x1800];
	_ =	sdelay $0x2  }
0x39c: {  	s20 =	sor.u32 $0x1, s17  }
0x39d: {  	v62 =	vmov s20  }
0x39e: {  	[tilespmem:v14+s31+$0x0] =	vst.idx.msk vm15, v15;
	v14 =	vbroadcast v62, $0x0  }
0x39f: {  	v15 =	vld [tilespmem:s18+$0x5800];
	_ =	sdelay $0x2  }
0x3a0: {  	s21 =	sor.u32 $0x2, s17  }
0x3a1: {  	v63 =	vmov s21  }
0x3a2: {  	[tilespmem:v14+s31+$0x0] =	vst.idx.msk vm15, v15;
	v14 =	vbroadcast v63, $0x0  }
0x3a3: {  	v15 =	vld [tilespmem:s18+$0x9800];
	_ =	sdelay $0x4  }
0x3a4: {  	s22 =	sshllo.u32 s6, $0x2;
	[tilespmem:v14+s31+$0x0] =	vst.idx.msk vm15, v15  }
0x3a5: {  	v15 =	vmov s22;
	v14 =	vld [tilespmem:s18+$0xD800];
	_ =	sdelay $0x2  }
0x3a6: {  	s23 =	sshra.s32 s8, $0x2  }
0x3a7: {  	s0 =	sadd.s32 s23, s11  }
0x3a8: {  	s4 =	sadd.s32 $0x1, s4;
	s0 =	sadd.s32 s7, s0;
	[tilespmem:v15+s31+$0x0] =	vst.idx.msk vm15, v14  }
0x3a9: {  	p0 =	sne.s32 s4, $0x8;
	v14 =	vld [tilespmem:s0+$0x80]  }
.Ltmp7:
0x3aa: {  	_ = 	snop;
	(pc) =	sbr.rel @p0 .LBB2_14-.Ltmp7, $2  }
0x3ab: {  	_ =	sdelay $0x2  }
0x3ac: {  	[tilespmem:v13+s1+$0x0] =	vst.idx.msk vm15, v14  }
0x3ad: {  	s0 =	rddreg [dreg:$0xf]  }
0x3ae: {  	s3 =	simm.s32 $0x4000;
	s4 =	simm.s32 $0x9C4000;
	s5 =	simm.s32 $0x1800  }
0x3af: {  	[tilespmem:s5], [sflag:$0x1] =	stream.strided.gather [hbm4b:s0+s3], $0x10000, s4, s3, $0x38;
	[tilespmem:$0x19C80] =	vst v63  }
0x3b0: {  	_ =	swait.ge [sflag:s19], $0x10000  }
0x3b1: {  	s23 =	simm.s32 $0x11800;
	[sflag:s19] =	ssyncset.done $0x0  }
0x3b2: {  	s3 =	simm.s32 $0x0;
	s22 =	rddreg [dreg:$0x10];
	[sflag:s19] =	ssyncadd.s32 $0xFFFF0000  }
0x3b3: {  	[tilespmem:s23], [sflag:$0x1] =	stream.linear.gather [hbm4b:s22+s3], $0x8000, $0x38;
	[tilespmem:$0x19C80] =	vst v63  }
0x3b4: {  	_ =	swait.ge [sflag:s19], $0x8000  }
0x3b5: {  	[sflag:s19] =	ssyncset.done $0x0  }
0x3b6: {  	s4 =	simm.s32 $0x0;
	[sflag:s19] =	ssyncadd.s32 $0xFFFF8000  }
.LBB2_18:
0x3b7: {  	s5 =	sshll.u32 s4, $0x7  }
0x3b8: {  	s21 =	sand.u32 $0x3C00, s3;
	s12 =	sadd.s32 $0x1800, s5  }
0x3b9: {  	s20 =	sand.u32 $0x70, s3;
	s13 =	sadd.s32 $0x9800, s5;
	s0 =	sadd.s32 s21, s12  }
0x3ba: {  	s14 =	sadd.s32 $0x5800, s5;
	s6 =	sadd.s32 s21, s13;
	s0 =	sadd.s32 s20, s0  }
0x3bb: {  	s15 =	sadd.s32 $0xD800, s5;
	s8 =	sadd.s32 s21, s14;
	s7 =	sadd.s32 s20, s6;
	v14 =	vld [tilespmem:s0+$0x0]  }
0x3bc: {  	s10 =	sadd.s32 s21, s15;
	s9 =	sadd.s32 s20, s8;
	v15 =	vld [tilespmem:s7+$0x0]  }
0x3bd: {  	s11 =	sadd.s32 s20, s10;
	v16 =	vld [tilespmem:s9+$0x0]  }
0x3be: {  	v17 =	vld [tilespmem:s11+$0x0];
	_ =	sdelay $0x4  }
0x3bf: {  	v13 =	vsub.f32 v14, v15;
	v18 =	vsub.f32 v16, v17;
	_ =	sdelay $0x1  }
0x3c0: {  	v13 =	vand.u32 $0x7FFFFFFF, v13;
	v18 =	vand.u32 $0x7FFFFFFF, v18  }
0x3c1: {  	v19 =	vadd.f32 $9.999999740e-05, v13;
	v18 =	vadd.f32 $9.999999740e-05, v18  }
0x3c2: {  	s6 =	sor.u32 $0x20, s4  }
0x3c3: {  	v13 =	vmov s6;
	v20 =	vadd.f32 v18, v19;
	_ =	sdelay $0x1  }
0x3c4: {  	v20 =	vmul.f32 $5.000000000e-01, v20;
	_ =	sdelay $0x1  }
0x3c5: {  	s16 =	simm.s32 $0x80;
	v19 =	vadd.f32 v20, v19;
	v18 =	vadd.f32 v20, v18  }
0x3c6: {  	s8 =	sand.u32 $0x3C00, s16;
	s11 =	simm.s32 $0x10;
	v22 =	vld.idx.msk [tilespmem:v13+s24+$0x0], $0xffff  }
0x3c7: {  	s0 =	sadd.s32 s8, s12;
	s7 =	sand.u32 $0x70, s11;
	v20 =	vld.idx.msk [tilespmem:v13+s25+$0x0], $0xffff;
	v19 =	vmul.f32 v18, v19  }
0x3c8: {  	s9 =	sadd.s32 s8, s13;
	s0 =	sadd.s32 s7, s0;
	v14 =	vadd.f32 v15, v14;
	v15 =	vadd.f32 v17, v16  }
0x3c9: {  	s18 =	sadd.s32 s8, s14;
	s17 =	sadd.s32 s7, s9;
	v23 =	vld [tilespmem:s0+$0x0];
	v16 =	vmul.f32 $5.000000000e-01, v19;
	v17 =	vshra.s32 v19, $0x1  }
0x3ca: {  	s23 =	sadd.s32 s8, s15;
	s22 =	sadd.s32 s7, s18;
	v24 =	vld [tilespmem:s17+$0x0];
	v14 =	vmul.f32 $5.000000000e-01, v14;
	v15 =	vmul.f32 $5.000000000e-01, v15;
	v17 =	vsub.s32 $0x5F3759DF, v17  }
0x3cb: {  	s9 =	sadd.s32 s7, s23;
	v25 =	vld [tilespmem:s22+$0x0];
	v21 =	vmul.f32 v17, v16  }
0x3cc: {  	v26 =	vld [tilespmem:s9+$0x0];
	v14 =	vsub.f32 v22, v14;
	v15 =	vsub.f32 v20, v15  }
0x3cd: {  	v18 =	vld.idx.msk [tilespmem:v13+s30+$0x0], $0xffff;
	v21 =	vmul.f32 v17, v21  }
0x3ce: {  	v14 =	vmul.f32 v14, v14;
	v15 =	vmul.f32 v15, v15  }
0x3cf: {  	v21 =	vsub.f32 $1.500000000e+00, v21  }
0x3d0: {  	v14 =	vadd.f32 v15, v14  }
0x3d1: {  	v15 =	vmul.f32 v17, v21  }
0x3d2: {  	v29 =	vmul.f32 v14, v18;
	v14 =	vsub.f32 v25, v26;
	v17 =	vsub.f32 v23, v24  }
0x3d3: {  	v21 =	vmul.f32 v15, v16  }
0x3d4: {  	v27 =	vmul.f32 $4.268378690e-06, v29;
	v14 =	vand.u32 $0x7FFFFFFF, v14;
	v17 =	vand.u32 $0x7FFFFFFF, v17  }
0x3d5: {  	v14 =	vadd.f32 $9.999999740e-05, v14;
	v28 =	vadd.f32 $9.999999740e-05, v17;
	v17 =	vmul.f32 v21, v15  }
0x3d6: {  	v21 =	vadd.f32 $-1.045981480e-04, v27  }
0x3d7: {  	v27 =	vadd.f32 v14, v28;
	v17 =	vsub.f32 $1.500000000e+00, v17  }
0x3d8: {  	s10 =	simm.s32 $0x100;
	v21 =	vmul.f32 v21, v29  }
0x3d9: {  	s10 =	sand.u32 $0x3C00, s10;
	s22 =	simm.s32 $0x20;
	v27 =	vmul.f32 $5.000000000e-01, v27;
	v15 =	vmul.f32 v17, v15  }
0x3da: {  	s0 =	sadd.s32 s10, s12;
	s9 =	sand.u32 $0x70, s22;
	v21 =	vadd.f32 $1.929546470e-03, v21  }
0x3db: {  	s17 =	sadd.s32 s10, s14;
	s0 =	sadd.s32 s9, s0;
	v28 =	vadd.f32 v27, v28;
	v14 =	vadd.f32 v27, v14;
	v16 =	vmul.f32 v15, v16  }
0x3dc: {  	s23 =	sadd.s32 s10, s15;
	s18 =	sadd.s32 s9, s17;
	v31 =	vld [tilespmem:s0+$0x0];
	v25 =	vadd.f32 v26, v25;
	v23 =	vadd.f32 v24, v23;
	v27 =	vmul.f32 v21, v29  }
0x3dd: {  	s17 =	sadd.s32 s9, s23;
	v34 =	vld [tilespmem:s18+$0x0];
	v33 =	vmul.f32 v14, v28;
	v16 =	vmul.f32 v16, v15  }
0x3de: {  	v35 =	vld [tilespmem:s17+$0x0];
	v25 =	vmul.f32 $5.000000000e-01, v25;
	v23 =	vmul.f32 $5.000000000e-01, v23;
	v24 =	vadd.f32 $-2.580687960e-02, v27  }
0x3df: {  	s16 =	sadd.s32 s10, s13;
	v17 =	vld.idx.msk [tilespmem:v13+s26+$0x0], $0xffff;
	v32 =	vmul.f32 $5.000000000e-01, v33;
	v26 =	vshra.s32 v33, $0x1;
	v16 =	vsub.f32 $1.500000000e+00, v16  }
0x3e0: {  	s16 =	sadd.s32 s9, s16;
	v25 =	vsub.f32 v20, v25;
	v21 =	vld.idx.msk [tilespmem:v13+s28+$0x0], $0xffff;
	v24 =	vmul.f32 v24, v29;
	v28 =	vsub.s32 $0x5F3759DF, v26  }
0x3e1: {  	v27 =	vld [tilespmem:s16+$0x0];
	v30 =	vmul.f32 v28, v32;
	v16 =	vmul.f32 v16, v15  }
0x3e2: {  	v23 =	vsub.f32 v22, v23;
	v25 =	vmul.f32 v25, v25;
	v24 =	vadd.f32 $2.353306260e-01, v24  }
0x3e3: {  	v26 =	vld.idx.msk [tilespmem:v13+s29+$0x0], $0xffff;
	v30 =	vmul.f32 v28, v30;
	v19 =	vmul.f32 v16, v19  }
0x3e4: {  	v37 =	vsub.f32 v34, v35;
	v23 =	vmul.f32 v23, v23;
	v24 =	vmul.f32 v24, v29  }
0x3e5: {  	v16 =	vmul.f32 v16, v17;
	v30 =	vsub.f32 $1.500000000e+00, v30;
	v19 =	vmul.f32 v19, v21  }
0x3e6: {  	v23 =	vadd.f32 v25, v23;
	v25 =	vand.u32 $0x7FFFFFFF, v37;
	v36 =	vsub.f32 v31, v27  }
0x3e7: {  	v52 =	vmul.f32 v28, v30;
	v16 =	vmax.f32 v16, v19;
	v19 =	vadd.f32 $-1.335262780e+00, v24  }
0x3e8: {  	v38 =	vadd.f32 $9.999999740e-05, v25;
	v23 =	vmul.f32 v23, v18;
	v16 =	vmul.f32 v16, v26  }
0x3e9: {  	v24 =	vand.u32 $0x7FFFFFFF, v36;
	v25 =	vmul.f32 v52, v32;
	v19 =	vmul.f32 v19, v29  }
0x3ea: {  	v28 =	vmul.f32 $4.268378690e-06, v23;
	v53 =	vadd.f32 $9.999999740e-05, v24;
	v24 =	vadd.f32 $5.499999970e-02, v16  }
0x3eb: {  	s18 =	simm.s32 $0x180;
	v35 =	vadd.f32 v35, v34;
	v25 =	vmul.f32 v25, v52;
	v19 =	vadd.f32 $4.058712010e+00, v19  }
0x3ec: {  	s17 =	sand.u32 $0x3C00, s18;
	s18 =	simm.s32 $0x30;
	v27 =	vadd.f32 v27, v31;
	v41 =	vadd.f32 $-1.045981480e-04, v28;
	v24 =	vmul.f32 $1.442695020e+00, v24  }
0x3ed: {  	s0 =	sadd.s32 s17, s12;
	s16 =	sand.u32 $0x70, s18;
	v39 =	vadd.f32 v38, v53;
	v25 =	vsub.f32 $1.500000000e+00, v25;
	v40 =	vmul.f32 v19, v29  }
0x3ee: {  	s23 =	sshll.u32 s4, $0xC;
	s0 =	sadd.s32 s16, s0;
	v31 =	vmul.f32 v41, v23;
	v19 =	vor.u32 s11, v0;
	s11 =	sadd.s32 s17, s13;
	(erf) = vpow2.f32 v24  }
0x3ef: {  	v30 =	vld [tilespmem:s0+$0x0];
	s0 =	sand.u32 $0x3FFFF000, s23;
	s23 =	sadd.s32 s16, s11;
	v54 =	vmul.f32 v25, v52;
	v40 =	vadd.f32 $-4.934802060e+00, v40  }
0x3f0: {  	v58 =	vmul.f32 $5.000000000e-01, v35;
	v39 =	vmul.f32 $5.000000000e-01, v39;
	v31 =	vadd.f32 $1.929546470e-03, v31;
	s11 =	sadd.s32 $0x11800, s0;
	v28 =	vld [tilespmem:s23+$0x0];
	s23 =	sshrl.u32 s21, $0x2  }
0x3f1: {  	vm0 =	vgt.f32 v29, $1.000000000e+00;
	s0 =	sadd.s32 s23, s11;
	v32 =	vmul.f32 v54, v32;
	v55 =	vmul.f32 v40, v29  }
0x3f2: {  	v14 =	vimm.f32 $-Inf;
	v37 =	vadd.f32 v39, v53;
	v31 =	vmul.f32 v31, v23;
	s0 =	sadd.s32 s20, s0  }
0x3f3: {  	v38 =	vadd.f32 v39, v38;
	v57 =	vld [tilespmem:s0+$0x80];
	v32 =	vmul.f32 v32, v54;
	v36 =	vadd.f32 $1.000000000e+00, v55  }
0x3f4: {  	v15 =	vimm.s32 $0x0;
	v56 =	vmul.f32 $5.000000000e-01, v27;
	v31 =	vadd.f32 $-2.580687960e-02, v31  }
0x3f5: {  	v27 =	vmul.f32 v38, v37;
	v32 =	vsub.f32 $1.500000000e+00, v32;
	v36 =	vmul.f32 $2.099999930e-01, v36  }
0x3f6: {  	v16 =	vor.u32 s3, v0;
	v24 =	vor.u32 s22, v0;
	s21 =	sadd.s32 s17, s14;
	v31 =	vmul.f32 v31, v23  }
0x3f7: {  	s22 =	sadd.s32 s17, s15;
	v29 =	vmul.f32 $5.000000000e-01, v27;
	s0 =	sadd.s32 s16, s21;
	v35 =	vmul.f32 v32, v54;
	v59 =	vadd.f32 $2.099999930e-01, v36;
	v60 =	vpop (erf)  }
0x3f8: {  	s23 =	sadd.s32 s16, s22;
	v61 =	vshra.s32 v27, $0x1;
	v42 =	vadd.f32 $2.353306260e-01, v31;
	v32 =	vld [tilespmem:s0+$0x0];
	v40 =	vmul.f32 v60, v57  }
0x3f9: {  	v36 =	vsub.s32 $0x5F3759DF, v61;
	v38 =	vmul.f32 v35, v33;
	v33 =	vld [tilespmem:s23+$0x0];
	v62 =	vsel vm0, $0x0, v59  }
0x3fa: {  	v25 =	vor.u32 s18, v0;
	v63 =	vmul.f32 v36, v29;
	v31 =	vadd.f32 v40, v62  }
0x3fb: {  	v39 =	vsub.f32 v22, v56;
	v34 =	vsub.f32 v30, v28;
	v37 =	vmul.f32 v42, v23  }
0x3fc: {  	s20 =	simm.s32 $0x200;
	v40 =	vsub.f32 v20, v58;
	v41 =	vmul.f32 v36, v63;
	vm0 =	vgt.f32 v31, v14  }
.LBB2_19:
0x3fd: {  	p0 =	sne.s32 s20, $0x3E00;
	v35 =	vmul.f32 v35, v17;
	v38 =	vmul.f32 v38, v21;
	v14 =	vsel vm0, v31, v14  }
0x3fe: {  	v39 =	vmul.f32 v39, v39;
	v40 =	vmul.f32 v40, v40;
	v31 =	vsub.f32 v32, v33  }
0x3ff: {  	v41 =	vsub.f32 $1.500000000e+00, v41;
	v37 =	vadd.f32 $-1.335262780e+00, v37;
	v35 =	vmax.f32 v35, v38  }
0x400: {  	v34 =	vand.u32 $0x7FFFFFFF, v34;
	v38 =	vadd.f32 v40, v39;
	v35 =	vmul.f32 v35, v26  }
0x401: {  	v31 =	vand.u32 $0x7FFFFFFF, v31;
	v36 =	vmul.f32 v36, v41;
	v37 =	vmul.f32 v37, v23  }
0x402: {  	v34 =	vadd.f32 $9.999999740e-05, v34;
	v38 =	vmul.f32 v38, v18;
	v35 =	vadd.f32 $5.499999970e-02, v35  }
0x403: {  	v31 =	vadd.f32 $9.999999740e-05, v31;
	v39 =	vmul.f32 v36, v29;
	v37 =	vadd.f32 $4.058712010e+00, v37  }
0x404: {  	s0 =	sand.u32 $0x3C00, s20;
	s18 =	sadd.s32 $0x10, s18;
	v15 =	vsel vm0, v16, v15;
	v16 =	vmovc v19;
	v19 =	vmovc v24;
	v40 =	vmul.f32 $4.268378690e-06, v38;
	v35 =	vmul.f32 $1.442695020e+00, v35  }
0x405: {  	v24 =	vmovc v25;
	s21 =	sand.u32 $0x70, s18;
	s22 =	sadd.s32 s0, s12;
	v41 =	vadd.f32 v31, v34;
	v39 =	vmul.f32 v39, v36;
	v37 =	vmul.f32 v37, v23  }
0x406: {  	s23 =	sadd.s32 s0, s13;
	v25 =	vor.u32 s18, v0;
	s22 =	sadd.s32 s21, s22;
	v40 =	vadd.f32 $-1.045981480e-04, v40;
	(erf) = vpow2.f32 v35  }
0x407: {  	v41 =	vmul.f32 $5.000000000e-01, v41;
	v39 =	vsub.f32 $1.500000000e+00, v39;
	v37 =	vadd.f32 $-4.934802060e+00, v37;
	v35 =	vld [tilespmem:s22+$0x0];
	s22 =	sadd.s32 s21, s23  }
0x408: {  	v30 =	vadd.f32 v28, v30;
	v40 =	vmul.f32 v40, v38;
	v28 =	vld [tilespmem:s22+$0x0];
	s22 =	sshrl.u32 s8, $0x2;
	s8 =	smov.u32 s10;
	s10 =	smov.u32 s17  }
0x409: {  	v34 =	vadd.f32 v41, v34;
	v39 =	vmul.f32 v39, v36;
	v36 =	vmul.f32 v37, v23;
	s17 =	smov.u32 s0;
	s22 =	sadd.s32 s22, s11  }
0x40a: {  	v31 =	vadd.f32 v41, v31;
	v37 =	vadd.f32 $1.929546470e-03, v40;
	s0 =	sadd.s32 s7, s22;
	s7 =	smov.u32 s9;
	s9 =	smov.u32 s16  }
0x40b: {  	v40 =	vmul.f32 $5.000000000e-01, v30;
	v29 =	vmul.f32 v39, v29;
	v36 =	vadd.f32 $1.000000000e+00, v36;
	s16 =	smov.u32 s21;
	v41 =	vld [tilespmem:s0+$0x80]  }
0x40c: {  	v32 =	vadd.f32 v33, v32;
	v42 =	vmul.f32 v31, v34;
	v31 =	vmul.f32 v37, v38;
	v30 =	vmovc v35  }
0x40d: {  	v44 =	vmul.f32 v29, v39;
	v35 =	vmul.f32 $2.099999930e-01, v36;
	v34 =	vsub.f32 v30, v28  }
0x40e: {  	vm0 =	vgt.f32 v23, $1.000000000e+00;
	v23 =	vmovc v38;
	s0 =	sadd.s32 s17, s14;
	v37 =	vmul.f32 $5.000000000e-01, v32;
	v31 =	vadd.f32 $-2.580687960e-02, v31  }
0x40f: {  	s21 =	sadd.s32 s17, s15;
	s0 =	sadd.s32 s16, s0;
	v29 =	vmul.f32 $5.000000000e-01, v42;
	v38 =	vsub.f32 $1.500000000e+00, v44;
	v43 =	vadd.f32 $2.099999930e-01, v35;
	v33 =	vpop (erf)  }
.Ltmp8:
0x410: {  	v35 =	vshra.s32 v42, $0x1;
	v31 =	vmul.f32 v31, v23;
	v32 =	vld [tilespmem:s0+$0x0];
	s0 =	sadd.s32 s16, s21;
	v41 =	vmul.f32 v33, v41;
	(pc) =	sbr.rel @p0 .LBB2_19-.Ltmp8, $4  }
0x411: {  	v36 =	vsub.s32 $0x5F3759DF, v35;
	v35 =	vmul.f32 v38, v39;
	v38 =	vsel vm0, $0x0, v43;
	v33 =	vld [tilespmem:s0+$0x0]  }
0x412: {  	v43 =	vmul.f32 v36, v29;
	v44 =	vadd.f32 $2.353306260e-01, v31;
	v31 =	vadd.f32 v41, v38  }
0x413: {  	v39 =	vsub.f32 v22, v40;
	v40 =	vsub.f32 v20, v37;
	v38 =	vmul.f32 v35, v27;
	v27 =	vmovc v42  }
0x414: {  	s20 =	sadd.s32 $0x80, s20;
	v41 =	vmul.f32 v36, v43;
	v37 =	vmul.f32 v44, v23;
	vm0 =	vgt.f32 v31, v14  }
0x415: {  	_ = 	snop  }
0x416: {  	v42 =	vsub.f32 v32, v33;
	_ =	sdelay $0x1  }
0x417: {  	v34 =	vand.u32 $0x7FFFFFFF, v34;
	v42 =	vand.u32 $0x7FFFFFFF, v42  }
0x418: {  	v34 =	vadd.f32 $9.999999740e-05, v34;
	v42 =	vadd.f32 $9.999999740e-05, v42;
	_ =	sdelay $0x1  }
0x419: {  	v43 =	vadd.f32 v42, v34;
	_ =	sdelay $0x1  }
0x41a: {  	v43 =	vmul.f32 $5.000000000e-01, v43;
	_ =	sdelay $0x1  }
0x41b: {  	v34 =	vadd.f32 v43, v34;
	v42 =	vadd.f32 v43, v42;
	_ =	sdelay $0x1  }
0x41c: {  	v49 =	vmul.f32 v42, v34  }
0x41d: {  	v28 =	vadd.f32 v28, v30;
	v50 =	vadd.f32 v33, v32  }
0x41e: {  	v51 =	vmul.f32 $5.000000000e-01, v49;
	v34 =	vshra.s32 v49, $0x1  }
0x41f: {  	v28 =	vmul.f32 $5.000000000e-01, v28;
	v32 =	vmul.f32 $5.000000000e-01, v50;
	v34 =	vsub.s32 $0x5F3759DF, v34  }
0x420: {  	v39 =	vmul.f32 v39, v39;
	v52 =	vmul.f32 v34, v51  }
0x421: {  	v40 =	vmul.f32 v40, v40;
	v22 =	vsub.f32 v22, v28;
	v20 =	vsub.f32 v20, v32  }
0x422: {  	v41 =	vsub.f32 $1.500000000e+00, v41;
	v28 =	vmul.f32 v34, v52  }
0x423: {  	v54 =	vadd.f32 v40, v39;
	v22 =	vmul.f32 v22, v22;
	v20 =	vmul.f32 v20, v20  }
0x424: {  	v53 =	vmul.f32 v36, v41;
	v28 =	vsub.f32 $1.500000000e+00, v28  }
0x425: {  	v20 =	vadd.f32 v20, v22;
	v22 =	vmul.f32 v54, v18  }
0x426: {  	v55 =	vmul.f32 v53, v29;
	v28 =	vmul.f32 v34, v28  }
0x427: {  	v18 =	vmul.f32 v20, v18;
	v57 =	vmul.f32 $4.268378690e-06, v22  }
0x428: {  	v56 =	vmul.f32 v55, v53;
	v58 =	vmul.f32 v28, v51  }
0x429: {  	v59 =	vmul.f32 $4.268378690e-06, v18;
	v20 =	vadd.f32 $-1.045981480e-04, v57  }
0x42a: {  	v34 =	vsub.f32 $1.500000000e+00, v56;
	v36 =	vmul.f32 v58, v28  }
0x42b: {  	v60 =	vadd.f32 $-1.045981480e-04, v59;
	v20 =	vmul.f32 v20, v22  }
0x42c: {  	v32 =	vmul.f32 v34, v53;
	v36 =	vsub.f32 $1.500000000e+00, v36  }
0x42d: {  	v20 =	vadd.f32 $1.929546470e-03, v20;
	v34 =	vmul.f32 v60, v18  }
0x42e: {  	v61 =	vmul.f32 v32, v29;
	v28 =	vmul.f32 v36, v28  }
0x42f: {  	v20 =	vmul.f32 v20, v22;
	v34 =	vadd.f32 $1.929546470e-03, v34  }
0x430: {  	v29 =	vmul.f32 v61, v32;
	v33 =	vmul.f32 v28, v51  }
0x431: {  	v35 =	vmul.f32 v35, v17;
	v20 =	vadd.f32 $-2.580687960e-02, v20;
	v34 =	vmul.f32 v34, v18  }
0x432: {  	v62 =	vmul.f32 v38, v21;
	v29 =	vsub.f32 $1.500000000e+00, v29;
	v33 =	vmul.f32 v33, v28  }
0x433: {  	v20 =	vmul.f32 v20, v22;
	v39 =	vadd.f32 $-2.580687960e-02, v34  }
0x434: {  	v35 =	vmax.f32 v35, v62;
	v29 =	vmul.f32 v29, v32;
	v33 =	vsub.f32 $1.500000000e+00, v33  }
0x435: {  	v35 =	vmul.f32 v35, v26;
	v20 =	vadd.f32 $2.353306260e-01, v20;
	v32 =	vmul.f32 v39, v18  }
0x436: {  	v63 =	vadd.f32 $-1.335262780e+00, v37;
	v27 =	vmul.f32 v29, v27;
	v28 =	vmul.f32 v33, v28  }
0x437: {  	v20 =	vmul.f32 v20, v22;
	v29 =	vmul.f32 v29, v17;
	v32 =	vadd.f32 $2.353306260e-01, v32  }
0x438: {  	v27 =	vmul.f32 v27, v21;
	v30 =	vmul.f32 v28, v49  }
0x439: {  	v40 =	vmul.f32 v63, v23;
	v20 =	vadd.f32 $-1.335262780e+00, v20;
	v43 =	vmul.f32 v32, v18  }
0x43a: {  	v27 =	vmax.f32 v29, v27;
	v44 =	vmul.f32 v28, v17;
	v45 =	vmul.f32 v30, v21  }
0x43b: {  	v35 =	vadd.f32 $5.499999970e-02, v35;
	v41 =	vadd.f32 $4.058712010e+00, v40;
	v27 =	vmul.f32 v27, v26  }
0x43c: {  	v20 =	vmul.f32 v20, v22;
	v47 =	vadd.f32 $-1.335262780e+00, v43;
	v17 =	vmax.f32 v44, v45  }
0x43d: {  	v42 =	vmul.f32 $1.442695020e+00, v35;
	v27 =	vadd.f32 $5.499999970e-02, v27;
	v17 =	vmul.f32 v17, v26  }
0x43e: {  	v46 =	vmul.f32 v41, v23;
	v20 =	vadd.f32 $4.058712010e+00, v20;
	v21 =	vmul.f32 v47, v18  }
0x43f: {  	(erf) = vpow2.f32 v42;
	v27 =	vmul.f32 $1.442695020e+00, v27;
	v17 =	vadd.f32 $5.499999970e-02, v17  }
0x440: {  	v48 =	vadd.f32 $-4.934802060e+00, v46;
	v20 =	vmul.f32 v20, v22;
	v21 =	vadd.f32 $4.058712010e+00, v21  }
0x441: {  	s0 =	sshrl.u32 s8, $0x2;
	(erf) = vpow2.f32 v27;
	v17 =	vmul.f32 $1.442695020e+00, v17  }
0x442: {  	s0 =	sadd.s32 s0, s11;
	v20 =	vadd.f32 $-4.934802060e+00, v20;
	v26 =	vmul.f32 v48, v23;
	v21 =	vmul.f32 v21, v18  }
0x443: {  	s12 =	sshrl.u32 s10, $0x2;
	s0 =	sadd.s32 s7, s0;
	(erf) = vpow2.f32 v17  }
0x444: {  	v50 =	vmul.f32 v20, v22;
	v49 =	vld [tilespmem:s0+$0x80];
	s0 =	sadd.s32 s12, s11;
	v26 =	vadd.f32 $1.000000000e+00, v26;
	v51 =	vadd.f32 $-4.934802060e+00, v21  }
0x445: {  	s13 =	sshrl.u32 s17, $0x2;
	s0 =	sadd.s32 s9, s0  }
0x446: {  	s14 =	sadd.s32 s13, s11;
	v53 =	vld [tilespmem:s0+$0x80];
	v52 =	vmul.f32 $2.099999930e-01, v26;
	v20 =	vmul.f32 v51, v18;
	v17 =	vadd.f32 $1.000000000e+00, v50  }
0x447: {  	s0 =	sadd.s32 s16, s14  }
0x448: {  	v54 =	vpop (erf);
	v56 =	vld [tilespmem:s0+$0x80];
	v21 =	vadd.f32 $2.099999930e-01, v52;
	v20 =	vadd.f32 $1.000000000e+00, v20;
	v17 =	vmul.f32 $2.099999930e-01, v17  }
0x449: {  	vm1 =	vgt.f32 v23, $1.000000000e+00;
	v14 =	vsel vm0, v31, v14;
	v55 =	vmul.f32 v54, v49  }
0x44a: {  	v21 =	vsel vm1, $0x0, v21;
	v57 =	vpop (erf);
	v20 =	vmul.f32 $2.099999930e-01, v20;
	v17 =	vadd.f32 $2.099999930e-01, v17  }
0x44b: {  	vm11 =	vgt.f32 v22, $1.000000000e+00;
	v21 =	vadd.f32 v55, v21;
	v58 =	vmul.f32 v57, v53  }
0x44c: {  	vm12 =	vgt.f32 v18, $1.000000000e+00;
	v20 =	vadd.f32 $2.099999930e-01, v20;
	v17 =	vsel vm11, $0x0, v17;
	v59 =	vpop (erf)  }
0x44d: {  	vm2 =	vgt.f32 v21, v14;
	v17 =	vadd.f32 v58, v17;
	v60 =	vmul.f32 v59, v56  }
0x44e: {  	v14 =	vsel vm2, v21, v14;
	v20 =	vsel vm12, $0x0, v20  }
0x44f: {  	vm13 =	vgt.f32 v17, v14;
	v18 =	vadd.f32 v60, v20  }
0x450: {  	v14 =	vsel vm13, v17, v14  }
0x451: {  	vm3 =	vgt.f32 v18, v14  }
0x452: {  	v14 =	vsel vm3, v18, v14  }
0x453: {  	(xrf0) =	vmax.scan.msk.f32 $0xffff, v14;
	_ =	sdelay $0x4  }
0x454: {  	v15 =	vsel vm0, v16, v15  }
0x455: {  	v15 =	vsel vm2, v19, v15;
	v61, _, _ =	vpop (xrf0)  }
0x456: {  	v15 =	vsel vm13, v24, v15;
	v16 =	vbroadcast v61, $0xF  }
0x457: {  	v15 =	vsel vm3, v25, v15  }
0x458: {  	vm14 =	veq.f32 v14, v16;
	v14 =	vxor.u32 $0x80000000, v15  }
0x459: {  	v14 =	vnsel vm14, $0xC0000000, v14  }
0x45a: {  	(xrf0) =	vmin.scan.msk.u32 $0xffff, v14;
	_ =	sdelay $0x5  }
0x45b: {  	v14, _, _ =	vpop (xrf0)  }
0x45c: {  	(v2sf) =	vpush v14, $0xF;
	_ =	sdelay $0xe  }
0x45d: {  	s15 =	spop (v2sf)  }
0x45e: {  	s0 =	sxor.u32 $0x80000000, s15  }
0x45f: {  	p0 =	slt.s32 s0, $0x7C0;
	s7 =	smov.u32 s0  }
0x460: {  	s7 =	simm.s32 @!p0 $0x7C0  }
0x461: {  	s16 =	sshll.u32 s7, $0x3  }
0x462: {  	s17 =	sshll.u32 s6, $0x2;
	s0 =	ssub.s32 s0, s7;
	s8 =	sand.u32 $0xFFFFFC00, s16  }
0x463: {  	v14 =	vmov s17;
	s7 =	sand.u32 $0x7F, s7;
	v15 =	vmov s0;
	s5 =	sadd.s32 s5, s8  }
0x464: {  	v14 =	vbroadcast v14, $0x0;
	vm15 =	veq.s32 v15, v0;
	s18 =	sadd.s32 s7, s5  }
0x465: {  	v15 =	vld [tilespmem:s18+$0x1800];
	_ =	sdelay $0x2  }
0x466: {  	s20 =	sor.u32 $0x1, s17  }
0x467: {  	v62 =	vmov s20  }
0x468: {  	[tilespmem:v14+s31+$0x0] =	vst.idx.msk vm15, v15;
	v14 =	vbroadcast v62, $0x0  }
0x469: {  	v15 =	vld [tilespmem:s18+$0x5800];
	_ =	sdelay $0x2  }
0x46a: {  	s21 =	sor.u32 $0x2, s17  }
0x46b: {  	v63 =	vmov s21  }
0x46c: {  	[tilespmem:v14+s31+$0x0] =	vst.idx.msk vm15, v15;
	v14 =	vbroadcast v63, $0x0  }
0x46d: {  	v15 =	vld [tilespmem:s18+$0x9800];
	_ =	sdelay $0x4  }
0x46e: {  	s22 =	sshllo.u32 s6, $0x2;
	[tilespmem:v14+s31+$0x0] =	vst.idx.msk vm15, v15  }
0x46f: {  	v15 =	vmov s22;
	v14 =	vld [tilespmem:s18+$0xD800];
	_ =	sdelay $0x2  }
0x470: {  	s23 =	sshra.s32 s8, $0x2  }
0x471: {  	s0 =	sadd.s32 s23, s11  }
0x472: {  	s4 =	sadd.s32 $0x1, s4;
	s0 =	sadd.s32 s7, s0;
	[tilespmem:v15+s31+$0x0] =	vst.idx.msk vm15, v14  }
0x473: {  	p0 =	sne.s32 s4, $0x8;
	v14 =	vld [tilespmem:s0+$0x80]  }
.Ltmp9:
0x474: {  	_ = 	snop;
	(pc) =	sbr.rel @p0 .LBB2_18-.Ltmp9, $2  }
0x475: {  	_ =	sdelay $0x2  }
0x476: {  	[tilespmem:v13+s1+$0x0] =	vst.idx.msk vm15, v14  }
0x477: {  	s0 =	rddreg [dreg:$0x11]  }
0x478: {  	s3 =	simm.s32 $0x4000;
	s4 =	simm.s32 $0x9C4000;
	s5 =	simm.s32 $0x1800  }
0x479: {  	[tilespmem:s5], [sflag:$0x1] =	stream.strided.gather [hbm4b:s0+s3], $0x10000, s4, s3, $0x38;
	[tilespmem:$0x19C80] =	vst v63  }
0x47a: {  	_ =	swait.ge [sflag:s19], $0x10000  }
0x47b: {  	s23 =	simm.s32 $0x11800;
	[sflag:s19] =	ssyncset.done $0x0  }
0x47c: {  	s3 =	simm.s32 $0x0;
	s22 =	rddreg [dreg:$0x12];
	[sflag:s19] =	ssyncadd.s32 $0xFFFF0000  }
0x47d: {  	[tilespmem:s23], [sflag:$0x1] =	stream.linear.gather [hbm4b:s22+s3], $0x8000, $0x38;
	[tilespmem:$0x19C80] =	vst v63  }
0x47e: {  	_ =	swait.ge [sflag:s19], $0x8000  }
0x47f: {  	[sflag:s19] =	ssyncset.done $0x0  }
0x480: {  	s4 =	simm.s32 $0x0;
	[sflag:s19] =	ssyncadd.s32 $0xFFFF8000  }
.LBB2_22:
0x481: {  	s5 =	sshll.u32 s4, $0x7  }
0x482: {  	s21 =	sand.u32 $0x3C00, s3;
	s12 =	sadd.s32 $0x1800, s5  }
0x483: {  	s20 =	sand.u32 $0x70, s3;
	s13 =	sadd.s32 $0x9800, s5;
	s0 =	sadd.s32 s21, s12  }
0x484: {  	s14 =	sadd.s32 $0x5800, s5;
	s6 =	sadd.s32 s21, s13;
	s0 =	sadd.s32 s20, s0  }
0x485: {  	s15 =	sadd.s32 $0xD800, s5;
	s8 =	sadd.s32 s21, s14;
	s7 =	sadd.s32 s20, s6;
	v14 =	vld [tilespmem:s0+$0x0]  }
0x486: {  	s10 =	sadd.s32 s21, s15;
	s9 =	sadd.s32 s20, s8;
	v15 =	vld [tilespmem:s7+$0x0]  }
0x487: {  	s11 =	sadd.s32 s20, s10;
	v16 =	vld [tilespmem:s9+$0x0]  }
0x488: {  	v17 =	vld [tilespmem:s11+$0x0];
	_ =	sdelay $0x4  }
0x489: {  	v13 =	vsub.f32 v14, v15;
	v18 =	vsub.f32 v16, v17;
	_ =	sdelay $0x1  }
0x48a: {  	v13 =	vand.u32 $0x7FFFFFFF, v13;
	v18 =	vand.u32 $0x7FFFFFFF, v18  }
0x48b: {  	v19 =	vadd.f32 $9.999999740e-05, v13;
	v18 =	vadd.f32 $9.999999740e-05, v18  }
0x48c: {  	s6 =	sor.u32 $0x28, s4  }
0x48d: {  	v13 =	vmov s6;
	v20 =	vadd.f32 v18, v19;
	_ =	sdelay $0x1  }
0x48e: {  	v20 =	vmul.f32 $5.000000000e-01, v20;
	_ =	sdelay $0x1  }
0x48f: {  	s16 =	simm.s32 $0x80;
	v19 =	vadd.f32 v20, v19;
	v18 =	vadd.f32 v20, v18  }
0x490: {  	s8 =	sand.u32 $0x3C00, s16;
	s11 =	simm.s32 $0x10;
	v22 =	vld.idx.msk [tilespmem:v13+s24+$0x0], $0xffff  }
0x491: {  	s0 =	sadd.s32 s8, s12;
	s7 =	sand.u32 $0x70, s11;
	v20 =	vld.idx.msk [tilespmem:v13+s25+$0x0], $0xffff;
	v19 =	vmul.f32 v18, v19  }
0x492: {  	s9 =	sadd.s32 s8, s13;
	s0 =	sadd.s32 s7, s0;
	v14 =	vadd.f32 v15, v14;
	v15 =	vadd.f32 v17, v16  }
0x493: {  	s18 =	sadd.s32 s8, s14;
	s17 =	sadd.s32 s7, s9;
	v23 =	vld [tilespmem:s0+$0x0];
	v16 =	vmul.f32 $5.000000000e-01, v19;
	v17 =	vshra.s32 v19, $0x1  }
0x494: {  	s23 =	sadd.s32 s8, s15;
	s22 =	sadd.s32 s7, s18;
	v24 =	vld [tilespmem:s17+$0x0];
	v14 =	vmul.f32 $5.000000000e-01, v14;
	v15 =	vmul.f32 $5.000000000e-01, v15;
	v17 =	vsub.s32 $0x5F3759DF, v17  }
0x495: {  	s9 =	sadd.s32 s7, s23;
	v25 =	vld [tilespmem:s22+$0x0];
	v21 =	vmul.f32 v17, v16  }
0x496: {  	v26 =	vld [tilespmem:s9+$0x0];
	v14 =	vsub.f32 v22, v14;
	v15 =	vsub.f32 v20, v15  }
0x497: {  	v18 =	vld.idx.msk [tilespmem:v13+s30+$0x0], $0xffff;
	v21 =	vmul.f32 v17, v21  }
0x498: {  	v14 =	vmul.f32 v14, v14;
	v15 =	vmul.f32 v15, v15  }
0x499: {  	v21 =	vsub.f32 $1.500000000e+00, v21  }
0x49a: {  	v14 =	vadd.f32 v15, v14  }
0x49b: {  	v15 =	vmul.f32 v17, v21  }
0x49c: {  	v29 =	vmul.f32 v14, v18;
	v14 =	vsub.f32 v25, v26;
	v17 =	vsub.f32 v23, v24  }
0x49d: {  	v21 =	vmul.f32 v15, v16  }
0x49e: {  	v27 =	vmul.f32 $4.268378690e-06, v29;
	v14 =	vand.u32 $0x7FFFFFFF, v14;
	v17 =	vand.u32 $0x7FFFFFFF, v17  }
0x49f: {  	v14 =	vadd.f32 $9.999999740e-05, v14;
	v28 =	vadd.f32 $9.999999740e-05, v17;
	v17 =	vmul.f32 v21, v15  }
0x4a0: {  	v21 =	vadd.f32 $-1.045981480e-04, v27  }
0x4a1: {  	v27 =	vadd.f32 v14, v28;
	v17 =	vsub.f32 $1.500000000e+00, v17  }
0x4a2: {  	s10 =	simm.s32 $0x100;
	v21 =	vmul.f32 v21, v29  }
0x4a3: {  	s10 =	sand.u32 $0x3C00, s10;
	s22 =	simm.s32 $0x20;
	v27 =	vmul.f32 $5.000000000e-01, v27;
	v15 =	vmul.f32 v17, v15  }
0x4a4: {  	s0 =	sadd.s32 s10, s12;
	s9 =	sand.u32 $0x70, s22;
	v21 =	vadd.f32 $1.929546470e-03, v21  }
0x4a5: {  	s17 =	sadd.s32 s10, s14;
	s0 =	sadd.s32 s9, s0;
	v28 =	vadd.f32 v27, v28;
	v14 =	vadd.f32 v27, v14;
	v16 =	vmul.f32 v15, v16  }
0x4a6: {  	s23 =	sadd.s32 s10, s15;
	s18 =	sadd.s32 s9, s17;
	v31 =	vld [tilespmem:s0+$0x0];
	v25 =	vadd.f32 v26, v25;
	v23 =	vadd.f32 v24, v23;
	v27 =	vmul.f32 v21, v29  }
0x4a7: {  	s17 =	sadd.s32 s9, s23;
	v34 =	vld [tilespmem:s18+$0x0];
	v33 =	vmul.f32 v14, v28;
	v16 =	vmul.f32 v16, v15  }
0x4a8: {  	v35 =	vld [tilespmem:s17+$0x0];
	v25 =	vmul.f32 $5.000000000e-01, v25;
	v23 =	vmul.f32 $5.000000000e-01, v23;
	v24 =	vadd.f32 $-2.580687960e-02, v27  }
0x4a9: {  	s16 =	sadd.s32 s10, s13;
	v17 =	vld.idx.msk [tilespmem:v13+s26+$0x0], $0xffff;
	v32 =	vmul.f32 $5.000000000e-01, v33;
	v26 =	vshra.s32 v33, $0x1;
	v16 =	vsub.f32 $1.500000000e+00, v16  }
0x4aa: {  	s16 =	sadd.s32 s9, s16;
	v25 =	vsub.f32 v20, v25;
	v21 =	vld.idx.msk [tilespmem:v13+s28+$0x0], $0xffff;
	v24 =	vmul.f32 v24, v29;
	v28 =	vsub.s32 $0x5F3759DF, v26  }
0x4ab: {  	v27 =	vld [tilespmem:s16+$0x0];
	v30 =	vmul.f32 v28, v32;
	v16 =	vmul.f32 v16, v15  }
0x4ac: {  	v23 =	vsub.f32 v22, v23;
	v25 =	vmul.f32 v25, v25;
	v24 =	vadd.f32 $2.353306260e-01, v24  }
0x4ad: {  	v26 =	vld.idx.msk [tilespmem:v13+s29+$0x0], $0xffff;
	v30 =	vmul.f32 v28, v30;
	v19 =	vmul.f32 v16, v19  }
0x4ae: {  	v37 =	vsub.f32 v34, v35;
	v23 =	vmul.f32 v23, v23;
	v24 =	vmul.f32 v24, v29  }
0x4af: {  	v16 =	vmul.f32 v16, v17;
	v30 =	vsub.f32 $1.500000000e+00, v30;
	v19 =	vmul.f32 v19, v21  }
0x4b0: {  	v23 =	vadd.f32 v25, v23;
	v25 =	vand.u32 $0x7FFFFFFF, v37;
	v36 =	vsub.f32 v31, v27  }
0x4b1: {  	v52 =	vmul.f32 v28, v30;
	v16 =	vmax.f32 v16, v19;
	v19 =	vadd.f32 $-1.335262780e+00, v24  }
0x4b2: {  	v38 =	vadd.f32 $9.999999740e-05, v25;
	v23 =	vmul.f32 v23, v18;
	v16 =	vmul.f32 v16, v26  }
0x4b3: {  	v24 =	vand.u32 $0x7FFFFFFF, v36;
	v25 =	vmul.f32 v52, v32;
	v19 =	vmul.f32 v19, v29  }
0x4b4: {  	v28 =	vmul.f32 $4.268378690e-06, v23;
	v53 =	vadd.f32 $9.999999740e-05, v24;
	v24 =	vadd.f32 $5.499999970e-02, v16  }
0x4b5: {  	s18 =	simm.s32 $0x180;
	v35 =	vadd.f32 v35, v34;
	v25 =	vmul.f32 v25, v52;
	v19 =	vadd.f32 $4.058712010e+00, v19  }
0x4b6: {  	s17 =	sand.u32 $0x3C00, s18;
	s18 =	simm.s32 $0x30;
	v27 =	vadd.f32 v27, v31;
	v41 =	vadd.f32 $-1.045981480e-04, v28;
	v24 =	vmul.f32 $1.442695020e+00, v24  }
0x4b7: {  	s0 =	sadd.s32 s17, s12;
	s16 =	sand.u32 $0x70, s18;
	v39 =	vadd.f32 v38, v53;
	v25 =	vsub.f32 $1.500000000e+00, v25;
	v40 =	vmul.f32 v19, v29  }
0x4b8: {  	s23 =	sshll.u32 s4, $0xC;
	s0 =	sadd.s32 s16, s0;
	v31 =	vmul.f32 v41, v23;
	v19 =	vor.u32 s11, v0;
	s11 =	sadd.s32 s17, s13;
	(erf) = vpow2.f32 v24  }
0x4b9: {  	v30 =	vld [tilespmem:s0+$0x0];
	s0 =	sand.u32 $0x3FFFF000, s23;
	s23 =	sadd.s32 s16, s11;
	v54 =	vmul.f32 v25, v52;
	v40 =	vadd.f32 $-4.934802060e+00, v40  }
0x4ba: {  	v58 =	vmul.f32 $5.000000000e-01, v35;
	v39 =	vmul.f32 $5.000000000e-01, v39;
	v31 =	vadd.f32 $1.929546470e-03, v31;
	s11 =	sadd.s32 $0x11800, s0;
	v28 =	vld [tilespmem:s23+$0x0];
	s23 =	sshrl.u32 s21, $0x2  }
0x4bb: {  	vm0 =	vgt.f32 v29, $1.000000000e+00;
	s0 =	sadd.s32 s23, s11;
	v32 =	vmul.f32 v54, v32;
	v55 =	vmul.f32 v40, v29  }
0x4bc: {  	v14 =	vimm.f32 $-Inf;
	v37 =	vadd.f32 v39, v53;
	v31 =	vmul.f32 v31, v23;
	s0 =	sadd.s32 s20, s0  }
0x4bd: {  	v38 =	vadd.f32 v39, v38;
	v57 =	vld [tilespmem:s0+$0x80];
	v32 =	vmul.f32 v32, v54;
	v36 =	vadd.f32 $1.000000000e+00, v55  }
0x4be: {  	v15 =	vimm.s32 $0x0;
	v56 =	vmul.f32 $5.000000000e-01, v27;
	v31 =	vadd.f32 $-2.580687960e-02, v31  }
0x4bf: {  	v27 =	vmul.f32 v38, v37;
	v32 =	vsub.f32 $1.500000000e+00, v32;
	v36 =	vmul.f32 $2.099999930e-01, v36  }
0x4c0: {  	v16 =	vor.u32 s3, v0;
	v24 =	vor.u32 s22, v0;
	s21 =	sadd.s32 s17, s14;
	v31 =	vmul.f32 v31, v23  }
0x4c1: {  	s22 =	sadd.s32 s17, s15;
	v29 =	vmul.f32 $5.000000000e-01, v27;
	s0 =	sadd.s32 s16, s21;
	v35 =	vmul.f32 v32, v54;
	v59 =	vadd.f32 $2.099999930e-01, v36;
	v60 =	vpop (erf)  }
0x4c2: {  	s23 =	sadd.s32 s16, s22;
	v61 =	vshra.s32 v27, $0x1;
	v42 =	vadd.f32 $2.353306260e-01, v31;
	v32 =	vld [tilespmem:s0+$0x0];
	v40 =	vmul.f32 v60, v57  }
0x4c3: {  	v36 =	vsub.s32 $0x5F3759DF, v61;
	v38 =	vmul.f32 v35, v33;
	v33 =	vld [tilespmem:s23+$0x0];
	v62 =	vsel vm0, $0x0, v59  }
0x4c4: {  	v25 =	vor.u32 s18, v0;
	v63 =	vmul.f32 v36, v29;
	v31 =	vadd.f32 v40, v62  }
0x4c5: {  	v39 =	vsub.f32 v22, v56;
	v34 =	vsub.f32 v30, v28;
	v37 =	vmul.f32 v42, v23  }
0x4c6: {  	s20 =	simm.s32 $0x200;
	v40 =	vsub.f32 v20, v58;
	v41 =	vmul.f32 v36, v63;
	vm0 =	vgt.f32 v31, v14  }
.LBB2_23:
0x4c7: {  	p0 =	sne.s32 s20, $0x3E00;
	v35 =	vmul.f32 v35, v17;
	v38 =	vmul.f32 v38, v21;
	v14 =	vsel vm0, v31, v14  }
0x4c8: {  	v39 =	vmul.f32 v39, v39;
	v40 =	vmul.f32 v40, v40;
	v31 =	vsub.f32 v32, v33  }
0x4c9: {  	v41 =	vsub.f32 $1.500000000e+00, v41;
	v37 =	vadd.f32 $-1.335262780e+00, v37;
	v35 =	vmax.f32 v35, v38  }
0x4ca: {  	v34 =	vand.u32 $0x7FFFFFFF, v34;
	v38 =	vadd.f32 v40, v39;
	v35 =	vmul.f32 v35, v26  }
0x4cb: {  	v31 =	vand.u32 $0x7FFFFFFF, v31;
	v36 =	vmul.f32 v36, v41;
	v37 =	vmul.f32 v37, v23  }
0x4cc: {  	v34 =	vadd.f32 $9.999999740e-05, v34;
	v38 =	vmul.f32 v38, v18;
	v35 =	vadd.f32 $5.499999970e-02, v35  }
0x4cd: {  	v31 =	vadd.f32 $9.999999740e-05, v31;
	v39 =	vmul.f32 v36, v29;
	v37 =	vadd.f32 $4.058712010e+00, v37  }
0x4ce: {  	s0 =	sand.u32 $0x3C00, s20;
	s18 =	sadd.s32 $0x10, s18;
	v15 =	vsel vm0, v16, v15;
	v16 =	vmovc v19;
	v19 =	vmovc v24;
	v40 =	vmul.f32 $4.268378690e-06, v38;
	v35 =	vmul.f32 $1.442695020e+00, v35  }
0x4cf: {  	v24 =	vmovc v25;
	s21 =	sand.u32 $0x70, s18;
	s22 =	sadd.s32 s0, s12;
	v41 =	vadd.f32 v31, v34;
	v39 =	vmul.f32 v39, v36;
	v37 =	vmul.f32 v37, v23  }
0x4d0: {  	s23 =	sadd.s32 s0, s13;
	v25 =	vor.u32 s18, v0;
	s22 =	sadd.s32 s21, s22;
	v40 =	vadd.f32 $-1.045981480e-04, v40;
	(erf) = vpow2.f32 v35  }
0x4d1: {  	v41 =	vmul.f32 $5.000000000e-01, v41;
	v39 =	vsub.f32 $1.500000000e+00, v39;
	v37 =	vadd.f32 $-4.934802060e+00, v37;
	v35 =	vld [tilespmem:s22+$0x0];
	s22 =	sadd.s32 s21, s23  }
0x4d2: {  	v30 =	vadd.f32 v28, v30;
	v40 =	vmul.f32 v40, v38;
	v28 =	vld [tilespmem:s22+$0x0];
	s22 =	sshrl.u32 s8, $0x2;
	s8 =	smov.u32 s10;
	s10 =	smov.u32 s17  }
0x4d3: {  	v34 =	vadd.f32 v41, v34;
	v39 =	vmul.f32 v39, v36;
	v36 =	vmul.f32 v37, v23;
	s17 =	smov.u32 s0;
	s22 =	sadd.s32 s22, s11  }
0x4d4: {  	v31 =	vadd.f32 v41, v31;
	v37 =	vadd.f32 $1.929546470e-03, v40;
	s0 =	sadd.s32 s7, s22;
	s7 =	smov.u32 s9;
	s9 =	smov.u32 s16  }
0x4d5: {  	v40 =	vmul.f32 $5.000000000e-01, v30;
	v29 =	vmul.f32 v39, v29;
	v36 =	vadd.f32 $1.000000000e+00, v36;
	s16 =	smov.u32 s21;
	v41 =	vld [tilespmem:s0+$0x80]  }
0x4d6: {  	v32 =	vadd.f32 v33, v32;
	v42 =	vmul.f32 v31, v34;
	v31 =	vmul.f32 v37, v38;
	v30 =	vmovc v35  }
0x4d7: {  	v44 =	vmul.f32 v29, v39;
	v35 =	vmul.f32 $2.099999930e-01, v36;
	v34 =	vsub.f32 v30, v28  }
0x4d8: {  	vm0 =	vgt.f32 v23, $1.000000000e+00;
	v23 =	vmovc v38;
	s0 =	sadd.s32 s17, s14;
	v37 =	vmul.f32 $5.000000000e-01, v32;
	v31 =	vadd.f32 $-2.580687960e-02, v31  }
0x4d9: {  	s21 =	sadd.s32 s17, s15;
	s0 =	sadd.s32 s16, s0;
	v29 =	vmul.f32 $5.000000000e-01, v42;
	v38 =	vsub.f32 $1.500000000e+00, v44;
	v43 =	vadd.f32 $2.099999930e-01, v35;
	v33 =	vpop (erf)  }
.Ltmp10:
0x4da: {  	v35 =	vshra.s32 v42, $0x1;
	v31 =	vmul.f32 v31, v23;
	v32 =	vld [tilespmem:s0+$0x0];
	s0 =	sadd.s32 s16, s21;
	v41 =	vmul.f32 v33, v41;
	(pc) =	sbr.rel @p0 .LBB2_23-.Ltmp10, $4  }
0x4db: {  	v36 =	vsub.s32 $0x5F3759DF, v35;
	v35 =	vmul.f32 v38, v39;
	v38 =	vsel vm0, $0x0, v43;
	v33 =	vld [tilespmem:s0+$0x0]  }
0x4dc: {  	v43 =	vmul.f32 v36, v29;
	v44 =	vadd.f32 $2.353306260e-01, v31;
	v31 =	vadd.f32 v41, v38  }
0x4dd: {  	v39 =	vsub.f32 v22, v40;
	v40 =	vsub.f32 v20, v37;
	v38 =	vmul.f32 v35, v27;
	v27 =	vmovc v42  }
0x4de: {  	s20 =	sadd.s32 $0x80, s20;
	v41 =	vmul.f32 v36, v43;
	v37 =	vmul.f32 v44, v23;
	vm0 =	vgt.f32 v31, v14  }
0x4df: {  	_ = 	snop  }
0x4e0: {  	v42 =	vsub.f32 v32, v33;
	_ =	sdelay $0x1  }
0x4e1: {  	v34 =	vand.u32 $0x7FFFFFFF, v34;
	v42 =	vand.u32 $0x7FFFFFFF, v42  }
0x4e2: {  	v34 =	vadd.f32 $9.999999740e-05, v34;
	v42 =	vadd.f32 $9.999999740e-05, v42;
	_ =	sdelay $0x1  }
0x4e3: {  	v43 =	vadd.f32 v42, v34;
	_ =	sdelay $0x1  }
0x4e4: {  	v43 =	vmul.f32 $5.000000000e-01, v43;
	_ =	sdelay $0x1  }
0x4e5: {  	v34 =	vadd.f32 v43, v34;
	v42 =	vadd.f32 v43, v42;
	_ =	sdelay $0x1  }
0x4e6: {  	v49 =	vmul.f32 v42, v34  }
0x4e7: {  	v28 =	vadd.f32 v28, v30;
	v50 =	vadd.f32 v33, v32  }
0x4e8: {  	v51 =	vmul.f32 $5.000000000e-01, v49;
	v34 =	vshra.s32 v49, $0x1  }
0x4e9: {  	v28 =	vmul.f32 $5.000000000e-01, v28;
	v32 =	vmul.f32 $5.000000000e-01, v50;
	v34 =	vsub.s32 $0x5F3759DF, v34  }
0x4ea: {  	v39 =	vmul.f32 v39, v39;
	v52 =	vmul.f32 v34, v51  }
0x4eb: {  	v40 =	vmul.f32 v40, v40;
	v22 =	vsub.f32 v22, v28;
	v20 =	vsub.f32 v20, v32  }
0x4ec: {  	v41 =	vsub.f32 $1.500000000e+00, v41;
	v28 =	vmul.f32 v34, v52  }
0x4ed: {  	v54 =	vadd.f32 v40, v39;
	v22 =	vmul.f32 v22, v22;
	v20 =	vmul.f32 v20, v20  }
0x4ee: {  	v53 =	vmul.f32 v36, v41;
	v28 =	vsub.f32 $1.500000000e+00, v28  }
0x4ef: {  	v20 =	vadd.f32 v20, v22;
	v22 =	vmul.f32 v54, v18  }
0x4f0: {  	v55 =	vmul.f32 v53, v29;
	v28 =	vmul.f32 v34, v28  }
0x4f1: {  	v18 =	vmul.f32 v20, v18;
	v57 =	vmul.f32 $4.268378690e-06, v22  }
0x4f2: {  	v56 =	vmul.f32 v55, v53;
	v58 =	vmul.f32 v28, v51  }
0x4f3: {  	v59 =	vmul.f32 $4.268378690e-06, v18;
	v20 =	vadd.f32 $-1.045981480e-04, v57  }
0x4f4: {  	v34 =	vsub.f32 $1.500000000e+00, v56;
	v36 =	vmul.f32 v58, v28  }
0x4f5: {  	v60 =	vadd.f32 $-1.045981480e-04, v59;
	v20 =	vmul.f32 v20, v22  }
0x4f6: {  	v32 =	vmul.f32 v34, v53;
	v36 =	vsub.f32 $1.500000000e+00, v36  }
0x4f7: {  	v20 =	vadd.f32 $1.929546470e-03, v20;
	v34 =	vmul.f32 v60, v18  }
0x4f8: {  	v61 =	vmul.f32 v32, v29;
	v28 =	vmul.f32 v36, v28  }
0x4f9: {  	v20 =	vmul.f32 v20, v22;
	v34 =	vadd.f32 $1.929546470e-03, v34  }
0x4fa: {  	v29 =	vmul.f32 v61, v32;
	v33 =	vmul.f32 v28, v51  }
0x4fb: {  	v35 =	vmul.f32 v35, v17;
	v20 =	vadd.f32 $-2.580687960e-02, v20;
	v34 =	vmul.f32 v34, v18  }
0x4fc: {  	v62 =	vmul.f32 v38, v21;
	v29 =	vsub.f32 $1.500000000e+00, v29;
	v33 =	vmul.f32 v33, v28  }
0x4fd: {  	v20 =	vmul.f32 v20, v22;
	v39 =	vadd.f32 $-2.580687960e-02, v34  }
0x4fe: {  	v35 =	vmax.f32 v35, v62;
	v29 =	vmul.f32 v29, v32;
	v33 =	vsub.f32 $1.500000000e+00, v33  }
0x4ff: {  	v35 =	vmul.f32 v35, v26;
	v20 =	vadd.f32 $2.353306260e-01, v20;
	v32 =	vmul.f32 v39, v18  }
0x500: {  	v63 =	vadd.f32 $-1.335262780e+00, v37;
	v27 =	vmul.f32 v29, v27;
	v28 =	vmul.f32 v33, v28  }
0x501: {  	v20 =	vmul.f32 v20, v22;
	v29 =	vmul.f32 v29, v17;
	v32 =	vadd.f32 $2.353306260e-01, v32  }
0x502: {  	v27 =	vmul.f32 v27, v21;
	v30 =	vmul.f32 v28, v49  }
0x503: {  	v40 =	vmul.f32 v63, v23;
	v20 =	vadd.f32 $-1.335262780e+00, v20;
	v43 =	vmul.f32 v32, v18  }
0x504: {  	v27 =	vmax.f32 v29, v27;
	v44 =	vmul.f32 v28, v17;
	v45 =	vmul.f32 v30, v21  }
0x505: {  	v35 =	vadd.f32 $5.499999970e-02, v35;
	v41 =	vadd.f32 $4.058712010e+00, v40;
	v27 =	vmul.f32 v27, v26  }
0x506: {  	v20 =	vmul.f32 v20, v22;
	v47 =	vadd.f32 $-1.335262780e+00, v43;
	v17 =	vmax.f32 v44, v45  }
0x507: {  	v42 =	vmul.f32 $1.442695020e+00, v35;
	v27 =	vadd.f32 $5.499999970e-02, v27;
	v17 =	vmul.f32 v17, v26  }
0x508: {  	v46 =	vmul.f32 v41, v23;
	v20 =	vadd.f32 $4.058712010e+00, v20;
	v21 =	vmul.f32 v47, v18  }
0x509: {  	(erf) = vpow2.f32 v42;
	v27 =	vmul.f32 $1.442695020e+00, v27;
	v17 =	vadd.f32 $5.499999970e-02, v17  }
0x50a: {  	v48 =	vadd.f32 $-4.934802060e+00, v46;
	v20 =	vmul.f32 v20, v22;
	v21 =	vadd.f32 $4.058712010e+00, v21  }
0x50b: {  	s0 =	sshrl.u32 s8, $0x2;
	(erf) = vpow2.f32 v27;
	v17 =	vmul.f32 $1.442695020e+00, v17  }
0x50c: {  	s0 =	sadd.s32 s0, s11;
	v20 =	vadd.f32 $-4.934802060e+00, v20;
	v26 =	vmul.f32 v48, v23;
	v21 =	vmul.f32 v21, v18  }
0x50d: {  	s12 =	sshrl.u32 s10, $0x2;
	s0 =	sadd.s32 s7, s0;
	(erf) = vpow2.f32 v17  }
0x50e: {  	v50 =	vmul.f32 v20, v22;
	v49 =	vld [tilespmem:s0+$0x80];
	s0 =	sadd.s32 s12, s11;
	v26 =	vadd.f32 $1.000000000e+00, v26;
	v51 =	vadd.f32 $-4.934802060e+00, v21  }
0x50f: {  	s13 =	sshrl.u32 s17, $0x2;
	s0 =	sadd.s32 s9, s0  }
0x510: {  	s14 =	sadd.s32 s13, s11;
	v53 =	vld [tilespmem:s0+$0x80];
	v52 =	vmul.f32 $2.099999930e-01, v26;
	v20 =	vmul.f32 v51, v18;
	v17 =	vadd.f32 $1.000000000e+00, v50  }
0x511: {  	s0 =	sadd.s32 s16, s14  }
0x512: {  	v54 =	vpop (erf);
	v56 =	vld [tilespmem:s0+$0x80];
	v21 =	vadd.f32 $2.099999930e-01, v52;
	v20 =	vadd.f32 $1.000000000e+00, v20;
	v17 =	vmul.f32 $2.099999930e-01, v17  }
0x513: {  	vm1 =	vgt.f32 v23, $1.000000000e+00;
	v14 =	vsel vm0, v31, v14;
	v55 =	vmul.f32 v54, v49  }
0x514: {  	v21 =	vsel vm1, $0x0, v21;
	v57 =	vpop (erf);
	v20 =	vmul.f32 $2.099999930e-01, v20;
	v17 =	vadd.f32 $2.099999930e-01, v17  }
0x515: {  	vm11 =	vgt.f32 v22, $1.000000000e+00;
	v21 =	vadd.f32 v55, v21;
	v58 =	vmul.f32 v57, v53  }
0x516: {  	vm12 =	vgt.f32 v18, $1.000000000e+00;
	v20 =	vadd.f32 $2.099999930e-01, v20;
	v17 =	vsel vm11, $0x0, v17;
	v59 =	vpop (erf)  }
0x517: {  	vm2 =	vgt.f32 v21, v14;
	v17 =	vadd.f32 v58, v17;
	v60 =	vmul.f32 v59, v56  }
0x518: {  	v14 =	vsel vm2, v21, v14;
	v20 =	vsel vm12, $0x0, v20  }
0x519: {  	vm13 =	vgt.f32 v17, v14;
	v18 =	vadd.f32 v60, v20  }
0x51a: {  	v14 =	vsel vm13, v17, v14  }
0x51b: {  	vm3 =	vgt.f32 v18, v14  }
0x51c: {  	v14 =	vsel vm3, v18, v14  }
0x51d: {  	(xrf0) =	vmax.scan.msk.f32 $0xffff, v14;
	_ =	sdelay $0x4  }
0x51e: {  	v15 =	vsel vm0, v16, v15  }
0x51f: {  	v15 =	vsel vm2, v19, v15;
	v61, _, _ =	vpop (xrf0)  }
0x520: {  	v15 =	vsel vm13, v24, v15;
	v16 =	vbroadcast v61, $0xF  }
0x521: {  	v15 =	vsel vm3, v25, v15  }
0x522: {  	vm14 =	veq.f32 v14, v16;
	v14 =	vxor.u32 $0x80000000, v15  }
0x523: {  	v14 =	vnsel vm14, $0xC0000000, v14  }
0x524: {  	(xrf0) =	vmin.scan.msk.u32 $0xffff, v14;
	_ =	sdelay $0x5  }
0x525: {  	v14, _, _ =	vpop (xrf0)  }
0x526: {  	(v2sf) =	vpush v14, $0xF;
	_ =	sdelay $0xe  }
0x527: {  	s15 =	spop (v2sf)  }
0x528: {  	s0 =	sxor.u32 $0x80000000, s15  }
0x529: {  	p0 =	slt.s32 s0, $0x7C0;
	s7 =	smov.u32 s0  }
0x52a: {  	s7 =	simm.s32 @!p0 $0x7C0  }
0x52b: {  	s16 =	sshll.u32 s7, $0x3  }
0x52c: {  	s17 =	sshll.u32 s6, $0x2;
	s0 =	ssub.s32 s0, s7;
	s8 =	sand.u32 $0xFFFFFC00, s16  }
0x52d: {  	v14 =	vmov s17;
	s7 =	sand.u32 $0x7F, s7;
	v15 =	vmov s0;
	s5 =	sadd.s32 s5, s8  }
0x52e: {  	v14 =	vbroadcast v14, $0x0;
	vm15 =	veq.s32 v15, v0;
	s18 =	sadd.s32 s7, s5  }
0x52f: {  	v15 =	vld [tilespmem:s18+$0x1800];
	_ =	sdelay $0x2  }
0x530: {  	s20 =	sor.u32 $0x1, s17  }
0x531: {  	v62 =	vmov s20  }
0x532: {  	[tilespmem:v14+s31+$0x0] =	vst.idx.msk vm15, v15;
	v14 =	vbroadcast v62, $0x0  }
0x533: {  	v15 =	vld [tilespmem:s18+$0x5800];
	_ =	sdelay $0x2  }
0x534: {  	s21 =	sor.u32 $0x2, s17  }
0x535: {  	v63 =	vmov s21  }
0x536: {  	[tilespmem:v14+s31+$0x0] =	vst.idx.msk vm15, v15;
	v14 =	vbroadcast v63, $0x0  }
0x537: {  	v15 =	vld [tilespmem:s18+$0x9800];
	_ =	sdelay $0x4  }
0x538: {  	s22 =	sshllo.u32 s6, $0x2;
	[tilespmem:v14+s31+$0x0] =	vst.idx.msk vm15, v15  }
0x539: {  	v15 =	vmov s22;
	v14 =	vld [tilespmem:s18+$0xD800];
	_ =	sdelay $0x2  }
0x53a: {  	s23 =	sshra.s32 s8, $0x2  }
0x53b: {  	s0 =	sadd.s32 s23, s11  }
0x53c: {  	s4 =	sadd.s32 $0x1, s4;
	s0 =	sadd.s32 s7, s0;
	[tilespmem:v15+s31+$0x0] =	vst.idx.msk vm15, v14  }
0x53d: {  	p0 =	sne.s32 s4, $0x8;
	v14 =	vld [tilespmem:s0+$0x80]  }
.Ltmp11:
0x53e: {  	_ = 	snop;
	(pc) =	sbr.rel @p0 .LBB2_22-.Ltmp11, $2  }
0x53f: {  	_ =	sdelay $0x2  }
0x540: {  	[tilespmem:v13+s1+$0x0] =	vst.idx.msk vm15, v14  }
0x541: {  	s0 =	rddreg [dreg:$0x13]  }
0x542: {  	[hbm4b:s0+s2] =	stream.linear.scatter [tilespmem:s31], [sflag:$0x1], $0xC0, $0x38;
	[tilespmem:$0x19C80] =	vst v63  }
0x543: {  	_ =	swait.ge [sflag:s19], $0xC0  }
0x544: {  	[sflag:s19] =	ssyncset.done $0x0  }
0x545: {  	s22 =	rddreg [dreg:$0x14];
	[sflag:s19] =	ssyncadd.s32 $0xFFFFFF40  }
0x546: {  	[hbm4b:s22+s2] =	stream.linear.scatter [tilespmem:s1], [sflag:$0x1], $0x30, $0x38;
	[tilespmem:$0x19C80] =	vst v63  }
0x547: {  	_ =	swait.ge [sflag:s19], $0x30  }
0x548: {  	s3 =	rddreg [dreg:$0x16]  }
0x549: {  	s23 =	rddreg [dreg:$0x15];
	s3 =	sadd.s32 $0x1, s3  }
0x54a: {  	p0 =	sne.s32 s3, s23  }
.Ltmp12:
0x54b: {  	_ = 	snop;
	(pc) =	sbr.rel @p0 .LBB2_1-.Ltmp12, $3  }
0x54c: {  	_ =	sdelay $0x1  }
0x54d: {  	[sflag:s19] =	ssyncset.done $0x0  }
0x54e: {  	[sflag:s19] =	ssyncadd.s32 $0xFFFFFFD0  }
0x54f: {  	_ =	sfence.sel $0x180000  }
0x550: {  	[bflag:$0x0] =	sbarrier.arrive $0xFFFF  }
0x551: {  	_ =	strace $0x90000047  }
0x552: {  	s0 =	stileid.u32;
	[bflag:$0x2] =	sbarrier.arrive $0xFFFF  }
0x553: {  	p0 =	sne.s32 s0, $0x0;
	s0 =	rddreg [dreg:$0x5]  }
0x554: {  	s0 =	sadd.s32 @!p0 $0x100000, s0  }
0x555: {  	[sflag:s0] =	ssyncadd.tile.s32 @!p0 $0x1;
	_ =	shalt  }
.Lfunc_end2:
_tile_overlayer_lowered:
.L_overlay_start_2:
0x556: {  	(tag) =	ssettag $0x2  }
0x557: {  	s0 =	rddreg [dreg:$0x0];
	s2 =	stileid.u32  }
0x558: {  	s1 =	rddreg [dreg:$0x1];
	p0 =	sne.s32 s2, $0x0  }
0x559: {  	s3 =	rddreg [dreg:$0x2];
	[bflag:$0x3] =	sbarrier.arrive $0xFFFF;
	s2 =	simm.s32 @!p0 $0x1C01  }
0x55a: {  	[timem:s3], [sflag:s2] =	dma.local @!p0 [hbm:s0], s1  }
0x55b: {  	s0 =	simm.s32 @!p0 $0x1  }
0x55c: {  	_ =	swait.ge @!p0 [sflag:s0], s1  }
0x55d: {  	s1 =	ssub.s32 @!p0 $0x0, s1;
	[sflag:s0] =	ssyncset.done @!p0 $0x0  }
0x55e: {  	[sflag:s0] =	ssyncadd.s32 @!p0 s1  }
0x55f: {  	[bflag:$0x3] =	sbarrier.arrive $0xFFFF  }
0x560: {  	_ =	shalt  }

</sc_bundles>
